<compile_context>
chip_gen: v7x
topology: tpu7x:2x2x1
jax: 0.10.2.dev20260603
libtpu: 0.0.44.dev20260713+nightly
codegen_flags: <defaults>
</compile_context>

<pallas_src>
import functools

import jax
import jax.numpy as jnp
from jax import lax
from jax.experimental import pallas as pl
from jax.experimental.pallas import tpu as pltpu
from jax.experimental.pallas import tpu_sc as plsc

NUM_GROUPS = 8
N_TOKENS = 4096
D_IN = 1024
D_OUT = 1024
TM = 256
NUM_TILES = N_TOKENS // TM
NUM_UNITS = NUM_TILES + (NUM_GROUPS - 1)

NUM_SC = 2
NUM_SUBCORES = 16
CHUNK = N_TOKENS // NUM_SUBCORES
HALF = CHUNK // NUM_SC

_MESH = plsc.VectorSubcoreMesh(core_axis_name="c", subcore_axis_name="s")



def _dispatch_body(x_hbm, gi_hbm, cnts_hbm, xs_hbm, pos_hbm, gs_hbm,
                   gi_v, pos2_v, posf_v, rows0_v, rows1_v, call_v, gs_v,
                   rsem0, rsem1, ssem0, ssem1):
    c = lax.axis_index("c")
    s = lax.axis_index("s")
    base = s * CHUNK
    nb = HALF // 32
    bufs = [rows0_v, rows1_v]
    rsems = [rsem0, rsem1]
    ssems = [ssem0, ssem1]

    def read(i, bidx):
        r0 = base + (nb * c + i) * 32
        return pltpu.async_copy(x_hbm.at[pl.ds(r0, 32)], bufs[bidx], rsems[bidx])

    rd = [read(0, 0), read(1, 1)]

    pltpu.sync_copy(gi_hbm.at[pl.ds(base, CHUNK)], gi_v)
    pltpu.sync_copy(cnts_hbm, call_v)
    lane = lax.broadcasted_iota(jnp.int32, (16,), 0)
    zero = jnp.zeros((16,), jnp.int32)

    total = zero
    prefix = zero
    for w2 in range(NUM_SUBCORES):
        row = call_v[w2]
        total = total + row
        before = jnp.full((16,), w2, jnp.int32) < s
        prefix = prefix + jnp.where(before, row, zero)
    excl = jnp.cumsum(total) - total
    basev = excl + prefix

    @pl.when((c == 0) & (s == 0))
    def _():
        gs_v[...] = excl
        pltpu.sync_copy(gs_v, gs_hbm)

    run = [None] * NUM_GROUPS
    for g in range(NUM_GROUPS):
        run[g] = jnp.broadcast_to(jnp.sum(jnp.where(lane == g, basev, zero)), (16,))
    for v in range(CHUNK // 16):
        vec = gi_v[pl.ds(v * 16, 16)]
        posvec = zero
        for g in range(NUM_GROUPS):
            m = vec == g
            r = jnp.cumsum(m.astype(jnp.int32))
            posvec = jnp.where(m, run[g] + r - 1, posvec)
            run[g] = run[g] + jnp.sum(m.astype(jnp.int32))
        posf_v[pl.ds(v * 16, 16)] = posvec
        pos2_v[v // 2, pl.ds((v % 2) * 16, 16)] = posvec

    @pl.when(c == 0)
    def _():
        pltpu.sync_copy(posf_v, pos_hbm.at[pl.ds(base, CHUNK)])

    def scat(i, bidx):
        return pltpu.async_copy(
            bufs[bidx], xs_hbm.at[pos2_v.at[nb * c + i]], ssems[bidx]
        )

    sc = [None, None]
    for i in range(nb):
        bidx = i % 2
        rd[bidx].wait()
        sc[bidx] = scat(i, bidx)
        if i + 2 < nb:
            sc[bidx].wait()
            rd[bidx] = read(i + 2, bidx)
    sc[0].wait()
    sc[1].wait()


@functools.partial(
    pl.kernel,
    out_type=(
        jax.ShapeDtypeStruct((N_TOKENS, D_IN), jnp.float32),
        jax.ShapeDtypeStruct((N_TOKENS,), jnp.int32),
        jax.ShapeDtypeStruct((16,), jnp.int32),
    ),
    mesh=_MESH,
    scratch_types=[
        pltpu.VMEM((CHUNK,), jnp.int32),
        pltpu.VMEM((CHUNK // 32, 32), jnp.int32),
        pltpu.VMEM((CHUNK,), jnp.int32),
        pltpu.VMEM((32, D_IN), jnp.float32),
        pltpu.VMEM((32, D_IN), jnp.float32),
        pltpu.VMEM((NUM_SUBCORES, 16), jnp.int32),
        pltpu.VMEM((16,), jnp.int32),
        pltpu.SemaphoreType.DMA,
        pltpu.SemaphoreType.DMA,
        pltpu.SemaphoreType.DMA,
        pltpu.SemaphoreType.DMA,
    ],
    compiler_params=pltpu.CompilerParams(needs_layout_passes=False),
)
def _dispatch(x_hbm, gi_hbm, cnts_hbm, xs_hbm, pos_hbm, gs_hbm, *rest):
    _dispatch_body(x_hbm, gi_hbm, cnts_hbm, xs_hbm, pos_hbm, gs_hbm, *rest)



def _unsort_body(os_hbm, pos_hbm, out_hbm, posb_v, rows0_v, rows1_v,
                 gsem0, gsem1, wsem0, wsem1):
    c = lax.axis_index("c")
    s = lax.axis_index("s")
    wid = s * NUM_SC + c
    base = wid * (N_TOKENS // (NUM_SC * NUM_SUBCORES))
    pltpu.sync_copy(pos_hbm.at[pl.ds(base, 128)], posb_v)
    bufs = [rows0_v, rows1_v]
    gsems = [gsem0, gsem1]
    wsems = [wsem0, wsem1]

    def gath(i, bidx):
        return pltpu.async_copy(
            os_hbm.at[posb_v.at[pl.ds(i * 32, 32)]], bufs[bidx], gsems[bidx]
        )

    def wlin(i, bidx):
        return pltpu.async_copy(
            bufs[bidx], out_hbm.at[pl.ds(base + i * 32, 32)], wsems[bidx]
        )

    gd = [gath(0, 0), gath(1, 1)]
    wr = [None, None]
    for i in range(4):
        bidx = i % 2
        gd[bidx].wait()
        wr[bidx] = wlin(i, bidx)
        if i + 2 < 4:
            wr[bidx].wait()
            gd[bidx] = gath(i + 2, bidx)
    wr[0].wait()
    wr[1].wait()


@functools.partial(
    pl.kernel,
    out_type=jax.ShapeDtypeStruct((N_TOKENS, D_OUT), jnp.float32),
    mesh=_MESH,
    scratch_types=[
        pltpu.VMEM((128,), jnp.int32),
        pltpu.VMEM((32, D_OUT), jnp.float32),
        pltpu.VMEM((32, D_OUT), jnp.float32),
        pltpu.SemaphoreType.DMA,
        pltpu.SemaphoreType.DMA,
        pltpu.SemaphoreType.DMA,
        pltpu.SemaphoreType.DMA,
    ],
    compiler_params=pltpu.CompilerParams(needs_layout_passes=False),
)
def _unsort(os_hbm, pos_hbm, out_hbm, *rest):
    _unsort_body(os_hbm, pos_hbm, out_hbm, *rest)



def _gemm_body(starts_s, ends_s, tiles_s, groups_s, x_ref, w_ref, b_ref, o_ref):
    u = pl.program_id(0)
    lo = starts_s[u]
    hi = ends_s[u]
    t = tiles_s[u]

    @pl.when(lo < hi)
    def _():
        acc = jnp.dot(x_ref[...], w_ref[0], preferred_element_type=jnp.float32)
        acc = acc + b_ref[0]
        ridx = jax.lax.broadcasted_iota(jnp.int32, (TM, 1), 0)
        bs = t * TM
        mask = (ridx >= lo - bs) & (ridx < hi - bs)
        o_ref[...] = jnp.where(mask, acc, o_ref[...])


def _grouped_gemm(x_sorted, w, b, starts, ends, tiles, groups):
    grid_spec = pltpu.PrefetchScalarGridSpec(
        num_scalar_prefetch=4,
        grid=(NUM_UNITS,),
        in_specs=[
            pl.BlockSpec((TM, D_IN), lambda u, s, e, t, g: (t[u], 0)),
            pl.BlockSpec((1, D_IN, D_OUT), lambda u, s, e, t, g: (g[u], 0, 0)),
            pl.BlockSpec((1, 1, D_OUT), lambda u, s, e, t, g: (g[u], 0, 0)),
        ],
        out_specs=pl.BlockSpec((TM, D_OUT), lambda u, s, e, t, g: (t[u], 0)),
    )
    return pl.pallas_call(
        _gemm_body,
        grid_spec=grid_spec,
        out_shape=jax.ShapeDtypeStruct((N_TOKENS, D_OUT), jnp.float32),
        compiler_params=pltpu.CompilerParams(
            dimension_semantics=("arbitrary",),
        ),
    )(starts, ends, tiles, groups, x_sorted, w, b.reshape(NUM_GROUPS, 1, D_OUT))


def kernel(inputs, group_indices, w, b):
    gi = group_indices.astype(jnp.int32)
    oh = (gi.reshape(NUM_SUBCORES, CHUNK, 1)
          == jnp.arange(NUM_GROUPS, dtype=jnp.int32)).astype(jnp.int32)
    cnts = jnp.pad(jnp.sum(oh, axis=1), ((0, 0), (0, 16 - NUM_GROUPS)))
    x_sorted, pos, _ = _dispatch(inputs, gi, cnts)

    total = jnp.sum(cnts, axis=0)
    group_starts = jnp.concatenate(
        [jnp.zeros((1,), jnp.int32), jnp.cumsum(total)[: NUM_GROUPS - 1]]
    ).astype(jnp.int32)

    tile_starts = jnp.arange(NUM_TILES, dtype=jnp.int32) * TM
    starts = jnp.sort(jnp.concatenate([tile_starts, group_starts[1:]]))
    ends = jnp.concatenate([starts[1:], jnp.full((1,), N_TOKENS, jnp.int32)])
    tiles = jnp.minimum(starts, N_TOKENS - 1) // TM
    groups = (
        jnp.searchsorted(group_starts, starts, side="right").astype(jnp.int32) - 1
    )

    out_sorted = _grouped_gemm(x_sorted, w, b, starts, ends, tiles, groups)
    return _unsort(out_sorted, pos)

# --- scband reference (transcript-rebuilt; emitter-appended) ---
"""Pipeline reference for scband-tpugrouped-gemmlinear-76802605187558 (READ-ONLY COPY).

The authoritative reference and input builder live on the scoring server;
editing this copy changes nothing except your own understanding.
"""

import jax, jax.numpy as jnp
import numpy as np

NUM_GROUPS = 8
INPUT_SIZE = 1024
OUTPUT_SIZE = 1024
N_TOKENS = 4096


def setup_inputs(seed: int = 0) -> dict:
    key = jax.random.key(seed)
    k1, k2, k3 = jax.random.split(key, 3)
    inputs = jax.random.normal(k1, (N_TOKENS, INPUT_SIZE), dtype=jnp.float32)
    group_indices = jax.random.randint(k2, (N_TOKENS,), 0, NUM_GROUPS, dtype=jnp.int32)
    # VarianceScaling(1.0, 'fan_in', 'truncated_normal'): std = sqrt(1/fan_in), truncated at 2 std
    std = float(np.sqrt(1.0 / INPUT_SIZE))
    w = jax.random.truncated_normal(k3, -2.0, 2.0, (NUM_GROUPS, INPUT_SIZE, OUTPUT_SIZE), dtype=jnp.float32) * std
    b = jnp.zeros((NUM_GROUPS, OUTPUT_SIZE), dtype=jnp.float32)
    return {"inputs": inputs, "group_indices": group_indices, "w": w, "b": b}


def reference(inputs, group_indices, w, b):
    # Faithful math of TPUGroupedGEMMLinear: each token i is routed through
    # w[group_indices[i]] (+ b[group_indices[i]]), with results restored to the
    # original token order. The original's group-gather + concat + inverse-perm
    # is exactly equivalent to per-group masked GEMMs summed together.
    n = inputs.shape[0]
    out = jnp.zeros((n, OUTPUT_SIZE), dtype=inputs.dtype)
    for g in range(NUM_GROUPS):
        mask = (group_indices == g).astype(inputs.dtype)[:, None]
        out = out + mask * (jnp.dot(inputs, w[g]) + b[g])
    return out

if __name__ == "__main__":
    import jax
    _d = setup_inputs()
    print(jax.jit(kernel)(*tuple(_d.values())))

</pallas_src>

<mosaic_0001>
#map = affine_map<(d0, d1) -> (0, 0)>
#map1 = affine_map<(d0, d1) -> (0)>
module attributes {stable_mosaic.version = 14 : i64} {
  func.func @_unsort(%arg0: i32, %arg1: i32, %arg2: memref<4096x1024xf32, #tpu.memory_space<hbm>>, %arg3: memref<4096xi32, #tpu.memory_space<hbm>>, %arg4: memref<4096x1024xf32, #tpu.memory_space<hbm>>, %arg5: memref<128xi32, #tpu.memory_space<vmem>>, %arg6: memref<32x1024xf32, #tpu.memory_space<vmem>>, %arg7: memref<32x1024xf32, #tpu.memory_space<vmem>>, %arg8: memref<!tpu.dma_semaphore, #tpu.memory_space<semaphore_mem>>, %arg9: memref<!tpu.dma_semaphore, #tpu.memory_space<semaphore_mem>>, %arg10: memref<!tpu.dma_semaphore, #tpu.memory_space<semaphore_mem>>, %arg11: memref<!tpu.dma_semaphore, #tpu.memory_space<semaphore_mem>>) attributes {dimension_semantics = [#tpu.dimension_semantics<core_parallel>, #tpu.dimension_semantics<subcore_parallel>], iteration_bounds = array<i64: 2, 16>, scalar_prefetch = 0 : i64, scratch_operands = 7 : i64, tpu.core_type = #tpu.core_type<sc_vector_subcore>, window_params = [{transform_indices = #map}, {transform_indices = #map1}, {transform_indices = #map}]} {
    %mul3A = arith.constant 2 : i32
    %mul3A_0 = arith.muli %arg1, %mul3A : i32
    %add3A = arith.addi %mul3A_0, %arg0 : i32
    %mul3A_1 = arith.constant 128 : i32
    %mul3A_2 = arith.muli %add3A, %mul3A_1 : i32
    "tpu.region"() ({
      %run_scoped3A = tpu.sem_alloc : memref<!tpu.dma_semaphore, #tpu.memory_space<semaphore_mem>>
      %dma_start3A_81 = tpu.memref_slice %arg3[%mul3A_2] : memref<4096xi32, #tpu.memory_space<hbm>> -> memref<128xi32, #tpu.memory_space<hbm>>
      %dma_start3A_82 = tpu.memref_slice %arg3[%mul3A_2] : memref<4096xi32, #tpu.memory_space<hbm>> -> memref<128xi32, #tpu.memory_space<hbm>>
      tpu.enqueue_dma source(%dma_start3A_82 : memref<128xi32, #tpu.memory_space<hbm>>) target(%arg5 : memref<128xi32, #tpu.memory_space<vmem>>) target_semaphore(%run_scoped3A : memref<!tpu.dma_semaphore, #tpu.memory_space<semaphore_mem>>)
      %dma_wait3A_83 = tpu.memref_slice %arg3[%mul3A_2] : memref<4096xi32, #tpu.memory_space<hbm>> -> memref<128xi32, #tpu.memory_space<hbm>>
      %dma_wait3A_84 = tpu.memref_slice %arg3[%mul3A_2] : memref<4096xi32, #tpu.memory_space<hbm>> -> memref<128xi32, #tpu.memory_space<hbm>>
      tpu.wait_dma2 semaphore(%run_scoped3A : memref<!tpu.dma_semaphore, #tpu.memory_space<semaphore_mem>>) src(%dma_wait3A_84 : memref<128xi32, #tpu.memory_space<hbm>>) dst(%arg5 : memref<128xi32, #tpu.memory_space<vmem>>)
      tpu.yield
    }) : () -> ()
    %dma_start3A = arith.constant 0 : i32
    %dma_start3A_3 = tpu.memref_slice %arg5[%dma_start3A] : memref<128xi32, #tpu.memory_space<vmem>> -> memref<32xi32, #tpu.memory_space<vmem>>
    %dma_start3A_4 = arith.constant 0 : i32
    %dma_start3A_5 = arith.constant 0 : i32
    %dma_start3A_6 = tpu.memref_slice %arg2[%dma_start3A_4, %dma_start3A_5] : memref<4096x1024xf32, #tpu.memory_space<hbm>> -> memref<4096x1024xf32, #tpu.memory_space<hbm>>
    tpu.enqueue_indirect_dma source(%dma_start3A_6 : memref<4096x1024xf32, #tpu.memory_space<hbm>>) target(%arg6 : memref<32x1024xf32, #tpu.memory_space<vmem>>) offsets(%dma_start3A_3 : memref<32xi32, #tpu.memory_space<vmem>>) semaphore(%arg8 : memref<!tpu.dma_semaphore, #tpu.memory_space<semaphore_mem>>)
    %dma_start3A_7 = arith.constant 32 : i32
    %dma_start3A_8 = tpu.memref_slice %arg5[%dma_start3A_7] : memref<128xi32, #tpu.memory_space<vmem>> -> memref<32xi32, #tpu.memory_space<vmem>>
    %dma_start3A_9 = arith.constant 0 : i32
    %dma_start3A_10 = arith.constant 0 : i32
    %dma_start3A_11 = tpu.memref_slice %arg2[%dma_start3A_9, %dma_start3A_10] : memref<4096x1024xf32, #tpu.memory_space<hbm>> -> memref<4096x1024xf32, #tpu.memory_space<hbm>>
    tpu.enqueue_indirect_dma source(%dma_start3A_11 : memref<4096x1024xf32, #tpu.memory_space<hbm>>) target(%arg7 : memref<32x1024xf32, #tpu.memory_space<vmem>>) offsets(%dma_start3A_8 : memref<32xi32, #tpu.memory_space<vmem>>) semaphore(%arg9 : memref<!tpu.dma_semaphore, #tpu.memory_space<semaphore_mem>>)
    %dma_wait3A = arith.constant 0 : i32
    %dma_wait3A_12 = tpu.memref_slice %arg5[%dma_wait3A] : memref<128xi32, #tpu.memory_space<vmem>> -> memref<32xi32, #tpu.memory_space<vmem>>
    %dma_wait3A_13 = arith.constant 0 : i32
    %dma_wait3A_14 = arith.constant 0 : i32
    %dma_wait3A_15 = tpu.memref_slice %arg2[%dma_wait3A_13, %dma_wait3A_14] : memref<4096x1024xf32, #tpu.memory_space<hbm>> -> memref<4096x1024xf32, #tpu.memory_space<hbm>>
    tpu.wait_indirect_dma semaphore(%arg8 : memref<!tpu.dma_semaphore, #tpu.memory_space<semaphore_mem>>) src(%dma_wait3A_15 : memref<4096x1024xf32, #tpu.memory_space<hbm>>) dst(%arg6 : memref<32x1024xf32, #tpu.memory_space<vmem>>)
    %add3A_16 = arith.constant 0 : i32
    %add3A_17 = arith.addi %mul3A_2, %add3A_16 : i32
    %dma_start3A_18 = arith.constant 0 : i32
    %dma_start3A_19 = tpu.memref_slice %arg4[%add3A_17, %dma_start3A_18] : memref<4096x1024xf32, #tpu.memory_space<hbm>> -> memref<32x1024xf32, #tpu.memory_space<hbm>>
    %dma_start3A_20 = arith.constant 0 : i32
    %dma_start3A_21 = tpu.memref_slice %arg4[%add3A_17, %dma_start3A_20] : memref<4096x1024xf32, #tpu.memory_space<hbm>> -> memref<32x1024xf32, #tpu.memory_space<hbm>>
    tpu.enqueue_dma source(%arg6 : memref<32x1024xf32, #tpu.memory_space<vmem>>) target(%dma_start3A_21 : memref<32x1024xf32, #tpu.memory_space<hbm>>) target_semaphore(%arg10 : memref<!tpu.dma_semaphore, #tpu.memory_space<semaphore_mem>>)
    %dma_wait3A_22 = arith.constant 0 : i32
    %dma_wait3A_23 = tpu.memref_slice %arg4[%add3A_17, %dma_wait3A_22] : memref<4096x1024xf32, #tpu.memory_space<hbm>> -> memref<32x1024xf32, #tpu.memory_space<hbm>>
    %dma_wait3A_24 = arith.constant 0 : i32
    %dma_wait3A_25 = tpu.memref_slice %arg4[%add3A_17, %dma_wait3A_24] : memref<4096x1024xf32, #tpu.memory_space<hbm>> -> memref<32x1024xf32, #tpu.memory_space<hbm>>
    tpu.wait_dma2 semaphore(%arg10 : memref<!tpu.dma_semaphore, #tpu.memory_space<semaphore_mem>>) src(%arg6 : memref<32x1024xf32, #tpu.memory_space<vmem>>) dst(%dma_wait3A_25 : memref<32x1024xf32, #tpu.memory_space<hbm>>)
    %dma_start3A_26 = arith.constant 64 : i32
    %dma_start3A_27 = tpu.memref_slice %arg5[%dma_start3A_26] : memref<128xi32, #tpu.memory_space<vmem>> -> memref<32xi32, #tpu.memory_space<vmem>>
    %dma_start3A_28 = arith.constant 0 : i32
    %dma_start3A_29 = arith.constant 0 : i32
    %dma_start3A_30 = tpu.memref_slice %arg2[%dma_start3A_28, %dma_start3A_29] : memref<4096x1024xf32, #tpu.memory_space<hbm>> -> memref<4096x1024xf32, #tpu.memory_space<hbm>>
    tpu.enqueue_indirect_dma source(%dma_start3A_30 : memref<4096x1024xf32, #tpu.memory_space<hbm>>) target(%arg6 : memref<32x1024xf32, #tpu.memory_space<vmem>>) offsets(%dma_start3A_27 : memref<32xi32, #tpu.memory_space<vmem>>) semaphore(%arg8 : memref<!tpu.dma_semaphore, #tpu.memory_space<semaphore_mem>>)
    %dma_wait3A_31 = arith.constant 32 : i32
    %dma_wait3A_32 = tpu.memref_slice %arg5[%dma_wait3A_31] : memref<128xi32, #tpu.memory_space<vmem>> -> memref<32xi32, #tpu.memory_space<vmem>>
    %dma_wait3A_33 = arith.constant 0 : i32
    %dma_wait3A_34 = arith.constant 0 : i32
    %dma_wait3A_35 = tpu.memref_slice %arg2[%dma_wait3A_33, %dma_wait3A_34] : memref<4096x1024xf32, #tpu.memory_space<hbm>> -> memref<4096x1024xf32, #tpu.memory_space<hbm>>
    tpu.wait_indirect_dma semaphore(%arg9 : memref<!tpu.dma_semaphore, #tpu.memory_space<semaphore_mem>>) src(%dma_wait3A_35 : memref<4096x1024xf32, #tpu.memory_space<hbm>>) dst(%arg7 : memref<32x1024xf32, #tpu.memory_space<vmem>>)
    %add3A_36 = arith.constant 32 : i32
    %add3A_37 = arith.addi %mul3A_2, %add3A_36 : i32
    %dma_start3A_38 = arith.constant 0 : i32
    %dma_start3A_39 = tpu.memref_slice %arg4[%add3A_37, %dma_start3A_38] : memref<4096x1024xf32, #tpu.memory_space<hbm>> -> memref<32x1024xf32, #tpu.memory_space<hbm>>
    %dma_start3A_40 = arith.constant 0 : i32
    %dma_start3A_41 = tpu.memref_slice %arg4[%add3A_37, %dma_start3A_40] : memref<4096x1024xf32, #tpu.memory_space<hbm>> -> memref<32x1024xf32, #tpu.memory_space<hbm>>
    tpu.enqueue_dma source(%arg7 : memref<32x1024xf32, #tpu.memory_space<vmem>>) target(%dma_start3A_41 : memref<32x1024xf32, #tpu.memory_space<hbm>>) target_semaphore(%arg11 : memref<!tpu.dma_semaphore, #tpu.memory_space<semaphore_mem>>)
    %dma_wait3A_42 = arith.constant 0 : i32
    %dma_wait3A_43 = tpu.memref_slice %arg4[%add3A_37, %dma_wait3A_42] : memref<4096x1024xf32, #tpu.memory_space<hbm>> -> memref<32x1024xf32, #tpu.memory_space<hbm>>
    %dma_wait3A_44 = arith.constant 0 : i32
    %dma_wait3A_45 = tpu.memref_slice %arg4[%add3A_37, %dma_wait3A_44] : memref<4096x1024xf32, #tpu.memory_space<hbm>> -> memref<32x1024xf32, #tpu.memory_space<hbm>>
    tpu.wait_dma2 semaphore(%arg11 : memref<!tpu.dma_semaphore, #tpu.memory_space<semaphore_mem>>) src(%arg7 : memref<32x1024xf32, #tpu.memory_space<vmem>>) dst(%dma_wait3A_45 : memref<32x1024xf32, #tpu.memory_space<hbm>>)
    %dma_start3A_46 = arith.constant 96 : i32
    %dma_start3A_47 = tpu.memref_slice %arg5[%dma_start3A_46] : memref<128xi32, #tpu.memory_space<vmem>> -> memref<32xi32, #tpu.memory_space<vmem>>
    %dma_start3A_48 = arith.constant 0 : i32
    %dma_start3A_49 = arith.constant 0 : i32
    %dma_start3A_50 = tpu.memref_slice %arg2[%dma_start3A_48, %dma_start3A_49] : memref<4096x1024xf32, #tpu.memory_space<hbm>> -> memref<4096x1024xf32, #tpu.memory_space<hbm>>
    tpu.enqueue_indirect_dma source(%dma_start3A_50 : memref<4096x1024xf32, #tpu.memory_space<hbm>>) target(%arg7 : memref<32x1024xf32, #tpu.memory_space<vmem>>) offsets(%dma_start3A_47 : memref<32xi32, #tpu.memory_space<vmem>>) semaphore(%arg9 : memref<!tpu.dma_semaphore, #tpu.memory_space<semaphore_mem>>)
    %dma_wait3A_51 = arith.constant 64 : i32
    %dma_wait3A_52 = tpu.memref_slice %arg5[%dma_wait3A_51] : memref<128xi32, #tpu.memory_space<vmem>> -> memref<32xi32, #tpu.memory_space<vmem>>
    %dma_wait3A_53 = arith.constant 0 : i32
    %dma_wait3A_54 = arith.constant 0 : i32
    %dma_wait3A_55 = tpu.memref_slice %arg2[%dma_wait3A_53, %dma_wait3A_54] : memref<4096x1024xf32, #tpu.memory_space<hbm>> -> memref<4096x1024xf32, #tpu.memory_space<hbm>>
    tpu.wait_indirect_dma semaphore(%arg8 : memref<!tpu.dma_semaphore, #tpu.memory_space<semaphore_mem>>) src(%dma_wait3A_55 : memref<4096x1024xf32, #tpu.memory_space<hbm>>) dst(%arg6 : memref<32x1024xf32, #tpu.memory_space<vmem>>)
    %add3A_56 = arith.constant 64 : i32
    %add3A_57 = arith.addi %mul3A_2, %add3A_56 : i32
    %dma_start3A_58 = arith.constant 0 : i32
    %dma_start3A_59 = tpu.memref_slice %arg4[%add3A_57, %dma_start3A_58] : memref<4096x1024xf32, #tpu.memory_space<hbm>> -> memref<32x1024xf32, #tpu.memory_space<hbm>>
    %dma_start3A_60 = arith.constant 0 : i32
    %dma_start3A_61 = tpu.memref_slice %arg4[%add3A_57, %dma_start3A_60] : memref<4096x1024xf32, #tpu.memory_space<hbm>> -> memref<32x1024xf32, #tpu.memory_space<hbm>>
    tpu.enqueue_dma source(%arg6 : memref<32x1024xf32, #tpu.memory_space<vmem>>) target(%dma_start3A_61 : memref<32x1024xf32, #tpu.memory_space<hbm>>) target_semaphore(%arg10 : memref<!tpu.dma_semaphore, #tpu.memory_space<semaphore_mem>>)
    %dma_wait3A_62 = arith.constant 96 : i32
    %dma_wait3A_63 = tpu.memref_slice %arg5[%dma_wait3A_62] : memref<128xi32, #tpu.memory_space<vmem>> -> memref<32xi32, #tpu.memory_space<vmem>>
    %dma_wait3A_64 = arith.constant 0 : i32
    %dma_wait3A_65 = arith.constant 0 : i32
    %dma_wait3A_66 = tpu.memref_slice %arg2[%dma_wait3A_64, %dma_wait3A_65] : memref<4096x1024xf32, #tpu.memory_space<hbm>> -> memref<4096x1024xf32, #tpu.memory_space<hbm>>
    tpu.wait_indirect_dma semaphore(%arg9 : memref<!tpu.dma_semaphore, #tpu.memory_space<semaphore_mem>>) src(%dma_wait3A_66 : memref<4096x1024xf32, #tpu.memory_space<hbm>>) dst(%arg7 : memref<32x1024xf32, #tpu.memory_space<vmem>>)
    %add3A_67 = arith.constant 96 : i32
    %add3A_68 = arith.addi %mul3A_2, %add3A_67 : i32
    %dma_start3A_69 = arith.constant 0 : i32
    %dma_start3A_70 = tpu.memref_slice %arg4[%add3A_68, %dma_start3A_69] : memref<4096x1024xf32, #tpu.memory_space<hbm>> -> memref<32x1024xf32, #tpu.memory_space<hbm>>
    %dma_start3A_71 = arith.constant 0 : i32
    %dma_start3A_72 = tpu.memref_slice %arg4[%add3A_68, %dma_start3A_71] : memref<4096x1024xf32, #tpu.memory_space<hbm>> -> memref<32x1024xf32, #tpu.memory_space<hbm>>
    tpu.enqueue_dma source(%arg7 : memref<32x1024xf32, #tpu.memory_space<vmem>>) target(%dma_start3A_72 : memref<32x1024xf32, #tpu.memory_space<hbm>>) target_semaphore(%arg11 : memref<!tpu.dma_semaphore, #tpu.memory_space<semaphore_mem>>)
    %dma_wait3A_73 = arith.constant 0 : i32
    %dma_wait3A_74 = tpu.memref_slice %arg4[%add3A_57, %dma_wait3A_73] : memref<4096x1024xf32, #tpu.memory_space<hbm>> -> memref<32x1024xf32, #tpu.memory_space<hbm>>
    %dma_wait3A_75 = arith.constant 0 : i32
    %dma_wait3A_76 = tpu.memref_slice %arg4[%add3A_57, %dma_wait3A_75] : memref<4096x1024xf32, #tpu.memory_space<hbm>> -> memref<32x1024xf32, #tpu.memory_space<hbm>>
    tpu.wait_dma2 semaphore(%arg10 : memref<!tpu.dma_semaphore, #tpu.memory_space<semaphore_mem>>) src(%arg6 : memref<32x1024xf32, #tpu.memory_space<vmem>>) dst(%dma_wait3A_76 : memref<32x1024xf32, #tpu.memory_space<hbm>>)
    %dma_wait3A_77 = arith.constant 0 : i32
    %dma_wait3A_78 = tpu.memref_slice %arg4[%add3A_68, %dma_wait3A_77] : memref<4096x1024xf32, #tpu.memory_space<hbm>> -> memref<32x1024xf32, #tpu.memory_space<hbm>>
    %dma_wait3A_79 = arith.constant 0 : i32
    %dma_wait3A_80 = tpu.memref_slice %arg4[%add3A_68, %dma_wait3A_79] : memref<4096x1024xf32, #tpu.memory_space<hbm>> -> memref<32x1024xf32, #tpu.memory_space<hbm>>
    tpu.wait_dma2 semaphore(%arg11 : memref<!tpu.dma_semaphore, #tpu.memory_space<semaphore_mem>>) src(%arg7 : memref<32x1024xf32, #tpu.memory_space<vmem>>) dst(%dma_wait3A_80 : memref<32x1024xf32, #tpu.memory_space<hbm>>)
    return
  }
}

#map = affine_map<(d0, d1) -> (0, 0)>
#map1 = affine_map<(d0, d1) -> (0)>
module attributes {stable_mosaic.version = 14 : i64} {
  func.func @_dispatch(%arg0: i32, %arg1: i32, %arg2: memref<4096x1024xf32, #tpu.memory_space<hbm>>, %arg3: memref<4096xi32, #tpu.memory_space<hbm>>, %arg4: memref<16x16xi32, #tpu.memory_space<hbm>>, %arg5: memref<4096x1024xf32, #tpu.memory_space<hbm>>, %arg6: memref<4096xi32, #tpu.memory_space<hbm>>, %arg7: memref<16xi32, #tpu.memory_space<hbm>>, %arg8: memref<256xi32, #tpu.memory_space<vmem>>, %arg9: memref<8x32xi32, #tpu.memory_space<vmem>>, %arg10: memref<256xi32, #tpu.memory_space<vmem>>, %arg11: memref<32x1024xf32, #tpu.memory_space<vmem>>, %arg12: memref<32x1024xf32, #tpu.memory_space<vmem>>, %arg13: memref<16x16xi32, #tpu.memory_space<vmem>>, %arg14: memref<16xi32, #tpu.memory_space<vmem>>, %arg15: memref<!tpu.dma_semaphore, #tpu.memory_space<semaphore_mem>>, %arg16: memref<!tpu.dma_semaphore, #tpu.memory_space<semaphore_mem>>, %arg17: memref<!tpu.dma_semaphore, #tpu.memory_space<semaphore_mem>>, %arg18: memref<!tpu.dma_semaphore, #tpu.memory_space<semaphore_mem>>) attributes {dimension_semantics = [#tpu.dimension_semantics<core_parallel>, #tpu.dimension_semantics<subcore_parallel>], iteration_bounds = array<i64: 2, 16>, scalar_prefetch = 0 : i64, scratch_operands = 11 : i64, tpu.core_type = #tpu.core_type<sc_vector_subcore>, window_params = [{transform_indices = #map}, {transform_indices = #map1}, {transform_indices = #map}, {transform_indices = #map}, {transform_indices = #map1}, {transform_indices = #map1}]} {
    %mul3A = arith.constant 256 : i32
    %mul3A_0 = arith.muli %arg1, %mul3A : i32
    %mul3A_1 = arith.constant 4 : i32
    %mul3A_2 = arith.muli %mul3A_1, %arg0 : i32
    %add3A = arith.constant 0 : i32
    %add3A_3 = arith.addi %mul3A_2, %add3A : i32
    %mul3A_4 = arith.constant 32 : i32
    %mul3A_5 = arith.muli %add3A_3, %mul3A_4 : i32
    %add3A_6 = arith.addi %mul3A_0, %mul3A_5 : i32
    %dma_start3A = arith.constant 0 : i32
    %dma_start3A_7 = tpu.memref_slice %arg2[%add3A_6, %dma_start3A] : memref<4096x1024xf32, #tpu.memory_space<hbm>> -> memref<32x1024xf32, #tpu.memory_space<hbm>>
    %dma_start3A_8 = arith.constant 0 : i32
    %dma_start3A_9 = tpu.memref_slice %arg2[%add3A_6, %dma_start3A_8] : memref<4096x1024xf32, #tpu.memory_space<hbm>> -> memref<32x1024xf32, #tpu.memory_space<hbm>>
    tpu.enqueue_dma source(%dma_start3A_9 : memref<32x1024xf32, #tpu.memory_space<hbm>>) target(%arg11 : memref<32x1024xf32, #tpu.memory_space<vmem>>) target_semaphore(%arg15 : memref<!tpu.dma_semaphore, #tpu.memory_space<semaphore_mem>>)
    %mul3A_10 = arith.constant 4 : i32
    %mul3A_11 = arith.muli %mul3A_10, %arg0 : i32
    %add3A_12 = arith.constant 1 : i32
    %add3A_13 = arith.addi %mul3A_11, %add3A_12 : i32
    %mul3A_14 = arith.constant 32 : i32
    %mul3A_15 = arith.muli %add3A_13, %mul3A_14 : i32
    %add3A_16 = arith.addi %mul3A_0, %mul3A_15 : i32
    %dma_start3A_17 = arith.constant 0 : i32
    %dma_start3A_18 = tpu.memref_slice %arg2[%add3A_16, %dma_start3A_17] : memref<4096x1024xf32, #tpu.memory_space<hbm>> -> memref<32x1024xf32, #tpu.memory_space<hbm>>
    %dma_start3A_19 = arith.constant 0 : i32
    %dma_start3A_20 = tpu.memref_slice %arg2[%add3A_16, %dma_start3A_19] : memref<4096x1024xf32, #tpu.memory_space<hbm>> -> memref<32x1024xf32, #tpu.memory_space<hbm>>
    tpu.enqueue_dma source(%dma_start3A_20 : memref<32x1024xf32, #tpu.memory_space<hbm>>) target(%arg12 : memref<32x1024xf32, #tpu.memory_space<vmem>>) target_semaphore(%arg16 : memref<!tpu.dma_semaphore, #tpu.memory_space<semaphore_mem>>)
    "tpu.region"() ({
      %run_scoped3A = tpu.sem_alloc : memref<!tpu.dma_semaphore, #tpu.memory_space<semaphore_mem>>
      %dma_start3A_2938 = tpu.memref_slice %arg3[%mul3A_0] : memref<4096xi32, #tpu.memory_space<hbm>> -> memref<256xi32, #tpu.memory_space<hbm>>
      %dma_start3A_2939 = tpu.memref_slice %arg3[%mul3A_0] : memref<4096xi32, #tpu.memory_space<hbm>> -> memref<256xi32, #tpu.memory_space<hbm>>
      tpu.enqueue_dma source(%dma_start3A_2939 : memref<256xi32, #tpu.memory_space<hbm>>) target(%arg8 : memref<256xi32, #tpu.memory_space<vmem>>) target_semaphore(%run_scoped3A : memref<!tpu.dma_semaphore, #tpu.memory_space<semaphore_mem>>)
      %dma_wait3A_2940 = tpu.memref_slice %arg3[%mul3A_0] : memref<4096xi32, #tpu.memory_space<hbm>> -> memref<256xi32, #tpu.memory_space<hbm>>
      %dma_wait3A_2941 = tpu.memref_slice %arg3[%mul3A_0] : memref<4096xi32, #tpu.memory_space<hbm>> -> memref<256xi32, #tpu.memory_space<hbm>>
      tpu.wait_dma2 semaphore(%run_scoped3A : memref<!tpu.dma_semaphore, #tpu.memory_space<semaphore_mem>>) src(%dma_wait3A_2941 : memref<256xi32, #tpu.memory_space<hbm>>) dst(%arg8 : memref<256xi32, #tpu.memory_space<vmem>>)
      tpu.yield
    }) : () -> ()
    "tpu.region"() ({
      %run_scoped3A = tpu.sem_alloc : memref<!tpu.dma_semaphore, #tpu.memory_space<semaphore_mem>>
      tpu.enqueue_dma source(%arg4 : memref<16x16xi32, #tpu.memory_space<hbm>>) target(%arg13 : memref<16x16xi32, #tpu.memory_space<vmem>>) target_semaphore(%run_scoped3A : memref<!tpu.dma_semaphore, #tpu.memory_space<semaphore_mem>>)
      tpu.wait_dma2 semaphore(%run_scoped3A : memref<!tpu.dma_semaphore, #tpu.memory_space<semaphore_mem>>) src(%arg4 : memref<16x16xi32, #tpu.memory_space<hbm>>) dst(%arg13 : memref<16x16xi32, #tpu.memory_space<vmem>>)
      tpu.yield
    }) : () -> ()
    %iota3A = tpu.iota {dimensions = array<i32: 0>} : vector<16xi32>
    %broadcast_in_dim3A = arith.constant 0 : i32
    %broadcast_in_dim3A_21 = vector.broadcast %broadcast_in_dim3A : i32 to vector<16xi32>
    %get3A = arith.constant 0 : i32
    %get3A_22 = arith.index_cast %get3A : i32 to index
    %get3A_23 = arith.constant 0 : index
    %get3A_24 = tpu.vector_load %arg13[%get3A_22, %get3A_23] {strides = array<i32>} : memref<16x16xi32, #tpu.memory_space<vmem>>, vector<16xi32>,
    %add3A_25 = arith.addi %broadcast_in_dim3A_21, %get3A_24 : vector<16xi32>
    %broadcast_in_dim3A_26 = arith.constant 0 : i32
    %broadcast_in_dim3A_27 = vector.broadcast %broadcast_in_dim3A_26 : i32 to vector<16xi32>
    %lt3A = vector.broadcast %arg1 : i32 to vector<16xi32>
    %lt3A_28 = arith.cmpi slt, %broadcast_in_dim3A_27, %lt3A : vector<16xi32>
    %select_n3A = arith.select %lt3A_28, %get3A_24, %broadcast_in_dim3A_21 : vector<16xi1>, vector<16xi32>
    %add3A_29 = arith.addi %broadcast_in_dim3A_21, %select_n3A : vector<16xi32>
    %get3A_30 = arith.constant 1 : i32
    %get3A_31 = arith.index_cast %get3A_30 : i32 to index
    %get3A_32 = arith.constant 0 : index
    %get3A_33 = tpu.vector_load %arg13[%get3A_31, %get3A_32] {strides = array<i32>} : memref<16x16xi32, #tpu.memory_space<vmem>>, vector<16xi32>,
    %add3A_34 = arith.addi %add3A_25, %get3A_33 : vector<16xi32>
    %broadcast_in_dim3A_35 = arith.constant 1 : i32
    %broadcast_in_dim3A_36 = vector.broadcast %broadcast_in_dim3A_35 : i32 to vector<16xi32>
    %lt3A_37 = vector.broadcast %arg1 : i32 to vector<16xi32>
    %lt3A_38 = arith.cmpi slt, %broadcast_in_dim3A_36, %lt3A_37 : vector<16xi32>
    %select_n3A_39 = arith.select %lt3A_38, %get3A_33, %broadcast_in_dim3A_21 : vector<16xi1>, vector<16xi32>
    %add3A_40 = arith.addi %add3A_29, %select_n3A_39 : vector<16xi32>
    %get3A_41 = arith.constant 2 : i32
    %get3A_42 = arith.index_cast %get3A_41 : i32 to index
    %get3A_43 = arith.constant 0 : index
    %get3A_44 = tpu.vector_load %arg13[%get3A_42, %get3A_43] {strides = array<i32>} : memref<16x16xi32, #tpu.memory_space<vmem>>, vector<16xi32>,
    %add3A_45 = arith.addi %add3A_34, %get3A_44 : vector<16xi32>
    %broadcast_in_dim3A_46 = arith.constant 2 : i32
    %broadcast_in_dim3A_47 = vector.broadcast %broadcast_in_dim3A_46 : i32 to vector<16xi32>
    %lt3A_48 = vector.broadcast %arg1 : i32 to vector<16xi32>
    %lt3A_49 = arith.cmpi slt, %broadcast_in_dim3A_47, %lt3A_48 : vector<16xi32>
    %select_n3A_50 = arith.select %lt3A_49, %get3A_44, %broadcast_in_dim3A_21 : vector<16xi1>, vector<16xi32>
    %add3A_51 = arith.addi %add3A_40, %select_n3A_50 : vector<16xi32>
    %get3A_52 = arith.constant 3 : i32
    %get3A_53 = arith.index_cast %get3A_52 : i32 to index
    %get3A_54 = arith.constant 0 : index
    %get3A_55 = tpu.vector_load %arg13[%get3A_53, %get3A_54] {strides = array<i32>} : memref<16x16xi32, #tpu.memory_space<vmem>>, vector<16xi32>,
    %add3A_56 = arith.addi %add3A_45, %get3A_55 : vector<16xi32>
    %broadcast_in_dim3A_57 = arith.constant 3 : i32
    %broadcast_in_dim3A_58 = vector.broadcast %broadcast_in_dim3A_57 : i32 to vector<16xi32>
    %lt3A_59 = vector.broadcast %arg1 : i32 to vector<16xi32>
    %lt3A_60 = arith.cmpi slt, %broadcast_in_dim3A_58, %lt3A_59 : vector<16xi32>
    %select_n3A_61 = arith.select %lt3A_60, %get3A_55, %broadcast_in_dim3A_21 : vector<16xi1>, vector<16xi32>
    %add3A_62 = arith.addi %add3A_51, %select_n3A_61 : vector<16xi32>
    %get3A_63 = arith.constant 4 : i32
    %get3A_64 = arith.index_cast %get3A_63 : i32 to index
    %get3A_65 = arith.constant 0 : index
    %get3A_66 = tpu.vector_load %arg13[%get3A_64, %get3A_65] {strides = array<i32>} : memref<16x16xi32, #tpu.memory_space<vmem>>, vector<16xi32>,
    %add3A_67 = arith.addi %add3A_56, %get3A_66 : vector<16xi32>
    %broadcast_in_dim3A_68 = arith.constant 4 : i32
    %broadcast_in_dim3A_69 = vector.broadcast %broadcast_in_dim3A_68 : i32 to vector<16xi32>
    %lt3A_70 = vector.broadcast %arg1 : i32 to vector<16xi32>
    %lt3A_71 = arith.cmpi slt, %broadcast_in_dim3A_69, %lt3A_70 : vector<16xi32>
    %select_n3A_72 = arith.select %lt3A_71, %get3A_66, %broadcast_in_dim3A_21 : vector<16xi1>, vector<16xi32>
    %add3A_73 = arith.addi %add3A_62, %select_n3A_72 : vector<16xi32>
    %get3A_74 = arith.constant 5 : i32
    %get3A_75 = arith.index_cast %get3A_74 : i32 to index
    %get3A_76 = arith.constant 0 : index
    %get3A_77 = tpu.vector_load %arg13[%get3A_75, %get3A_76] {strides = array<i32>} : memref<16x16xi32, #tpu.memory_space<vmem>>, vector<16xi32>,
    %add3A_78 = arith.addi %add3A_67, %get3A_77 : vector<16xi32>
    %broadcast_in_dim3A_79 = arith.constant 5 : i32
    %broadcast_in_dim3A_80 = vector.broadcast %broadcast_in_dim3A_79 : i32 to vector<16xi32>
    %lt3A_81 = vector.broadcast %arg1 : i32 to vector<16xi32>
    %lt3A_82 = arith.cmpi slt, %broadcast_in_dim3A_80, %lt3A_81 : vector<16xi32>
    %select_n3A_83 = arith.select %lt3A_82, %get3A_77, %broadcast_in_dim3A_21 : vector<16xi1>, vector<16xi32>
    %add3A_84 = arith.addi %add3A_73, %select_n3A_83 : vector<16xi32>
    %get3A_85 = arith.constant 6 : i32
    %get3A_86 = arith.index_cast %get3A_85 : i32 to index
    %get3A_87 = arith.constant 0 : index
    %get3A_88 = tpu.vector_load %arg13[%get3A_86, %get3A_87] {strides = array<i32>} : memref<16x16xi32, #tpu.memory_space<vmem>>, vector<16xi32>,
    %add3A_89 = arith.addi %add3A_78, %get3A_88 : vector<16xi32>
    %broadcast_in_dim3A_90 = arith.constant 6 : i32
    %broadcast_in_dim3A_91 = vector.broadcast %broadcast_in_dim3A_90 : i32 to vector<16xi32>
    %lt3A_92 = vector.broadcast %arg1 : i32 to vector<16xi32>
    %lt3A_93 = arith.cmpi slt, %broadcast_in_dim3A_91, %lt3A_92 : vector<16xi32>
    %select_n3A_94 = arith.select %lt3A_93, %get3A_88, %broadcast_in_dim3A_21 : vector<16xi1>, vector<16xi32>
    %add3A_95 = arith.addi %add3A_84, %select_n3A_94 : vector<16xi32>
    %get3A_96 = arith.constant 7 : i32
    %get3A_97 = arith.index_cast %get3A_96 : i32 to index
    %get3A_98 = arith.constant 0 : index
    %get3A_99 = tpu.vector_load %arg13[%get3A_97, %get3A_98] {strides = array<i32>} : memref<16x16xi32, #tpu.memory_space<vmem>>, vector<16xi32>,
    %add3A_100 = arith.addi %add3A_89, %get3A_99 : vector<16xi32>
    %broadcast_in_dim3A_101 = arith.constant 7 : i32
    %broadcast_in_dim3A_102 = vector.broadcast %broadcast_in_dim3A_101 : i32 to vector<16xi32>
    %lt3A_103 = vector.broadcast %arg1 : i32 to vector<16xi32>
    %lt3A_104 = arith.cmpi slt, %broadcast_in_dim3A_102, %lt3A_103 : vector<16xi32>
    %select_n3A_105 = arith.select %lt3A_104, %get3A_99, %broadcast_in_dim3A_21 : vector<16xi1>, vector<16xi32>
    %add3A_106 = arith.addi %add3A_95, %select_n3A_105 : vector<16xi32>
    %get3A_107 = arith.constant 8 : i32
    %get3A_108 = arith.index_cast %get3A_107 : i32 to index
    %get3A_109 = arith.constant 0 : index
    %get3A_110 = tpu.vector_load %arg13[%get3A_108, %get3A_109] {strides = array<i32>} : memref<16x16xi32, #tpu.memory_space<vmem>>, vector<16xi32>,
    %add3A_111 = arith.addi %add3A_100, %get3A_110 : vector<16xi32>
    %broadcast_in_dim3A_112 = arith.constant 8 : i32
    %broadcast_in_dim3A_113 = vector.broadcast %broadcast_in_dim3A_112 : i32 to vector<16xi32>
    %lt3A_114 = vector.broadcast %arg1 : i32 to vector<16xi32>
    %lt3A_115 = arith.cmpi slt, %broadcast_in_dim3A_113, %lt3A_114 : vector<16xi32>
    %select_n3A_116 = arith.select %lt3A_115, %get3A_110, %broadcast_in_dim3A_21 : vector<16xi1>, vector<16xi32>
    %add3A_117 = arith.addi %add3A_106, %select_n3A_116 : vector<16xi32>
    %get3A_118 = arith.constant 9 : i32
    %get3A_119 = arith.index_cast %get3A_118 : i32 to index
    %get3A_120 = arith.constant 0 : index
    %get3A_121 = tpu.vector_load %arg13[%get3A_119, %get3A_120] {strides = array<i32>} : memref<16x16xi32, #tpu.memory_space<vmem>>, vector<16xi32>,
    %add3A_122 = arith.addi %add3A_111, %get3A_121 : vector<16xi32>
    %broadcast_in_dim3A_123 = arith.constant 9 : i32
    %broadcast_in_dim3A_124 = vector.broadcast %broadcast_in_dim3A_123 : i32 to vector<16xi32>
    %lt3A_125 = vector.broadcast %arg1 : i32 to vector<16xi32>
    %lt3A_126 = arith.cmpi slt, %broadcast_in_dim3A_124, %lt3A_125 : vector<16xi32>
    %select_n3A_127 = arith.select %lt3A_126, %get3A_121, %broadcast_in_dim3A_21 : vector<16xi1>, vector<16xi32>
    %add3A_128 = arith.addi %add3A_117, %select_n3A_127 : vector<16xi32>
    %get3A_129 = arith.constant 10 : i32
    %get3A_130 = arith.index_cast %get3A_129 : i32 to index
    %get3A_131 = arith.constant 0 : index
    %get3A_132 = tpu.vector_load %arg13[%get3A_130, %get3A_131] {strides = array<i32>} : memref<16x16xi32, #tpu.memory_space<vmem>>, vector<16xi32>,
    %add3A_133 = arith.addi %add3A_122, %get3A_132 : vector<16xi32>
    %broadcast_in_dim3A_134 = arith.constant 10 : i32
    %broadcast_in_dim3A_135 = vector.broadcast %broadcast_in_dim3A_134 : i32 to vector<16xi32>
    %lt3A_136 = vector.broadcast %arg1 : i32 to vector<16xi32>
    %lt3A_137 = arith.cmpi slt, %broadcast_in_dim3A_135, %lt3A_136 : vector<16xi32>
    %select_n3A_138 = arith.select %lt3A_137, %get3A_132, %broadcast_in_dim3A_21 : vector<16xi1>, vector<16xi32>
    %add3A_139 = arith.addi %add3A_128, %select_n3A_138 : vector<16xi32>
    %get3A_140 = arith.constant 11 : i32
    %get3A_141 = arith.index_cast %get3A_140 : i32 to index
    %get3A_142 = arith.constant 0 : index
    %get3A_143 = tpu.vector_load %arg13[%get3A_141, %get3A_142] {strides = array<i32>} : memref<16x16xi32, #tpu.memory_space<vmem>>, vector<16xi32>,
    %add3A_144 = arith.addi %add3A_133, %get3A_143 : vector<16xi32>
    %broadcast_in_dim3A_145 = arith.constant 11 : i32
    %broadcast_in_dim3A_146 = vector.broadcast %broadcast_in_dim3A_145 : i32 to vector<16xi32>
    %lt3A_147 = vector.broadcast %arg1 : i32 to vector<16xi32>
    %lt3A_148 = arith.cmpi slt, %broadcast_in_dim3A_146, %lt3A_147 : vector<16xi32>
    %select_n3A_149 = arith.select %lt3A_148, %get3A_143, %broadcast_in_dim3A_21 : vector<16xi1>, vector<16xi32>
    %add3A_150 = arith.addi %add3A_139, %select_n3A_149 : vector<16xi32>
    %get3A_151 = arith.constant 12 : i32
    %get3A_152 = arith.index_cast %get3A_151 : i32 to index
    %get3A_153 = arith.constant 0 : index
    %get3A_154 = tpu.vector_load %arg13[%get3A_152, %get3A_153] {strides = array<i32>} : memref<16x16xi32, #tpu.memory_space<vmem>>, vector<16xi32>,
    %add3A_155 = arith.addi %add3A_144, %get3A_154 : vector<16xi32>
    %broadcast_in_dim3A_156 = arith.constant 12 : i32
    %broadcast_in_dim3A_157 = vector.broadcast %broadcast_in_dim3A_156 : i32 to vector<16xi32>
    %lt3A_158 = vector.broadcast %arg1 : i32 to vector<16xi32>
    %lt3A_159 = arith.cmpi slt, %broadcast_in_dim3A_157, %lt3A_158 : vector<16xi32>
    %select_n3A_160 = arith.select %lt3A_159, %get3A_154, %broadcast_in_dim3A_21 : vector<16xi1>, vector<16xi32>
    %add3A_161 = arith.addi %add3A_150, %select_n3A_160 : vector<16xi32>
    %get3A_162 = arith.constant 13 : i32
    %get3A_163 = arith.index_cast %get3A_162 : i32 to index
    %get3A_164 = arith.constant 0 : index
    %get3A_165 = tpu.vector_load %arg13[%get3A_163, %get3A_164] {strides = array<i32>} : memref<16x16xi32, #tpu.memory_space<vmem>>, vector<16xi32>,
    %add3A_166 = arith.addi %add3A_155, %get3A_165 : vector<16xi32>
    %broadcast_in_dim3A_167 = arith.constant 13 : i32
    %broadcast_in_dim3A_168 = vector.broadcast %broadcast_in_dim3A_167 : i32 to vector<16xi32>
    %lt3A_169 = vector.broadcast %arg1 : i32 to vector<16xi32>
    %lt3A_170 = arith.cmpi slt, %broadcast_in_dim3A_168, %lt3A_169 : vector<16xi32>
    %select_n3A_171 = arith.select %lt3A_170, %get3A_165, %broadcast_in_dim3A_21 : vector<16xi1>, vector<16xi32>
    %add3A_172 = arith.addi %add3A_161, %select_n3A_171 : vector<16xi32>
    %get3A_173 = arith.constant 14 : i32
    %get3A_174 = arith.index_cast %get3A_173 : i32 to index
    %get3A_175 = arith.constant 0 : index
    %get3A_176 = tpu.vector_load %arg13[%get3A_174, %get3A_175] {strides = array<i32>} : memref<16x16xi32, #tpu.memory_space<vmem>>, vector<16xi32>,
    %add3A_177 = arith.addi %add3A_166, %get3A_176 : vector<16xi32>
    %broadcast_in_dim3A_178 = arith.constant 14 : i32
    %broadcast_in_dim3A_179 = vector.broadcast %broadcast_in_dim3A_178 : i32 to vector<16xi32>
    %lt3A_180 = vector.broadcast %arg1 : i32 to vector<16xi32>
    %lt3A_181 = arith.cmpi slt, %broadcast_in_dim3A_179, %lt3A_180 : vector<16xi32>
    %select_n3A_182 = arith.select %lt3A_181, %get3A_176, %broadcast_in_dim3A_21 : vector<16xi1>, vector<16xi32>
    %add3A_183 = arith.addi %add3A_172, %select_n3A_182 : vector<16xi32>
    %get3A_184 = arith.constant 15 : i32
    %get3A_185 = arith.index_cast %get3A_184 : i32 to index
    %get3A_186 = arith.constant 0 : index
    %get3A_187 = tpu.vector_load %arg13[%get3A_185, %get3A_186] {strides = array<i32>} : memref<16x16xi32, #tpu.memory_space<vmem>>, vector<16xi32>,
    %add3A_188 = arith.addi %add3A_177, %get3A_187 : vector<16xi32>
    %broadcast_in_dim3A_189 = arith.constant 15 : i32
    %broadcast_in_dim3A_190 = vector.broadcast %broadcast_in_dim3A_189 : i32 to vector<16xi32>
    %lt3A_191 = vector.broadcast %arg1 : i32 to vector<16xi32>
    %lt3A_192 = arith.cmpi slt, %broadcast_in_dim3A_190, %lt3A_191 : vector<16xi32>
    %select_n3A_193 = arith.select %lt3A_192, %get3A_187, %broadcast_in_dim3A_21 : vector<16xi1>, vector<16xi32>
    %add3A_194 = arith.addi %add3A_183, %select_n3A_193 : vector<16xi32>
    %cumsum3A = arith.constant true
    %cumsum3A_195 = vector.broadcast %cumsum3A : i1 to vector<16xi1>
    %cumsum3A_196 = tpu.scan <sum>, %add3A_188 masked %cumsum3A_195 : vector<16xi32>, vector<16xi1> -> vector<16xi32>
    %sub3A = arith.subi %cumsum3A_196, %add3A_188 : vector<16xi32>
    %add3A_197 = arith.addi %sub3A, %add3A_194 : vector<16xi32>
    %eq3A = arith.constant 0 : i32
    %eq3A_198 = arith.cmpi eq, %arg0, %eq3A : i32
    %eq3A_199 = arith.constant 0 : i32
    %eq3A_200 = arith.cmpi eq, %arg1, %eq3A_199 : i32
    %and3A = arith.andi %eq3A_198, %eq3A_200 : i1
    %convert_element_type3A = arith.extui %and3A : i1 to i32
    %cond3A = arith.constant 0 : i32
    %cond3A_201 = arith.cmpi ne, %convert_element_type3A, %cond3A : i32
    scf.if %cond3A_201 {
      %swap3A_2938 = arith.constant 0 : index
      %swap3A_2939 = tpu.vector_load %arg14[%swap3A_2938] {strides = array<i32>} : memref<16xi32, #tpu.memory_space<vmem>>, vector<16xi32>,
      tpu.vector_store %arg14[%swap3A_2938], %sub3A {strides = array<i32>} : memref<16xi32, #tpu.memory_space<vmem>>, vector<16xi32>,
      "tpu.region"() ({
        %run_scoped3A = tpu.sem_alloc : memref<!tpu.dma_semaphore, #tpu.memory_space<semaphore_mem>>
        tpu.enqueue_dma source(%arg14 : memref<16xi32, #tpu.memory_space<vmem>>) target(%arg7 : memref<16xi32, #tpu.memory_space<hbm>>) target_semaphore(%run_scoped3A : memref<!tpu.dma_semaphore, #tpu.memory_space<semaphore_mem>>)
        tpu.wait_dma2 semaphore(%run_scoped3A : memref<!tpu.dma_semaphore, #tpu.memory_space<semaphore_mem>>) src(%arg14 : memref<16xi32, #tpu.memory_space<vmem>>) dst(%arg7 : memref<16xi32, #tpu.memory_space<hbm>>)
        tpu.yield
      }) : () -> ()
    } else {
    }
    %eq3A_202 = arith.constant 0 : i32
    %eq3A_203 = vector.broadcast %eq3A_202 : i32 to vector<16xi32>
    %eq3A_204 = arith.cmpi eq, %iota3A, %eq3A_203 : vector<16xi32>
    %select_n3A_205 = arith.select %eq3A_204, %add3A_197, %broadcast_in_dim3A_21 : vector<16xi1>, vector<16xi32>
    %reduce_sum3A = arith.constant true
    %reduce_sum3A_206 = vector.broadcast %reduce_sum3A : i1 to vector<16xi1>
    %reduce_sum3A_207 = tpu.scan <sum>, %select_n3A_205 masked %reduce_sum3A_206 : vector<16xi32>, vector<16xi1> -> vector<16xi32>
    %reduce_sum3A_208 = vector.extract %reduce_sum3A_207[15] : i32 from vector<16xi32>
    %broadcast_in_dim3A_209 = vector.broadcast %reduce_sum3A_208 : i32 to vector<16xi32>
    %eq3A_210 = arith.constant 1 : i32
    %eq3A_211 = vector.broadcast %eq3A_210 : i32 to vector<16xi32>
    %eq3A_212 = arith.cmpi eq, %iota3A, %eq3A_211 : vector<16xi32>
    %select_n3A_213 = arith.select %eq3A_212, %add3A_197, %broadcast_in_dim3A_21 : vector<16xi1>, vector<16xi32>
    %reduce_sum3A_214 = arith.constant true
    %reduce_sum3A_215 = vector.broadcast %reduce_sum3A_214 : i1 to vector<16xi1>
    %reduce_sum3A_216 = tpu.scan <sum>, %select_n3A_213 masked %reduce_sum3A_215 : vector<16xi32>, vector<16xi1> -> vector<16xi32>
    %reduce_sum3A_217 = vector.extract %reduce_sum3A_216[15] : i32 from vector<16xi32>
    %broadcast_in_dim3A_218 = vector.broadcast %reduce_sum3A_217 : i32 to vector<16xi32>
    %eq3A_219 = arith.constant 2 : i32
    %eq3A_220 = vector.broadcast %eq3A_219 : i32 to vector<16xi32>
    %eq3A_221 = arith.cmpi eq, %iota3A, %eq3A_220 : vector<16xi32>
    %select_n3A_222 = arith.select %eq3A_221, %add3A_197, %broadcast_in_dim3A_21 : vector<16xi1>, vector<16xi32>
    %reduce_sum3A_223 = arith.constant true
    %reduce_sum3A_224 = vector.broadcast %reduce_sum3A_223 : i1 to vector<16xi1>
    %reduce_sum3A_225 = tpu.scan <sum>, %select_n3A_222 masked %reduce_sum3A_224 : vector<16xi32>, vector<16xi1> -> vector<16xi32>
    %reduce_sum3A_226 = vector.extract %reduce_sum3A_225[15] : i32 from vector<16xi32>
    %broadcast_in_dim3A_227 = vector.broadcast %reduce_sum3A_226 : i32 to vector<16xi32>
    %eq3A_228 = arith.constant 3 : i32
    %eq3A_229 = vector.broadcast %eq3A_228 : i32 to vector<16xi32>
    %eq3A_230 = arith.cmpi eq, %iota3A, %eq3A_229 : vector<16xi32>
    %select_n3A_231 = arith.select %eq3A_230, %add3A_197, %broadcast_in_dim3A_21 : vector<16xi1>, vector<16xi32>
    %reduce_sum3A_232 = arith.constant true
    %reduce_sum3A_233 = vector.broadcast %reduce_sum3A_232 : i1 to vector<16xi1>
    %reduce_sum3A_234 = tpu.scan <sum>, %select_n3A_231 masked %reduce_sum3A_233 : vector<16xi32>, vector<16xi1> -> vector<16xi32>
    %reduce_sum3A_235 = vector.extract %reduce_sum3A_234[15] : i32 from vector<16xi32>
    %broadcast_in_dim3A_236 = vector.broadcast %reduce_sum3A_235 : i32 to vector<16xi32>
    %eq3A_237 = arith.constant 4 : i32
    %eq3A_238 = vector.broadcast %eq3A_237 : i32 to vector<16xi32>
    %eq3A_239 = arith.cmpi eq, %iota3A, %eq3A_238 : vector<16xi32>
    %select_n3A_240 = arith.select %eq3A_239, %add3A_197, %broadcast_in_dim3A_21 : vector<16xi1>, vector<16xi32>
    %reduce_sum3A_241 = arith.constant true
    %reduce_sum3A_242 = vector.broadcast %reduce_sum3A_241 : i1 to vector<16xi1>
    %reduce_sum3A_243 = tpu.scan <sum>, %select_n3A_240 masked %reduce_sum3A_242 : vector<16xi32>, vector<16xi1> -> vector<16xi32>
    %reduce_sum3A_244 = vector.extract %reduce_sum3A_243[15] : i32 from vector<16xi32>
    %broadcast_in_dim3A_245 = vector.broadcast %reduce_sum3A_244 : i32 to vector<16xi32>
    %eq3A_246 = arith.constant 5 : i32
    %eq3A_247 = vector.broadcast %eq3A_246 : i32 to vector<16xi32>
    %eq3A_248 = arith.cmpi eq, %iota3A, %eq3A_247 : vector<16xi32>
    %select_n3A_249 = arith.select %eq3A_248, %add3A_197, %broadcast_in_dim3A_21 : vector<16xi1>, vector<16xi32>
    %reduce_sum3A_250 = arith.constant true
    %reduce_sum3A_251 = vector.broadcast %reduce_sum3A_250 : i1 to vector<16xi1>
    %reduce_sum3A_252 = tpu.scan <sum>, %select_n3A_249 masked %reduce_sum3A_251 : vector<16xi32>, vector<16xi1> -> vector<16xi32>
    %reduce_sum3A_253 = vector.extract %reduce_sum3A_252[15] : i32 from vector<16xi32>
    %broadcast_in_dim3A_254 = vector.broadcast %reduce_sum3A_253 : i32 to vector<16xi32>
    %eq3A_255 = arith.constant 6 : i32
    %eq3A_256 = vector.broadcast %eq3A_255 : i32 to vector<16xi32>
    %eq3A_257 = arith.cmpi eq, %iota3A, %eq3A_256 : vector<16xi32>
    %select_n3A_258 = arith.select %eq3A_257, %add3A_197, %broadcast_in_dim3A_21 : vector<16xi1>, vector<16xi32>
    %reduce_sum3A_259 = arith.constant true
    %reduce_sum3A_260 = vector.broadcast %reduce_sum3A_259 : i1 to vector<16xi1>
    %reduce_sum3A_261 = tpu.scan <sum>, %select_n3A_258 masked %reduce_sum3A_260 : vector<16xi32>, vector<16xi1> -> vector<16xi32>
    %reduce_sum3A_262 = vector.extract %reduce_sum3A_261[15] : i32 from vector<16xi32>
    %broadcast_in_dim3A_263 = vector.broadcast %reduce_sum3A_262 : i32 to vector<16xi32>
    %eq3A_264 = arith.constant 7 : i32
    %eq3A_265 = vector.broadcast %eq3A_264 : i32 to vector<16xi32>
    %eq3A_266 = arith.cmpi eq, %iota3A, %eq3A_265 : vector<16xi32>
    %select_n3A_267 = arith.select %eq3A_266, %add3A_197, %broadcast_in_dim3A_21 : vector<16xi1>, vector<16xi32>
    %reduce_sum3A_268 = arith.constant true
    %reduce_sum3A_269 = vector.broadcast %reduce_sum3A_268 : i1 to vector<16xi1>
    %reduce_sum3A_270 = tpu.scan <sum>, %select_n3A_267 masked %reduce_sum3A_269 : vector<16xi32>, vector<16xi1> -> vector<16xi32>
    %reduce_sum3A_271 = vector.extract %reduce_sum3A_270[15] : i32 from vector<16xi32>
    %broadcast_in_dim3A_272 = vector.broadcast %reduce_sum3A_271 : i32 to vector<16xi32>
    %get3A_273 = arith.constant 0 : index
    %get3A_274 = tpu.vector_load %arg8[%get3A_273] {strides = array<i32>} : memref<256xi32, #tpu.memory_space<vmem>>, vector<16xi32>,
    %eq3A_275 = arith.constant 0 : i32
    %eq3A_276 = vector.broadcast %eq3A_275 : i32 to vector<16xi32>
    %eq3A_277 = arith.cmpi eq, %get3A_274, %eq3A_276 : vector<16xi32>
    %convert_element_type3A_278 = arith.extui %eq3A_277 : vector<16xi1> to vector<16xi32>
    %cumsum3A_279 = arith.constant true
    %cumsum3A_280 = vector.broadcast %cumsum3A_279 : i1 to vector<16xi1>
    %cumsum3A_281 = tpu.scan <sum>, %convert_element_type3A_278 masked %cumsum3A_280 : vector<16xi32>, vector<16xi1> -> vector<16xi32>
    %add3A_282 = arith.addi %broadcast_in_dim3A_209, %cumsum3A_281 : vector<16xi32>
    %sub3A_283 = arith.constant 1 : i32
    %sub3A_284 = vector.broadcast %sub3A_283 : i32 to vector<16xi32>
    %sub3A_285 = arith.subi %add3A_282, %sub3A_284 : vector<16xi32>
    %select_n3A_286 = arith.select %eq3A_277, %sub3A_285, %broadcast_in_dim3A_21 : vector<16xi1>, vector<16xi32>
    %convert_element_type3A_287 = arith.extui %eq3A_277 : vector<16xi1> to vector<16xi32>
    %reduce_sum3A_288 = arith.constant true
    %reduce_sum3A_289 = vector.broadcast %reduce_sum3A_288 : i1 to vector<16xi1>
    %reduce_sum3A_290 = tpu.scan <sum>, %convert_element_type3A_287 masked %reduce_sum3A_289 : vector<16xi32>, vector<16xi1> -> vector<16xi32>
    %reduce_sum3A_291 = vector.extract %reduce_sum3A_290[15] : i32 from vector<16xi32>
    %add3A_292 = vector.broadcast %reduce_sum3A_291 : i32 to vector<16xi32>
    %add3A_293 = arith.addi %broadcast_in_dim3A_209, %add3A_292 : vector<16xi32>
    %eq3A_294 = arith.constant 1 : i32
    %eq3A_295 = vector.broadcast %eq3A_294 : i32 to vector<16xi32>
    %eq3A_296 = arith.cmpi eq, %get3A_274, %eq3A_295 : vector<16xi32>
    %convert_element_type3A_297 = arith.extui %eq3A_296 : vector<16xi1> to vector<16xi32>
    %cumsum3A_298 = arith.constant true
    %cumsum3A_299 = vector.broadcast %cumsum3A_298 : i1 to vector<16xi1>
    %cumsum3A_300 = tpu.scan <sum>, %convert_element_type3A_297 masked %cumsum3A_299 : vector<16xi32>, vector<16xi1> -> vector<16xi32>
    %add3A_301 = arith.addi %broadcast_in_dim3A_218, %cumsum3A_300 : vector<16xi32>
    %sub3A_302 = arith.constant 1 : i32
    %sub3A_303 = vector.broadcast %sub3A_302 : i32 to vector<16xi32>
    %sub3A_304 = arith.subi %add3A_301, %sub3A_303 : vector<16xi32>
    %select_n3A_305 = arith.select %eq3A_296, %sub3A_304, %select_n3A_286 : vector<16xi1>, vector<16xi32>
    %convert_element_type3A_306 = arith.extui %eq3A_296 : vector<16xi1> to vector<16xi32>
    %reduce_sum3A_307 = arith.constant true
    %reduce_sum3A_308 = vector.broadcast %reduce_sum3A_307 : i1 to vector<16xi1>
    %reduce_sum3A_309 = tpu.scan <sum>, %convert_element_type3A_306 masked %reduce_sum3A_308 : vector<16xi32>, vector<16xi1> -> vector<16xi32>
    %reduce_sum3A_310 = vector.extract %reduce_sum3A_309[15] : i32 from vector<16xi32>
    %add3A_311 = vector.broadcast %reduce_sum3A_310 : i32 to vector<16xi32>
    %add3A_312 = arith.addi %broadcast_in_dim3A_218, %add3A_311 : vector<16xi32>
    %eq3A_313 = arith.constant 2 : i32
    %eq3A_314 = vector.broadcast %eq3A_313 : i32 to vector<16xi32>
    %eq3A_315 = arith.cmpi eq, %get3A_274, %eq3A_314 : vector<16xi32>
    %convert_element_type3A_316 = arith.extui %eq3A_315 : vector<16xi1> to vector<16xi32>
    %cumsum3A_317 = arith.constant true
    %cumsum3A_318 = vector.broadcast %cumsum3A_317 : i1 to vector<16xi1>
    %cumsum3A_319 = tpu.scan <sum>, %convert_element_type3A_316 masked %cumsum3A_318 : vector<16xi32>, vector<16xi1> -> vector<16xi32>
    %add3A_320 = arith.addi %broadcast_in_dim3A_227, %cumsum3A_319 : vector<16xi32>
    %sub3A_321 = arith.constant 1 : i32
    %sub3A_322 = vector.broadcast %sub3A_321 : i32 to vector<16xi32>
    %sub3A_323 = arith.subi %add3A_320, %sub3A_322 : vector<16xi32>
    %select_n3A_324 = arith.select %eq3A_315, %sub3A_323, %select_n3A_305 : vector<16xi1>, vector<16xi32>
    %convert_element_type3A_325 = arith.extui %eq3A_315 : vector<16xi1> to vector<16xi32>
    %reduce_sum3A_326 = arith.constant true
    %reduce_sum3A_327 = vector.broadcast %reduce_sum3A_326 : i1 to vector<16xi1>
    %reduce_sum3A_328 = tpu.scan <sum>, %convert_element_type3A_325 masked %reduce_sum3A_327 : vector<16xi32>, vector<16xi1> -> vector<16xi32>
    %reduce_sum3A_329 = vector.extract %reduce_sum3A_328[15] : i32 from vector<16xi32>
    %add3A_330 = vector.broadcast %reduce_sum3A_329 : i32 to vector<16xi32>
    %add3A_331 = arith.addi %broadcast_in_dim3A_227, %add3A_330 : vector<16xi32>
    %eq3A_332 = arith.constant 3 : i32
    %eq3A_333 = vector.broadcast %eq3A_332 : i32 to vector<16xi32>
    %eq3A_334 = arith.cmpi eq, %get3A_274, %eq3A_333 : vector<16xi32>
    %convert_element_type3A_335 = arith.extui %eq3A_334 : vector<16xi1> to vector<16xi32>
    %cumsum3A_336 = arith.constant true
    %cumsum3A_337 = vector.broadcast %cumsum3A_336 : i1 to vector<16xi1>
    %cumsum3A_338 = tpu.scan <sum>, %convert_element_type3A_335 masked %cumsum3A_337 : vector<16xi32>, vector<16xi1> -> vector<16xi32>
    %add3A_339 = arith.addi %broadcast_in_dim3A_236, %cumsum3A_338 : vector<16xi32>
    %sub3A_340 = arith.constant 1 : i32
    %sub3A_341 = vector.broadcast %sub3A_340 : i32 to vector<16xi32>
    %sub3A_342 = arith.subi %add3A_339, %sub3A_341 : vector<16xi32>
    %select_n3A_343 = arith.select %eq3A_334, %sub3A_342, %select_n3A_324 : vector<16xi1>, vector<16xi32>
    %convert_element_type3A_344 = arith.extui %eq3A_334 : vector<16xi1> to vector<16xi32>
    %reduce_sum3A_345 = arith.constant true
    %reduce_sum3A_346 = vector.broadcast %reduce_sum3A_345 : i1 to vector<16xi1>
    %reduce_sum3A_347 = tpu.scan <sum>, %convert_element_type3A_344 masked %reduce_sum3A_346 : vector<16xi32>, vector<16xi1> -> vector<16xi32>
    %reduce_sum3A_348 = vector.extract %reduce_sum3A_347[15] : i32 from vector<16xi32>
    %add3A_349 = vector.broadcast %reduce_sum3A_348 : i32 to vector<16xi32>
    %add3A_350 = arith.addi %broadcast_in_dim3A_236, %add3A_349 : vector<16xi32>
    %eq3A_351 = arith.constant 4 : i32
    %eq3A_352 = vector.broadcast %eq3A_351 : i32 to vector<16xi32>
    %eq3A_353 = arith.cmpi eq, %get3A_274, %eq3A_352 : vector<16xi32>
    %convert_element_type3A_354 = arith.extui %eq3A_353 : vector<16xi1> to vector<16xi32>
    %cumsum3A_355 = arith.constant true
    %cumsum3A_356 = vector.broadcast %cumsum3A_355 : i1 to vector<16xi1>
    %cumsum3A_357 = tpu.scan <sum>, %convert_element_type3A_354 masked %cumsum3A_356 : vector<16xi32>, vector<16xi1> -> vector<16xi32>
    %add3A_358 = arith.addi %broadcast_in_dim3A_245, %cumsum3A_357 : vector<16xi32>
    %sub3A_359 = arith.constant 1 : i32
    %sub3A_360 = vector.broadcast %sub3A_359 : i32 to vector<16xi32>
    %sub3A_361 = arith.subi %add3A_358, %sub3A_360 : vector<16xi32>
    %select_n3A_362 = arith.select %eq3A_353, %sub3A_361, %select_n3A_343 : vector<16xi1>, vector<16xi32>
    %convert_element_type3A_363 = arith.extui %eq3A_353 : vector<16xi1> to vector<16xi32>
    %reduce_sum3A_364 = arith.constant true
    %reduce_sum3A_365 = vector.broadcast %reduce_sum3A_364 : i1 to vector<16xi1>
    %reduce_sum3A_366 = tpu.scan <sum>, %convert_element_type3A_363 masked %reduce_sum3A_365 : vector<16xi32>, vector<16xi1> -> vector<16xi32>
    %reduce_sum3A_367 = vector.extract %reduce_sum3A_366[15] : i32 from vector<16xi32>
    %add3A_368 = vector.broadcast %reduce_sum3A_367 : i32 to vector<16xi32>
    %add3A_369 = arith.addi %broadcast_in_dim3A_245, %add3A_368 : vector<16xi32>
    %eq3A_370 = arith.constant 5 : i32
    %eq3A_371 = vector.broadcast %eq3A_370 : i32 to vector<16xi32>
    %eq3A_372 = arith.cmpi eq, %get3A_274, %eq3A_371 : vector<16xi32>
    %convert_element_type3A_373 = arith.extui %eq3A_372 : vector<16xi1> to vector<16xi32>
    %cumsum3A_374 = arith.constant true
    %cumsum3A_375 = vector.broadcast %cumsum3A_374 : i1 to vector<16xi1>
    %cumsum3A_376 = tpu.scan <sum>, %convert_element_type3A_373 masked %cumsum3A_375 : vector<16xi32>, vector<16xi1> -> vector<16xi32>
    %add3A_377 = arith.addi %broadcast_in_dim3A_254, %cumsum3A_376 : vector<16xi32>
    %sub3A_378 = arith.constant 1 : i32
    %sub3A_379 = vector.broadcast %sub3A_378 : i32 to vector<16xi32>
    %sub3A_380 = arith.subi %add3A_377, %sub3A_379 : vector<16xi32>
    %select_n3A_381 = arith.select %eq3A_372, %sub3A_380, %select_n3A_362 : vector<16xi1>, vector<16xi32>
    %convert_element_type3A_382 = arith.extui %eq3A_372 : vector<16xi1> to vector<16xi32>
    %reduce_sum3A_383 = arith.constant true
    %reduce_sum3A_384 = vector.broadcast %reduce_sum3A_383 : i1 to vector<16xi1>
    %reduce_sum3A_385 = tpu.scan <sum>, %convert_element_type3A_382 masked %reduce_sum3A_384 : vector<16xi32>, vector<16xi1> -> vector<16xi32>
    %reduce_sum3A_386 = vector.extract %reduce_sum3A_385[15] : i32 from vector<16xi32>
    %add3A_387 = vector.broadcast %reduce_sum3A_386 : i32 to vector<16xi32>
    %add3A_388 = arith.addi %broadcast_in_dim3A_254, %add3A_387 : vector<16xi32>
    %eq3A_389 = arith.constant 6 : i32
    %eq3A_390 = vector.broadcast %eq3A_389 : i32 to vector<16xi32>
    %eq3A_391 = arith.cmpi eq, %get3A_274, %eq3A_390 : vector<16xi32>
    %convert_element_type3A_392 = arith.extui %eq3A_391 : vector<16xi1> to vector<16xi32>
    %cumsum3A_393 = arith.constant true
    %cumsum3A_394 = vector.broadcast %cumsum3A_393 : i1 to vector<16xi1>
    %cumsum3A_395 = tpu.scan <sum>, %convert_element_type3A_392 masked %cumsum3A_394 : vector<16xi32>, vector<16xi1> -> vector<16xi32>
    %add3A_396 = arith.addi %broadcast_in_dim3A_263, %cumsum3A_395 : vector<16xi32>
    %sub3A_397 = arith.constant 1 : i32
    %sub3A_398 = vector.broadcast %sub3A_397 : i32 to vector<16xi32>
    %sub3A_399 = arith.subi %add3A_396, %sub3A_398 : vector<16xi32>
    %select_n3A_400 = arith.select %eq3A_391, %sub3A_399, %select_n3A_381 : vector<16xi1>, vector<16xi32>
    %convert_element_type3A_401 = arith.extui %eq3A_391 : vector<16xi1> to vector<16xi32>
    %reduce_sum3A_402 = arith.constant true
    %reduce_sum3A_403 = vector.broadcast %reduce_sum3A_402 : i1 to vector<16xi1>
    %reduce_sum3A_404 = tpu.scan <sum>, %convert_element_type3A_401 masked %reduce_sum3A_403 : vector<16xi32>, vector<16xi1> -> vector<16xi32>
    %reduce_sum3A_405 = vector.extract %reduce_sum3A_404[15] : i32 from vector<16xi32>
    %add3A_406 = vector.broadcast %reduce_sum3A_405 : i32 to vector<16xi32>
    %add3A_407 = arith.addi %broadcast_in_dim3A_263, %add3A_406 : vector<16xi32>
    %eq3A_408 = arith.constant 7 : i32
    %eq3A_409 = vector.broadcast %eq3A_408 : i32 to vector<16xi32>
    %eq3A_410 = arith.cmpi eq, %get3A_274, %eq3A_409 : vector<16xi32>
    %convert_element_type3A_411 = arith.extui %eq3A_410 : vector<16xi1> to vector<16xi32>
    %cumsum3A_412 = arith.constant true
    %cumsum3A_413 = vector.broadcast %cumsum3A_412 : i1 to vector<16xi1>
    %cumsum3A_414 = tpu.scan <sum>, %convert_element_type3A_411 masked %cumsum3A_413 : vector<16xi32>, vector<16xi1> -> vector<16xi32>
    %add3A_415 = arith.addi %broadcast_in_dim3A_272, %cumsum3A_414 : vector<16xi32>
    %sub3A_416 = arith.constant 1 : i32
    %sub3A_417 = vector.broadcast %sub3A_416 : i32 to vector<16xi32>
    %sub3A_418 = arith.subi %add3A_415, %sub3A_417 : vector<16xi32>
    %select_n3A_419 = arith.select %eq3A_410, %sub3A_418, %select_n3A_400 : vector<16xi1>, vector<16xi32>
    %convert_element_type3A_420 = arith.extui %eq3A_410 : vector<16xi1> to vector<16xi32>
    %reduce_sum3A_421 = arith.constant true
    %reduce_sum3A_422 = vector.broadcast %reduce_sum3A_421 : i1 to vector<16xi1>
    %reduce_sum3A_423 = tpu.scan <sum>, %convert_element_type3A_420 masked %reduce_sum3A_422 : vector<16xi32>, vector<16xi1> -> vector<16xi32>
    %reduce_sum3A_424 = vector.extract %reduce_sum3A_423[15] : i32 from vector<16xi32>
    %add3A_425 = vector.broadcast %reduce_sum3A_424 : i32 to vector<16xi32>
    %add3A_426 = arith.addi %broadcast_in_dim3A_272, %add3A_425 : vector<16xi32>
    %swap3A = arith.constant 0 : index
    %swap3A_427 = tpu.vector_load %arg10[%swap3A] {strides = array<i32>} : memref<256xi32, #tpu.memory_space<vmem>>, vector<16xi32>,
    tpu.vector_store %arg10[%swap3A], %select_n3A_419 {strides = array<i32>} : memref<256xi32, #tpu.memory_space<vmem>>, vector<16xi32>,
    %swap3A_428 = arith.constant 0 : i32
    %swap3A_429 = arith.index_cast %swap3A_428 : i32 to index
    %swap3A_430 = arith.constant 0 : index
    %swap3A_431 = tpu.vector_load %arg9[%swap3A_429, %swap3A_430] {strides = array<i32>} : memref<8x32xi32, #tpu.memory_space<vmem>>, vector<16xi32>,
    tpu.vector_store %arg9[%swap3A_429, %swap3A_430], %select_n3A_419 {strides = array<i32>} : memref<8x32xi32, #tpu.memory_space<vmem>>, vector<16xi32>,
    %get3A_432 = arith.constant 16 : index
    %get3A_433 = tpu.vector_load %arg8[%get3A_432] {strides = array<i32>} : memref<256xi32, #tpu.memory_space<vmem>>, vector<16xi32>,
    %eq3A_434 = arith.constant 0 : i32
    %eq3A_435 = vector.broadcast %eq3A_434 : i32 to vector<16xi32>
    %eq3A_436 = arith.cmpi eq, %get3A_433, %eq3A_435 : vector<16xi32>
    %convert_element_type3A_437 = arith.extui %eq3A_436 : vector<16xi1> to vector<16xi32>
    %cumsum3A_438 = arith.constant true
    %cumsum3A_439 = vector.broadcast %cumsum3A_438 : i1 to vector<16xi1>
    %cumsum3A_440 = tpu.scan <sum>, %convert_element_type3A_437 masked %cumsum3A_439 : vector<16xi32>, vector<16xi1> -> vector<16xi32>
    %add3A_441 = arith.addi %add3A_293, %cumsum3A_440 : vector<16xi32>
    %sub3A_442 = arith.constant 1 : i32
    %sub3A_443 = vector.broadcast %sub3A_442 : i32 to vector<16xi32>
    %sub3A_444 = arith.subi %add3A_441, %sub3A_443 : vector<16xi32>
    %select_n3A_445 = arith.select %eq3A_436, %sub3A_444, %broadcast_in_dim3A_21 : vector<16xi1>, vector<16xi32>
    %convert_element_type3A_446 = arith.extui %eq3A_436 : vector<16xi1> to vector<16xi32>
    %reduce_sum3A_447 = arith.constant true
    %reduce_sum3A_448 = vector.broadcast %reduce_sum3A_447 : i1 to vector<16xi1>
    %reduce_sum3A_449 = tpu.scan <sum>, %convert_element_type3A_446 masked %reduce_sum3A_448 : vector<16xi32>, vector<16xi1> -> vector<16xi32>
    %reduce_sum3A_450 = vector.extract %reduce_sum3A_449[15] : i32 from vector<16xi32>
    %add3A_451 = vector.broadcast %reduce_sum3A_450 : i32 to vector<16xi32>
    %add3A_452 = arith.addi %add3A_293, %add3A_451 : vector<16xi32>
    %eq3A_453 = arith.constant 1 : i32
    %eq3A_454 = vector.broadcast %eq3A_453 : i32 to vector<16xi32>
    %eq3A_455 = arith.cmpi eq, %get3A_433, %eq3A_454 : vector<16xi32>
    %convert_element_type3A_456 = arith.extui %eq3A_455 : vector<16xi1> to vector<16xi32>
    %cumsum3A_457 = arith.constant true
    %cumsum3A_458 = vector.broadcast %cumsum3A_457 : i1 to vector<16xi1>
    %cumsum3A_459 = tpu.scan <sum>, %convert_element_type3A_456 masked %cumsum3A_458 : vector<16xi32>, vector<16xi1> -> vector<16xi32>
    %add3A_460 = arith.addi %add3A_312, %cumsum3A_459 : vector<16xi32>
    %sub3A_461 = arith.constant 1 : i32
    %sub3A_462 = vector.broadcast %sub3A_461 : i32 to vector<16xi32>
    %sub3A_463 = arith.subi %add3A_460, %sub3A_462 : vector<16xi32>
    %select_n3A_464 = arith.select %eq3A_455, %sub3A_463, %select_n3A_445 : vector<16xi1>, vector<16xi32>
    %convert_element_type3A_465 = arith.extui %eq3A_455 : vector<16xi1> to vector<16xi32>
    %reduce_sum3A_466 = arith.constant true
    %reduce_sum3A_467 = vector.broadcast %reduce_sum3A_466 : i1 to vector<16xi1>
    %reduce_sum3A_468 = tpu.scan <sum>, %convert_element_type3A_465 masked %reduce_sum3A_467 : vector<16xi32>, vector<16xi1> -> vector<16xi32>
    %reduce_sum3A_469 = vector.extract %reduce_sum3A_468[15] : i32 from vector<16xi32>
    %add3A_470 = vector.broadcast %reduce_sum3A_469 : i32 to vector<16xi32>
    %add3A_471 = arith.addi %add3A_312, %add3A_470 : vector<16xi32>
    %eq3A_472 = arith.constant 2 : i32
    %eq3A_473 = vector.broadcast %eq3A_472 : i32 to vector<16xi32>
    %eq3A_474 = arith.cmpi eq, %get3A_433, %eq3A_473 : vector<16xi32>
    %convert_element_type3A_475 = arith.extui %eq3A_474 : vector<16xi1> to vector<16xi32>
    %cumsum3A_476 = arith.constant true
    %cumsum3A_477 = vector.broadcast %cumsum3A_476 : i1 to vector<16xi1>
    %cumsum3A_478 = tpu.scan <sum>, %convert_element_type3A_475 masked %cumsum3A_477 : vector<16xi32>, vector<16xi1> -> vector<16xi32>
    %add3A_479 = arith.addi %add3A_331, %cumsum3A_478 : vector<16xi32>
    %sub3A_480 = arith.constant 1 : i32
    %sub3A_481 = vector.broadcast %sub3A_480 : i32 to vector<16xi32>
    %sub3A_482 = arith.subi %add3A_479, %sub3A_481 : vector<16xi32>
    %select_n3A_483 = arith.select %eq3A_474, %sub3A_482, %select_n3A_464 : vector<16xi1>, vector<16xi32>
    %convert_element_type3A_484 = arith.extui %eq3A_474 : vector<16xi1> to vector<16xi32>
    %reduce_sum3A_485 = arith.constant true
    %reduce_sum3A_486 = vector.broadcast %reduce_sum3A_485 : i1 to vector<16xi1>
    %reduce_sum3A_487 = tpu.scan <sum>, %convert_element_type3A_484 masked %reduce_sum3A_486 : vector<16xi32>, vector<16xi1> -> vector<16xi32>
    %reduce_sum3A_488 = vector.extract %reduce_sum3A_487[15] : i32 from vector<16xi32>
    %add3A_489 = vector.broadcast %reduce_sum3A_488 : i32 to vector<16xi32>
    %add3A_490 = arith.addi %add3A_331, %add3A_489 : vector<16xi32>
    %eq3A_491 = arith.constant 3 : i32
    %eq3A_492 = vector.broadcast %eq3A_491 : i32 to vector<16xi32>
    %eq3A_493 = arith.cmpi eq, %get3A_433, %eq3A_492 : vector<16xi32>
    %convert_element_type3A_494 = arith.extui %eq3A_493 : vector<16xi1> to vector<16xi32>
    %cumsum3A_495 = arith.constant true
    %cumsum3A_496 = vector.broadcast %cumsum3A_495 : i1 to vector<16xi1>
    %cumsum3A_497 = tpu.scan <sum>, %convert_element_type3A_494 masked %cumsum3A_496 : vector<16xi32>, vector<16xi1> -> vector<16xi32>
    %add3A_498 = arith.addi %add3A_350, %cumsum3A_497 : vector<16xi32>
    %sub3A_499 = arith.constant 1 : i32
    %sub3A_500 = vector.broadcast %sub3A_499 : i32 to vector<16xi32>
    %sub3A_501 = arith.subi %add3A_498, %sub3A_500 : vector<16xi32>
    %select_n3A_502 = arith.select %eq3A_493, %sub3A_501, %select_n3A_483 : vector<16xi1>, vector<16xi32>
    %convert_element_type3A_503 = arith.extui %eq3A_493 : vector<16xi1> to vector<16xi32>
    %reduce_sum3A_504 = arith.constant true
    %reduce_sum3A_505 = vector.broadcast %reduce_sum3A_504 : i1 to vector<16xi1>
    %reduce_sum3A_506 = tpu.scan <sum>, %convert_element_type3A_503 masked %reduce_sum3A_505 : vector<16xi32>, vector<16xi1> -> vector<16xi32>
    %reduce_sum3A_507 = vector.extract %reduce_sum3A_506[15] : i32 from vector<16xi32>
    %add3A_508 = vector.broadcast %reduce_sum3A_507 : i32 to vector<16xi32>
    %add3A_509 = arith.addi %add3A_350, %add3A_508 : vector<16xi32>
    %eq3A_510 = arith.constant 4 : i32
    %eq3A_511 = vector.broadcast %eq3A_510 : i32 to vector<16xi32>
    %eq3A_512 = arith.cmpi eq, %get3A_433, %eq3A_511 : vector<16xi32>
    %convert_element_type3A_513 = arith.extui %eq3A_512 : vector<16xi1> to vector<16xi32>
    %cumsum3A_514 = arith.constant true
    %cumsum3A_515 = vector.broadcast %cumsum3A_514 : i1 to vector<16xi1>
    %cumsum3A_516 = tpu.scan <sum>, %convert_element_type3A_513 masked %cumsum3A_515 : vector<16xi32>, vector<16xi1> -> vector<16xi32>
    %add3A_517 = arith.addi %add3A_369, %cumsum3A_516 : vector<16xi32>
    %sub3A_518 = arith.constant 1 : i32
    %sub3A_519 = vector.broadcast %sub3A_518 : i32 to vector<16xi32>
    %sub3A_520 = arith.subi %add3A_517, %sub3A_519 : vector<16xi32>
    %select_n3A_521 = arith.select %eq3A_512, %sub3A_520, %select_n3A_502 : vector<16xi1>, vector<16xi32>
    %convert_element_type3A_522 = arith.extui %eq3A_512 : vector<16xi1> to vector<16xi32>
    %reduce_sum3A_523 = arith.constant true
    %reduce_sum3A_524 = vector.broadcast %reduce_sum3A_523 : i1 to vector<16xi1>
    %reduce_sum3A_525 = tpu.scan <sum>, %convert_element_type3A_522 masked %reduce_sum3A_524 : vector<16xi32>, vector<16xi1> -> vector<16xi32>
    %reduce_sum3A_526 = vector.extract %reduce_sum3A_525[15] : i32 from vector<16xi32>
    %add3A_527 = vector.broadcast %reduce_sum3A_526 : i32 to vector<16xi32>
    %add3A_528 = arith.addi %add3A_369, %add3A_527 : vector<16xi32>
    %eq3A_529 = arith.constant 5 : i32
    %eq3A_530 = vector.broadcast %eq3A_529 : i32 to vector<16xi32>
    %eq3A_531 = arith.cmpi eq, %get3A_433, %eq3A_530 : vector<16xi32>
    %convert_element_type3A_532 = arith.extui %eq3A_531 : vector<16xi1> to vector<16xi32>
    %cumsum3A_533 = arith.constant true
    %cumsum3A_534 = vector.broadcast %cumsum3A_533 : i1 to vector<16xi1>
    %cumsum3A_535 = tpu.scan <sum>, %convert_element_type3A_532 masked %cumsum3A_534 : vector<16xi32>, vector<16xi1> -> vector<16xi32>
    %add3A_536 = arith.addi %add3A_388, %cumsum3A_535 : vector<16xi32>
    %sub3A_537 = arith.constant 1 : i32
    %sub3A_538 = vector.broadcast %sub3A_537 : i32 to vector<16xi32>
    %sub3A_539 = arith.subi %add3A_536, %sub3A_538 : vector<16xi32>
    %select_n3A_540 = arith.select %eq3A_531, %sub3A_539, %select_n3A_521 : vector<16xi1>, vector<16xi32>
    %convert_element_type3A_541 = arith.extui %eq3A_531 : vector<16xi1> to vector<16xi32>
    %reduce_sum3A_542 = arith.constant true
    %reduce_sum3A_543 = vector.broadcast %reduce_sum3A_542 : i1 to vector<16xi1>
    %reduce_sum3A_544 = tpu.scan <sum>, %convert_element_type3A_541 masked %reduce_sum3A_543 : vector<16xi32>, vector<16xi1> -> vector<16xi32>
    %reduce_sum3A_545 = vector.extract %reduce_sum3A_544[15] : i32 from vector<16xi32>
    %add3A_546 = vector.broadcast %reduce_sum3A_545 : i32 to vector<16xi32>
    %add3A_547 = arith.addi %add3A_388, %add3A_546 : vector<16xi32>
    %eq3A_548 = arith.constant 6 : i32
    %eq3A_549 = vector.broadcast %eq3A_548 : i32 to vector<16xi32>
    %eq3A_550 = arith.cmpi eq, %get3A_433, %eq3A_549 : vector<16xi32>
    %convert_element_type3A_551 = arith.extui %eq3A_550 : vector<16xi1> to vector<16xi32>
    %cumsum3A_552 = arith.constant true
    %cumsum3A_553 = vector.broadcast %cumsum3A_552 : i1 to vector<16xi1>
    %cumsum3A_554 = tpu.scan <sum>, %convert_element_type3A_551 masked %cumsum3A_553 : vector<16xi32>, vector<16xi1> -> vector<16xi32>
    %add3A_555 = arith.addi %add3A_407, %cumsum3A_554 : vector<16xi32>
    %sub3A_556 = arith.constant 1 : i32
    %sub3A_557 = vector.broadcast %sub3A_556 : i32 to vector<16xi32>
    %sub3A_558 = arith.subi %add3A_555, %sub3A_557 : vector<16xi32>
    %select_n3A_559 = arith.select %eq3A_550, %sub3A_558, %select_n3A_540 : vector<16xi1>, vector<16xi32>
    %convert_element_type3A_560 = arith.extui %eq3A_550 : vector<16xi1> to vector<16xi32>
    %reduce_sum3A_561 = arith.constant true
    %reduce_sum3A_562 = vector.broadcast %reduce_sum3A_561 : i1 to vector<16xi1>
    %reduce_sum3A_563 = tpu.scan <sum>, %convert_element_type3A_560 masked %reduce_sum3A_562 : vector<16xi32>, vector<16xi1> -> vector<16xi32>
    %reduce_sum3A_564 = vector.extract %reduce_sum3A_563[15] : i32 from vector<16xi32>
    %add3A_565 = vector.broadcast %reduce_sum3A_564 : i32 to vector<16xi32>
    %add3A_566 = arith.addi %add3A_407, %add3A_565 : vector<16xi32>
    %eq3A_567 = arith.constant 7 : i32
    %eq3A_568 = vector.broadcast %eq3A_567 : i32 to vector<16xi32>
    %eq3A_569 = arith.cmpi eq, %get3A_433, %eq3A_568 : vector<16xi32>
    %convert_element_type3A_570 = arith.extui %eq3A_569 : vector<16xi1> to vector<16xi32>
    %cumsum3A_571 = arith.constant true
    %cumsum3A_572 = vector.broadcast %cumsum3A_571 : i1 to vector<16xi1>
    %cumsum3A_573 = tpu.scan <sum>, %convert_element_type3A_570 masked %cumsum3A_572 : vector<16xi32>, vector<16xi1> -> vector<16xi32>
    %add3A_574 = arith.addi %add3A_426, %cumsum3A_573 : vector<16xi32>
    %sub3A_575 = arith.constant 1 : i32
    %sub3A_576 = vector.broadcast %sub3A_575 : i32 to vector<16xi32>
    %sub3A_577 = arith.subi %add3A_574, %sub3A_576 : vector<16xi32>
    %select_n3A_578 = arith.select %eq3A_569, %sub3A_577, %select_n3A_559 : vector<16xi1>, vector<16xi32>
    %convert_element_type3A_579 = arith.extui %eq3A_569 : vector<16xi1> to vector<16xi32>
    %reduce_sum3A_580 = arith.constant true
    %reduce_sum3A_581 = vector.broadcast %reduce_sum3A_580 : i1 to vector<16xi1>
    %reduce_sum3A_582 = tpu.scan <sum>, %convert_element_type3A_579 masked %reduce_sum3A_581 : vector<16xi32>, vector<16xi1> -> vector<16xi32>
    %reduce_sum3A_583 = vector.extract %reduce_sum3A_582[15] : i32 from vector<16xi32>
    %add3A_584 = vector.broadcast %reduce_sum3A_583 : i32 to vector<16xi32>
    %add3A_585 = arith.addi %add3A_426, %add3A_584 : vector<16xi32>
    %swap3A_586 = arith.constant 16 : index
    %swap3A_587 = tpu.vector_load %arg10[%swap3A_586] {strides = array<i32>} : memref<256xi32, #tpu.memory_space<vmem>>, vector<16xi32>,
    tpu.vector_store %arg10[%swap3A_586], %select_n3A_578 {strides = array<i32>} : memref<256xi32, #tpu.memory_space<vmem>>, vector<16xi32>,
    %swap3A_588 = arith.constant 0 : i32
    %swap3A_589 = arith.index_cast %swap3A_588 : i32 to index
    %swap3A_590 = arith.constant 16 : index
    %swap3A_591 = tpu.vector_load %arg9[%swap3A_589, %swap3A_590] {strides = array<i32>} : memref<8x32xi32, #tpu.memory_space<vmem>>, vector<16xi32>,
    tpu.vector_store %arg9[%swap3A_589, %swap3A_590], %select_n3A_578 {strides = array<i32>} : memref<8x32xi32, #tpu.memory_space<vmem>>, vector<16xi32>,
    %get3A_592 = arith.constant 32 : index
    %get3A_593 = tpu.vector_load %arg8[%get3A_592] {strides = array<i32>} : memref<256xi32, #tpu.memory_space<vmem>>, vector<16xi32>,
    %eq3A_594 = arith.constant 0 : i32
    %eq3A_595 = vector.broadcast %eq3A_594 : i32 to vector<16xi32>
    %eq3A_596 = arith.cmpi eq, %get3A_593, %eq3A_595 : vector<16xi32>
    %convert_element_type3A_597 = arith.extui %eq3A_596 : vector<16xi1> to vector<16xi32>
    %cumsum3A_598 = arith.constant true
    %cumsum3A_599 = vector.broadcast %cumsum3A_598 : i1 to vector<16xi1>
    %cumsum3A_600 = tpu.scan <sum>, %convert_element_type3A_597 masked %cumsum3A_599 : vector<16xi32>, vector<16xi1> -> vector<16xi32>
    %add3A_601 = arith.addi %add3A_452, %cumsum3A_600 : vector<16xi32>
    %sub3A_602 = arith.constant 1 : i32
    %sub3A_603 = vector.broadcast %sub3A_602 : i32 to vector<16xi32>
    %sub3A_604 = arith.subi %add3A_601, %sub3A_603 : vector<16xi32>
    %select_n3A_605 = arith.select %eq3A_596, %sub3A_604, %broadcast_in_dim3A_21 : vector<16xi1>, vector<16xi32>
    %convert_element_type3A_606 = arith.extui %eq3A_596 : vector<16xi1> to vector<16xi32>
    %reduce_sum3A_607 = arith.constant true
    %reduce_sum3A_608 = vector.broadcast %reduce_sum3A_607 : i1 to vector<16xi1>
    %reduce_sum3A_609 = tpu.scan <sum>, %convert_element_type3A_606 masked %reduce_sum3A_608 : vector<16xi32>, vector<16xi1> -> vector<16xi32>
    %reduce_sum3A_610 = vector.extract %reduce_sum3A_609[15] : i32 from vector<16xi32>
    %add3A_611 = vector.broadcast %reduce_sum3A_610 : i32 to vector<16xi32>
    %add3A_612 = arith.addi %add3A_452, %add3A_611 : vector<16xi32>
    %eq3A_613 = arith.constant 1 : i32
    %eq3A_614 = vector.broadcast %eq3A_613 : i32 to vector<16xi32>
    %eq3A_615 = arith.cmpi eq, %get3A_593, %eq3A_614 : vector<16xi32>
    %convert_element_type3A_616 = arith.extui %eq3A_615 : vector<16xi1> to vector<16xi32>
    %cumsum3A_617 = arith.constant true
    %cumsum3A_618 = vector.broadcast %cumsum3A_617 : i1 to vector<16xi1>
    %cumsum3A_619 = tpu.scan <sum>, %convert_element_type3A_616 masked %cumsum3A_618 : vector<16xi32>, vector<16xi1> -> vector<16xi32>
    %add3A_620 = arith.addi %add3A_471, %cumsum3A_619 : vector<16xi32>
    %sub3A_621 = arith.constant 1 : i32
    %sub3A_622 = vector.broadcast %sub3A_621 : i32 to vector<16xi32>
    %sub3A_623 = arith.subi %add3A_620, %sub3A_622 : vector<16xi32>
    %select_n3A_624 = arith.select %eq3A_615, %sub3A_623, %select_n3A_605 : vector<16xi1>, vector<16xi32>
    %convert_element_type3A_625 = arith.extui %eq3A_615 : vector<16xi1> to vector<16xi32>
    %reduce_sum3A_626 = arith.constant true
    %reduce_sum3A_627 = vector.broadcast %reduce_sum3A_626 : i1 to vector<16xi1>
    %reduce_sum3A_628 = tpu.scan <sum>, %convert_element_type3A_625 masked %reduce_sum3A_627 : vector<16xi32>, vector<16xi1> -> vector<16xi32>
    %reduce_sum3A_629 = vector.extract %reduce_sum3A_628[15] : i32 from vector<16xi32>
    %add3A_630 = vector.broadcast %reduce_sum3A_629 : i32 to vector<16xi32>
    %add3A_631 = arith.addi %add3A_471, %add3A_630 : vector<16xi32>
    %eq3A_632 = arith.constant 2 : i32
    %eq3A_633 = vector.broadcast %eq3A_632 : i32 to vector<16xi32>
    %eq3A_634 = arith.cmpi eq, %get3A_593, %eq3A_633 : vector<16xi32>
    %convert_element_type3A_635 = arith.extui %eq3A_634 : vector<16xi1> to vector<16xi32>
    %cumsum3A_636 = arith.constant true
    %cumsum3A_637 = vector.broadcast %cumsum3A_636 : i1 to vector<16xi1>
    %cumsum3A_638 = tpu.scan <sum>, %convert_element_type3A_635 masked %cumsum3A_637 : vector<16xi32>, vector<16xi1> -> vector<16xi32>
    %add3A_639 = arith.addi %add3A_490, %cumsum3A_638 : vector<16xi32>
    %sub3A_640 = arith.constant 1 : i32
    %sub3A_641 = vector.broadcast %sub3A_640 : i32 to vector<16xi32>
    %sub3A_642 = arith.subi %add3A_639, %sub3A_641 : vector<16xi32>
    %select_n3A_643 = arith.select %eq3A_634, %sub3A_642, %select_n3A_624 : vector<16xi1>, vector<16xi32>
    %convert_element_type3A_644 = arith.extui %eq3A_634 : vector<16xi1> to vector<16xi32>
    %reduce_sum3A_645 = arith.constant true
    %reduce_sum3A_646 = vector.broadcast %reduce_sum3A_645 : i1 to vector<16xi1>
    %reduce_sum3A_647 = tpu.scan <sum>, %convert_element_type3A_644 masked %reduce_sum3A_646 : vector<16xi32>, vector<16xi1> -> vector<16xi32>
    %reduce_sum3A_648 = vector.extract %reduce_sum3A_647[15] : i32 from vector<16xi32>
    %add3A_649 = vector.broadcast %reduce_sum3A_648 : i32 to vector<16xi32>
    %add3A_650 = arith.addi %add3A_490, %add3A_649 : vector<16xi32>
    %eq3A_651 = arith.constant 3 : i32
    %eq3A_652 = vector.broadcast %eq3A_651 : i32 to vector<16xi32>
    %eq3A_653 = arith.cmpi eq, %get3A_593, %eq3A_652 : vector<16xi32>
    %convert_element_type3A_654 = arith.extui %eq3A_653 : vector<16xi1> to vector<16xi32>
    %cumsum3A_655 = arith.constant true
    %cumsum3A_656 = vector.broadcast %cumsum3A_655 : i1 to vector<16xi1>
    %cumsum3A_657 = tpu.scan <sum>, %convert_element_type3A_654 masked %cumsum3A_656 : vector<16xi32>, vector<16xi1> -> vector<16xi32>
    %add3A_658 = arith.addi %add3A_509, %cumsum3A_657 : vector<16xi32>
    %sub3A_659 = arith.constant 1 : i32
    %sub3A_660 = vector.broadcast %sub3A_659 : i32 to vector<16xi32>
    %sub3A_661 = arith.subi %add3A_658, %sub3A_660 : vector<16xi32>
    %select_n3A_662 = arith.select %eq3A_653, %sub3A_661, %select_n3A_643 : vector<16xi1>, vector<16xi32>
    %convert_element_type3A_663 = arith.extui %eq3A_653 : vector<16xi1> to vector<16xi32>
    %reduce_sum3A_664 = arith.constant true
    %reduce_sum3A_665 = vector.broadcast %reduce_sum3A_664 : i1 to vector<16xi1>
    %reduce_sum3A_666 = tpu.scan <sum>, %convert_element_type3A_663 masked %reduce_sum3A_665 : vector<16xi32>, vector<16xi1> -> vector<16xi32>
    %reduce_sum3A_667 = vector.extract %reduce_sum3A_666[15] : i32 from vector<16xi32>
    %add3A_668 = vector.broadcast %reduce_sum3A_667 : i32 to vector<16xi32>
    %add3A_669 = arith.addi %add3A_509, %add3A_668 : vector<16xi32>
    %eq3A_670 = arith.constant 4 : i32
    %eq3A_671 = vector.broadcast %eq3A_670 : i32 to vector<16xi32>
    %eq3A_672 = arith.cmpi eq, %get3A_593, %eq3A_671 : vector<16xi32>
    %convert_element_type3A_673 = arith.extui %eq3A_672 : vector<16xi1> to vector<16xi32>
    %cumsum3A_674 = arith.constant true
    %cumsum3A_675 = vector.broadcast %cumsum3A_674 : i1 to vector<16xi1>
    %cumsum3A_676 = tpu.scan <sum>, %convert_element_type3A_673 masked %cumsum3A_675 : vector<16xi32>, vector<16xi1> -> vector<16xi32>
    %add3A_677 = arith.addi %add3A_528, %cumsum3A_676 : vector<16xi32>
    %sub3A_678 = arith.constant 1 : i32
    %sub3A_679 = vector.broadcast %sub3A_678 : i32 to vector<16xi32>
    %sub3A_680 = arith.subi %add3A_677, %sub3A_679 : vector<16xi32>
    %select_n3A_681 = arith.select %eq3A_672, %sub3A_680, %select_n3A_662 : vector<16xi1>, vector<16xi32>
    %convert_element_type3A_682 = arith.extui %eq3A_672 : vector<16xi1> to vector<16xi32>
    %reduce_sum3A_683 = arith.constant true
    %reduce_sum3A_684 = vector.broadcast %reduce_sum3A_683 : i1 to vector<16xi1>
    %reduce_sum3A_685 = tpu.scan <sum>, %convert_element_type3A_682 masked %reduce_sum3A_684 : vector<16xi32>, vector<16xi1> -> vector<16xi32>
    %reduce_sum3A_686 = vector.extract %reduce_sum3A_685[15] : i32 from vector<16xi32>
    %add3A_687 = vector.broadcast %reduce_sum3A_686 : i32 to vector<16xi32>
    %add3A_688 = arith.addi %add3A_528, %add3A_687 : vector<16xi32>
    %eq3A_689 = arith.constant 5 : i32
    %eq3A_690 = vector.broadcast %eq3A_689 : i32 to vector<16xi32>
    %eq3A_691 = arith.cmpi eq, %get3A_593, %eq3A_690 : vector<16xi32>
    %convert_element_type3A_692 = arith.extui %eq3A_691 : vector<16xi1> to vector<16xi32>
    %cumsum3A_693 = arith.constant true
    %cumsum3A_694 = vector.broadcast %cumsum3A_693 : i1 to vector<16xi1>
    %cumsum3A_695 = tpu.scan <sum>, %convert_element_type3A_692 masked %cumsum3A_694 : vector<16xi32>, vector<16xi1> -> vector<16xi32>
    %add3A_696 = arith.addi %add3A_547, %cumsum3A_695 : vector<16xi32>
    %sub3A_697 = arith.constant 1 : i32
    %sub3A_698 = vector.broadcast %sub3A_697 : i32 to vector<16xi32>
    %sub3A_699 = arith.subi %add3A_696, %sub3A_698 : vector<16xi32>
    %select_n3A_700 = arith.select %eq3A_691, %sub3A_699, %select_n3A_681 : vector<16xi1>, vector<16xi32>
    %convert_element_type3A_701 = arith.extui %eq3A_691 : vector<16xi1> to vector<16xi32>
    %reduce_sum3A_702 = arith.constant true
    %reduce_sum3A_703 = vector.broadcast %reduce_sum3A_702 : i1 to vector<16xi1>
    %reduce_sum3A_704 = tpu.scan <sum>, %convert_element_type3A_701 masked %reduce_sum3A_703 : vector<16xi32>, vector<16xi1> -> vector<16xi32>
    %reduce_sum3A_705 = vector.extract %reduce_sum3A_704[15] : i32 from vector<16xi32>
    %add3A_706 = vector.broadcast %reduce_sum3A_705 : i32 to vector<16xi32>
    %add3A_707 = arith.addi %add3A_547, %add3A_706 : vector<16xi32>
    %eq3A_708 = arith.constant 6 : i32
    %eq3A_709 = vector.broadcast %eq3A_708 : i32 to vector<16xi32>
    %eq3A_710 = arith.cmpi eq, %get3A_593, %eq3A_709 : vector<16xi32>
    %convert_element_type3A_711 = arith.extui %eq3A_710 : vector<16xi1> to vector<16xi32>
    %cumsum3A_712 = arith.constant true
    %cumsum3A_713 = vector.broadcast %cumsum3A_712 : i1 to vector<16xi1>
    %cumsum3A_714 = tpu.scan <sum>, %convert_element_type3A_711 masked %cumsum3A_713 : vector<16xi32>, vector<16xi1> -> vector<16xi32>
    %add3A_715 = arith.addi %add3A_566, %cumsum3A_714 : vector<16xi32>
    %sub3A_716 = arith.constant 1 : i32
    %sub3A_717 = vector.broadcast %sub3A_716 : i32 to vector<16xi32>
    %sub3A_718 = arith.subi %add3A_715, %sub3A_717 : vector<16xi32>
    %select_n3A_719 = arith.select %eq3A_710, %sub3A_718, %select_n3A_700 : vector<16xi1>, vector<16xi32>
    %convert_element_type3A_720 = arith.extui %eq3A_710 : vector<16xi1> to vector<16xi32>
    %reduce_sum3A_721 = arith.constant true
    %reduce_sum3A_722 = vector.broadcast %reduce_sum3A_721 : i1 to vector<16xi1>
    %reduce_sum3A_723 = tpu.scan <sum>, %convert_element_type3A_720 masked %reduce_sum3A_722 : vector<16xi32>, vector<16xi1> -> vector<16xi32>
    %reduce_sum3A_724 = vector.extract %reduce_sum3A_723[15] : i32 from vector<16xi32>
    %add3A_725 = vector.broadcast %reduce_sum3A_724 : i32 to vector<16xi32>
    %add3A_726 = arith.addi %add3A_566, %add3A_725 : vector<16xi32>
    %eq3A_727 = arith.constant 7 : i32
    %eq3A_728 = vector.broadcast %eq3A_727 : i32 to vector<16xi32>
    %eq3A_729 = arith.cmpi eq, %get3A_593, %eq3A_728 : vector<16xi32>
    %convert_element_type3A_730 = arith.extui %eq3A_729 : vector<16xi1> to vector<16xi32>
    %cumsum3A_731 = arith.constant true
    %cumsum3A_732 = vector.broadcast %cumsum3A_731 : i1 to vector<16xi1>
    %cumsum3A_733 = tpu.scan <sum>, %convert_element_type3A_730 masked %cumsum3A_732 : vector<16xi32>, vector<16xi1> -> vector<16xi32>
    %add3A_734 = arith.addi %add3A_585, %cumsum3A_733 : vector<16xi32>
    %sub3A_735 = arith.constant 1 : i32
    %sub3A_736 = vector.broadcast %sub3A_735 : i32 to vector<16xi32>
    %sub3A_737 = arith.subi %add3A_734, %sub3A_736 : vector<16xi32>
    %select_n3A_738 = arith.select %eq3A_729, %sub3A_737, %select_n3A_719 : vector<16xi1>, vector<16xi32>
    %convert_element_type3A_739 = arith.extui %eq3A_729 : vector<16xi1> to vector<16xi32>
    %reduce_sum3A_740 = arith.constant true
    %reduce_sum3A_741 = vector.broadcast %reduce_sum3A_740 : i1 to vector<16xi1>
    %reduce_sum3A_742 = tpu.scan <sum>, %convert_element_type3A_739 masked %reduce_sum3A_741 : vector<16xi32>, vector<16xi1> -> vector<16xi32>
    %reduce_sum3A_743 = vector.extract %reduce_sum3A_742[15] : i32 from vector<16xi32>
    %add3A_744 = vector.broadcast %reduce_sum3A_743 : i32 to vector<16xi32>
    %add3A_745 = arith.addi %add3A_585, %add3A_744 : vector<16xi32>
    %swap3A_746 = arith.constant 32 : index
    %swap3A_747 = tpu.vector_load %arg10[%swap3A_746] {strides = array<i32>} : memref<256xi32, #tpu.memory_space<vmem>>, vector<16xi32>,
    tpu.vector_store %arg10[%swap3A_746], %select_n3A_738 {strides = array<i32>} : memref<256xi32, #tpu.memory_space<vmem>>, vector<16xi32>,
    %swap3A_748 = arith.constant 1 : i32
    %swap3A_749 = arith.index_cast %swap3A_748 : i32 to index
    %swap3A_750 = arith.constant 0 : index
    %swap3A_751 = tpu.vector_load %arg9[%swap3A_749, %swap3A_750] {strides = array<i32>} : memref<8x32xi32, #tpu.memory_space<vmem>>, vector<16xi32>,
    tpu.vector_store %arg9[%swap3A_749, %swap3A_750], %select_n3A_738 {strides = array<i32>} : memref<8x32xi32, #tpu.memory_space<vmem>>, vector<16xi32>,
    %get3A_752 = arith.constant 48 : index
    %get3A_753 = tpu.vector_load %arg8[%get3A_752] {strides = array<i32>} : memref<256xi32, #tpu.memory_space<vmem>>, vector<16xi32>,
    %eq3A_754 = arith.constant 0 : i32
    %eq3A_755 = vector.broadcast %eq3A_754 : i32 to vector<16xi32>
    %eq3A_756 = arith.cmpi eq, %get3A_753, %eq3A_755 : vector<16xi32>
    %convert_element_type3A_757 = arith.extui %eq3A_756 : vector<16xi1> to vector<16xi32>
    %cumsum3A_758 = arith.constant true
    %cumsum3A_759 = vector.broadcast %cumsum3A_758 : i1 to vector<16xi1>
    %cumsum3A_760 = tpu.scan <sum>, %convert_element_type3A_757 masked %cumsum3A_759 : vector<16xi32>, vector<16xi1> -> vector<16xi32>
    %add3A_761 = arith.addi %add3A_612, %cumsum3A_760 : vector<16xi32>
    %sub3A_762 = arith.constant 1 : i32
    %sub3A_763 = vector.broadcast %sub3A_762 : i32 to vector<16xi32>
    %sub3A_764 = arith.subi %add3A_761, %sub3A_763 : vector<16xi32>
    %select_n3A_765 = arith.select %eq3A_756, %sub3A_764, %broadcast_in_dim3A_21 : vector<16xi1>, vector<16xi32>
    %convert_element_type3A_766 = arith.extui %eq3A_756 : vector<16xi1> to vector<16xi32>
    %reduce_sum3A_767 = arith.constant true
    %reduce_sum3A_768 = vector.broadcast %reduce_sum3A_767 : i1 to vector<16xi1>
    %reduce_sum3A_769 = tpu.scan <sum>, %convert_element_type3A_766 masked %reduce_sum3A_768 : vector<16xi32>, vector<16xi1> -> vector<16xi32>
    %reduce_sum3A_770 = vector.extract %reduce_sum3A_769[15] : i32 from vector<16xi32>
    %add3A_771 = vector.broadcast %reduce_sum3A_770 : i32 to vector<16xi32>
    %add3A_772 = arith.addi %add3A_612, %add3A_771 : vector<16xi32>
    %eq3A_773 = arith.constant 1 : i32
    %eq3A_774 = vector.broadcast %eq3A_773 : i32 to vector<16xi32>
    %eq3A_775 = arith.cmpi eq, %get3A_753, %eq3A_774 : vector<16xi32>
    %convert_element_type3A_776 = arith.extui %eq3A_775 : vector<16xi1> to vector<16xi32>
    %cumsum3A_777 = arith.constant true
    %cumsum3A_778 = vector.broadcast %cumsum3A_777 : i1 to vector<16xi1>
    %cumsum3A_779 = tpu.scan <sum>, %convert_element_type3A_776 masked %cumsum3A_778 : vector<16xi32>, vector<16xi1> -> vector<16xi32>
    %add3A_780 = arith.addi %add3A_631, %cumsum3A_779 : vector<16xi32>
    %sub3A_781 = arith.constant 1 : i32
    %sub3A_782 = vector.broadcast %sub3A_781 : i32 to vector<16xi32>
    %sub3A_783 = arith.subi %add3A_780, %sub3A_782 : vector<16xi32>
    %select_n3A_784 = arith.select %eq3A_775, %sub3A_783, %select_n3A_765 : vector<16xi1>, vector<16xi32>
    %convert_element_type3A_785 = arith.extui %eq3A_775 : vector<16xi1> to vector<16xi32>
    %reduce_sum3A_786 = arith.constant true
    %reduce_sum3A_787 = vector.broadcast %reduce_sum3A_786 : i1 to vector<16xi1>
    %reduce_sum3A_788 = tpu.scan <sum>, %convert_element_type3A_785 masked %reduce_sum3A_787 : vector<16xi32>, vector<16xi1> -> vector<16xi32>
    %reduce_sum3A_789 = vector.extract %reduce_sum3A_788[15] : i32 from vector<16xi32>
    %add3A_790 = vector.broadcast %reduce_sum3A_789 : i32 to vector<16xi32>
    %add3A_791 = arith.addi %add3A_631, %add3A_790 : vector<16xi32>
    %eq3A_792 = arith.constant 2 : i32
    %eq3A_793 = vector.broadcast %eq3A_792 : i32 to vector<16xi32>
    %eq3A_794 = arith.cmpi eq, %get3A_753, %eq3A_793 : vector<16xi32>
    %convert_element_type3A_795 = arith.extui %eq3A_794 : vector<16xi1> to vector<16xi32>
    %cumsum3A_796 = arith.constant true
    %cumsum3A_797 = vector.broadcast %cumsum3A_796 : i1 to vector<16xi1>
    %cumsum3A_798 = tpu.scan <sum>, %convert_element_type3A_795 masked %cumsum3A_797 : vector<16xi32>, vector<16xi1> -> vector<16xi32>
    %add3A_799 = arith.addi %add3A_650, %cumsum3A_798 : vector<16xi32>
    %sub3A_800 = arith.constant 1 : i32
    %sub3A_801 = vector.broadcast %sub3A_800 : i32 to vector<16xi32>
    %sub3A_802 = arith.subi %add3A_799, %sub3A_801 : vector<16xi32>
    %select_n3A_803 = arith.select %eq3A_794, %sub3A_802, %select_n3A_784 : vector<16xi1>, vector<16xi32>
    %convert_element_type3A_804 = arith.extui %eq3A_794 : vector<16xi1> to vector<16xi32>
    %reduce_sum3A_805 = arith.constant true
    %reduce_sum3A_806 = vector.broadcast %reduce_sum3A_805 : i1 to vector<16xi1>
    %reduce_sum3A_807 = tpu.scan <sum>, %convert_element_type3A_804 masked %reduce_sum3A_806 : vector<16xi32>, vector<16xi1> -> vector<16xi32>
    %reduce_sum3A_808 = vector.extract %reduce_sum3A_807[15] : i32 from vector<16xi32>
    %add3A_809 = vector.broadcast %reduce_sum3A_808 : i32 to vector<16xi32>
    %add3A_810 = arith.addi %add3A_650, %add3A_809 : vector<16xi32>
    %eq3A_811 = arith.constant 3 : i32
    %eq3A_812 = vector.broadcast %eq3A_811 : i32 to vector<16xi32>
    %eq3A_813 = arith.cmpi eq, %get3A_753, %eq3A_812 : vector<16xi32>
    %convert_element_type3A_814 = arith.extui %eq3A_813 : vector<16xi1> to vector<16xi32>
    %cumsum3A_815 = arith.constant true
    %cumsum3A_816 = vector.broadcast %cumsum3A_815 : i1 to vector<16xi1>
    %cumsum3A_817 = tpu.scan <sum>, %convert_element_type3A_814 masked %cumsum3A_816 : vector<16xi32>, vector<16xi1> -> vector<16xi32>
    %add3A_818 = arith.addi %add3A_669, %cumsum3A_817 : vector<16xi32>
    %sub3A_819 = arith.constant 1 : i32
    %sub3A_820 = vector.broadcast %sub3A_819 : i32 to vector<16xi32>
    %sub3A_821 = arith.subi %add3A_818, %sub3A_820 : vector<16xi32>
    %select_n3A_822 = arith.select %eq3A_813, %sub3A_821, %select_n3A_803 : vector<16xi1>, vector<16xi32>
    %convert_element_type3A_823 = arith.extui %eq3A_813 : vector<16xi1> to vector<16xi32>
    %reduce_sum3A_824 = arith.constant true
    %reduce_sum3A_825 = vector.broadcast %reduce_sum3A_824 : i1 to vector<16xi1>
    %reduce_sum3A_826 = tpu.scan <sum>, %convert_element_type3A_823 masked %reduce_sum3A_825 : vector<16xi32>, vector<16xi1> -> vector<16xi32>
    %reduce_sum3A_827 = vector.extract %reduce_sum3A_826[15] : i32 from vector<16xi32>
    %add3A_828 = vector.broadcast %reduce_sum3A_827 : i32 to vector<16xi32>
    %add3A_829 = arith.addi %add3A_669, %add3A_828 : vector<16xi32>
    %eq3A_830 = arith.constant 4 : i32
    %eq3A_831 = vector.broadcast %eq3A_830 : i32 to vector<16xi32>
    %eq3A_832 = arith.cmpi eq, %get3A_753, %eq3A_831 : vector<16xi32>
    %convert_element_type3A_833 = arith.extui %eq3A_832 : vector<16xi1> to vector<16xi32>
    %cumsum3A_834 = arith.constant true
    %cumsum3A_835 = vector.broadcast %cumsum3A_834 : i1 to vector<16xi1>
    %cumsum3A_836 = tpu.scan <sum>, %convert_element_type3A_833 masked %cumsum3A_835 : vector<16xi32>, vector<16xi1> -> vector<16xi32>
    %add3A_837 = arith.addi %add3A_688, %cumsum3A_836 : vector<16xi32>
    %sub3A_838 = arith.constant 1 : i32
    %sub3A_839 = vector.broadcast %sub3A_838 : i32 to vector<16xi32>
    %sub3A_840 = arith.subi %add3A_837, %sub3A_839 : vector<16xi32>
    %select_n3A_841 = arith.select %eq3A_832, %sub3A_840, %select_n3A_822 : vector<16xi1>, vector<16xi32>
    %convert_element_type3A_842 = arith.extui %eq3A_832 : vector<16xi1> to vector<16xi32>
    %reduce_sum3A_843 = arith.constant true
    %reduce_sum3A_844 = vector.broadcast %reduce_sum3A_843 : i1 to vector<16xi1>
    %reduce_sum3A_845 = tpu.scan <sum>, %convert_element_type3A_842 masked %reduce_sum3A_844 : vector<16xi32>, vector<16xi1> -> vector<16xi32>
    %reduce_sum3A_846 = vector.extract %reduce_sum3A_845[15] : i32 from vector<16xi32>
    %add3A_847 = vector.broadcast %reduce_sum3A_846 : i32 to vector<16xi32>
    %add3A_848 = arith.addi %add3A_688, %add3A_847 : vector<16xi32>
    %eq3A_849 = arith.constant 5 : i32
    %eq3A_850 = vector.broadcast %eq3A_849 : i32 to vector<16xi32>
    %eq3A_851 = arith.cmpi eq, %get3A_753, %eq3A_850 : vector<16xi32>
    %convert_element_type3A_852 = arith.extui %eq3A_851 : vector<16xi1> to vector<16xi32>
    %cumsum3A_853 = arith.constant true
    %cumsum3A_854 = vector.broadcast %cumsum3A_853 : i1 to vector<16xi1>
    %cumsum3A_855 = tpu.scan <sum>, %convert_element_type3A_852 masked %cumsum3A_854 : vector<16xi32>, vector<16xi1> -> vector<16xi32>
    %add3A_856 = arith.addi %add3A_707, %cumsum3A_855 : vector<16xi32>
    %sub3A_857 = arith.constant 1 : i32
    %sub3A_858 = vector.broadcast %sub3A_857 : i32 to vector<16xi32>
    %sub3A_859 = arith.subi %add3A_856, %sub3A_858 : vector<16xi32>
    %select_n3A_860 = arith.select %eq3A_851, %sub3A_859, %select_n3A_841 : vector<16xi1>, vector<16xi32>
    %convert_element_type3A_861 = arith.extui %eq3A_851 : vector<16xi1> to vector<16xi32>
    %reduce_sum3A_862 = arith.constant true
    %reduce_sum3A_863 = vector.broadcast %reduce_sum3A_862 : i1 to vector<16xi1>
    %reduce_sum3A_864 = tpu.scan <sum>, %convert_element_type3A_861 masked %reduce_sum3A_863 : vector<16xi32>, vector<16xi1> -> vector<16xi32>
    %reduce_sum3A_865 = vector.extract %reduce_sum3A_864[15] : i32 from vector<16xi32>
    %add3A_866 = vector.broadcast %reduce_sum3A_865 : i32 to vector<16xi32>
    %add3A_867 = arith.addi %add3A_707, %add3A_866 : vector<16xi32>
    %eq3A_868 = arith.constant 6 : i32
    %eq3A_869 = vector.broadcast %eq3A_868 : i32 to vector<16xi32>
    %eq3A_870 = arith.cmpi eq, %get3A_753, %eq3A_869 : vector<16xi32>
    %convert_element_type3A_871 = arith.extui %eq3A_870 : vector<16xi1> to vector<16xi32>
    %cumsum3A_872 = arith.constant true
    %cumsum3A_873 = vector.broadcast %cumsum3A_872 : i1 to vector<16xi1>
    %cumsum3A_874 = tpu.scan <sum>, %convert_element_type3A_871 masked %cumsum3A_873 : vector<16xi32>, vector<16xi1> -> vector<16xi32>
    %add3A_875 = arith.addi %add3A_726, %cumsum3A_874 : vector<16xi32>
    %sub3A_876 = arith.constant 1 : i32
    %sub3A_877 = vector.broadcast %sub3A_876 : i32 to vector<16xi32>
    %sub3A_878 = arith.subi %add3A_875, %sub3A_877 : vector<16xi32>
    %select_n3A_879 = arith.select %eq3A_870, %sub3A_878, %select_n3A_860 : vector<16xi1>, vector<16xi32>
    %convert_element_type3A_880 = arith.extui %eq3A_870 : vector<16xi1> to vector<16xi32>
    %reduce_sum3A_881 = arith.constant true
    %reduce_sum3A_882 = vector.broadcast %reduce_sum3A_881 : i1 to vector<16xi1>
    %reduce_sum3A_883 = tpu.scan <sum>, %convert_element_type3A_880 masked %reduce_sum3A_882 : vector<16xi32>, vector<16xi1> -> vector<16xi32>
    %reduce_sum3A_884 = vector.extract %reduce_sum3A_883[15] : i32 from vector<16xi32>
    %add3A_885 = vector.broadcast %reduce_sum3A_884 : i32 to vector<16xi32>
    %add3A_886 = arith.addi %add3A_726, %add3A_885 : vector<16xi32>
    %eq3A_887 = arith.constant 7 : i32
    %eq3A_888 = vector.broadcast %eq3A_887 : i32 to vector<16xi32>
    %eq3A_889 = arith.cmpi eq, %get3A_753, %eq3A_888 : vector<16xi32>
    %convert_element_type3A_890 = arith.extui %eq3A_889 : vector<16xi1> to vector<16xi32>
    %cumsum3A_891 = arith.constant true
    %cumsum3A_892 = vector.broadcast %cumsum3A_891 : i1 to vector<16xi1>
    %cumsum3A_893 = tpu.scan <sum>, %convert_element_type3A_890 masked %cumsum3A_892 : vector<16xi32>, vector<16xi1> -> vector<16xi32>
    %add3A_894 = arith.addi %add3A_745, %cumsum3A_893 : vector<16xi32>
    %sub3A_895 = arith.constant 1 : i32
    %sub3A_896 = vector.broadcast %sub3A_895 : i32 to vector<16xi32>
    %sub3A_897 = arith.subi %add3A_894, %sub3A_896 : vector<16xi32>
    %select_n3A_898 = arith.select %eq3A_889, %sub3A_897, %select_n3A_879 : vector<16xi1>, vector<16xi32>
    %convert_element_type3A_899 = arith.extui %eq3A_889 : vector<16xi1> to vector<16xi32>
    %reduce_sum3A_900 = arith.constant true
    %reduce_sum3A_901 = vector.broadcast %reduce_sum3A_900 : i1 to vector<16xi1>
    %reduce_sum3A_902 = tpu.scan <sum>, %convert_element_type3A_899 masked %reduce_sum3A_901 : vector<16xi32>, vector<16xi1> -> vector<16xi32>
    %reduce_sum3A_903 = vector.extract %reduce_sum3A_902[15] : i32 from vector<16xi32>
    %add3A_904 = vector.broadcast %reduce_sum3A_903 : i32 to vector<16xi32>
    %add3A_905 = arith.addi %add3A_745, %add3A_904 : vector<16xi32>
    %swap3A_906 = arith.constant 48 : index
    %swap3A_907 = tpu.vector_load %arg10[%swap3A_906] {strides = array<i32>} : memref<256xi32, #tpu.memory_space<vmem>>, vector<16xi32>,
    tpu.vector_store %arg10[%swap3A_906], %select_n3A_898 {strides = array<i32>} : memref<256xi32, #tpu.memory_space<vmem>>, vector<16xi32>,
    %swap3A_908 = arith.constant 1 : i32
    %swap3A_909 = arith.index_cast %swap3A_908 : i32 to index
    %swap3A_910 = arith.constant 16 : index
    %swap3A_911 = tpu.vector_load %arg9[%swap3A_909, %swap3A_910] {strides = array<i32>} : memref<8x32xi32, #tpu.memory_space<vmem>>, vector<16xi32>,
    tpu.vector_store %arg9[%swap3A_909, %swap3A_910], %select_n3A_898 {strides = array<i32>} : memref<8x32xi32, #tpu.memory_space<vmem>>, vector<16xi32>,
    %get3A_912 = arith.constant 64 : index
    %get3A_913 = tpu.vector_load %arg8[%get3A_912] {strides = array<i32>} : memref<256xi32, #tpu.memory_space<vmem>>, vector<16xi32>,
    %eq3A_914 = arith.constant 0 : i32
    %eq3A_915 = vector.broadcast %eq3A_914 : i32 to vector<16xi32>
    %eq3A_916 = arith.cmpi eq, %get3A_913, %eq3A_915 : vector<16xi32>
    %convert_element_type3A_917 = arith.extui %eq3A_916 : vector<16xi1> to vector<16xi32>
    %cumsum3A_918 = arith.constant true
    %cumsum3A_919 = vector.broadcast %cumsum3A_918 : i1 to vector<16xi1>
    %cumsum3A_920 = tpu.scan <sum>, %convert_element_type3A_917 masked %cumsum3A_919 : vector<16xi32>, vector<16xi1> -> vector<16xi32>
    %add3A_921 = arith.addi %add3A_772, %cumsum3A_920 : vector<16xi32>
    %sub3A_922 = arith.constant 1 : i32
    %sub3A_923 = vector.broadcast %sub3A_922 : i32 to vector<16xi32>
    %sub3A_924 = arith.subi %add3A_921, %sub3A_923 : vector<16xi32>
    %select_n3A_925 = arith.select %eq3A_916, %sub3A_924, %broadcast_in_dim3A_21 : vector<16xi1>, vector<16xi32>
    %convert_element_type3A_926 = arith.extui %eq3A_916 : vector<16xi1> to vector<16xi32>
    %reduce_sum3A_927 = arith.constant true
    %reduce_sum3A_928 = vector.broadcast %reduce_sum3A_927 : i1 to vector<16xi1>
    %reduce_sum3A_929 = tpu.scan <sum>, %convert_element_type3A_926 masked %reduce_sum3A_928 : vector<16xi32>, vector<16xi1> -> vector<16xi32>
    %reduce_sum3A_930 = vector.extract %reduce_sum3A_929[15] : i32 from vector<16xi32>
    %add3A_931 = vector.broadcast %reduce_sum3A_930 : i32 to vector<16xi32>
    %add3A_932 = arith.addi %add3A_772, %add3A_931 : vector<16xi32>
    %eq3A_933 = arith.constant 1 : i32
    %eq3A_934 = vector.broadcast %eq3A_933 : i32 to vector<16xi32>
    %eq3A_935 = arith.cmpi eq, %get3A_913, %eq3A_934 : vector<16xi32>
    %convert_element_type3A_936 = arith.extui %eq3A_935 : vector<16xi1> to vector<16xi32>
    %cumsum3A_937 = arith.constant true
    %cumsum3A_938 = vector.broadcast %cumsum3A_937 : i1 to vector<16xi1>
    %cumsum3A_939 = tpu.scan <sum>, %convert_element_type3A_936 masked %cumsum3A_938 : vector<16xi32>, vector<16xi1> -> vector<16xi32>
    %add3A_940 = arith.addi %add3A_791, %cumsum3A_939 : vector<16xi32>
    %sub3A_941 = arith.constant 1 : i32
    %sub3A_942 = vector.broadcast %sub3A_941 : i32 to vector<16xi32>
    %sub3A_943 = arith.subi %add3A_940, %sub3A_942 : vector<16xi32>
    %select_n3A_944 = arith.select %eq3A_935, %sub3A_943, %select_n3A_925 : vector<16xi1>, vector<16xi32>
    %convert_element_type3A_945 = arith.extui %eq3A_935 : vector<16xi1> to vector<16xi32>
    %reduce_sum3A_946 = arith.constant true
    %reduce_sum3A_947 = vector.broadcast %reduce_sum3A_946 : i1 to vector<16xi1>
    %reduce_sum3A_948 = tpu.scan <sum>, %convert_element_type3A_945 masked %reduce_sum3A_947 : vector<16xi32>, vector<16xi1> -> vector<16xi32>
    %reduce_sum3A_949 = vector.extract %reduce_sum3A_948[15] : i32 from vector<16xi32>
    %add3A_950 = vector.broadcast %reduce_sum3A_949 : i32 to vector<16xi32>
    %add3A_951 = arith.addi %add3A_791, %add3A_950 : vector<16xi32>
    %eq3A_952 = arith.constant 2 : i32
    %eq3A_953 = vector.broadcast %eq3A_952 : i32 to vector<16xi32>
    %eq3A_954 = arith.cmpi eq, %get3A_913, %eq3A_953 : vector<16xi32>
    %convert_element_type3A_955 = arith.extui %eq3A_954 : vector<16xi1> to vector<16xi32>
    %cumsum3A_956 = arith.constant true
    %cumsum3A_957 = vector.broadcast %cumsum3A_956 : i1 to vector<16xi1>
    %cumsum3A_958 = tpu.scan <sum>, %convert_element_type3A_955 masked %cumsum3A_957 : vector<16xi32>, vector<16xi1> -> vector<16xi32>
    %add3A_959 = arith.addi %add3A_810, %cumsum3A_958 : vector<16xi32>
    %sub3A_960 = arith.constant 1 : i32
    %sub3A_961 = vector.broadcast %sub3A_960 : i32 to vector<16xi32>
    %sub3A_962 = arith.subi %add3A_959, %sub3A_961 : vector<16xi32>
    %select_n3A_963 = arith.select %eq3A_954, %sub3A_962, %select_n3A_944 : vector<16xi1>, vector<16xi32>
    %convert_element_type3A_964 = arith.extui %eq3A_954 : vector<16xi1> to vector<16xi32>
    %reduce_sum3A_965 = arith.constant true
    %reduce_sum3A_966 = vector.broadcast %reduce_sum3A_965 : i1 to vector<16xi1>
    %reduce_sum3A_967 = tpu.scan <sum>, %convert_element_type3A_964 masked %reduce_sum3A_966 : vector<16xi32>, vector<16xi1> -> vector<16xi32>
    %reduce_sum3A_968 = vector.extract %reduce_sum3A_967[15] : i32 from vector<16xi32>
    %add3A_969 = vector.broadcast %reduce_sum3A_968 : i32 to vector<16xi32>
    %add3A_970 = arith.addi %add3A_810, %add3A_969 : vector<16xi32>
    %eq3A_971 = arith.constant 3 : i32
    %eq3A_972 = vector.broadcast %eq3A_971 : i32 to vector<16xi32>
    %eq3A_973 = arith.cmpi eq, %get3A_913, %eq3A_972 : vector<16xi32>
    %convert_element_type3A_974 = arith.extui %eq3A_973 : vector<16xi1> to vector<16xi32>
    %cumsum3A_975 = arith.constant true
    %cumsum3A_976 = vector.broadcast %cumsum3A_975 : i1 to vector<16xi1>
    %cumsum3A_977 = tpu.scan <sum>, %convert_element_type3A_974 masked %cumsum3A_976 : vector<16xi32>, vector<16xi1> -> vector<16xi32>
    %add3A_978 = arith.addi %add3A_829, %cumsum3A_977 : vector<16xi32>
    %sub3A_979 = arith.constant 1 : i32
    %sub3A_980 = vector.broadcast %sub3A_979 : i32 to vector<16xi32>
    %sub3A_981 = arith.subi %add3A_978, %sub3A_980 : vector<16xi32>
    %select_n3A_982 = arith.select %eq3A_973, %sub3A_981, %select_n3A_963 : vector<16xi1>, vector<16xi32>
    %convert_element_type3A_983 = arith.extui %eq3A_973 : vector<16xi1> to vector<16xi32>
    %reduce_sum3A_984 = arith.constant true
    %reduce_sum3A_985 = vector.broadcast %reduce_sum3A_984 : i1 to vector<16xi1>
    %reduce_sum3A_986 = tpu.scan <sum>, %convert_element_type3A_983 masked %reduce_sum3A_985 : vector<16xi32>, vector<16xi1> -> vector<16xi32>
    %reduce_sum3A_987 = vector.extract %reduce_sum3A_986[15] : i32 from vector<16xi32>
    %add3A_988 = vector.broadcast %reduce_sum3A_987 : i32 to vector<16xi32>
    %add3A_989 = arith.addi %add3A_829, %add3A_988 : vector<16xi32>
    %eq3A_990 = arith.constant 4 : i32
    %eq3A_991 = vector.broadcast %eq3A_990 : i32 to vector<16xi32>
    %eq3A_992 = arith.cmpi eq, %get3A_913, %eq3A_991 : vector<16xi32>
    %convert_element_type3A_993 = arith.extui %eq3A_992 : vector<16xi1> to vector<16xi32>
    %cumsum3A_994 = arith.constant true
    %cumsum3A_995 = vector.broadcast %cumsum3A_994 : i1 to vector<16xi1>
    %cumsum3A_996 = tpu.scan <sum>, %convert_element_type3A_993 masked %cumsum3A_995 : vector<16xi32>, vector<16xi1> -> vector<16xi32>
    %add3A_997 = arith.addi %add3A_848, %cumsum3A_996 : vector<16xi32>
    %sub3A_998 = arith.constant 1 : i32
    %sub3A_999 = vector.broadcast %sub3A_998 : i32 to vector<16xi32>
    %sub3A_1000 = arith.subi %add3A_997, %sub3A_999 : vector<16xi32>
    %select_n3A_1001 = arith.select %eq3A_992, %sub3A_1000, %select_n3A_982 : vector<16xi1>, vector<16xi32>
    %convert_element_type3A_1002 = arith.extui %eq3A_992 : vector<16xi1> to vector<16xi32>
    %reduce_sum3A_1003 = arith.constant true
    %reduce_sum3A_1004 = vector.broadcast %reduce_sum3A_1003 : i1 to vector<16xi1>
    %reduce_sum3A_1005 = tpu.scan <sum>, %convert_element_type3A_1002 masked %reduce_sum3A_1004 : vector<16xi32>, vector<16xi1> -> vector<16xi32>
    %reduce_sum3A_1006 = vector.extract %reduce_sum3A_1005[15] : i32 from vector<16xi32>
    %add3A_1007 = vector.broadcast %reduce_sum3A_1006 : i32 to vector<16xi32>
    %add3A_1008 = arith.addi %add3A_848, %add3A_1007 : vector<16xi32>
    %eq3A_1009 = arith.constant 5 : i32
    %eq3A_1010 = vector.broadcast %eq3A_1009 : i32 to vector<16xi32>
    %eq3A_1011 = arith.cmpi eq, %get3A_913, %eq3A_1010 : vector<16xi32>
    %convert_element_type3A_1012 = arith.extui %eq3A_1011 : vector<16xi1> to vector<16xi32>
    %cumsum3A_1013 = arith.constant true
    %cumsum3A_1014 = vector.broadcast %cumsum3A_1013 : i1 to vector<16xi1>
    %cumsum3A_1015 = tpu.scan <sum>, %convert_element_type3A_1012 masked %cumsum3A_1014 : vector<16xi32>, vector<16xi1> -> vector<16xi32>
    %add3A_1016 = arith.addi %add3A_867, %cumsum3A_1015 : vector<16xi32>
    %sub3A_1017 = arith.constant 1 : i32
    %sub3A_1018 = vector.broadcast %sub3A_1017 : i32 to vector<16xi32>
    %sub3A_1019 = arith.subi %add3A_1016, %sub3A_1018 : vector<16xi32>
    %select_n3A_1020 = arith.select %eq3A_1011, %sub3A_1019, %select_n3A_1001 : vector<16xi1>, vector<16xi32>
    %convert_element_type3A_1021 = arith.extui %eq3A_1011 : vector<16xi1> to vector<16xi32>
    %reduce_sum3A_1022 = arith.constant true
    %reduce_sum3A_1023 = vector.broadcast %reduce_sum3A_1022 : i1 to vector<16xi1>
    %reduce_sum3A_1024 = tpu.scan <sum>, %convert_element_type3A_1021 masked %reduce_sum3A_1023 : vector<16xi32>, vector<16xi1> -> vector<16xi32>
    %reduce_sum3A_1025 = vector.extract %reduce_sum3A_1024[15] : i32 from vector<16xi32>
    %add3A_1026 = vector.broadcast %reduce_sum3A_1025 : i32 to vector<16xi32>
    %add3A_1027 = arith.addi %add3A_867, %add3A_1026 : vector<16xi32>
    %eq3A_1028 = arith.constant 6 : i32
    %eq3A_1029 = vector.broadcast %eq3A_1028 : i32 to vector<16xi32>
    %eq3A_1030 = arith.cmpi eq, %get3A_913, %eq3A_1029 : vector<16xi32>
    %convert_element_type3A_1031 = arith.extui %eq3A_1030 : vector<16xi1> to vector<16xi32>
    %cumsum3A_1032 = arith.constant true
    %cumsum3A_1033 = vector.broadcast %cumsum3A_1032 : i1 to vector<16xi1>
    %cumsum3A_1034 = tpu.scan <sum>, %convert_element_type3A_1031 masked %cumsum3A_1033 : vector<16xi32>, vector<16xi1> -> vector<16xi32>
    %add3A_1035 = arith.addi %add3A_886, %cumsum3A_1034 : vector<16xi32>
    %sub3A_1036 = arith.constant 1 : i32
    %sub3A_1037 = vector.broadcast %sub3A_1036 : i32 to vector<16xi32>
    %sub3A_1038 = arith.subi %add3A_1035, %sub3A_1037 : vector<16xi32>
    %select_n3A_1039 = arith.select %eq3A_1030, %sub3A_1038, %select_n3A_1020 : vector<16xi1>, vector<16xi32>
    %convert_element_type3A_1040 = arith.extui %eq3A_1030 : vector<16xi1> to vector<16xi32>
    %reduce_sum3A_1041 = arith.constant true
    %reduce_sum3A_1042 = vector.broadcast %reduce_sum3A_1041 : i1 to vector<16xi1>
    %reduce_sum3A_1043 = tpu.scan <sum>, %convert_element_type3A_1040 masked %reduce_sum3A_1042 : vector<16xi32>, vector<16xi1> -> vector<16xi32>
    %reduce_sum3A_1044 = vector.extract %reduce_sum3A_1043[15] : i32 from vector<16xi32>
    %add3A_1045 = vector.broadcast %reduce_sum3A_1044 : i32 to vector<16xi32>
    %add3A_1046 = arith.addi %add3A_886, %add3A_1045 : vector<16xi32>
    %eq3A_1047 = arith.constant 7 : i32
    %eq3A_1048 = vector.broadcast %eq3A_1047 : i32 to vector<16xi32>
    %eq3A_1049 = arith.cmpi eq, %get3A_913, %eq3A_1048 : vector<16xi32>
    %convert_element_type3A_1050 = arith.extui %eq3A_1049 : vector<16xi1> to vector<16xi32>
    %cumsum3A_1051 = arith.constant true
    %cumsum3A_1052 = vector.broadcast %cumsum3A_1051 : i1 to vector<16xi1>
    %cumsum3A_1053 = tpu.scan <sum>, %convert_element_type3A_1050 masked %cumsum3A_1052 : vector<16xi32>, vector<16xi1> -> vector<16xi32>
    %add3A_1054 = arith.addi %add3A_905, %cumsum3A_1053 : vector<16xi32>
    %sub3A_1055 = arith.constant 1 : i32
    %sub3A_1056 = vector.broadcast %sub3A_1055 : i32 to vector<16xi32>
    %sub3A_1057 = arith.subi %add3A_1054, %sub3A_1056 : vector<16xi32>
    %select_n3A_1058 = arith.select %eq3A_1049, %sub3A_1057, %select_n3A_1039 : vector<16xi1>, vector<16xi32>
    %convert_element_type3A_1059 = arith.extui %eq3A_1049 : vector<16xi1> to vector<16xi32>
    %reduce_sum3A_1060 = arith.constant true
    %reduce_sum3A_1061 = vector.broadcast %reduce_sum3A_1060 : i1 to vector<16xi1>
    %reduce_sum3A_1062 = tpu.scan <sum>, %convert_element_type3A_1059 masked %reduce_sum3A_1061 : vector<16xi32>, vector<16xi1> -> vector<16xi32>
    %reduce_sum3A_1063 = vector.extract %reduce_sum3A_1062[15] : i32 from vector<16xi32>
    %add3A_1064 = vector.broadcast %reduce_sum3A_1063 : i32 to vector<16xi32>
    %add3A_1065 = arith.addi %add3A_905, %add3A_1064 : vector<16xi32>
    %swap3A_1066 = arith.constant 64 : index
    %swap3A_1067 = tpu.vector_load %arg10[%swap3A_1066] {strides = array<i32>} : memref<256xi32, #tpu.memory_space<vmem>>, vector<16xi32>,
    tpu.vector_store %arg10[%swap3A_1066], %select_n3A_1058 {strides = array<i32>} : memref<256xi32, #tpu.memory_space<vmem>>, vector<16xi32>,
    %swap3A_1068 = arith.constant 2 : i32
    %swap3A_1069 = arith.index_cast %swap3A_1068 : i32 to index
    %swap3A_1070 = arith.constant 0 : index
    %swap3A_1071 = tpu.vector_load %arg9[%swap3A_1069, %swap3A_1070] {strides = array<i32>} : memref<8x32xi32, #tpu.memory_space<vmem>>, vector<16xi32>,
    tpu.vector_store %arg9[%swap3A_1069, %swap3A_1070], %select_n3A_1058 {strides = array<i32>} : memref<8x32xi32, #tpu.memory_space<vmem>>, vector<16xi32>,
    %get3A_1072 = arith.constant 80 : index
    %get3A_1073 = tpu.vector_load %arg8[%get3A_1072] {strides = array<i32>} : memref<256xi32, #tpu.memory_space<vmem>>, vector<16xi32>,
    %eq3A_1074 = arith.constant 0 : i32
    %eq3A_1075 = vector.broadcast %eq3A_1074 : i32 to vector<16xi32>
    %eq3A_1076 = arith.cmpi eq, %get3A_1073, %eq3A_1075 : vector<16xi32>
    %convert_element_type3A_1077 = arith.extui %eq3A_1076 : vector<16xi1> to vector<16xi32>
    %cumsum3A_1078 = arith.constant true
    %cumsum3A_1079 = vector.broadcast %cumsum3A_1078 : i1 to vector<16xi1>
    %cumsum3A_1080 = tpu.scan <sum>, %convert_element_type3A_1077 masked %cumsum3A_1079 : vector<16xi32>, vector<16xi1> -> vector<16xi32>
    %add3A_1081 = arith.addi %add3A_932, %cumsum3A_1080 : vector<16xi32>
    %sub3A_1082 = arith.constant 1 : i32
    %sub3A_1083 = vector.broadcast %sub3A_1082 : i32 to vector<16xi32>
    %sub3A_1084 = arith.subi %add3A_1081, %sub3A_1083 : vector<16xi32>
    %select_n3A_1085 = arith.select %eq3A_1076, %sub3A_1084, %broadcast_in_dim3A_21 : vector<16xi1>, vector<16xi32>
    %convert_element_type3A_1086 = arith.extui %eq3A_1076 : vector<16xi1> to vector<16xi32>
    %reduce_sum3A_1087 = arith.constant true
    %reduce_sum3A_1088 = vector.broadcast %reduce_sum3A_1087 : i1 to vector<16xi1>
    %reduce_sum3A_1089 = tpu.scan <sum>, %convert_element_type3A_1086 masked %reduce_sum3A_1088 : vector<16xi32>, vector<16xi1> -> vector<16xi32>
    %reduce_sum3A_1090 = vector.extract %reduce_sum3A_1089[15] : i32 from vector<16xi32>
    %add3A_1091 = vector.broadcast %reduce_sum3A_1090 : i32 to vector<16xi32>
    %add3A_1092 = arith.addi %add3A_932, %add3A_1091 : vector<16xi32>
    %eq3A_1093 = arith.constant 1 : i32
    %eq3A_1094 = vector.broadcast %eq3A_1093 : i32 to vector<16xi32>
    %eq3A_1095 = arith.cmpi eq, %get3A_1073, %eq3A_1094 : vector<16xi32>
    %convert_element_type3A_1096 = arith.extui %eq3A_1095 : vector<16xi1> to vector<16xi32>
    %cumsum3A_1097 = arith.constant true
    %cumsum3A_1098 = vector.broadcast %cumsum3A_1097 : i1 to vector<16xi1>
    %cumsum3A_1099 = tpu.scan <sum>, %convert_element_type3A_1096 masked %cumsum3A_1098 : vector<16xi32>, vector<16xi1> -> vector<16xi32>
    %add3A_1100 = arith.addi %add3A_951, %cumsum3A_1099 : vector<16xi32>
    %sub3A_1101 = arith.constant 1 : i32
    %sub3A_1102 = vector.broadcast %sub3A_1101 : i32 to vector<16xi32>
    %sub3A_1103 = arith.subi %add3A_1100, %sub3A_1102 : vector<16xi32>
    %select_n3A_1104 = arith.select %eq3A_1095, %sub3A_1103, %select_n3A_1085 : vector<16xi1>, vector<16xi32>
    %convert_element_type3A_1105 = arith.extui %eq3A_1095 : vector<16xi1> to vector<16xi32>
    %reduce_sum3A_1106 = arith.constant true
    %reduce_sum3A_1107 = vector.broadcast %reduce_sum3A_1106 : i1 to vector<16xi1>
    %reduce_sum3A_1108 = tpu.scan <sum>, %convert_element_type3A_1105 masked %reduce_sum3A_1107 : vector<16xi32>, vector<16xi1> -> vector<16xi32>
    %reduce_sum3A_1109 = vector.extract %reduce_sum3A_1108[15] : i32 from vector<16xi32>
    %add3A_1110 = vector.broadcast %reduce_sum3A_1109 : i32 to vector<16xi32>
    %add3A_1111 = arith.addi %add3A_951, %add3A_1110 : vector<16xi32>
    %eq3A_1112 = arith.constant 2 : i32
    %eq3A_1113 = vector.broadcast %eq3A_1112 : i32 to vector<16xi32>
    %eq3A_1114 = arith.cmpi eq, %get3A_1073, %eq3A_1113 : vector<16xi32>
    %convert_element_type3A_1115 = arith.extui %eq3A_1114 : vector<16xi1> to vector<16xi32>
    %cumsum3A_1116 = arith.constant true
    %cumsum3A_1117 = vector.broadcast %cumsum3A_1116 : i1 to vector<16xi1>
    %cumsum3A_1118 = tpu.scan <sum>, %convert_element_type3A_1115 masked %cumsum3A_1117 : vector<16xi32>, vector<16xi1> -> vector<16xi32>
    %add3A_1119 = arith.addi %add3A_970, %cumsum3A_1118 : vector<16xi32>
    %sub3A_1120 = arith.constant 1 : i32
    %sub3A_1121 = vector.broadcast %sub3A_1120 : i32 to vector<16xi32>
    %sub3A_1122 = arith.subi %add3A_1119, %sub3A_1121 : vector<16xi32>
    %select_n3A_1123 = arith.select %eq3A_1114, %sub3A_1122, %select_n3A_1104 : vector<16xi1>, vector<16xi32>
    %convert_element_type3A_1124 = arith.extui %eq3A_1114 : vector<16xi1> to vector<16xi32>
    %reduce_sum3A_1125 = arith.constant true
    %reduce_sum3A_1126 = vector.broadcast %reduce_sum3A_1125 : i1 to vector<16xi1>
    %reduce_sum3A_1127 = tpu.scan <sum>, %convert_element_type3A_1124 masked %reduce_sum3A_1126 : vector<16xi32>, vector<16xi1> -> vector<16xi32>
    %reduce_sum3A_1128 = vector.extract %reduce_sum3A_1127[15] : i32 from vector<16xi32>
    %add3A_1129 = vector.broadcast %reduce_sum3A_1128 : i32 to vector<16xi32>
    %add3A_1130 = arith.addi %add3A_970, %add3A_1129 : vector<16xi32>
    %eq3A_1131 = arith.constant 3 : i32
    %eq3A_1132 = vector.broadcast %eq3A_1131 : i32 to vector<16xi32>
    %eq3A_1133 = arith.cmpi eq, %get3A_1073, %eq3A_1132 : vector<16xi32>
    %convert_element_type3A_1134 = arith.extui %eq3A_1133 : vector<16xi1> to vector<16xi32>
    %cumsum3A_1135 = arith.constant true
    %cumsum3A_1136 = vector.broadcast %cumsum3A_1135 : i1 to vector<16xi1>
    %cumsum3A_1137 = tpu.scan <sum>, %convert_element_type3A_1134 masked %cumsum3A_1136 : vector<16xi32>, vector<16xi1> -> vector<16xi32>
    %add3A_1138 = arith.addi %add3A_989, %cumsum3A_1137 : vector<16xi32>
    %sub3A_1139 = arith.constant 1 : i32
    %sub3A_1140 = vector.broadcast %sub3A_1139 : i32 to vector<16xi32>
    %sub3A_1141 = arith.subi %add3A_1138, %sub3A_1140 : vector<16xi32>
    %select_n3A_1142 = arith.select %eq3A_1133, %sub3A_1141, %select_n3A_1123 : vector<16xi1>, vector<16xi32>
    %convert_element_type3A_1143 = arith.extui %eq3A_1133 : vector<16xi1> to vector<16xi32>
    %reduce_sum3A_1144 = arith.constant true
    %reduce_sum3A_1145 = vector.broadcast %reduce_sum3A_1144 : i1 to vector<16xi1>
    %reduce_sum3A_1146 = tpu.scan <sum>, %convert_element_type3A_1143 masked %reduce_sum3A_1145 : vector<16xi32>, vector<16xi1> -> vector<16xi32>
    %reduce_sum3A_1147 = vector.extract %reduce_sum3A_1146[15] : i32 from vector<16xi32>
    %add3A_1148 = vector.broadcast %reduce_sum3A_1147 : i32 to vector<16xi32>
    %add3A_1149 = arith.addi %add3A_989, %add3A_1148 : vector<16xi32>
    %eq3A_1150 = arith.constant 4 : i32
    %eq3A_1151 = vector.broadcast %eq3A_1150 : i32 to vector<16xi32>
    %eq3A_1152 = arith.cmpi eq, %get3A_1073, %eq3A_1151 : vector<16xi32>
    %convert_element_type3A_1153 = arith.extui %eq3A_1152 : vector<16xi1> to vector<16xi32>
    %cumsum3A_1154 = arith.constant true
    %cumsum3A_1155 = vector.broadcast %cumsum3A_1154 : i1 to vector<16xi1>
    %cumsum3A_1156 = tpu.scan <sum>, %convert_element_type3A_1153 masked %cumsum3A_1155 : vector<16xi32>, vector<16xi1> -> vector<16xi32>
    %add3A_1157 = arith.addi %add3A_1008, %cumsum3A_1156 : vector<16xi32>
    %sub3A_1158 = arith.constant 1 : i32
    %sub3A_1159 = vector.broadcast %sub3A_1158 : i32 to vector<16xi32>
    %sub3A_1160 = arith.subi %add3A_1157, %sub3A_1159 : vector<16xi32>
    %select_n3A_1161 = arith.select %eq3A_1152, %sub3A_1160, %select_n3A_1142 : vector<16xi1>, vector<16xi32>
    %convert_element_type3A_1162 = arith.extui %eq3A_1152 : vector<16xi1> to vector<16xi32>
    %reduce_sum3A_1163 = arith.constant true
    %reduce_sum3A_1164 = vector.broadcast %reduce_sum3A_1163 : i1 to vector<16xi1>
    %reduce_sum3A_1165 = tpu.scan <sum>, %convert_element_type3A_1162 masked %reduce_sum3A_1164 : vector<16xi32>, vector<16xi1> -> vector<16xi32>
    %reduce_sum3A_1166 = vector.extract %reduce_sum3A_1165[15] : i32 from vector<16xi32>
    %add3A_1167 = vector.broadcast %reduce_sum3A_1166 : i32 to vector<16xi32>
    %add3A_1168 = arith.addi %add3A_1008, %add3A_1167 : vector<16xi32>
    %eq3A_1169 = arith.constant 5 : i32
    %eq3A_1170 = vector.broadcast %eq3A_1169 : i32 to vector<16xi32>
    %eq3A_1171 = arith.cmpi eq, %get3A_1073, %eq3A_1170 : vector<16xi32>
    %convert_element_type3A_1172 = arith.extui %eq3A_1171 : vector<16xi1> to vector<16xi32>
    %cumsum3A_1173 = arith.constant true
    %cumsum3A_1174 = vector.broadcast %cumsum3A_1173 : i1 to vector<16xi1>
    %cumsum3A_1175 = tpu.scan <sum>, %convert_element_type3A_1172 masked %cumsum3A_1174 : vector<16xi32>, vector<16xi1> -> vector<16xi32>
    %add3A_1176 = arith.addi %add3A_1027, %cumsum3A_1175 : vector<16xi32>
    %sub3A_1177 = arith.constant 1 : i32
    %sub3A_1178 = vector.broadcast %sub3A_1177 : i32 to vector<16xi32>
    %sub3A_1179 = arith.subi %add3A_1176, %sub3A_1178 : vector<16xi32>
    %select_n3A_1180 = arith.select %eq3A_1171, %sub3A_1179, %select_n3A_1161 : vector<16xi1>, vector<16xi32>
    %convert_element_type3A_1181 = arith.extui %eq3A_1171 : vector<16xi1> to vector<16xi32>
    %reduce_sum3A_1182 = arith.constant true
    %reduce_sum3A_1183 = vector.broadcast %reduce_sum3A_1182 : i1 to vector<16xi1>
    %reduce_sum3A_1184 = tpu.scan <sum>, %convert_element_type3A_1181 masked %reduce_sum3A_1183 : vector<16xi32>, vector<16xi1> -> vector<16xi32>
    %reduce_sum3A_1185 = vector.extract %reduce_sum3A_1184[15] : i32 from vector<16xi32>
    %add3A_1186 = vector.broadcast %reduce_sum3A_1185 : i32 to vector<16xi32>
    %add3A_1187 = arith.addi %add3A_1027, %add3A_1186 : vector<16xi32>
    %eq3A_1188 = arith.constant 6 : i32
    %eq3A_1189 = vector.broadcast %eq3A_1188 : i32 to vector<16xi32>
    %eq3A_1190 = arith.cmpi eq, %get3A_1073, %eq3A_1189 : vector<16xi32>
    %convert_element_type3A_1191 = arith.extui %eq3A_1190 : vector<16xi1> to vector<16xi32>
    %cumsum3A_1192 = arith.constant true
    %cumsum3A_1193 = vector.broadcast %cumsum3A_1192 : i1 to vector<16xi1>
    %cumsum3A_1194 = tpu.scan <sum>, %convert_element_type3A_1191 masked %cumsum3A_1193 : vector<16xi32>, vector<16xi1> -> vector<16xi32>
    %add3A_1195 = arith.addi %add3A_1046, %cumsum3A_1194 : vector<16xi32>
    %sub3A_1196 = arith.constant 1 : i32
    %sub3A_1197 = vector.broadcast %sub3A_1196 : i32 to vector<16xi32>
    %sub3A_1198 = arith.subi %add3A_1195, %sub3A_1197 : vector<16xi32>
    %select_n3A_1199 = arith.select %eq3A_1190, %sub3A_1198, %select_n3A_1180 : vector<16xi1>, vector<16xi32>
    %convert_element_type3A_1200 = arith.extui %eq3A_1190 : vector<16xi1> to vector<16xi32>
    %reduce_sum3A_1201 = arith.constant true
    %reduce_sum3A_1202 = vector.broadcast %reduce_sum3A_1201 : i1 to vector<16xi1>
    %reduce_sum3A_1203 = tpu.scan <sum>, %convert_element_type3A_1200 masked %reduce_sum3A_1202 : vector<16xi32>, vector<16xi1> -> vector<16xi32>
    %reduce_sum3A_1204 = vector.extract %reduce_sum3A_1203[15] : i32 from vector<16xi32>
    %add3A_1205 = vector.broadcast %reduce_sum3A_1204 : i32 to vector<16xi32>
    %add3A_1206 = arith.addi %add3A_1046, %add3A_1205 : vector<16xi32>
    %eq3A_1207 = arith.constant 7 : i32
    %eq3A_1208 = vector.broadcast %eq3A_1207 : i32 to vector<16xi32>
    %eq3A_1209 = arith.cmpi eq, %get3A_1073, %eq3A_1208 : vector<16xi32>
    %convert_element_type3A_1210 = arith.extui %eq3A_1209 : vector<16xi1> to vector<16xi32>
    %cumsum3A_1211 = arith.constant true
    %cumsum3A_1212 = vector.broadcast %cumsum3A_1211 : i1 to vector<16xi1>
    %cumsum3A_1213 = tpu.scan <sum>, %convert_element_type3A_1210 masked %cumsum3A_1212 : vector<16xi32>, vector<16xi1> -> vector<16xi32>
    %add3A_1214 = arith.addi %add3A_1065, %cumsum3A_1213 : vector<16xi32>
    %sub3A_1215 = arith.constant 1 : i32
    %sub3A_1216 = vector.broadcast %sub3A_1215 : i32 to vector<16xi32>
    %sub3A_1217 = arith.subi %add3A_1214, %sub3A_1216 : vector<16xi32>
    %select_n3A_1218 = arith.select %eq3A_1209, %sub3A_1217, %select_n3A_1199 : vector<16xi1>, vector<16xi32>
    %convert_element_type3A_1219 = arith.extui %eq3A_1209 : vector<16xi1> to vector<16xi32>
    %reduce_sum3A_1220 = arith.constant true
    %reduce_sum3A_1221 = vector.broadcast %reduce_sum3A_1220 : i1 to vector<16xi1>
    %reduce_sum3A_1222 = tpu.scan <sum>, %convert_element_type3A_1219 masked %reduce_sum3A_1221 : vector<16xi32>, vector<16xi1> -> vector<16xi32>
    %reduce_sum3A_1223 = vector.extract %reduce_sum3A_1222[15] : i32 from vector<16xi32>
    %add3A_1224 = vector.broadcast %reduce_sum3A_1223 : i32 to vector<16xi32>
    %add3A_1225 = arith.addi %add3A_1065, %add3A_1224 : vector<16xi32>
    %swap3A_1226 = arith.constant 80 : index
    %swap3A_1227 = tpu.vector_load %arg10[%swap3A_1226] {strides = array<i32>} : memref<256xi32, #tpu.memory_space<vmem>>, vector<16xi32>,
    tpu.vector_store %arg10[%swap3A_1226], %select_n3A_1218 {strides = array<i32>} : memref<256xi32, #tpu.memory_space<vmem>>, vector<16xi32>,
    %swap3A_1228 = arith.constant 2 : i32
    %swap3A_1229 = arith.index_cast %swap3A_1228 : i32 to index
    %swap3A_1230 = arith.constant 16 : index
    %swap3A_1231 = tpu.vector_load %arg9[%swap3A_1229, %swap3A_1230] {strides = array<i32>} : memref<8x32xi32, #tpu.memory_space<vmem>>, vector<16xi32>,
    tpu.vector_store %arg9[%swap3A_1229, %swap3A_1230], %select_n3A_1218 {strides = array<i32>} : memref<8x32xi32, #tpu.memory_space<vmem>>, vector<16xi32>,
    %get3A_1232 = arith.constant 96 : index
    %get3A_1233 = tpu.vector_load %arg8[%get3A_1232] {strides = array<i32>} : memref<256xi32, #tpu.memory_space<vmem>>, vector<16xi32>,
    %eq3A_1234 = arith.constant 0 : i32
    %eq3A_1235 = vector.broadcast %eq3A_1234 : i32 to vector<16xi32>
    %eq3A_1236 = arith.cmpi eq, %get3A_1233, %eq3A_1235 : vector<16xi32>
    %convert_element_type3A_1237 = arith.extui %eq3A_1236 : vector<16xi1> to vector<16xi32>
    %cumsum3A_1238 = arith.constant true
    %cumsum3A_1239 = vector.broadcast %cumsum3A_1238 : i1 to vector<16xi1>
    %cumsum3A_1240 = tpu.scan <sum>, %convert_element_type3A_1237 masked %cumsum3A_1239 : vector<16xi32>, vector<16xi1> -> vector<16xi32>
    %add3A_1241 = arith.addi %add3A_1092, %cumsum3A_1240 : vector<16xi32>
    %sub3A_1242 = arith.constant 1 : i32
    %sub3A_1243 = vector.broadcast %sub3A_1242 : i32 to vector<16xi32>
    %sub3A_1244 = arith.subi %add3A_1241, %sub3A_1243 : vector<16xi32>
    %select_n3A_1245 = arith.select %eq3A_1236, %sub3A_1244, %broadcast_in_dim3A_21 : vector<16xi1>, vector<16xi32>
    %convert_element_type3A_1246 = arith.extui %eq3A_1236 : vector<16xi1> to vector<16xi32>
    %reduce_sum3A_1247 = arith.constant true
    %reduce_sum3A_1248 = vector.broadcast %reduce_sum3A_1247 : i1 to vector<16xi1>
    %reduce_sum3A_1249 = tpu.scan <sum>, %convert_element_type3A_1246 masked %reduce_sum3A_1248 : vector<16xi32>, vector<16xi1> -> vector<16xi32>
    %reduce_sum3A_1250 = vector.extract %reduce_sum3A_1249[15] : i32 from vector<16xi32>
    %add3A_1251 = vector.broadcast %reduce_sum3A_1250 : i32 to vector<16xi32>
    %add3A_1252 = arith.addi %add3A_1092, %add3A_1251 : vector<16xi32>
    %eq3A_1253 = arith.constant 1 : i32
    %eq3A_1254 = vector.broadcast %eq3A_1253 : i32 to vector<16xi32>
    %eq3A_1255 = arith.cmpi eq, %get3A_1233, %eq3A_1254 : vector<16xi32>
    %convert_element_type3A_1256 = arith.extui %eq3A_1255 : vector<16xi1> to vector<16xi32>
    %cumsum3A_1257 = arith.constant true
    %cumsum3A_1258 = vector.broadcast %cumsum3A_1257 : i1 to vector<16xi1>
    %cumsum3A_1259 = tpu.scan <sum>, %convert_element_type3A_1256 masked %cumsum3A_1258 : vector<16xi32>, vector<16xi1> -> vector<16xi32>
    %add3A_1260 = arith.addi %add3A_1111, %cumsum3A_1259 : vector<16xi32>
    %sub3A_1261 = arith.constant 1 : i32
    %sub3A_1262 = vector.broadcast %sub3A_1261 : i32 to vector<16xi32>
    %sub3A_1263 = arith.subi %add3A_1260, %sub3A_1262 : vector<16xi32>
    %select_n3A_1264 = arith.select %eq3A_1255, %sub3A_1263, %select_n3A_1245 : vector<16xi1>, vector<16xi32>
    %convert_element_type3A_1265 = arith.extui %eq3A_1255 : vector<16xi1> to vector<16xi32>
    %reduce_sum3A_1266 = arith.constant true
    %reduce_sum3A_1267 = vector.broadcast %reduce_sum3A_1266 : i1 to vector<16xi1>
    %reduce_sum3A_1268 = tpu.scan <sum>, %convert_element_type3A_1265 masked %reduce_sum3A_1267 : vector<16xi32>, vector<16xi1> -> vector<16xi32>
    %reduce_sum3A_1269 = vector.extract %reduce_sum3A_1268[15] : i32 from vector<16xi32>
    %add3A_1270 = vector.broadcast %reduce_sum3A_1269 : i32 to vector<16xi32>
    %add3A_1271 = arith.addi %add3A_1111, %add3A_1270 : vector<16xi32>
    %eq3A_1272 = arith.constant 2 : i32
    %eq3A_1273 = vector.broadcast %eq3A_1272 : i32 to vector<16xi32>
    %eq3A_1274 = arith.cmpi eq, %get3A_1233, %eq3A_1273 : vector<16xi32>
    %convert_element_type3A_1275 = arith.extui %eq3A_1274 : vector<16xi1> to vector<16xi32>
    %cumsum3A_1276 = arith.constant true
    %cumsum3A_1277 = vector.broadcast %cumsum3A_1276 : i1 to vector<16xi1>
    %cumsum3A_1278 = tpu.scan <sum>, %convert_element_type3A_1275 masked %cumsum3A_1277 : vector<16xi32>, vector<16xi1> -> vector<16xi32>
    %add3A_1279 = arith.addi %add3A_1130, %cumsum3A_1278 : vector<16xi32>
    %sub3A_1280 = arith.constant 1 : i32
    %sub3A_1281 = vector.broadcast %sub3A_1280 : i32 to vector<16xi32>
    %sub3A_1282 = arith.subi %add3A_1279, %sub3A_1281 : vector<16xi32>
    %select_n3A_1283 = arith.select %eq3A_1274, %sub3A_1282, %select_n3A_1264 : vector<16xi1>, vector<16xi32>
    %convert_element_type3A_1284 = arith.extui %eq3A_1274 : vector<16xi1> to vector<16xi32>
    %reduce_sum3A_1285 = arith.constant true
    %reduce_sum3A_1286 = vector.broadcast %reduce_sum3A_1285 : i1 to vector<16xi1>
    %reduce_sum3A_1287 = tpu.scan <sum>, %convert_element_type3A_1284 masked %reduce_sum3A_1286 : vector<16xi32>, vector<16xi1> -> vector<16xi32>
    %reduce_sum3A_1288 = vector.extract %reduce_sum3A_1287[15] : i32 from vector<16xi32>
    %add3A_1289 = vector.broadcast %reduce_sum3A_1288 : i32 to vector<16xi32>
    %add3A_1290 = arith.addi %add3A_1130, %add3A_1289 : vector<16xi32>
    %eq3A_1291 = arith.constant 3 : i32
    %eq3A_1292 = vector.broadcast %eq3A_1291 : i32 to vector<16xi32>
    %eq3A_1293 = arith.cmpi eq, %get3A_1233, %eq3A_1292 : vector<16xi32>
    %convert_element_type3A_1294 = arith.extui %eq3A_1293 : vector<16xi1> to vector<16xi32>
    %cumsum3A_1295 = arith.constant true
    %cumsum3A_1296 = vector.broadcast %cumsum3A_1295 : i1 to vector<16xi1>
    %cumsum3A_1297 = tpu.scan <sum>, %convert_element_type3A_1294 masked %cumsum3A_1296 : vector<16xi32>, vector<16xi1> -> vector<16xi32>
    %add3A_1298 = arith.addi %add3A_1149, %cumsum3A_1297 : vector<16xi32>
    %sub3A_1299 = arith.constant 1 : i32
    %sub3A_1300 = vector.broadcast %sub3A_1299 : i32 to vector<16xi32>
    %sub3A_1301 = arith.subi %add3A_1298, %sub3A_1300 : vector<16xi32>
    %select_n3A_1302 = arith.select %eq3A_1293, %sub3A_1301, %select_n3A_1283 : vector<16xi1>, vector<16xi32>
    %convert_element_type3A_1303 = arith.extui %eq3A_1293 : vector<16xi1> to vector<16xi32>
    %reduce_sum3A_1304 = arith.constant true
    %reduce_sum3A_1305 = vector.broadcast %reduce_sum3A_1304 : i1 to vector<16xi1>
    %reduce_sum3A_1306 = tpu.scan <sum>, %convert_element_type3A_1303 masked %reduce_sum3A_1305 : vector<16xi32>, vector<16xi1> -> vector<16xi32>
    %reduce_sum3A_1307 = vector.extract %reduce_sum3A_1306[15] : i32 from vector<16xi32>
    %add3A_1308 = vector.broadcast %reduce_sum3A_1307 : i32 to vector<16xi32>
    %add3A_1309 = arith.addi %add3A_1149, %add3A_1308 : vector<16xi32>
    %eq3A_1310 = arith.constant 4 : i32
    %eq3A_1311 = vector.broadcast %eq3A_1310 : i32 to vector<16xi32>
    %eq3A_1312 = arith.cmpi eq, %get3A_1233, %eq3A_1311 : vector<16xi32>
    %convert_element_type3A_1313 = arith.extui %eq3A_1312 : vector<16xi1> to vector<16xi32>
    %cumsum3A_1314 = arith.constant true
    %cumsum3A_1315 = vector.broadcast %cumsum3A_1314 : i1 to vector<16xi1>
    %cumsum3A_1316 = tpu.scan <sum>, %convert_element_type3A_1313 masked %cumsum3A_1315 : vector<16xi32>, vector<16xi1> -> vector<16xi32>
    %add3A_1317 = arith.addi %add3A_1168, %cumsum3A_1316 : vector<16xi32>
    %sub3A_1318 = arith.constant 1 : i32
    %sub3A_1319 = vector.broadcast %sub3A_1318 : i32 to vector<16xi32>
    %sub3A_1320 = arith.subi %add3A_1317, %sub3A_1319 : vector<16xi32>
    %select_n3A_1321 = arith.select %eq3A_1312, %sub3A_1320, %select_n3A_1302 : vector<16xi1>, vector<16xi32>
    %convert_element_type3A_1322 = arith.extui %eq3A_1312 : vector<16xi1> to vector<16xi32>
    %reduce_sum3A_1323 = arith.constant true
    %reduce_sum3A_1324 = vector.broadcast %reduce_sum3A_1323 : i1 to vector<16xi1>
    %reduce_sum3A_1325 = tpu.scan <sum>, %convert_element_type3A_1322 masked %reduce_sum3A_1324 : vector<16xi32>, vector<16xi1> -> vector<16xi32>
    %reduce_sum3A_1326 = vector.extract %reduce_sum3A_1325[15] : i32 from vector<16xi32>
    %add3A_1327 = vector.broadcast %reduce_sum3A_1326 : i32 to vector<16xi32>
    %add3A_1328 = arith.addi %add3A_1168, %add3A_1327 : vector<16xi32>
    %eq3A_1329 = arith.constant 5 : i32
    %eq3A_1330 = vector.broadcast %eq3A_1329 : i32 to vector<16xi32>
    %eq3A_1331 = arith.cmpi eq, %get3A_1233, %eq3A_1330 : vector<16xi32>
    %convert_element_type3A_1332 = arith.extui %eq3A_1331 : vector<16xi1> to vector<16xi32>
    %cumsum3A_1333 = arith.constant true
    %cumsum3A_1334 = vector.broadcast %cumsum3A_1333 : i1 to vector<16xi1>
    %cumsum3A_1335 = tpu.scan <sum>, %convert_element_type3A_1332 masked %cumsum3A_1334 : vector<16xi32>, vector<16xi1> -> vector<16xi32>
    %add3A_1336 = arith.addi %add3A_1187, %cumsum3A_1335 : vector<16xi32>
    %sub3A_1337 = arith.constant 1 : i32
    %sub3A_1338 = vector.broadcast %sub3A_1337 : i32 to vector<16xi32>
    %sub3A_1339 = arith.subi %add3A_1336, %sub3A_1338 : vector<16xi32>
    %select_n3A_1340 = arith.select %eq3A_1331, %sub3A_1339, %select_n3A_1321 : vector<16xi1>, vector<16xi32>
    %convert_element_type3A_1341 = arith.extui %eq3A_1331 : vector<16xi1> to vector<16xi32>
    %reduce_sum3A_1342 = arith.constant true
    %reduce_sum3A_1343 = vector.broadcast %reduce_sum3A_1342 : i1 to vector<16xi1>
    %reduce_sum3A_1344 = tpu.scan <sum>, %convert_element_type3A_1341 masked %reduce_sum3A_1343 : vector<16xi32>, vector<16xi1> -> vector<16xi32>
    %reduce_sum3A_1345 = vector.extract %reduce_sum3A_1344[15] : i32 from vector<16xi32>
    %add3A_1346 = vector.broadcast %reduce_sum3A_1345 : i32 to vector<16xi32>
    %add3A_1347 = arith.addi %add3A_1187, %add3A_1346 : vector<16xi32>
    %eq3A_1348 = arith.constant 6 : i32
    %eq3A_1349 = vector.broadcast %eq3A_1348 : i32 to vector<16xi32>
    %eq3A_1350 = arith.cmpi eq, %get3A_1233, %eq3A_1349 : vector<16xi32>
    %convert_element_type3A_1351 = arith.extui %eq3A_1350 : vector<16xi1> to vector<16xi32>
    %cumsum3A_1352 = arith.constant true
    %cumsum3A_1353 = vector.broadcast %cumsum3A_1352 : i1 to vector<16xi1>
    %cumsum3A_1354 = tpu.scan <sum>, %convert_element_type3A_1351 masked %cumsum3A_1353 : vector<16xi32>, vector<16xi1> -> vector<16xi32>
    %add3A_1355 = arith.addi %add3A_1206, %cumsum3A_1354 : vector<16xi32>
    %sub3A_1356 = arith.constant 1 : i32
    %sub3A_1357 = vector.broadcast %sub3A_1356 : i32 to vector<16xi32>
    %sub3A_1358 = arith.subi %add3A_1355, %sub3A_1357 : vector<16xi32>
    %select_n3A_1359 = arith.select %eq3A_1350, %sub3A_1358, %select_n3A_1340 : vector<16xi1>, vector<16xi32>
    %convert_element_type3A_1360 = arith.extui %eq3A_1350 : vector<16xi1> to vector<16xi32>
    %reduce_sum3A_1361 = arith.constant true
    %reduce_sum3A_1362 = vector.broadcast %reduce_sum3A_1361 : i1 to vector<16xi1>
    %reduce_sum3A_1363 = tpu.scan <sum>, %convert_element_type3A_1360 masked %reduce_sum3A_1362 : vector<16xi32>, vector<16xi1> -> vector<16xi32>
    %reduce_sum3A_1364 = vector.extract %reduce_sum3A_1363[15] : i32 from vector<16xi32>
    %add3A_1365 = vector.broadcast %reduce_sum3A_1364 : i32 to vector<16xi32>
    %add3A_1366 = arith.addi %add3A_1206, %add3A_1365 : vector<16xi32>
    %eq3A_1367 = arith.constant 7 : i32
    %eq3A_1368 = vector.broadcast %eq3A_1367 : i32 to vector<16xi32>
    %eq3A_1369 = arith.cmpi eq, %get3A_1233, %eq3A_1368 : vector<16xi32>
    %convert_element_type3A_1370 = arith.extui %eq3A_1369 : vector<16xi1> to vector<16xi32>
    %cumsum3A_1371 = arith.constant true
    %cumsum3A_1372 = vector.broadcast %cumsum3A_1371 : i1 to vector<16xi1>
    %cumsum3A_1373 = tpu.scan <sum>, %convert_element_type3A_1370 masked %cumsum3A_1372 : vector<16xi32>, vector<16xi1> -> vector<16xi32>
    %add3A_1374 = arith.addi %add3A_1225, %cumsum3A_1373 : vector<16xi32>
    %sub3A_1375 = arith.constant 1 : i32
    %sub3A_1376 = vector.broadcast %sub3A_1375 : i32 to vector<16xi32>
    %sub3A_1377 = arith.subi %add3A_1374, %sub3A_1376 : vector<16xi32>
    %select_n3A_1378 = arith.select %eq3A_1369, %sub3A_1377, %select_n3A_1359 : vector<16xi1>, vector<16xi32>
    %convert_element_type3A_1379 = arith.extui %eq3A_1369 : vector<16xi1> to vector<16xi32>
    %reduce_sum3A_1380 = arith.constant true
    %reduce_sum3A_1381 = vector.broadcast %reduce_sum3A_1380 : i1 to vector<16xi1>
    %reduce_sum3A_1382 = tpu.scan <sum>, %convert_element_type3A_1379 masked %reduce_sum3A_1381 : vector<16xi32>, vector<16xi1> -> vector<16xi32>
    %reduce_sum3A_1383 = vector.extract %reduce_sum3A_1382[15] : i32 from vector<16xi32>
    %add3A_1384 = vector.broadcast %reduce_sum3A_1383 : i32 to vector<16xi32>
    %add3A_1385 = arith.addi %add3A_1225, %add3A_1384 : vector<16xi32>
    %swap3A_1386 = arith.constant 96 : index
    %swap3A_1387 = tpu.vector_load %arg10[%swap3A_1386] {strides = array<i32>} : memref<256xi32, #tpu.memory_space<vmem>>, vector<16xi32>,
    tpu.vector_store %arg10[%swap3A_1386], %select_n3A_1378 {strides = array<i32>} : memref<256xi32, #tpu.memory_space<vmem>>, vector<16xi32>,
    %swap3A_1388 = arith.constant 3 : i32
    %swap3A_1389 = arith.index_cast %swap3A_1388 : i32 to index
    %swap3A_1390 = arith.constant 0 : index
    %swap3A_1391 = tpu.vector_load %arg9[%swap3A_1389, %swap3A_1390] {strides = array<i32>} : memref<8x32xi32, #tpu.memory_space<vmem>>, vector<16xi32>,
    tpu.vector_store %arg9[%swap3A_1389, %swap3A_1390], %select_n3A_1378 {strides = array<i32>} : memref<8x32xi32, #tpu.memory_space<vmem>>, vector<16xi32>,
    %get3A_1392 = arith.constant 112 : index
    %get3A_1393 = tpu.vector_load %arg8[%get3A_1392] {strides = array<i32>} : memref<256xi32, #tpu.memory_space<vmem>>, vector<16xi32>,
    %eq3A_1394 = arith.constant 0 : i32
    %eq3A_1395 = vector.broadcast %eq3A_1394 : i32 to vector<16xi32>
    %eq3A_1396 = arith.cmpi eq, %get3A_1393, %eq3A_1395 : vector<16xi32>
    %convert_element_type3A_1397 = arith.extui %eq3A_1396 : vector<16xi1> to vector<16xi32>
    %cumsum3A_1398 = arith.constant true
    %cumsum3A_1399 = vector.broadcast %cumsum3A_1398 : i1 to vector<16xi1>
    %cumsum3A_1400 = tpu.scan <sum>, %convert_element_type3A_1397 masked %cumsum3A_1399 : vector<16xi32>, vector<16xi1> -> vector<16xi32>
    %add3A_1401 = arith.addi %add3A_1252, %cumsum3A_1400 : vector<16xi32>
    %sub3A_1402 = arith.constant 1 : i32
    %sub3A_1403 = vector.broadcast %sub3A_1402 : i32 to vector<16xi32>
    %sub3A_1404 = arith.subi %add3A_1401, %sub3A_1403 : vector<16xi32>
    %select_n3A_1405 = arith.select %eq3A_1396, %sub3A_1404, %broadcast_in_dim3A_21 : vector<16xi1>, vector<16xi32>
    %convert_element_type3A_1406 = arith.extui %eq3A_1396 : vector<16xi1> to vector<16xi32>
    %reduce_sum3A_1407 = arith.constant true
    %reduce_sum3A_1408 = vector.broadcast %reduce_sum3A_1407 : i1 to vector<16xi1>
    %reduce_sum3A_1409 = tpu.scan <sum>, %convert_element_type3A_1406 masked %reduce_sum3A_1408 : vector<16xi32>, vector<16xi1> -> vector<16xi32>
    %reduce_sum3A_1410 = vector.extract %reduce_sum3A_1409[15] : i32 from vector<16xi32>
    %add3A_1411 = vector.broadcast %reduce_sum3A_1410 : i32 to vector<16xi32>
    %add3A_1412 = arith.addi %add3A_1252, %add3A_1411 : vector<16xi32>
    %eq3A_1413 = arith.constant 1 : i32
    %eq3A_1414 = vector.broadcast %eq3A_1413 : i32 to vector<16xi32>
    %eq3A_1415 = arith.cmpi eq, %get3A_1393, %eq3A_1414 : vector<16xi32>
    %convert_element_type3A_1416 = arith.extui %eq3A_1415 : vector<16xi1> to vector<16xi32>
    %cumsum3A_1417 = arith.constant true
    %cumsum3A_1418 = vector.broadcast %cumsum3A_1417 : i1 to vector<16xi1>
    %cumsum3A_1419 = tpu.scan <sum>, %convert_element_type3A_1416 masked %cumsum3A_1418 : vector<16xi32>, vector<16xi1> -> vector<16xi32>
    %add3A_1420 = arith.addi %add3A_1271, %cumsum3A_1419 : vector<16xi32>
    %sub3A_1421 = arith.constant 1 : i32
    %sub3A_1422 = vector.broadcast %sub3A_1421 : i32 to vector<16xi32>
    %sub3A_1423 = arith.subi %add3A_1420, %sub3A_1422 : vector<16xi32>
    %select_n3A_1424 = arith.select %eq3A_1415, %sub3A_1423, %select_n3A_1405 : vector<16xi1>, vector<16xi32>
    %convert_element_type3A_1425 = arith.extui %eq3A_1415 : vector<16xi1> to vector<16xi32>
    %reduce_sum3A_1426 = arith.constant true
    %reduce_sum3A_1427 = vector.broadcast %reduce_sum3A_1426 : i1 to vector<16xi1>
    %reduce_sum3A_1428 = tpu.scan <sum>, %convert_element_type3A_1425 masked %reduce_sum3A_1427 : vector<16xi32>, vector<16xi1> -> vector<16xi32>
    %reduce_sum3A_1429 = vector.extract %reduce_sum3A_1428[15] : i32 from vector<16xi32>
    %add3A_1430 = vector.broadcast %reduce_sum3A_1429 : i32 to vector<16xi32>
    %add3A_1431 = arith.addi %add3A_1271, %add3A_1430 : vector<16xi32>
    %eq3A_1432 = arith.constant 2 : i32
    %eq3A_1433 = vector.broadcast %eq3A_1432 : i32 to vector<16xi32>
    %eq3A_1434 = arith.cmpi eq, %get3A_1393, %eq3A_1433 : vector<16xi32>
    %convert_element_type3A_1435 = arith.extui %eq3A_1434 : vector<16xi1> to vector<16xi32>
    %cumsum3A_1436 = arith.constant true
    %cumsum3A_1437 = vector.broadcast %cumsum3A_1436 : i1 to vector<16xi1>
    %cumsum3A_1438 = tpu.scan <sum>, %convert_element_type3A_1435 masked %cumsum3A_1437 : vector<16xi32>, vector<16xi1> -> vector<16xi32>
    %add3A_1439 = arith.addi %add3A_1290, %cumsum3A_1438 : vector<16xi32>
    %sub3A_1440 = arith.constant 1 : i32
    %sub3A_1441 = vector.broadcast %sub3A_1440 : i32 to vector<16xi32>
    %sub3A_1442 = arith.subi %add3A_1439, %sub3A_1441 : vector<16xi32>
    %select_n3A_1443 = arith.select %eq3A_1434, %sub3A_1442, %select_n3A_1424 : vector<16xi1>, vector<16xi32>
    %convert_element_type3A_1444 = arith.extui %eq3A_1434 : vector<16xi1> to vector<16xi32>
    %reduce_sum3A_1445 = arith.constant true
    %reduce_sum3A_1446 = vector.broadcast %reduce_sum3A_1445 : i1 to vector<16xi1>
    %reduce_sum3A_1447 = tpu.scan <sum>, %convert_element_type3A_1444 masked %reduce_sum3A_1446 : vector<16xi32>, vector<16xi1> -> vector<16xi32>
    %reduce_sum3A_1448 = vector.extract %reduce_sum3A_1447[15] : i32 from vector<16xi32>
    %add3A_1449 = vector.broadcast %reduce_sum3A_1448 : i32 to vector<16xi32>
    %add3A_1450 = arith.addi %add3A_1290, %add3A_1449 : vector<16xi32>
    %eq3A_1451 = arith.constant 3 : i32
    %eq3A_1452 = vector.broadcast %eq3A_1451 : i32 to vector<16xi32>
    %eq3A_1453 = arith.cmpi eq, %get3A_1393, %eq3A_1452 : vector<16xi32>
    %convert_element_type3A_1454 = arith.extui %eq3A_1453 : vector<16xi1> to vector<16xi32>
    %cumsum3A_1455 = arith.constant true
    %cumsum3A_1456 = vector.broadcast %cumsum3A_1455 : i1 to vector<16xi1>
    %cumsum3A_1457 = tpu.scan <sum>, %convert_element_type3A_1454 masked %cumsum3A_1456 : vector<16xi32>, vector<16xi1> -> vector<16xi32>
    %add3A_1458 = arith.addi %add3A_1309, %cumsum3A_1457 : vector<16xi32>
    %sub3A_1459 = arith.constant 1 : i32
    %sub3A_1460 = vector.broadcast %sub3A_1459 : i32 to vector<16xi32>
    %sub3A_1461 = arith.subi %add3A_1458, %sub3A_1460 : vector<16xi32>
    %select_n3A_1462 = arith.select %eq3A_1453, %sub3A_1461, %select_n3A_1443 : vector<16xi1>, vector<16xi32>
    %convert_element_type3A_1463 = arith.extui %eq3A_1453 : vector<16xi1> to vector<16xi32>
    %reduce_sum3A_1464 = arith.constant true
    %reduce_sum3A_1465 = vector.broadcast %reduce_sum3A_1464 : i1 to vector<16xi1>
    %reduce_sum3A_1466 = tpu.scan <sum>, %convert_element_type3A_1463 masked %reduce_sum3A_1465 : vector<16xi32>, vector<16xi1> -> vector<16xi32>
    %reduce_sum3A_1467 = vector.extract %reduce_sum3A_1466[15] : i32 from vector<16xi32>
    %add3A_1468 = vector.broadcast %reduce_sum3A_1467 : i32 to vector<16xi32>
    %add3A_1469 = arith.addi %add3A_1309, %add3A_1468 : vector<16xi32>
    %eq3A_1470 = arith.constant 4 : i32
    %eq3A_1471 = vector.broadcast %eq3A_1470 : i32 to vector<16xi32>
    %eq3A_1472 = arith.cmpi eq, %get3A_1393, %eq3A_1471 : vector<16xi32>
    %convert_element_type3A_1473 = arith.extui %eq3A_1472 : vector<16xi1> to vector<16xi32>
    %cumsum3A_1474 = arith.constant true
    %cumsum3A_1475 = vector.broadcast %cumsum3A_1474 : i1 to vector<16xi1>
    %cumsum3A_1476 = tpu.scan <sum>, %convert_element_type3A_1473 masked %cumsum3A_1475 : vector<16xi32>, vector<16xi1> -> vector<16xi32>
    %add3A_1477 = arith.addi %add3A_1328, %cumsum3A_1476 : vector<16xi32>
    %sub3A_1478 = arith.constant 1 : i32
    %sub3A_1479 = vector.broadcast %sub3A_1478 : i32 to vector<16xi32>
    %sub3A_1480 = arith.subi %add3A_1477, %sub3A_1479 : vector<16xi32>
    %select_n3A_1481 = arith.select %eq3A_1472, %sub3A_1480, %select_n3A_1462 : vector<16xi1>, vector<16xi32>
    %convert_element_type3A_1482 = arith.extui %eq3A_1472 : vector<16xi1> to vector<16xi32>
    %reduce_sum3A_1483 = arith.constant true
    %reduce_sum3A_1484 = vector.broadcast %reduce_sum3A_1483 : i1 to vector<16xi1>
    %reduce_sum3A_1485 = tpu.scan <sum>, %convert_element_type3A_1482 masked %reduce_sum3A_1484 : vector<16xi32>, vector<16xi1> -> vector<16xi32>
    %reduce_sum3A_1486 = vector.extract %reduce_sum3A_1485[15] : i32 from vector<16xi32>
    %add3A_1487 = vector.broadcast %reduce_sum3A_1486 : i32 to vector<16xi32>
    %add3A_1488 = arith.addi %add3A_1328, %add3A_1487 : vector<16xi32>
    %eq3A_1489 = arith.constant 5 : i32
    %eq3A_1490 = vector.broadcast %eq3A_1489 : i32 to vector<16xi32>
    %eq3A_1491 = arith.cmpi eq, %get3A_1393, %eq3A_1490 : vector<16xi32>
    %convert_element_type3A_1492 = arith.extui %eq3A_1491 : vector<16xi1> to vector<16xi32>
    %cumsum3A_1493 = arith.constant true
    %cumsum3A_1494 = vector.broadcast %cumsum3A_1493 : i1 to vector<16xi1>
    %cumsum3A_1495 = tpu.scan <sum>, %convert_element_type3A_1492 masked %cumsum3A_1494 : vector<16xi32>, vector<16xi1> -> vector<16xi32>
    %add3A_1496 = arith.addi %add3A_1347, %cumsum3A_1495 : vector<16xi32>
    %sub3A_1497 = arith.constant 1 : i32
    %sub3A_1498 = vector.broadcast %sub3A_1497 : i32 to vector<16xi32>
    %sub3A_1499 = arith.subi %add3A_1496, %sub3A_1498 : vector<16xi32>
    %select_n3A_1500 = arith.select %eq3A_1491, %sub3A_1499, %select_n3A_1481 : vector<16xi1>, vector<16xi32>
    %convert_element_type3A_1501 = arith.extui %eq3A_1491 : vector<16xi1> to vector<16xi32>
    %reduce_sum3A_1502 = arith.constant true
    %reduce_sum3A_1503 = vector.broadcast %reduce_sum3A_1502 : i1 to vector<16xi1>
    %reduce_sum3A_1504 = tpu.scan <sum>, %convert_element_type3A_1501 masked %reduce_sum3A_1503 : vector<16xi32>, vector<16xi1> -> vector<16xi32>
    %reduce_sum3A_1505 = vector.extract %reduce_sum3A_1504[15] : i32 from vector<16xi32>
    %add3A_1506 = vector.broadcast %reduce_sum3A_1505 : i32 to vector<16xi32>
    %add3A_1507 = arith.addi %add3A_1347, %add3A_1506 : vector<16xi32>
    %eq3A_1508 = arith.constant 6 : i32
    %eq3A_1509 = vector.broadcast %eq3A_1508 : i32 to vector<16xi32>
    %eq3A_1510 = arith.cmpi eq, %get3A_1393, %eq3A_1509 : vector<16xi32>
    %convert_element_type3A_1511 = arith.extui %eq3A_1510 : vector<16xi1> to vector<16xi32>
    %cumsum3A_1512 = arith.constant true
    %cumsum3A_1513 = vector.broadcast %cumsum3A_1512 : i1 to vector<16xi1>
    %cumsum3A_1514 = tpu.scan <sum>, %convert_element_type3A_1511 masked %cumsum3A_1513 : vector<16xi32>, vector<16xi1> -> vector<16xi32>
    %add3A_1515 = arith.addi %add3A_1366, %cumsum3A_1514 : vector<16xi32>
    %sub3A_1516 = arith.constant 1 : i32
    %sub3A_1517 = vector.broadcast %sub3A_1516 : i32 to vector<16xi32>
    %sub3A_1518 = arith.subi %add3A_1515, %sub3A_1517 : vector<16xi32>
    %select_n3A_1519 = arith.select %eq3A_1510, %sub3A_1518, %select_n3A_1500 : vector<16xi1>, vector<16xi32>
    %convert_element_type3A_1520 = arith.extui %eq3A_1510 : vector<16xi1> to vector<16xi32>
    %reduce_sum3A_1521 = arith.constant true
    %reduce_sum3A_1522 = vector.broadcast %reduce_sum3A_1521 : i1 to vector<16xi1>
    %reduce_sum3A_1523 = tpu.scan <sum>, %convert_element_type3A_1520 masked %reduce_sum3A_1522 : vector<16xi32>, vector<16xi1> -> vector<16xi32>
    %reduce_sum3A_1524 = vector.extract %reduce_sum3A_1523[15] : i32 from vector<16xi32>
    %add3A_1525 = vector.broadcast %reduce_sum3A_1524 : i32 to vector<16xi32>
    %add3A_1526 = arith.addi %add3A_1366, %add3A_1525 : vector<16xi32>
    %eq3A_1527 = arith.constant 7 : i32
    %eq3A_1528 = vector.broadcast %eq3A_1527 : i32 to vector<16xi32>
    %eq3A_1529 = arith.cmpi eq, %get3A_1393, %eq3A_1528 : vector<16xi32>
    %convert_element_type3A_1530 = arith.extui %eq3A_1529 : vector<16xi1> to vector<16xi32>
    %cumsum3A_1531 = arith.constant true
    %cumsum3A_1532 = vector.broadcast %cumsum3A_1531 : i1 to vector<16xi1>
    %cumsum3A_1533 = tpu.scan <sum>, %convert_element_type3A_1530 masked %cumsum3A_1532 : vector<16xi32>, vector<16xi1> -> vector<16xi32>
    %add3A_1534 = arith.addi %add3A_1385, %cumsum3A_1533 : vector<16xi32>
    %sub3A_1535 = arith.constant 1 : i32
    %sub3A_1536 = vector.broadcast %sub3A_1535 : i32 to vector<16xi32>
    %sub3A_1537 = arith.subi %add3A_1534, %sub3A_1536 : vector<16xi32>
    %select_n3A_1538 = arith.select %eq3A_1529, %sub3A_1537, %select_n3A_1519 : vector<16xi1>, vector<16xi32>
    %convert_element_type3A_1539 = arith.extui %eq3A_1529 : vector<16xi1> to vector<16xi32>
    %reduce_sum3A_1540 = arith.constant true
    %reduce_sum3A_1541 = vector.broadcast %reduce_sum3A_1540 : i1 to vector<16xi1>
    %reduce_sum3A_1542 = tpu.scan <sum>, %convert_element_type3A_1539 masked %reduce_sum3A_1541 : vector<16xi32>, vector<16xi1> -> vector<16xi32>
    %reduce_sum3A_1543 = vector.extract %reduce_sum3A_1542[15] : i32 from vector<16xi32>
    %add3A_1544 = vector.broadcast %reduce_sum3A_1543 : i32 to vector<16xi32>
    %add3A_1545 = arith.addi %add3A_1385, %add3A_1544 : vector<16xi32>
    %swap3A_1546 = arith.constant 112 : index
    %swap3A_1547 = tpu.vector_load %arg10[%swap3A_1546] {strides = array<i32>} : memref<256xi32, #tpu.memory_space<vmem>>, vector<16xi32>,
    tpu.vector_store %arg10[%swap3A_1546], %select_n3A_1538 {strides = array<i32>} : memref<256xi32, #tpu.memory_space<vmem>>, vector<16xi32>,
    %swap3A_1548 = arith.constant 3 : i32
    %swap3A_1549 = arith.index_cast %swap3A_1548 : i32 to index
    %swap3A_1550 = arith.constant 16 : index
    %swap3A_1551 = tpu.vector_load %arg9[%swap3A_1549, %swap3A_1550] {strides = array<i32>} : memref<8x32xi32, #tpu.memory_space<vmem>>, vector<16xi32>,
    tpu.vector_store %arg9[%swap3A_1549, %swap3A_1550], %select_n3A_1538 {strides = array<i32>} : memref<8x32xi32, #tpu.memory_space<vmem>>, vector<16xi32>,
    %get3A_1552 = arith.constant 128 : index
    %get3A_1553 = tpu.vector_load %arg8[%get3A_1552] {strides = array<i32>} : memref<256xi32, #tpu.memory_space<vmem>>, vector<16xi32>,
    %eq3A_1554 = arith.constant 0 : i32
    %eq3A_1555 = vector.broadcast %eq3A_1554 : i32 to vector<16xi32>
    %eq3A_1556 = arith.cmpi eq, %get3A_1553, %eq3A_1555 : vector<16xi32>
    %convert_element_type3A_1557 = arith.extui %eq3A_1556 : vector<16xi1> to vector<16xi32>
    %cumsum3A_1558 = arith.constant true
    %cumsum3A_1559 = vector.broadcast %cumsum3A_1558 : i1 to vector<16xi1>
    %cumsum3A_1560 = tpu.scan <sum>, %convert_element_type3A_1557 masked %cumsum3A_1559 : vector<16xi32>, vector<16xi1> -> vector<16xi32>
    %add3A_1561 = arith.addi %add3A_1412, %cumsum3A_1560 : vector<16xi32>
    %sub3A_1562 = arith.constant 1 : i32
    %sub3A_1563 = vector.broadcast %sub3A_1562 : i32 to vector<16xi32>
    %sub3A_1564 = arith.subi %add3A_1561, %sub3A_1563 : vector<16xi32>
    %select_n3A_1565 = arith.select %eq3A_1556, %sub3A_1564, %broadcast_in_dim3A_21 : vector<16xi1>, vector<16xi32>
    %convert_element_type3A_1566 = arith.extui %eq3A_1556 : vector<16xi1> to vector<16xi32>
    %reduce_sum3A_1567 = arith.constant true
    %reduce_sum3A_1568 = vector.broadcast %reduce_sum3A_1567 : i1 to vector<16xi1>
    %reduce_sum3A_1569 = tpu.scan <sum>, %convert_element_type3A_1566 masked %reduce_sum3A_1568 : vector<16xi32>, vector<16xi1> -> vector<16xi32>
    %reduce_sum3A_1570 = vector.extract %reduce_sum3A_1569[15] : i32 from vector<16xi32>
    %add3A_1571 = vector.broadcast %reduce_sum3A_1570 : i32 to vector<16xi32>
    %add3A_1572 = arith.addi %add3A_1412, %add3A_1571 : vector<16xi32>
    %eq3A_1573 = arith.constant 1 : i32
    %eq3A_1574 = vector.broadcast %eq3A_1573 : i32 to vector<16xi32>
    %eq3A_1575 = arith.cmpi eq, %get3A_1553, %eq3A_1574 : vector<16xi32>
    %convert_element_type3A_1576 = arith.extui %eq3A_1575 : vector<16xi1> to vector<16xi32>
    %cumsum3A_1577 = arith.constant true
    %cumsum3A_1578 = vector.broadcast %cumsum3A_1577 : i1 to vector<16xi1>
    %cumsum3A_1579 = tpu.scan <sum>, %convert_element_type3A_1576 masked %cumsum3A_1578 : vector<16xi32>, vector<16xi1> -> vector<16xi32>
    %add3A_1580 = arith.addi %add3A_1431, %cumsum3A_1579 : vector<16xi32>
    %sub3A_1581 = arith.constant 1 : i32
    %sub3A_1582 = vector.broadcast %sub3A_1581 : i32 to vector<16xi32>
    %sub3A_1583 = arith.subi %add3A_1580, %sub3A_1582 : vector<16xi32>
    %select_n3A_1584 = arith.select %eq3A_1575, %sub3A_1583, %select_n3A_1565 : vector<16xi1>, vector<16xi32>
    %convert_element_type3A_1585 = arith.extui %eq3A_1575 : vector<16xi1> to vector<16xi32>
    %reduce_sum3A_1586 = arith.constant true
    %reduce_sum3A_1587 = vector.broadcast %reduce_sum3A_1586 : i1 to vector<16xi1>
    %reduce_sum3A_1588 = tpu.scan <sum>, %convert_element_type3A_1585 masked %reduce_sum3A_1587 : vector<16xi32>, vector<16xi1> -> vector<16xi32>
    %reduce_sum3A_1589 = vector.extract %reduce_sum3A_1588[15] : i32 from vector<16xi32>
    %add3A_1590 = vector.broadcast %reduce_sum3A_1589 : i32 to vector<16xi32>
    %add3A_1591 = arith.addi %add3A_1431, %add3A_1590 : vector<16xi32>
    %eq3A_1592 = arith.constant 2 : i32
    %eq3A_1593 = vector.broadcast %eq3A_1592 : i32 to vector<16xi32>
    %eq3A_1594 = arith.cmpi eq, %get3A_1553, %eq3A_1593 : vector<16xi32>
    %convert_element_type3A_1595 = arith.extui %eq3A_1594 : vector<16xi1> to vector<16xi32>
    %cumsum3A_1596 = arith.constant true
    %cumsum3A_1597 = vector.broadcast %cumsum3A_1596 : i1 to vector<16xi1>
    %cumsum3A_1598 = tpu.scan <sum>, %convert_element_type3A_1595 masked %cumsum3A_1597 : vector<16xi32>, vector<16xi1> -> vector<16xi32>
    %add3A_1599 = arith.addi %add3A_1450, %cumsum3A_1598 : vector<16xi32>
    %sub3A_1600 = arith.constant 1 : i32
    %sub3A_1601 = vector.broadcast %sub3A_1600 : i32 to vector<16xi32>
    %sub3A_1602 = arith.subi %add3A_1599, %sub3A_1601 : vector<16xi32>
    %select_n3A_1603 = arith.select %eq3A_1594, %sub3A_1602, %select_n3A_1584 : vector<16xi1>, vector<16xi32>
    %convert_element_type3A_1604 = arith.extui %eq3A_1594 : vector<16xi1> to vector<16xi32>
    %reduce_sum3A_1605 = arith.constant true
    %reduce_sum3A_1606 = vector.broadcast %reduce_sum3A_1605 : i1 to vector<16xi1>
    %reduce_sum3A_1607 = tpu.scan <sum>, %convert_element_type3A_1604 masked %reduce_sum3A_1606 : vector<16xi32>, vector<16xi1> -> vector<16xi32>
    %reduce_sum3A_1608 = vector.extract %reduce_sum3A_1607[15] : i32 from vector<16xi32>
    %add3A_1609 = vector.broadcast %reduce_sum3A_1608 : i32 to vector<16xi32>
    %add3A_1610 = arith.addi %add3A_1450, %add3A_1609 : vector<16xi32>
    %eq3A_1611 = arith.constant 3 : i32
    %eq3A_1612 = vector.broadcast %eq3A_1611 : i32 to vector<16xi32>
    %eq3A_1613 = arith.cmpi eq, %get3A_1553, %eq3A_1612 : vector<16xi32>
    %convert_element_type3A_1614 = arith.extui %eq3A_1613 : vector<16xi1> to vector<16xi32>
    %cumsum3A_1615 = arith.constant true
    %cumsum3A_1616 = vector.broadcast %cumsum3A_1615 : i1 to vector<16xi1>
    %cumsum3A_1617 = tpu.scan <sum>, %convert_element_type3A_1614 masked %cumsum3A_1616 : vector<16xi32>, vector<16xi1> -> vector<16xi32>
    %add3A_1618 = arith.addi %add3A_1469, %cumsum3A_1617 : vector<16xi32>
    %sub3A_1619 = arith.constant 1 : i32
    %sub3A_1620 = vector.broadcast %sub3A_1619 : i32 to vector<16xi32>
    %sub3A_1621 = arith.subi %add3A_1618, %sub3A_1620 : vector<16xi32>
    %select_n3A_1622 = arith.select %eq3A_1613, %sub3A_1621, %select_n3A_1603 : vector<16xi1>, vector<16xi32>
    %convert_element_type3A_1623 = arith.extui %eq3A_1613 : vector<16xi1> to vector<16xi32>
    %reduce_sum3A_1624 = arith.constant true
    %reduce_sum3A_1625 = vector.broadcast %reduce_sum3A_1624 : i1 to vector<16xi1>
    %reduce_sum3A_1626 = tpu.scan <sum>, %convert_element_type3A_1623 masked %reduce_sum3A_1625 : vector<16xi32>, vector<16xi1> -> vector<16xi32>
    %reduce_sum3A_1627 = vector.extract %reduce_sum3A_1626[15] : i32 from vector<16xi32>
    %add3A_1628 = vector.broadcast %reduce_sum3A_1627 : i32 to vector<16xi32>
    %add3A_1629 = arith.addi %add3A_1469, %add3A_1628 : vector<16xi32>
    %eq3A_1630 = arith.constant 4 : i32
    %eq3A_1631 = vector.broadcast %eq3A_1630 : i32 to vector<16xi32>
    %eq3A_1632 = arith.cmpi eq, %get3A_1553, %eq3A_1631 : vector<16xi32>
    %convert_element_type3A_1633 = arith.extui %eq3A_1632 : vector<16xi1> to vector<16xi32>
    %cumsum3A_1634 = arith.constant true
    %cumsum3A_1635 = vector.broadcast %cumsum3A_1634 : i1 to vector<16xi1>
    %cumsum3A_1636 = tpu.scan <sum>, %convert_element_type3A_1633 masked %cumsum3A_1635 : vector<16xi32>, vector<16xi1> -> vector<16xi32>
    %add3A_1637 = arith.addi %add3A_1488, %cumsum3A_1636 : vector<16xi32>
    %sub3A_1638 = arith.constant 1 : i32
    %sub3A_1639 = vector.broadcast %sub3A_1638 : i32 to vector<16xi32>
    %sub3A_1640 = arith.subi %add3A_1637, %sub3A_1639 : vector<16xi32>
    %select_n3A_1641 = arith.select %eq3A_1632, %sub3A_1640, %select_n3A_1622 : vector<16xi1>, vector<16xi32>
    %convert_element_type3A_1642 = arith.extui %eq3A_1632 : vector<16xi1> to vector<16xi32>
    %reduce_sum3A_1643 = arith.constant true
    %reduce_sum3A_1644 = vector.broadcast %reduce_sum3A_1643 : i1 to vector<16xi1>
    %reduce_sum3A_1645 = tpu.scan <sum>, %convert_element_type3A_1642 masked %reduce_sum3A_1644 : vector<16xi32>, vector<16xi1> -> vector<16xi32>
    %reduce_sum3A_1646 = vector.extract %reduce_sum3A_1645[15] : i32 from vector<16xi32>
    %add3A_1647 = vector.broadcast %reduce_sum3A_1646 : i32 to vector<16xi32>
    %add3A_1648 = arith.addi %add3A_1488, %add3A_1647 : vector<16xi32>
    %eq3A_1649 = arith.constant 5 : i32
    %eq3A_1650 = vector.broadcast %eq3A_1649 : i32 to vector<16xi32>
    %eq3A_1651 = arith.cmpi eq, %get3A_1553, %eq3A_1650 : vector<16xi32>
    %convert_element_type3A_1652 = arith.extui %eq3A_1651 : vector<16xi1> to vector<16xi32>
    %cumsum3A_1653 = arith.constant true
    %cumsum3A_1654 = vector.broadcast %cumsum3A_1653 : i1 to vector<16xi1>
    %cumsum3A_1655 = tpu.scan <sum>, %convert_element_type3A_1652 masked %cumsum3A_1654 : vector<16xi32>, vector<16xi1> -> vector<16xi32>
    %add3A_1656 = arith.addi %add3A_1507, %cumsum3A_1655 : vector<16xi32>
    %sub3A_1657 = arith.constant 1 : i32
    %sub3A_1658 = vector.broadcast %sub3A_1657 : i32 to vector<16xi32>
    %sub3A_1659 = arith.subi %add3A_1656, %sub3A_1658 : vector<16xi32>
    %select_n3A_1660 = arith.select %eq3A_1651, %sub3A_1659, %select_n3A_1641 : vector<16xi1>, vector<16xi32>
    %convert_element_type3A_1661 = arith.extui %eq3A_1651 : vector<16xi1> to vector<16xi32>
    %reduce_sum3A_1662 = arith.constant true
    %reduce_sum3A_1663 = vector.broadcast %reduce_sum3A_1662 : i1 to vector<16xi1>
    %reduce_sum3A_1664 = tpu.scan <sum>, %convert_element_type3A_1661 masked %reduce_sum3A_1663 : vector<16xi32>, vector<16xi1> -> vector<16xi32>
    %reduce_sum3A_1665 = vector.extract %reduce_sum3A_1664[15] : i32 from vector<16xi32>
    %add3A_1666 = vector.broadcast %reduce_sum3A_1665 : i32 to vector<16xi32>
    %add3A_1667 = arith.addi %add3A_1507, %add3A_1666 : vector<16xi32>
    %eq3A_1668 = arith.constant 6 : i32
    %eq3A_1669 = vector.broadcast %eq3A_1668 : i32 to vector<16xi32>
    %eq3A_1670 = arith.cmpi eq, %get3A_1553, %eq3A_1669 : vector<16xi32>
    %convert_element_type3A_1671 = arith.extui %eq3A_1670 : vector<16xi1> to vector<16xi32>
    %cumsum3A_1672 = arith.constant true
    %cumsum3A_1673 = vector.broadcast %cumsum3A_1672 : i1 to vector<16xi1>
    %cumsum3A_1674 = tpu.scan <sum>, %convert_element_type3A_1671 masked %cumsum3A_1673 : vector<16xi32>, vector<16xi1> -> vector<16xi32>
    %add3A_1675 = arith.addi %add3A_1526, %cumsum3A_1674 : vector<16xi32>
    %sub3A_1676 = arith.constant 1 : i32
    %sub3A_1677 = vector.broadcast %sub3A_1676 : i32 to vector<16xi32>
    %sub3A_1678 = arith.subi %add3A_1675, %sub3A_1677 : vector<16xi32>
    %select_n3A_1679 = arith.select %eq3A_1670, %sub3A_1678, %select_n3A_1660 : vector<16xi1>, vector<16xi32>
    %convert_element_type3A_1680 = arith.extui %eq3A_1670 : vector<16xi1> to vector<16xi32>
    %reduce_sum3A_1681 = arith.constant true
    %reduce_sum3A_1682 = vector.broadcast %reduce_sum3A_1681 : i1 to vector<16xi1>
    %reduce_sum3A_1683 = tpu.scan <sum>, %convert_element_type3A_1680 masked %reduce_sum3A_1682 : vector<16xi32>, vector<16xi1> -> vector<16xi32>
    %reduce_sum3A_1684 = vector.extract %reduce_sum3A_1683[15] : i32 from vector<16xi32>
    %add3A_1685 = vector.broadcast %reduce_sum3A_1684 : i32 to vector<16xi32>
    %add3A_1686 = arith.addi %add3A_1526, %add3A_1685 : vector<16xi32>
    %eq3A_1687 = arith.constant 7 : i32
    %eq3A_1688 = vector.broadcast %eq3A_1687 : i32 to vector<16xi32>
    %eq3A_1689 = arith.cmpi eq, %get3A_1553, %eq3A_1688 : vector<16xi32>
    %convert_element_type3A_1690 = arith.extui %eq3A_1689 : vector<16xi1> to vector<16xi32>
    %cumsum3A_1691 = arith.constant true
    %cumsum3A_1692 = vector.broadcast %cumsum3A_1691 : i1 to vector<16xi1>
    %cumsum3A_1693 = tpu.scan <sum>, %convert_element_type3A_1690 masked %cumsum3A_1692 : vector<16xi32>, vector<16xi1> -> vector<16xi32>
    %add3A_1694 = arith.addi %add3A_1545, %cumsum3A_1693 : vector<16xi32>
    %sub3A_1695 = arith.constant 1 : i32
    %sub3A_1696 = vector.broadcast %sub3A_1695 : i32 to vector<16xi32>
    %sub3A_1697 = arith.subi %add3A_1694, %sub3A_1696 : vector<16xi32>
    %select_n3A_1698 = arith.select %eq3A_1689, %sub3A_1697, %select_n3A_1679 : vector<16xi1>, vector<16xi32>
    %convert_element_type3A_1699 = arith.extui %eq3A_1689 : vector<16xi1> to vector<16xi32>
    %reduce_sum3A_1700 = arith.constant true
    %reduce_sum3A_1701 = vector.broadcast %reduce_sum3A_1700 : i1 to vector<16xi1>
    %reduce_sum3A_1702 = tpu.scan <sum>, %convert_element_type3A_1699 masked %reduce_sum3A_1701 : vector<16xi32>, vector<16xi1> -> vector<16xi32>
    %reduce_sum3A_1703 = vector.extract %reduce_sum3A_1702[15] : i32 from vector<16xi32>
    %add3A_1704 = vector.broadcast %reduce_sum3A_1703 : i32 to vector<16xi32>
    %add3A_1705 = arith.addi %add3A_1545, %add3A_1704 : vector<16xi32>
    %swap3A_1706 = arith.constant 128 : index
    %swap3A_1707 = tpu.vector_load %arg10[%swap3A_1706] {strides = array<i32>} : memref<256xi32, #tpu.memory_space<vmem>>, vector<16xi32>,
    tpu.vector_store %arg10[%swap3A_1706], %select_n3A_1698 {strides = array<i32>} : memref<256xi32, #tpu.memory_space<vmem>>, vector<16xi32>,
    %swap3A_1708 = arith.constant 4 : i32
    %swap3A_1709 = arith.index_cast %swap3A_1708 : i32 to index
    %swap3A_1710 = arith.constant 0 : index
    %swap3A_1711 = tpu.vector_load %arg9[%swap3A_1709, %swap3A_1710] {strides = array<i32>} : memref<8x32xi32, #tpu.memory_space<vmem>>, vector<16xi32>,
    tpu.vector_store %arg9[%swap3A_1709, %swap3A_1710], %select_n3A_1698 {strides = array<i32>} : memref<8x32xi32, #tpu.memory_space<vmem>>, vector<16xi32>,
    %get3A_1712 = arith.constant 144 : index
    %get3A_1713 = tpu.vector_load %arg8[%get3A_1712] {strides = array<i32>} : memref<256xi32, #tpu.memory_space<vmem>>, vector<16xi32>,
    %eq3A_1714 = arith.constant 0 : i32
    %eq3A_1715 = vector.broadcast %eq3A_1714 : i32 to vector<16xi32>
    %eq3A_1716 = arith.cmpi eq, %get3A_1713, %eq3A_1715 : vector<16xi32>
    %convert_element_type3A_1717 = arith.extui %eq3A_1716 : vector<16xi1> to vector<16xi32>
    %cumsum3A_1718 = arith.constant true
    %cumsum3A_1719 = vector.broadcast %cumsum3A_1718 : i1 to vector<16xi1>
    %cumsum3A_1720 = tpu.scan <sum>, %convert_element_type3A_1717 masked %cumsum3A_1719 : vector<16xi32>, vector<16xi1> -> vector<16xi32>
    %add3A_1721 = arith.addi %add3A_1572, %cumsum3A_1720 : vector<16xi32>
    %sub3A_1722 = arith.constant 1 : i32
    %sub3A_1723 = vector.broadcast %sub3A_1722 : i32 to vector<16xi32>
    %sub3A_1724 = arith.subi %add3A_1721, %sub3A_1723 : vector<16xi32>
    %select_n3A_1725 = arith.select %eq3A_1716, %sub3A_1724, %broadcast_in_dim3A_21 : vector<16xi1>, vector<16xi32>
    %convert_element_type3A_1726 = arith.extui %eq3A_1716 : vector<16xi1> to vector<16xi32>
    %reduce_sum3A_1727 = arith.constant true
    %reduce_sum3A_1728 = vector.broadcast %reduce_sum3A_1727 : i1 to vector<16xi1>
    %reduce_sum3A_1729 = tpu.scan <sum>, %convert_element_type3A_1726 masked %reduce_sum3A_1728 : vector<16xi32>, vector<16xi1> -> vector<16xi32>
    %reduce_sum3A_1730 = vector.extract %reduce_sum3A_1729[15] : i32 from vector<16xi32>
    %add3A_1731 = vector.broadcast %reduce_sum3A_1730 : i32 to vector<16xi32>
    %add3A_1732 = arith.addi %add3A_1572, %add3A_1731 : vector<16xi32>
    %eq3A_1733 = arith.constant 1 : i32
    %eq3A_1734 = vector.broadcast %eq3A_1733 : i32 to vector<16xi32>
    %eq3A_1735 = arith.cmpi eq, %get3A_1713, %eq3A_1734 : vector<16xi32>
    %convert_element_type3A_1736 = arith.extui %eq3A_1735 : vector<16xi1> to vector<16xi32>
    %cumsum3A_1737 = arith.constant true
    %cumsum3A_1738 = vector.broadcast %cumsum3A_1737 : i1 to vector<16xi1>
    %cumsum3A_1739 = tpu.scan <sum>, %convert_element_type3A_1736 masked %cumsum3A_1738 : vector<16xi32>, vector<16xi1> -> vector<16xi32>
    %add3A_1740 = arith.addi %add3A_1591, %cumsum3A_1739 : vector<16xi32>
    %sub3A_1741 = arith.constant 1 : i32
    %sub3A_1742 = vector.broadcast %sub3A_1741 : i32 to vector<16xi32>
    %sub3A_1743 = arith.subi %add3A_1740, %sub3A_1742 : vector<16xi32>
    %select_n3A_1744 = arith.select %eq3A_1735, %sub3A_1743, %select_n3A_1725 : vector<16xi1>, vector<16xi32>
    %convert_element_type3A_1745 = arith.extui %eq3A_1735 : vector<16xi1> to vector<16xi32>
    %reduce_sum3A_1746 = arith.constant true
    %reduce_sum3A_1747 = vector.broadcast %reduce_sum3A_1746 : i1 to vector<16xi1>
    %reduce_sum3A_1748 = tpu.scan <sum>, %convert_element_type3A_1745 masked %reduce_sum3A_1747 : vector<16xi32>, vector<16xi1> -> vector<16xi32>
    %reduce_sum3A_1749 = vector.extract %reduce_sum3A_1748[15] : i32 from vector<16xi32>
    %add3A_1750 = vector.broadcast %reduce_sum3A_1749 : i32 to vector<16xi32>
    %add3A_1751 = arith.addi %add3A_1591, %add3A_1750 : vector<16xi32>
    %eq3A_1752 = arith.constant 2 : i32
    %eq3A_1753 = vector.broadcast %eq3A_1752 : i32 to vector<16xi32>
    %eq3A_1754 = arith.cmpi eq, %get3A_1713, %eq3A_1753 : vector<16xi32>
    %convert_element_type3A_1755 = arith.extui %eq3A_1754 : vector<16xi1> to vector<16xi32>
    %cumsum3A_1756 = arith.constant true
    %cumsum3A_1757 = vector.broadcast %cumsum3A_1756 : i1 to vector<16xi1>
    %cumsum3A_1758 = tpu.scan <sum>, %convert_element_type3A_1755 masked %cumsum3A_1757 : vector<16xi32>, vector<16xi1> -> vector<16xi32>
    %add3A_1759 = arith.addi %add3A_1610, %cumsum3A_1758 : vector<16xi32>
    %sub3A_1760 = arith.constant 1 : i32
    %sub3A_1761 = vector.broadcast %sub3A_1760 : i32 to vector<16xi32>
    %sub3A_1762 = arith.subi %add3A_1759, %sub3A_1761 : vector<16xi32>
    %select_n3A_1763 = arith.select %eq3A_1754, %sub3A_1762, %select_n3A_1744 : vector<16xi1>, vector<16xi32>
    %convert_element_type3A_1764 = arith.extui %eq3A_1754 : vector<16xi1> to vector<16xi32>
    %reduce_sum3A_1765 = arith.constant true
    %reduce_sum3A_1766 = vector.broadcast %reduce_sum3A_1765 : i1 to vector<16xi1>
    %reduce_sum3A_1767 = tpu.scan <sum>, %convert_element_type3A_1764 masked %reduce_sum3A_1766 : vector<16xi32>, vector<16xi1> -> vector<16xi32>
    %reduce_sum3A_1768 = vector.extract %reduce_sum3A_1767[15] : i32 from vector<16xi32>
    %add3A_1769 = vector.broadcast %reduce_sum3A_1768 : i32 to vector<16xi32>
    %add3A_1770 = arith.addi %add3A_1610, %add3A_1769 : vector<16xi32>
    %eq3A_1771 = arith.constant 3 : i32
    %eq3A_1772 = vector.broadcast %eq3A_1771 : i32 to vector<16xi32>
    %eq3A_1773 = arith.cmpi eq, %get3A_1713, %eq3A_1772 : vector<16xi32>
    %convert_element_type3A_1774 = arith.extui %eq3A_1773 : vector<16xi1> to vector<16xi32>
    %cumsum3A_1775 = arith.constant true
    %cumsum3A_1776 = vector.broadcast %cumsum3A_1775 : i1 to vector<16xi1>
    %cumsum3A_1777 = tpu.scan <sum>, %convert_element_type3A_1774 masked %cumsum3A_1776 : vector<16xi32>, vector<16xi1> -> vector<16xi32>
    %add3A_1778 = arith.addi %add3A_1629, %cumsum3A_1777 : vector<16xi32>
    %sub3A_1779 = arith.constant 1 : i32
    %sub3A_1780 = vector.broadcast %sub3A_1779 : i32 to vector<16xi32>
    %sub3A_1781 = arith.subi %add3A_1778, %sub3A_1780 : vector<16xi32>
    %select_n3A_1782 = arith.select %eq3A_1773, %sub3A_1781, %select_n3A_1763 : vector<16xi1>, vector<16xi32>
    %convert_element_type3A_1783 = arith.extui %eq3A_1773 : vector<16xi1> to vector<16xi32>
    %reduce_sum3A_1784 = arith.constant true
    %reduce_sum3A_1785 = vector.broadcast %reduce_sum3A_1784 : i1 to vector<16xi1>
    %reduce_sum3A_1786 = tpu.scan <sum>, %convert_element_type3A_1783 masked %reduce_sum3A_1785 : vector<16xi32>, vector<16xi1> -> vector<16xi32>
    %reduce_sum3A_1787 = vector.extract %reduce_sum3A_1786[15] : i32 from vector<16xi32>
    %add3A_1788 = vector.broadcast %reduce_sum3A_1787 : i32 to vector<16xi32>
    %add3A_1789 = arith.addi %add3A_1629, %add3A_1788 : vector<16xi32>
    %eq3A_1790 = arith.constant 4 : i32
    %eq3A_1791 = vector.broadcast %eq3A_1790 : i32 to vector<16xi32>
    %eq3A_1792 = arith.cmpi eq, %get3A_1713, %eq3A_1791 : vector<16xi32>
    %convert_element_type3A_1793 = arith.extui %eq3A_1792 : vector<16xi1> to vector<16xi32>
    %cumsum3A_1794 = arith.constant true
    %cumsum3A_1795 = vector.broadcast %cumsum3A_1794 : i1 to vector<16xi1>
    %cumsum3A_1796 = tpu.scan <sum>, %convert_element_type3A_1793 masked %cumsum3A_1795 : vector<16xi32>, vector<16xi1> -> vector<16xi32>
    %add3A_1797 = arith.addi %add3A_1648, %cumsum3A_1796 : vector<16xi32>
    %sub3A_1798 = arith.constant 1 : i32
    %sub3A_1799 = vector.broadcast %sub3A_1798 : i32 to vector<16xi32>
    %sub3A_1800 = arith.subi %add3A_1797, %sub3A_1799 : vector<16xi32>
    %select_n3A_1801 = arith.select %eq3A_1792, %sub3A_1800, %select_n3A_1782 : vector<16xi1>, vector<16xi32>
    %convert_element_type3A_1802 = arith.extui %eq3A_1792 : vector<16xi1> to vector<16xi32>
    %reduce_sum3A_1803 = arith.constant true
    %reduce_sum3A_1804 = vector.broadcast %reduce_sum3A_1803 : i1 to vector<16xi1>
    %reduce_sum3A_1805 = tpu.scan <sum>, %convert_element_type3A_1802 masked %reduce_sum3A_1804 : vector<16xi32>, vector<16xi1> -> vector<16xi32>
    %reduce_sum3A_1806 = vector.extract %reduce_sum3A_1805[15] : i32 from vector<16xi32>
    %add3A_1807 = vector.broadcast %reduce_sum3A_1806 : i32 to vector<16xi32>
    %add3A_1808 = arith.addi %add3A_1648, %add3A_1807 : vector<16xi32>
    %eq3A_1809 = arith.constant 5 : i32
    %eq3A_1810 = vector.broadcast %eq3A_1809 : i32 to vector<16xi32>
    %eq3A_1811 = arith.cmpi eq, %get3A_1713, %eq3A_1810 : vector<16xi32>
    %convert_element_type3A_1812 = arith.extui %eq3A_1811 : vector<16xi1> to vector<16xi32>
    %cumsum3A_1813 = arith.constant true
    %cumsum3A_1814 = vector.broadcast %cumsum3A_1813 : i1 to vector<16xi1>
    %cumsum3A_1815 = tpu.scan <sum>, %convert_element_type3A_1812 masked %cumsum3A_1814 : vector<16xi32>, vector<16xi1> -> vector<16xi32>
    %add3A_1816 = arith.addi %add3A_1667, %cumsum3A_1815 : vector<16xi32>
    %sub3A_1817 = arith.constant 1 : i32
    %sub3A_1818 = vector.broadcast %sub3A_1817 : i32 to vector<16xi32>
    %sub3A_1819 = arith.subi %add3A_1816, %sub3A_1818 : vector<16xi32>
    %select_n3A_1820 = arith.select %eq3A_1811, %sub3A_1819, %select_n3A_1801 : vector<16xi1>, vector<16xi32>
    %convert_element_type3A_1821 = arith.extui %eq3A_1811 : vector<16xi1> to vector<16xi32>
    %reduce_sum3A_1822 = arith.constant true
    %reduce_sum3A_1823 = vector.broadcast %reduce_sum3A_1822 : i1 to vector<16xi1>
    %reduce_sum3A_1824 = tpu.scan <sum>, %convert_element_type3A_1821 masked %reduce_sum3A_1823 : vector<16xi32>, vector<16xi1> -> vector<16xi32>
    %reduce_sum3A_1825 = vector.extract %reduce_sum3A_1824[15] : i32 from vector<16xi32>
    %add3A_1826 = vector.broadcast %reduce_sum3A_1825 : i32 to vector<16xi32>
    %add3A_1827 = arith.addi %add3A_1667, %add3A_1826 : vector<16xi32>
    %eq3A_1828 = arith.constant 6 : i32
    %eq3A_1829 = vector.broadcast %eq3A_1828 : i32 to vector<16xi32>
    %eq3A_1830 = arith.cmpi eq, %get3A_1713, %eq3A_1829 : vector<16xi32>
    %convert_element_type3A_1831 = arith.extui %eq3A_1830 : vector<16xi1> to vector<16xi32>
    %cumsum3A_1832 = arith.constant true
    %cumsum3A_1833 = vector.broadcast %cumsum3A_1832 : i1 to vector<16xi1>
    %cumsum3A_1834 = tpu.scan <sum>, %convert_element_type3A_1831 masked %cumsum3A_1833 : vector<16xi32>, vector<16xi1> -> vector<16xi32>
    %add3A_1835 = arith.addi %add3A_1686, %cumsum3A_1834 : vector<16xi32>
    %sub3A_1836 = arith.constant 1 : i32
    %sub3A_1837 = vector.broadcast %sub3A_1836 : i32 to vector<16xi32>
    %sub3A_1838 = arith.subi %add3A_1835, %sub3A_1837 : vector<16xi32>
    %select_n3A_1839 = arith.select %eq3A_1830, %sub3A_1838, %select_n3A_1820 : vector<16xi1>, vector<16xi32>
    %convert_element_type3A_1840 = arith.extui %eq3A_1830 : vector<16xi1> to vector<16xi32>
    %reduce_sum3A_1841 = arith.constant true
    %reduce_sum3A_1842 = vector.broadcast %reduce_sum3A_1841 : i1 to vector<16xi1>
    %reduce_sum3A_1843 = tpu.scan <sum>, %convert_element_type3A_1840 masked %reduce_sum3A_1842 : vector<16xi32>, vector<16xi1> -> vector<16xi32>
    %reduce_sum3A_1844 = vector.extract %reduce_sum3A_1843[15] : i32 from vector<16xi32>
    %add3A_1845 = vector.broadcast %reduce_sum3A_1844 : i32 to vector<16xi32>
    %add3A_1846 = arith.addi %add3A_1686, %add3A_1845 : vector<16xi32>
    %eq3A_1847 = arith.constant 7 : i32
    %eq3A_1848 = vector.broadcast %eq3A_1847 : i32 to vector<16xi32>
    %eq3A_1849 = arith.cmpi eq, %get3A_1713, %eq3A_1848 : vector<16xi32>
    %convert_element_type3A_1850 = arith.extui %eq3A_1849 : vector<16xi1> to vector<16xi32>
    %cumsum3A_1851 = arith.constant true
    %cumsum3A_1852 = vector.broadcast %cumsum3A_1851 : i1 to vector<16xi1>
    %cumsum3A_1853 = tpu.scan <sum>, %convert_element_type3A_1850 masked %cumsum3A_1852 : vector<16xi32>, vector<16xi1> -> vector<16xi32>
    %add3A_1854 = arith.addi %add3A_1705, %cumsum3A_1853 : vector<16xi32>
    %sub3A_1855 = arith.constant 1 : i32
    %sub3A_1856 = vector.broadcast %sub3A_1855 : i32 to vector<16xi32>
    %sub3A_1857 = arith.subi %add3A_1854, %sub3A_1856 : vector<16xi32>
    %select_n3A_1858 = arith.select %eq3A_1849, %sub3A_1857, %select_n3A_1839 : vector<16xi1>, vector<16xi32>
    %convert_element_type3A_1859 = arith.extui %eq3A_1849 : vector<16xi1> to vector<16xi32>
    %reduce_sum3A_1860 = arith.constant true
    %reduce_sum3A_1861 = vector.broadcast %reduce_sum3A_1860 : i1 to vector<16xi1>
    %reduce_sum3A_1862 = tpu.scan <sum>, %convert_element_type3A_1859 masked %reduce_sum3A_1861 : vector<16xi32>, vector<16xi1> -> vector<16xi32>
    %reduce_sum3A_1863 = vector.extract %reduce_sum3A_1862[15] : i32 from vector<16xi32>
    %add3A_1864 = vector.broadcast %reduce_sum3A_1863 : i32 to vector<16xi32>
    %add3A_1865 = arith.addi %add3A_1705, %add3A_1864 : vector<16xi32>
    %swap3A_1866 = arith.constant 144 : index
    %swap3A_1867 = tpu.vector_load %arg10[%swap3A_1866] {strides = array<i32>} : memref<256xi32, #tpu.memory_space<vmem>>, vector<16xi32>,
    tpu.vector_store %arg10[%swap3A_1866], %select_n3A_1858 {strides = array<i32>} : memref<256xi32, #tpu.memory_space<vmem>>, vector<16xi32>,
    %swap3A_1868 = arith.constant 4 : i32
    %swap3A_1869 = arith.index_cast %swap3A_1868 : i32 to index
    %swap3A_1870 = arith.constant 16 : index
    %swap3A_1871 = tpu.vector_load %arg9[%swap3A_1869, %swap3A_1870] {strides = array<i32>} : memref<8x32xi32, #tpu.memory_space<vmem>>, vector<16xi32>,
    tpu.vector_store %arg9[%swap3A_1869, %swap3A_1870], %select_n3A_1858 {strides = array<i32>} : memref<8x32xi32, #tpu.memory_space<vmem>>, vector<16xi32>,
    %get3A_1872 = arith.constant 160 : index
    %get3A_1873 = tpu.vector_load %arg8[%get3A_1872] {strides = array<i32>} : memref<256xi32, #tpu.memory_space<vmem>>, vector<16xi32>,
    %eq3A_1874 = arith.constant 0 : i32
    %eq3A_1875 = vector.broadcast %eq3A_1874 : i32 to vector<16xi32>
    %eq3A_1876 = arith.cmpi eq, %get3A_1873, %eq3A_1875 : vector<16xi32>
    %convert_element_type3A_1877 = arith.extui %eq3A_1876 : vector<16xi1> to vector<16xi32>
    %cumsum3A_1878 = arith.constant true
    %cumsum3A_1879 = vector.broadcast %cumsum3A_1878 : i1 to vector<16xi1>
    %cumsum3A_1880 = tpu.scan <sum>, %convert_element_type3A_1877 masked %cumsum3A_1879 : vector<16xi32>, vector<16xi1> -> vector<16xi32>
    %add3A_1881 = arith.addi %add3A_1732, %cumsum3A_1880 : vector<16xi32>
    %sub3A_1882 = arith.constant 1 : i32
    %sub3A_1883 = vector.broadcast %sub3A_1882 : i32 to vector<16xi32>
    %sub3A_1884 = arith.subi %add3A_1881, %sub3A_1883 : vector<16xi32>
    %select_n3A_1885 = arith.select %eq3A_1876, %sub3A_1884, %broadcast_in_dim3A_21 : vector<16xi1>, vector<16xi32>
    %convert_element_type3A_1886 = arith.extui %eq3A_1876 : vector<16xi1> to vector<16xi32>
    %reduce_sum3A_1887 = arith.constant true
    %reduce_sum3A_1888 = vector.broadcast %reduce_sum3A_1887 : i1 to vector<16xi1>
    %reduce_sum3A_1889 = tpu.scan <sum>, %convert_element_type3A_1886 masked %reduce_sum3A_1888 : vector<16xi32>, vector<16xi1> -> vector<16xi32>
    %reduce_sum3A_1890 = vector.extract %reduce_sum3A_1889[15] : i32 from vector<16xi32>
    %add3A_1891 = vector.broadcast %reduce_sum3A_1890 : i32 to vector<16xi32>
    %add3A_1892 = arith.addi %add3A_1732, %add3A_1891 : vector<16xi32>
    %eq3A_1893 = arith.constant 1 : i32
    %eq3A_1894 = vector.broadcast %eq3A_1893 : i32 to vector<16xi32>
    %eq3A_1895 = arith.cmpi eq, %get3A_1873, %eq3A_1894 : vector<16xi32>
    %convert_element_type3A_1896 = arith.extui %eq3A_1895 : vector<16xi1> to vector<16xi32>
    %cumsum3A_1897 = arith.constant true
    %cumsum3A_1898 = vector.broadcast %cumsum3A_1897 : i1 to vector<16xi1>
    %cumsum3A_1899 = tpu.scan <sum>, %convert_element_type3A_1896 masked %cumsum3A_1898 : vector<16xi32>, vector<16xi1> -> vector<16xi32>
    %add3A_1900 = arith.addi %add3A_1751, %cumsum3A_1899 : vector<16xi32>
    %sub3A_1901 = arith.constant 1 : i32
    %sub3A_1902 = vector.broadcast %sub3A_1901 : i32 to vector<16xi32>
    %sub3A_1903 = arith.subi %add3A_1900, %sub3A_1902 : vector<16xi32>
    %select_n3A_1904 = arith.select %eq3A_1895, %sub3A_1903, %select_n3A_1885 : vector<16xi1>, vector<16xi32>
    %convert_element_type3A_1905 = arith.extui %eq3A_1895 : vector<16xi1> to vector<16xi32>
    %reduce_sum3A_1906 = arith.constant true
    %reduce_sum3A_1907 = vector.broadcast %reduce_sum3A_1906 : i1 to vector<16xi1>
    %reduce_sum3A_1908 = tpu.scan <sum>, %convert_element_type3A_1905 masked %reduce_sum3A_1907 : vector<16xi32>, vector<16xi1> -> vector<16xi32>
    %reduce_sum3A_1909 = vector.extract %reduce_sum3A_1908[15] : i32 from vector<16xi32>
    %add3A_1910 = vector.broadcast %reduce_sum3A_1909 : i32 to vector<16xi32>
    %add3A_1911 = arith.addi %add3A_1751, %add3A_1910 : vector<16xi32>
    %eq3A_1912 = arith.constant 2 : i32
    %eq3A_1913 = vector.broadcast %eq3A_1912 : i32 to vector<16xi32>
    %eq3A_1914 = arith.cmpi eq, %get3A_1873, %eq3A_1913 : vector<16xi32>
    %convert_element_type3A_1915 = arith.extui %eq3A_1914 : vector<16xi1> to vector<16xi32>
    %cumsum3A_1916 = arith.constant true
    %cumsum3A_1917 = vector.broadcast %cumsum3A_1916 : i1 to vector<16xi1>
    %cumsum3A_1918 = tpu.scan <sum>, %convert_element_type3A_1915 masked %cumsum3A_1917 : vector<16xi32>, vector<16xi1> -> vector<16xi32>
    %add3A_1919 = arith.addi %add3A_1770, %cumsum3A_1918 : vector<16xi32>
    %sub3A_1920 = arith.constant 1 : i32
    %sub3A_1921 = vector.broadcast %sub3A_1920 : i32 to vector<16xi32>
    %sub3A_1922 = arith.subi %add3A_1919, %sub3A_1921 : vector<16xi32>
    %select_n3A_1923 = arith.select %eq3A_1914, %sub3A_1922, %select_n3A_1904 : vector<16xi1>, vector<16xi32>
    %convert_element_type3A_1924 = arith.extui %eq3A_1914 : vector<16xi1> to vector<16xi32>
    %reduce_sum3A_1925 = arith.constant true
    %reduce_sum3A_1926 = vector.broadcast %reduce_sum3A_1925 : i1 to vector<16xi1>
    %reduce_sum3A_1927 = tpu.scan <sum>, %convert_element_type3A_1924 masked %reduce_sum3A_1926 : vector<16xi32>, vector<16xi1> -> vector<16xi32>
    %reduce_sum3A_1928 = vector.extract %reduce_sum3A_1927[15] : i32 from vector<16xi32>
    %add3A_1929 = vector.broadcast %reduce_sum3A_1928 : i32 to vector<16xi32>
    %add3A_1930 = arith.addi %add3A_1770, %add3A_1929 : vector<16xi32>
    %eq3A_1931 = arith.constant 3 : i32
    %eq3A_1932 = vector.broadcast %eq3A_1931 : i32 to vector<16xi32>
    %eq3A_1933 = arith.cmpi eq, %get3A_1873, %eq3A_1932 : vector<16xi32>
    %convert_element_type3A_1934 = arith.extui %eq3A_1933 : vector<16xi1> to vector<16xi32>
    %cumsum3A_1935 = arith.constant true
    %cumsum3A_1936 = vector.broadcast %cumsum3A_1935 : i1 to vector<16xi1>
    %cumsum3A_1937 = tpu.scan <sum>, %convert_element_type3A_1934 masked %cumsum3A_1936 : vector<16xi32>, vector<16xi1> -> vector<16xi32>
    %add3A_1938 = arith.addi %add3A_1789, %cumsum3A_1937 : vector<16xi32>
    %sub3A_1939 = arith.constant 1 : i32
    %sub3A_1940 = vector.broadcast %sub3A_1939 : i32 to vector<16xi32>
    %sub3A_1941 = arith.subi %add3A_1938, %sub3A_1940 : vector<16xi32>
    %select_n3A_1942 = arith.select %eq3A_1933, %sub3A_1941, %select_n3A_1923 : vector<16xi1>, vector<16xi32>
    %convert_element_type3A_1943 = arith.extui %eq3A_1933 : vector<16xi1> to vector<16xi32>
    %reduce_sum3A_1944 = arith.constant true
    %reduce_sum3A_1945 = vector.broadcast %reduce_sum3A_1944 : i1 to vector<16xi1>
    %reduce_sum3A_1946 = tpu.scan <sum>, %convert_element_type3A_1943 masked %reduce_sum3A_1945 : vector<16xi32>, vector<16xi1> -> vector<16xi32>
    %reduce_sum3A_1947 = vector.extract %reduce_sum3A_1946[15] : i32 from vector<16xi32>
    %add3A_1948 = vector.broadcast %reduce_sum3A_1947 : i32 to vector<16xi32>
    %add3A_1949 = arith.addi %add3A_1789, %add3A_1948 : vector<16xi32>
    %eq3A_1950 = arith.constant 4 : i32
    %eq3A_1951 = vector.broadcast %eq3A_1950 : i32 to vector<16xi32>
    %eq3A_1952 = arith.cmpi eq, %get3A_1873, %eq3A_1951 : vector<16xi32>
    %convert_element_type3A_1953 = arith.extui %eq3A_1952 : vector<16xi1> to vector<16xi32>
    %cumsum3A_1954 = arith.constant true
    %cumsum3A_1955 = vector.broadcast %cumsum3A_1954 : i1 to vector<16xi1>
    %cumsum3A_1956 = tpu.scan <sum>, %convert_element_type3A_1953 masked %cumsum3A_1955 : vector<16xi32>, vector<16xi1> -> vector<16xi32>
    %add3A_1957 = arith.addi %add3A_1808, %cumsum3A_1956 : vector<16xi32>
    %sub3A_1958 = arith.constant 1 : i32
    %sub3A_1959 = vector.broadcast %sub3A_1958 : i32 to vector<16xi32>
    %sub3A_1960 = arith.subi %add3A_1957, %sub3A_1959 : vector<16xi32>
    %select_n3A_1961 = arith.select %eq3A_1952, %sub3A_1960, %select_n3A_1942 : vector<16xi1>, vector<16xi32>
    %convert_element_type3A_1962 = arith.extui %eq3A_1952 : vector<16xi1> to vector<16xi32>
    %reduce_sum3A_1963 = arith.constant true
    %reduce_sum3A_1964 = vector.broadcast %reduce_sum3A_1963 : i1 to vector<16xi1>
    %reduce_sum3A_1965 = tpu.scan <sum>, %convert_element_type3A_1962 masked %reduce_sum3A_1964 : vector<16xi32>, vector<16xi1> -> vector<16xi32>
    %reduce_sum3A_1966 = vector.extract %reduce_sum3A_1965[15] : i32 from vector<16xi32>
    %add3A_1967 = vector.broadcast %reduce_sum3A_1966 : i32 to vector<16xi32>
    %add3A_1968 = arith.addi %add3A_1808, %add3A_1967 : vector<16xi32>
    %eq3A_1969 = arith.constant 5 : i32
    %eq3A_1970 = vector.broadcast %eq3A_1969 : i32 to vector<16xi32>
    %eq3A_1971 = arith.cmpi eq, %get3A_1873, %eq3A_1970 : vector<16xi32>
    %convert_element_type3A_1972 = arith.extui %eq3A_1971 : vector<16xi1> to vector<16xi32>
    %cumsum3A_1973 = arith.constant true
    %cumsum3A_1974 = vector.broadcast %cumsum3A_1973 : i1 to vector<16xi1>
    %cumsum3A_1975 = tpu.scan <sum>, %convert_element_type3A_1972 masked %cumsum3A_1974 : vector<16xi32>, vector<16xi1> -> vector<16xi32>
    %add3A_1976 = arith.addi %add3A_1827, %cumsum3A_1975 : vector<16xi32>
    %sub3A_1977 = arith.constant 1 : i32
    %sub3A_1978 = vector.broadcast %sub3A_1977 : i32 to vector<16xi32>
    %sub3A_1979 = arith.subi %add3A_1976, %sub3A_1978 : vector<16xi32>
    %select_n3A_1980 = arith.select %eq3A_1971, %sub3A_1979, %select_n3A_1961 : vector<16xi1>, vector<16xi32>
    %convert_element_type3A_1981 = arith.extui %eq3A_1971 : vector<16xi1> to vector<16xi32>
    %reduce_sum3A_1982 = arith.constant true
    %reduce_sum3A_1983 = vector.broadcast %reduce_sum3A_1982 : i1 to vector<16xi1>
    %reduce_sum3A_1984 = tpu.scan <sum>, %convert_element_type3A_1981 masked %reduce_sum3A_1983 : vector<16xi32>, vector<16xi1> -> vector<16xi32>
    %reduce_sum3A_1985 = vector.extract %reduce_sum3A_1984[15] : i32 from vector<16xi32>
    %add3A_1986 = vector.broadcast %reduce_sum3A_1985 : i32 to vector<16xi32>
    %add3A_1987 = arith.addi %add3A_1827, %add3A_1986 : vector<16xi32>
    %eq3A_1988 = arith.constant 6 : i32
    %eq3A_1989 = vector.broadcast %eq3A_1988 : i32 to vector<16xi32>
    %eq3A_1990 = arith.cmpi eq, %get3A_1873, %eq3A_1989 : vector<16xi32>
    %convert_element_type3A_1991 = arith.extui %eq3A_1990 : vector<16xi1> to vector<16xi32>
    %cumsum3A_1992 = arith.constant true
    %cumsum3A_1993 = vector.broadcast %cumsum3A_1992 : i1 to vector<16xi1>
    %cumsum3A_1994 = tpu.scan <sum>, %convert_element_type3A_1991 masked %cumsum3A_1993 : vector<16xi32>, vector<16xi1> -> vector<16xi32>
    %add3A_1995 = arith.addi %add3A_1846, %cumsum3A_1994 : vector<16xi32>
    %sub3A_1996 = arith.constant 1 : i32
    %sub3A_1997 = vector.broadcast %sub3A_1996 : i32 to vector<16xi32>
    %sub3A_1998 = arith.subi %add3A_1995, %sub3A_1997 : vector<16xi32>
    %select_n3A_1999 = arith.select %eq3A_1990, %sub3A_1998, %select_n3A_1980 : vector<16xi1>, vector<16xi32>
    %convert_element_type3A_2000 = arith.extui %eq3A_1990 : vector<16xi1> to vector<16xi32>
    %reduce_sum3A_2001 = arith.constant true
    %reduce_sum3A_2002 = vector.broadcast %reduce_sum3A_2001 : i1 to vector<16xi1>
    %reduce_sum3A_2003 = tpu.scan <sum>, %convert_element_type3A_2000 masked %reduce_sum3A_2002 : vector<16xi32>, vector<16xi1> -> vector<16xi32>
    %reduce_sum3A_2004 = vector.extract %reduce_sum3A_2003[15] : i32 from vector<16xi32>
    %add3A_2005 = vector.broadcast %reduce_sum3A_2004 : i32 to vector<16xi32>
    %add3A_2006 = arith.addi %add3A_1846, %add3A_2005 : vector<16xi32>
    %eq3A_2007 = arith.constant 7 : i32
    %eq3A_2008 = vector.broadcast %eq3A_2007 : i32 to vector<16xi32>
    %eq3A_2009 = arith.cmpi eq, %get3A_1873, %eq3A_2008 : vector<16xi32>
    %convert_element_type3A_2010 = arith.extui %eq3A_2009 : vector<16xi1> to vector<16xi32>
    %cumsum3A_2011 = arith.constant true
    %cumsum3A_2012 = vector.broadcast %cumsum3A_2011 : i1 to vector<16xi1>
    %cumsum3A_2013 = tpu.scan <sum>, %convert_element_type3A_2010 masked %cumsum3A_2012 : vector<16xi32>, vector<16xi1> -> vector<16xi32>
    %add3A_2014 = arith.addi %add3A_1865, %cumsum3A_2013 : vector<16xi32>
    %sub3A_2015 = arith.constant 1 : i32
    %sub3A_2016 = vector.broadcast %sub3A_2015 : i32 to vector<16xi32>
    %sub3A_2017 = arith.subi %add3A_2014, %sub3A_2016 : vector<16xi32>
    %select_n3A_2018 = arith.select %eq3A_2009, %sub3A_2017, %select_n3A_1999 : vector<16xi1>, vector<16xi32>
    %convert_element_type3A_2019 = arith.extui %eq3A_2009 : vector<16xi1> to vector<16xi32>
    %reduce_sum3A_2020 = arith.constant true
    %reduce_sum3A_2021 = vector.broadcast %reduce_sum3A_2020 : i1 to vector<16xi1>
    %reduce_sum3A_2022 = tpu.scan <sum>, %convert_element_type3A_2019 masked %reduce_sum3A_2021 : vector<16xi32>, vector<16xi1> -> vector<16xi32>
    %reduce_sum3A_2023 = vector.extract %reduce_sum3A_2022[15] : i32 from vector<16xi32>
    %add3A_2024 = vector.broadcast %reduce_sum3A_2023 : i32 to vector<16xi32>
    %add3A_2025 = arith.addi %add3A_1865, %add3A_2024 : vector<16xi32>
    %swap3A_2026 = arith.constant 160 : index
    %swap3A_2027 = tpu.vector_load %arg10[%swap3A_2026] {strides = array<i32>} : memref<256xi32, #tpu.memory_space<vmem>>, vector<16xi32>,
    tpu.vector_store %arg10[%swap3A_2026], %select_n3A_2018 {strides = array<i32>} : memref<256xi32, #tpu.memory_space<vmem>>, vector<16xi32>,
    %swap3A_2028 = arith.constant 5 : i32
    %swap3A_2029 = arith.index_cast %swap3A_2028 : i32 to index
    %swap3A_2030 = arith.constant 0 : index
    %swap3A_2031 = tpu.vector_load %arg9[%swap3A_2029, %swap3A_2030] {strides = array<i32>} : memref<8x32xi32, #tpu.memory_space<vmem>>, vector<16xi32>,
    tpu.vector_store %arg9[%swap3A_2029, %swap3A_2030], %select_n3A_2018 {strides = array<i32>} : memref<8x32xi32, #tpu.memory_space<vmem>>, vector<16xi32>,
    %get3A_2032 = arith.constant 176 : index
    %get3A_2033 = tpu.vector_load %arg8[%get3A_2032] {strides = array<i32>} : memref<256xi32, #tpu.memory_space<vmem>>, vector<16xi32>,
    %eq3A_2034 = arith.constant 0 : i32
    %eq3A_2035 = vector.broadcast %eq3A_2034 : i32 to vector<16xi32>
    %eq3A_2036 = arith.cmpi eq, %get3A_2033, %eq3A_2035 : vector<16xi32>
    %convert_element_type3A_2037 = arith.extui %eq3A_2036 : vector<16xi1> to vector<16xi32>
    %cumsum3A_2038 = arith.constant true
    %cumsum3A_2039 = vector.broadcast %cumsum3A_2038 : i1 to vector<16xi1>
    %cumsum3A_2040 = tpu.scan <sum>, %convert_element_type3A_2037 masked %cumsum3A_2039 : vector<16xi32>, vector<16xi1> -> vector<16xi32>
    %add3A_2041 = arith.addi %add3A_1892, %cumsum3A_2040 : vector<16xi32>
    %sub3A_2042 = arith.constant 1 : i32
    %sub3A_2043 = vector.broadcast %sub3A_2042 : i32 to vector<16xi32>
    %sub3A_2044 = arith.subi %add3A_2041, %sub3A_2043 : vector<16xi32>
    %select_n3A_2045 = arith.select %eq3A_2036, %sub3A_2044, %broadcast_in_dim3A_21 : vector<16xi1>, vector<16xi32>
    %convert_element_type3A_2046 = arith.extui %eq3A_2036 : vector<16xi1> to vector<16xi32>
    %reduce_sum3A_2047 = arith.constant true
    %reduce_sum3A_2048 = vector.broadcast %reduce_sum3A_2047 : i1 to vector<16xi1>
    %reduce_sum3A_2049 = tpu.scan <sum>, %convert_element_type3A_2046 masked %reduce_sum3A_2048 : vector<16xi32>, vector<16xi1> -> vector<16xi32>
    %reduce_sum3A_2050 = vector.extract %reduce_sum3A_2049[15] : i32 from vector<16xi32>
    %add3A_2051 = vector.broadcast %reduce_sum3A_2050 : i32 to vector<16xi32>
    %add3A_2052 = arith.addi %add3A_1892, %add3A_2051 : vector<16xi32>
    %eq3A_2053 = arith.constant 1 : i32
    %eq3A_2054 = vector.broadcast %eq3A_2053 : i32 to vector<16xi32>
    %eq3A_2055 = arith.cmpi eq, %get3A_2033, %eq3A_2054 : vector<16xi32>
    %convert_element_type3A_2056 = arith.extui %eq3A_2055 : vector<16xi1> to vector<16xi32>
    %cumsum3A_2057 = arith.constant true
    %cumsum3A_2058 = vector.broadcast %cumsum3A_2057 : i1 to vector<16xi1>
    %cumsum3A_2059 = tpu.scan <sum>, %convert_element_type3A_2056 masked %cumsum3A_2058 : vector<16xi32>, vector<16xi1> -> vector<16xi32>
    %add3A_2060 = arith.addi %add3A_1911, %cumsum3A_2059 : vector<16xi32>
    %sub3A_2061 = arith.constant 1 : i32
    %sub3A_2062 = vector.broadcast %sub3A_2061 : i32 to vector<16xi32>
    %sub3A_2063 = arith.subi %add3A_2060, %sub3A_2062 : vector<16xi32>
    %select_n3A_2064 = arith.select %eq3A_2055, %sub3A_2063, %select_n3A_2045 : vector<16xi1>, vector<16xi32>
    %convert_element_type3A_2065 = arith.extui %eq3A_2055 : vector<16xi1> to vector<16xi32>
    %reduce_sum3A_2066 = arith.constant true
    %reduce_sum3A_2067 = vector.broadcast %reduce_sum3A_2066 : i1 to vector<16xi1>
    %reduce_sum3A_2068 = tpu.scan <sum>, %convert_element_type3A_2065 masked %reduce_sum3A_2067 : vector<16xi32>, vector<16xi1> -> vector<16xi32>
    %reduce_sum3A_2069 = vector.extract %reduce_sum3A_2068[15] : i32 from vector<16xi32>
    %add3A_2070 = vector.broadcast %reduce_sum3A_2069 : i32 to vector<16xi32>
    %add3A_2071 = arith.addi %add3A_1911, %add3A_2070 : vector<16xi32>
    %eq3A_2072 = arith.constant 2 : i32
    %eq3A_2073 = vector.broadcast %eq3A_2072 : i32 to vector<16xi32>
    %eq3A_2074 = arith.cmpi eq, %get3A_2033, %eq3A_2073 : vector<16xi32>
    %convert_element_type3A_2075 = arith.extui %eq3A_2074 : vector<16xi1> to vector<16xi32>
    %cumsum3A_2076 = arith.constant true
    %cumsum3A_2077 = vector.broadcast %cumsum3A_2076 : i1 to vector<16xi1>
    %cumsum3A_2078 = tpu.scan <sum>, %convert_element_type3A_2075 masked %cumsum3A_2077 : vector<16xi32>, vector<16xi1> -> vector<16xi32>
    %add3A_2079 = arith.addi %add3A_1930, %cumsum3A_2078 : vector<16xi32>
    %sub3A_2080 = arith.constant 1 : i32
    %sub3A_2081 = vector.broadcast %sub3A_2080 : i32 to vector<16xi32>
    %sub3A_2082 = arith.subi %add3A_2079, %sub3A_2081 : vector<16xi32>
    %select_n3A_2083 = arith.select %eq3A_2074, %sub3A_2082, %select_n3A_2064 : vector<16xi1>, vector<16xi32>
    %convert_element_type3A_2084 = arith.extui %eq3A_2074 : vector<16xi1> to vector<16xi32>
    %reduce_sum3A_2085 = arith.constant true
    %reduce_sum3A_2086 = vector.broadcast %reduce_sum3A_2085 : i1 to vector<16xi1>
    %reduce_sum3A_2087 = tpu.scan <sum>, %convert_element_type3A_2084 masked %reduce_sum3A_2086 : vector<16xi32>, vector<16xi1> -> vector<16xi32>
    %reduce_sum3A_2088 = vector.extract %reduce_sum3A_2087[15] : i32 from vector<16xi32>
    %add3A_2089 = vector.broadcast %reduce_sum3A_2088 : i32 to vector<16xi32>
    %add3A_2090 = arith.addi %add3A_1930, %add3A_2089 : vector<16xi32>
    %eq3A_2091 = arith.constant 3 : i32
    %eq3A_2092 = vector.broadcast %eq3A_2091 : i32 to vector<16xi32>
    %eq3A_2093 = arith.cmpi eq, %get3A_2033, %eq3A_2092 : vector<16xi32>
    %convert_element_type3A_2094 = arith.extui %eq3A_2093 : vector<16xi1> to vector<16xi32>
    %cumsum3A_2095 = arith.constant true
    %cumsum3A_2096 = vector.broadcast %cumsum3A_2095 : i1 to vector<16xi1>
    %cumsum3A_2097 = tpu.scan <sum>, %convert_element_type3A_2094 masked %cumsum3A_2096 : vector<16xi32>, vector<16xi1> -> vector<16xi32>
    %add3A_2098 = arith.addi %add3A_1949, %cumsum3A_2097 : vector<16xi32>
    %sub3A_2099 = arith.constant 1 : i32
    %sub3A_2100 = vector.broadcast %sub3A_2099 : i32 to vector<16xi32>
    %sub3A_2101 = arith.subi %add3A_2098, %sub3A_2100 : vector<16xi32>
    %select_n3A_2102 = arith.select %eq3A_2093, %sub3A_2101, %select_n3A_2083 : vector<16xi1>, vector<16xi32>
    %convert_element_type3A_2103 = arith.extui %eq3A_2093 : vector<16xi1> to vector<16xi32>
    %reduce_sum3A_2104 = arith.constant true
    %reduce_sum3A_2105 = vector.broadcast %reduce_sum3A_2104 : i1 to vector<16xi1>
    %reduce_sum3A_2106 = tpu.scan <sum>, %convert_element_type3A_2103 masked %reduce_sum3A_2105 : vector<16xi32>, vector<16xi1> -> vector<16xi32>
    %reduce_sum3A_2107 = vector.extract %reduce_sum3A_2106[15] : i32 from vector<16xi32>
    %add3A_2108 = vector.broadcast %reduce_sum3A_2107 : i32 to vector<16xi32>
    %add3A_2109 = arith.addi %add3A_1949, %add3A_2108 : vector<16xi32>
    %eq3A_2110 = arith.constant 4 : i32
    %eq3A_2111 = vector.broadcast %eq3A_2110 : i32 to vector<16xi32>
    %eq3A_2112 = arith.cmpi eq, %get3A_2033, %eq3A_2111 : vector<16xi32>
    %convert_element_type3A_2113 = arith.extui %eq3A_2112 : vector<16xi1> to vector<16xi32>
    %cumsum3A_2114 = arith.constant true
    %cumsum3A_2115 = vector.broadcast %cumsum3A_2114 : i1 to vector<16xi1>
    %cumsum3A_2116 = tpu.scan <sum>, %convert_element_type3A_2113 masked %cumsum3A_2115 : vector<16xi32>, vector<16xi1> -> vector<16xi32>
    %add3A_2117 = arith.addi %add3A_1968, %cumsum3A_2116 : vector<16xi32>
    %sub3A_2118 = arith.constant 1 : i32
    %sub3A_2119 = vector.broadcast %sub3A_2118 : i32 to vector<16xi32>
    %sub3A_2120 = arith.subi %add3A_2117, %sub3A_2119 : vector<16xi32>
    %select_n3A_2121 = arith.select %eq3A_2112, %sub3A_2120, %select_n3A_2102 : vector<16xi1>, vector<16xi32>
    %convert_element_type3A_2122 = arith.extui %eq3A_2112 : vector<16xi1> to vector<16xi32>
    %reduce_sum3A_2123 = arith.constant true
    %reduce_sum3A_2124 = vector.broadcast %reduce_sum3A_2123 : i1 to vector<16xi1>
    %reduce_sum3A_2125 = tpu.scan <sum>, %convert_element_type3A_2122 masked %reduce_sum3A_2124 : vector<16xi32>, vector<16xi1> -> vector<16xi32>
    %reduce_sum3A_2126 = vector.extract %reduce_sum3A_2125[15] : i32 from vector<16xi32>
    %add3A_2127 = vector.broadcast %reduce_sum3A_2126 : i32 to vector<16xi32>
    %add3A_2128 = arith.addi %add3A_1968, %add3A_2127 : vector<16xi32>
    %eq3A_2129 = arith.constant 5 : i32
    %eq3A_2130 = vector.broadcast %eq3A_2129 : i32 to vector<16xi32>
    %eq3A_2131 = arith.cmpi eq, %get3A_2033, %eq3A_2130 : vector<16xi32>
    %convert_element_type3A_2132 = arith.extui %eq3A_2131 : vector<16xi1> to vector<16xi32>
    %cumsum3A_2133 = arith.constant true
    %cumsum3A_2134 = vector.broadcast %cumsum3A_2133 : i1 to vector<16xi1>
    %cumsum3A_2135 = tpu.scan <sum>, %convert_element_type3A_2132 masked %cumsum3A_2134 : vector<16xi32>, vector<16xi1> -> vector<16xi32>
    %add3A_2136 = arith.addi %add3A_1987, %cumsum3A_2135 : vector<16xi32>
    %sub3A_2137 = arith.constant 1 : i32
    %sub3A_2138 = vector.broadcast %sub3A_2137 : i32 to vector<16xi32>
    %sub3A_2139 = arith.subi %add3A_2136, %sub3A_2138 : vector<16xi32>
    %select_n3A_2140 = arith.select %eq3A_2131, %sub3A_2139, %select_n3A_2121 : vector<16xi1>, vector<16xi32>
    %convert_element_type3A_2141 = arith.extui %eq3A_2131 : vector<16xi1> to vector<16xi32>
    %reduce_sum3A_2142 = arith.constant true
    %reduce_sum3A_2143 = vector.broadcast %reduce_sum3A_2142 : i1 to vector<16xi1>
    %reduce_sum3A_2144 = tpu.scan <sum>, %convert_element_type3A_2141 masked %reduce_sum3A_2143 : vector<16xi32>, vector<16xi1> -> vector<16xi32>
    %reduce_sum3A_2145 = vector.extract %reduce_sum3A_2144[15] : i32 from vector<16xi32>
    %add3A_2146 = vector.broadcast %reduce_sum3A_2145 : i32 to vector<16xi32>
    %add3A_2147 = arith.addi %add3A_1987, %add3A_2146 : vector<16xi32>
    %eq3A_2148 = arith.constant 6 : i32
    %eq3A_2149 = vector.broadcast %eq3A_2148 : i32 to vector<16xi32>
    %eq3A_2150 = arith.cmpi eq, %get3A_2033, %eq3A_2149 : vector<16xi32>
    %convert_element_type3A_2151 = arith.extui %eq3A_2150 : vector<16xi1> to vector<16xi32>
    %cumsum3A_2152 = arith.constant true
    %cumsum3A_2153 = vector.broadcast %cumsum3A_2152 : i1 to vector<16xi1>
    %cumsum3A_2154 = tpu.scan <sum>, %convert_element_type3A_2151 masked %cumsum3A_2153 : vector<16xi32>, vector<16xi1> -> vector<16xi32>
    %add3A_2155 = arith.addi %add3A_2006, %cumsum3A_2154 : vector<16xi32>
    %sub3A_2156 = arith.constant 1 : i32
    %sub3A_2157 = vector.broadcast %sub3A_2156 : i32 to vector<16xi32>
    %sub3A_2158 = arith.subi %add3A_2155, %sub3A_2157 : vector<16xi32>
    %select_n3A_2159 = arith.select %eq3A_2150, %sub3A_2158, %select_n3A_2140 : vector<16xi1>, vector<16xi32>
    %convert_element_type3A_2160 = arith.extui %eq3A_2150 : vector<16xi1> to vector<16xi32>
    %reduce_sum3A_2161 = arith.constant true
    %reduce_sum3A_2162 = vector.broadcast %reduce_sum3A_2161 : i1 to vector<16xi1>
    %reduce_sum3A_2163 = tpu.scan <sum>, %convert_element_type3A_2160 masked %reduce_sum3A_2162 : vector<16xi32>, vector<16xi1> -> vector<16xi32>
    %reduce_sum3A_2164 = vector.extract %reduce_sum3A_2163[15] : i32 from vector<16xi32>
    %add3A_2165 = vector.broadcast %reduce_sum3A_2164 : i32 to vector<16xi32>
    %add3A_2166 = arith.addi %add3A_2006, %add3A_2165 : vector<16xi32>
    %eq3A_2167 = arith.constant 7 : i32
    %eq3A_2168 = vector.broadcast %eq3A_2167 : i32 to vector<16xi32>
    %eq3A_2169 = arith.cmpi eq, %get3A_2033, %eq3A_2168 : vector<16xi32>
    %convert_element_type3A_2170 = arith.extui %eq3A_2169 : vector<16xi1> to vector<16xi32>
    %cumsum3A_2171 = arith.constant true
    %cumsum3A_2172 = vector.broadcast %cumsum3A_2171 : i1 to vector<16xi1>
    %cumsum3A_2173 = tpu.scan <sum>, %convert_element_type3A_2170 masked %cumsum3A_2172 : vector<16xi32>, vector<16xi1> -> vector<16xi32>
    %add3A_2174 = arith.addi %add3A_2025, %cumsum3A_2173 : vector<16xi32>
    %sub3A_2175 = arith.constant 1 : i32
    %sub3A_2176 = vector.broadcast %sub3A_2175 : i32 to vector<16xi32>
    %sub3A_2177 = arith.subi %add3A_2174, %sub3A_2176 : vector<16xi32>
    %select_n3A_2178 = arith.select %eq3A_2169, %sub3A_2177, %select_n3A_2159 : vector<16xi1>, vector<16xi32>
    %convert_element_type3A_2179 = arith.extui %eq3A_2169 : vector<16xi1> to vector<16xi32>
    %reduce_sum3A_2180 = arith.constant true
    %reduce_sum3A_2181 = vector.broadcast %reduce_sum3A_2180 : i1 to vector<16xi1>
    %reduce_sum3A_2182 = tpu.scan <sum>, %convert_element_type3A_2179 masked %reduce_sum3A_2181 : vector<16xi32>, vector<16xi1> -> vector<16xi32>
    %reduce_sum3A_2183 = vector.extract %reduce_sum3A_2182[15] : i32 from vector<16xi32>
    %add3A_2184 = vector.broadcast %reduce_sum3A_2183 : i32 to vector<16xi32>
    %add3A_2185 = arith.addi %add3A_2025, %add3A_2184 : vector<16xi32>
    %swap3A_2186 = arith.constant 176 : index
    %swap3A_2187 = tpu.vector_load %arg10[%swap3A_2186] {strides = array<i32>} : memref<256xi32, #tpu.memory_space<vmem>>, vector<16xi32>,
    tpu.vector_store %arg10[%swap3A_2186], %select_n3A_2178 {strides = array<i32>} : memref<256xi32, #tpu.memory_space<vmem>>, vector<16xi32>,
    %swap3A_2188 = arith.constant 5 : i32
    %swap3A_2189 = arith.index_cast %swap3A_2188 : i32 to index
    %swap3A_2190 = arith.constant 16 : index
    %swap3A_2191 = tpu.vector_load %arg9[%swap3A_2189, %swap3A_2190] {strides = array<i32>} : memref<8x32xi32, #tpu.memory_space<vmem>>, vector<16xi32>,
    tpu.vector_store %arg9[%swap3A_2189, %swap3A_2190], %select_n3A_2178 {strides = array<i32>} : memref<8x32xi32, #tpu.memory_space<vmem>>, vector<16xi32>,
    %get3A_2192 = arith.constant 192 : index
    %get3A_2193 = tpu.vector_load %arg8[%get3A_2192] {strides = array<i32>} : memref<256xi32, #tpu.memory_space<vmem>>, vector<16xi32>,
    %eq3A_2194 = arith.constant 0 : i32
    %eq3A_2195 = vector.broadcast %eq3A_2194 : i32 to vector<16xi32>
    %eq3A_2196 = arith.cmpi eq, %get3A_2193, %eq3A_2195 : vector<16xi32>
    %convert_element_type3A_2197 = arith.extui %eq3A_2196 : vector<16xi1> to vector<16xi32>
    %cumsum3A_2198 = arith.constant true
    %cumsum3A_2199 = vector.broadcast %cumsum3A_2198 : i1 to vector<16xi1>
    %cumsum3A_2200 = tpu.scan <sum>, %convert_element_type3A_2197 masked %cumsum3A_2199 : vector<16xi32>, vector<16xi1> -> vector<16xi32>
    %add3A_2201 = arith.addi %add3A_2052, %cumsum3A_2200 : vector<16xi32>
    %sub3A_2202 = arith.constant 1 : i32
    %sub3A_2203 = vector.broadcast %sub3A_2202 : i32 to vector<16xi32>
    %sub3A_2204 = arith.subi %add3A_2201, %sub3A_2203 : vector<16xi32>
    %select_n3A_2205 = arith.select %eq3A_2196, %sub3A_2204, %broadcast_in_dim3A_21 : vector<16xi1>, vector<16xi32>
    %convert_element_type3A_2206 = arith.extui %eq3A_2196 : vector<16xi1> to vector<16xi32>
    %reduce_sum3A_2207 = arith.constant true
    %reduce_sum3A_2208 = vector.broadcast %reduce_sum3A_2207 : i1 to vector<16xi1>
    %reduce_sum3A_2209 = tpu.scan <sum>, %convert_element_type3A_2206 masked %reduce_sum3A_2208 : vector<16xi32>, vector<16xi1> -> vector<16xi32>
    %reduce_sum3A_2210 = vector.extract %reduce_sum3A_2209[15] : i32 from vector<16xi32>
    %add3A_2211 = vector.broadcast %reduce_sum3A_2210 : i32 to vector<16xi32>
    %add3A_2212 = arith.addi %add3A_2052, %add3A_2211 : vector<16xi32>
    %eq3A_2213 = arith.constant 1 : i32
    %eq3A_2214 = vector.broadcast %eq3A_2213 : i32 to vector<16xi32>
    %eq3A_2215 = arith.cmpi eq, %get3A_2193, %eq3A_2214 : vector<16xi32>
    %convert_element_type3A_2216 = arith.extui %eq3A_2215 : vector<16xi1> to vector<16xi32>
    %cumsum3A_2217 = arith.constant true
    %cumsum3A_2218 = vector.broadcast %cumsum3A_2217 : i1 to vector<16xi1>
    %cumsum3A_2219 = tpu.scan <sum>, %convert_element_type3A_2216 masked %cumsum3A_2218 : vector<16xi32>, vector<16xi1> -> vector<16xi32>
    %add3A_2220 = arith.addi %add3A_2071, %cumsum3A_2219 : vector<16xi32>
    %sub3A_2221 = arith.constant 1 : i32
    %sub3A_2222 = vector.broadcast %sub3A_2221 : i32 to vector<16xi32>
    %sub3A_2223 = arith.subi %add3A_2220, %sub3A_2222 : vector<16xi32>
    %select_n3A_2224 = arith.select %eq3A_2215, %sub3A_2223, %select_n3A_2205 : vector<16xi1>, vector<16xi32>
    %convert_element_type3A_2225 = arith.extui %eq3A_2215 : vector<16xi1> to vector<16xi32>
    %reduce_sum3A_2226 = arith.constant true
    %reduce_sum3A_2227 = vector.broadcast %reduce_sum3A_2226 : i1 to vector<16xi1>
    %reduce_sum3A_2228 = tpu.scan <sum>, %convert_element_type3A_2225 masked %reduce_sum3A_2227 : vector<16xi32>, vector<16xi1> -> vector<16xi32>
    %reduce_sum3A_2229 = vector.extract %reduce_sum3A_2228[15] : i32 from vector<16xi32>
    %add3A_2230 = vector.broadcast %reduce_sum3A_2229 : i32 to vector<16xi32>
    %add3A_2231 = arith.addi %add3A_2071, %add3A_2230 : vector<16xi32>
    %eq3A_2232 = arith.constant 2 : i32
    %eq3A_2233 = vector.broadcast %eq3A_2232 : i32 to vector<16xi32>
    %eq3A_2234 = arith.cmpi eq, %get3A_2193, %eq3A_2233 : vector<16xi32>
    %convert_element_type3A_2235 = arith.extui %eq3A_2234 : vector<16xi1> to vector<16xi32>
    %cumsum3A_2236 = arith.constant true
    %cumsum3A_2237 = vector.broadcast %cumsum3A_2236 : i1 to vector<16xi1>
    %cumsum3A_2238 = tpu.scan <sum>, %convert_element_type3A_2235 masked %cumsum3A_2237 : vector<16xi32>, vector<16xi1> -> vector<16xi32>
    %add3A_2239 = arith.addi %add3A_2090, %cumsum3A_2238 : vector<16xi32>
    %sub3A_2240 = arith.constant 1 : i32
    %sub3A_2241 = vector.broadcast %sub3A_2240 : i32 to vector<16xi32>
    %sub3A_2242 = arith.subi %add3A_2239, %sub3A_2241 : vector<16xi32>
    %select_n3A_2243 = arith.select %eq3A_2234, %sub3A_2242, %select_n3A_2224 : vector<16xi1>, vector<16xi32>
    %convert_element_type3A_2244 = arith.extui %eq3A_2234 : vector<16xi1> to vector<16xi32>
    %reduce_sum3A_2245 = arith.constant true
    %reduce_sum3A_2246 = vector.broadcast %reduce_sum3A_2245 : i1 to vector<16xi1>
    %reduce_sum3A_2247 = tpu.scan <sum>, %convert_element_type3A_2244 masked %reduce_sum3A_2246 : vector<16xi32>, vector<16xi1> -> vector<16xi32>
    %reduce_sum3A_2248 = vector.extract %reduce_sum3A_2247[15] : i32 from vector<16xi32>
    %add3A_2249 = vector.broadcast %reduce_sum3A_2248 : i32 to vector<16xi32>
    %add3A_2250 = arith.addi %add3A_2090, %add3A_2249 : vector<16xi32>
    %eq3A_2251 = arith.constant 3 : i32
    %eq3A_2252 = vector.broadcast %eq3A_2251 : i32 to vector<16xi32>
    %eq3A_2253 = arith.cmpi eq, %get3A_2193, %eq3A_2252 : vector<16xi32>
    %convert_element_type3A_2254 = arith.extui %eq3A_2253 : vector<16xi1> to vector<16xi32>
    %cumsum3A_2255 = arith.constant true
    %cumsum3A_2256 = vector.broadcast %cumsum3A_2255 : i1 to vector<16xi1>
    %cumsum3A_2257 = tpu.scan <sum>, %convert_element_type3A_2254 masked %cumsum3A_2256 : vector<16xi32>, vector<16xi1> -> vector<16xi32>
    %add3A_2258 = arith.addi %add3A_2109, %cumsum3A_2257 : vector<16xi32>
    %sub3A_2259 = arith.constant 1 : i32
    %sub3A_2260 = vector.broadcast %sub3A_2259 : i32 to vector<16xi32>
    %sub3A_2261 = arith.subi %add3A_2258, %sub3A_2260 : vector<16xi32>
    %select_n3A_2262 = arith.select %eq3A_2253, %sub3A_2261, %select_n3A_2243 : vector<16xi1>, vector<16xi32>
    %convert_element_type3A_2263 = arith.extui %eq3A_2253 : vector<16xi1> to vector<16xi32>
    %reduce_sum3A_2264 = arith.constant true
    %reduce_sum3A_2265 = vector.broadcast %reduce_sum3A_2264 : i1 to vector<16xi1>
    %reduce_sum3A_2266 = tpu.scan <sum>, %convert_element_type3A_2263 masked %reduce_sum3A_2265 : vector<16xi32>, vector<16xi1> -> vector<16xi32>
    %reduce_sum3A_2267 = vector.extract %reduce_sum3A_2266[15] : i32 from vector<16xi32>
    %add3A_2268 = vector.broadcast %reduce_sum3A_2267 : i32 to vector<16xi32>
    %add3A_2269 = arith.addi %add3A_2109, %add3A_2268 : vector<16xi32>
    %eq3A_2270 = arith.constant 4 : i32
    %eq3A_2271 = vector.broadcast %eq3A_2270 : i32 to vector<16xi32>
    %eq3A_2272 = arith.cmpi eq, %get3A_2193, %eq3A_2271 : vector<16xi32>
    %convert_element_type3A_2273 = arith.extui %eq3A_2272 : vector<16xi1> to vector<16xi32>
    %cumsum3A_2274 = arith.constant true
    %cumsum3A_2275 = vector.broadcast %cumsum3A_2274 : i1 to vector<16xi1>
    %cumsum3A_2276 = tpu.scan <sum>, %convert_element_type3A_2273 masked %cumsum3A_2275 : vector<16xi32>, vector<16xi1> -> vector<16xi32>
    %add3A_2277 = arith.addi %add3A_2128, %cumsum3A_2276 : vector<16xi32>
    %sub3A_2278 = arith.constant 1 : i32
    %sub3A_2279 = vector.broadcast %sub3A_2278 : i32 to vector<16xi32>
    %sub3A_2280 = arith.subi %add3A_2277, %sub3A_2279 : vector<16xi32>
    %select_n3A_2281 = arith.select %eq3A_2272, %sub3A_2280, %select_n3A_2262 : vector<16xi1>, vector<16xi32>
    %convert_element_type3A_2282 = arith.extui %eq3A_2272 : vector<16xi1> to vector<16xi32>
    %reduce_sum3A_2283 = arith.constant true
    %reduce_sum3A_2284 = vector.broadcast %reduce_sum3A_2283 : i1 to vector<16xi1>
    %reduce_sum3A_2285 = tpu.scan <sum>, %convert_element_type3A_2282 masked %reduce_sum3A_2284 : vector<16xi32>, vector<16xi1> -> vector<16xi32>
    %reduce_sum3A_2286 = vector.extract %reduce_sum3A_2285[15] : i32 from vector<16xi32>
    %add3A_2287 = vector.broadcast %reduce_sum3A_2286 : i32 to vector<16xi32>
    %add3A_2288 = arith.addi %add3A_2128, %add3A_2287 : vector<16xi32>
    %eq3A_2289 = arith.constant 5 : i32
    %eq3A_2290 = vector.broadcast %eq3A_2289 : i32 to vector<16xi32>
    %eq3A_2291 = arith.cmpi eq, %get3A_2193, %eq3A_2290 : vector<16xi32>
    %convert_element_type3A_2292 = arith.extui %eq3A_2291 : vector<16xi1> to vector<16xi32>
    %cumsum3A_2293 = arith.constant true
    %cumsum3A_2294 = vector.broadcast %cumsum3A_2293 : i1 to vector<16xi1>
    %cumsum3A_2295 = tpu.scan <sum>, %convert_element_type3A_2292 masked %cumsum3A_2294 : vector<16xi32>, vector<16xi1> -> vector<16xi32>
    %add3A_2296 = arith.addi %add3A_2147, %cumsum3A_2295 : vector<16xi32>
    %sub3A_2297 = arith.constant 1 : i32
    %sub3A_2298 = vector.broadcast %sub3A_2297 : i32 to vector<16xi32>
    %sub3A_2299 = arith.subi %add3A_2296, %sub3A_2298 : vector<16xi32>
    %select_n3A_2300 = arith.select %eq3A_2291, %sub3A_2299, %select_n3A_2281 : vector<16xi1>, vector<16xi32>
    %convert_element_type3A_2301 = arith.extui %eq3A_2291 : vector<16xi1> to vector<16xi32>
    %reduce_sum3A_2302 = arith.constant true
    %reduce_sum3A_2303 = vector.broadcast %reduce_sum3A_2302 : i1 to vector<16xi1>
    %reduce_sum3A_2304 = tpu.scan <sum>, %convert_element_type3A_2301 masked %reduce_sum3A_2303 : vector<16xi32>, vector<16xi1> -> vector<16xi32>
    %reduce_sum3A_2305 = vector.extract %reduce_sum3A_2304[15] : i32 from vector<16xi32>
    %add3A_2306 = vector.broadcast %reduce_sum3A_2305 : i32 to vector<16xi32>
    %add3A_2307 = arith.addi %add3A_2147, %add3A_2306 : vector<16xi32>
    %eq3A_2308 = arith.constant 6 : i32
    %eq3A_2309 = vector.broadcast %eq3A_2308 : i32 to vector<16xi32>
    %eq3A_2310 = arith.cmpi eq, %get3A_2193, %eq3A_2309 : vector<16xi32>
    %convert_element_type3A_2311 = arith.extui %eq3A_2310 : vector<16xi1> to vector<16xi32>
    %cumsum3A_2312 = arith.constant true
    %cumsum3A_2313 = vector.broadcast %cumsum3A_2312 : i1 to vector<16xi1>
    %cumsum3A_2314 = tpu.scan <sum>, %convert_element_type3A_2311 masked %cumsum3A_2313 : vector<16xi32>, vector<16xi1> -> vector<16xi32>
    %add3A_2315 = arith.addi %add3A_2166, %cumsum3A_2314 : vector<16xi32>
    %sub3A_2316 = arith.constant 1 : i32
    %sub3A_2317 = vector.broadcast %sub3A_2316 : i32 to vector<16xi32>
    %sub3A_2318 = arith.subi %add3A_2315, %sub3A_2317 : vector<16xi32>
    %select_n3A_2319 = arith.select %eq3A_2310, %sub3A_2318, %select_n3A_2300 : vector<16xi1>, vector<16xi32>
    %convert_element_type3A_2320 = arith.extui %eq3A_2310 : vector<16xi1> to vector<16xi32>
    %reduce_sum3A_2321 = arith.constant true
    %reduce_sum3A_2322 = vector.broadcast %reduce_sum3A_2321 : i1 to vector<16xi1>
    %reduce_sum3A_2323 = tpu.scan <sum>, %convert_element_type3A_2320 masked %reduce_sum3A_2322 : vector<16xi32>, vector<16xi1> -> vector<16xi32>
    %reduce_sum3A_2324 = vector.extract %reduce_sum3A_2323[15] : i32 from vector<16xi32>
    %add3A_2325 = vector.broadcast %reduce_sum3A_2324 : i32 to vector<16xi32>
    %add3A_2326 = arith.addi %add3A_2166, %add3A_2325 : vector<16xi32>
    %eq3A_2327 = arith.constant 7 : i32
    %eq3A_2328 = vector.broadcast %eq3A_2327 : i32 to vector<16xi32>
    %eq3A_2329 = arith.cmpi eq, %get3A_2193, %eq3A_2328 : vector<16xi32>
    %convert_element_type3A_2330 = arith.extui %eq3A_2329 : vector<16xi1> to vector<16xi32>
    %cumsum3A_2331 = arith.constant true
    %cumsum3A_2332 = vector.broadcast %cumsum3A_2331 : i1 to vector<16xi1>
    %cumsum3A_2333 = tpu.scan <sum>, %convert_element_type3A_2330 masked %cumsum3A_2332 : vector<16xi32>, vector<16xi1> -> vector<16xi32>
    %add3A_2334 = arith.addi %add3A_2185, %cumsum3A_2333 : vector<16xi32>
    %sub3A_2335 = arith.constant 1 : i32
    %sub3A_2336 = vector.broadcast %sub3A_2335 : i32 to vector<16xi32>
    %sub3A_2337 = arith.subi %add3A_2334, %sub3A_2336 : vector<16xi32>
    %select_n3A_2338 = arith.select %eq3A_2329, %sub3A_2337, %select_n3A_2319 : vector<16xi1>, vector<16xi32>
    %convert_element_type3A_2339 = arith.extui %eq3A_2329 : vector<16xi1> to vector<16xi32>
    %reduce_sum3A_2340 = arith.constant true
    %reduce_sum3A_2341 = vector.broadcast %reduce_sum3A_2340 : i1 to vector<16xi1>
    %reduce_sum3A_2342 = tpu.scan <sum>, %convert_element_type3A_2339 masked %reduce_sum3A_2341 : vector<16xi32>, vector<16xi1> -> vector<16xi32>
    %reduce_sum3A_2343 = vector.extract %reduce_sum3A_2342[15] : i32 from vector<16xi32>
    %add3A_2344 = vector.broadcast %reduce_sum3A_2343 : i32 to vector<16xi32>
    %add3A_2345 = arith.addi %add3A_2185, %add3A_2344 : vector<16xi32>
    %swap3A_2346 = arith.constant 192 : index
    %swap3A_2347 = tpu.vector_load %arg10[%swap3A_2346] {strides = array<i32>} : memref<256xi32, #tpu.memory_space<vmem>>, vector<16xi32>,
    tpu.vector_store %arg10[%swap3A_2346], %select_n3A_2338 {strides = array<i32>} : memref<256xi32, #tpu.memory_space<vmem>>, vector<16xi32>,
    %swap3A_2348 = arith.constant 6 : i32
    %swap3A_2349 = arith.index_cast %swap3A_2348 : i32 to index
    %swap3A_2350 = arith.constant 0 : index
    %swap3A_2351 = tpu.vector_load %arg9[%swap3A_2349, %swap3A_2350] {strides = array<i32>} : memref<8x32xi32, #tpu.memory_space<vmem>>, vector<16xi32>,
    tpu.vector_store %arg9[%swap3A_2349, %swap3A_2350], %select_n3A_2338 {strides = array<i32>} : memref<8x32xi32, #tpu.memory_space<vmem>>, vector<16xi32>,
    %get3A_2352 = arith.constant 208 : index
    %get3A_2353 = tpu.vector_load %arg8[%get3A_2352] {strides = array<i32>} : memref<256xi32, #tpu.memory_space<vmem>>, vector<16xi32>,
    %eq3A_2354 = arith.constant 0 : i32
    %eq3A_2355 = vector.broadcast %eq3A_2354 : i32 to vector<16xi32>
    %eq3A_2356 = arith.cmpi eq, %get3A_2353, %eq3A_2355 : vector<16xi32>
    %convert_element_type3A_2357 = arith.extui %eq3A_2356 : vector<16xi1> to vector<16xi32>
    %cumsum3A_2358 = arith.constant true
    %cumsum3A_2359 = vector.broadcast %cumsum3A_2358 : i1 to vector<16xi1>
    %cumsum3A_2360 = tpu.scan <sum>, %convert_element_type3A_2357 masked %cumsum3A_2359 : vector<16xi32>, vector<16xi1> -> vector<16xi32>
    %add3A_2361 = arith.addi %add3A_2212, %cumsum3A_2360 : vector<16xi32>
    %sub3A_2362 = arith.constant 1 : i32
    %sub3A_2363 = vector.broadcast %sub3A_2362 : i32 to vector<16xi32>
    %sub3A_2364 = arith.subi %add3A_2361, %sub3A_2363 : vector<16xi32>
    %select_n3A_2365 = arith.select %eq3A_2356, %sub3A_2364, %broadcast_in_dim3A_21 : vector<16xi1>, vector<16xi32>
    %convert_element_type3A_2366 = arith.extui %eq3A_2356 : vector<16xi1> to vector<16xi32>
    %reduce_sum3A_2367 = arith.constant true
    %reduce_sum3A_2368 = vector.broadcast %reduce_sum3A_2367 : i1 to vector<16xi1>
    %reduce_sum3A_2369 = tpu.scan <sum>, %convert_element_type3A_2366 masked %reduce_sum3A_2368 : vector<16xi32>, vector<16xi1> -> vector<16xi32>
    %reduce_sum3A_2370 = vector.extract %reduce_sum3A_2369[15] : i32 from vector<16xi32>
    %add3A_2371 = vector.broadcast %reduce_sum3A_2370 : i32 to vector<16xi32>
    %add3A_2372 = arith.addi %add3A_2212, %add3A_2371 : vector<16xi32>
    %eq3A_2373 = arith.constant 1 : i32
    %eq3A_2374 = vector.broadcast %eq3A_2373 : i32 to vector<16xi32>
    %eq3A_2375 = arith.cmpi eq, %get3A_2353, %eq3A_2374 : vector<16xi32>
    %convert_element_type3A_2376 = arith.extui %eq3A_2375 : vector<16xi1> to vector<16xi32>
    %cumsum3A_2377 = arith.constant true
    %cumsum3A_2378 = vector.broadcast %cumsum3A_2377 : i1 to vector<16xi1>
    %cumsum3A_2379 = tpu.scan <sum>, %convert_element_type3A_2376 masked %cumsum3A_2378 : vector<16xi32>, vector<16xi1> -> vector<16xi32>
    %add3A_2380 = arith.addi %add3A_2231, %cumsum3A_2379 : vector<16xi32>
    %sub3A_2381 = arith.constant 1 : i32
    %sub3A_2382 = vector.broadcast %sub3A_2381 : i32 to vector<16xi32>
    %sub3A_2383 = arith.subi %add3A_2380, %sub3A_2382 : vector<16xi32>
    %select_n3A_2384 = arith.select %eq3A_2375, %sub3A_2383, %select_n3A_2365 : vector<16xi1>, vector<16xi32>
    %convert_element_type3A_2385 = arith.extui %eq3A_2375 : vector<16xi1> to vector<16xi32>
    %reduce_sum3A_2386 = arith.constant true
    %reduce_sum3A_2387 = vector.broadcast %reduce_sum3A_2386 : i1 to vector<16xi1>
    %reduce_sum3A_2388 = tpu.scan <sum>, %convert_element_type3A_2385 masked %reduce_sum3A_2387 : vector<16xi32>, vector<16xi1> -> vector<16xi32>
    %reduce_sum3A_2389 = vector.extract %reduce_sum3A_2388[15] : i32 from vector<16xi32>
    %add3A_2390 = vector.broadcast %reduce_sum3A_2389 : i32 to vector<16xi32>
    %add3A_2391 = arith.addi %add3A_2231, %add3A_2390 : vector<16xi32>
    %eq3A_2392 = arith.constant 2 : i32
    %eq3A_2393 = vector.broadcast %eq3A_2392 : i32 to vector<16xi32>
    %eq3A_2394 = arith.cmpi eq, %get3A_2353, %eq3A_2393 : vector<16xi32>
    %convert_element_type3A_2395 = arith.extui %eq3A_2394 : vector<16xi1> to vector<16xi32>
    %cumsum3A_2396 = arith.constant true
    %cumsum3A_2397 = vector.broadcast %cumsum3A_2396 : i1 to vector<16xi1>
    %cumsum3A_2398 = tpu.scan <sum>, %convert_element_type3A_2395 masked %cumsum3A_2397 : vector<16xi32>, vector<16xi1> -> vector<16xi32>
    %add3A_2399 = arith.addi %add3A_2250, %cumsum3A_2398 : vector<16xi32>
    %sub3A_2400 = arith.constant 1 : i32
    %sub3A_2401 = vector.broadcast %sub3A_2400 : i32 to vector<16xi32>
    %sub3A_2402 = arith.subi %add3A_2399, %sub3A_2401 : vector<16xi32>
    %select_n3A_2403 = arith.select %eq3A_2394, %sub3A_2402, %select_n3A_2384 : vector<16xi1>, vector<16xi32>
    %convert_element_type3A_2404 = arith.extui %eq3A_2394 : vector<16xi1> to vector<16xi32>
    %reduce_sum3A_2405 = arith.constant true
    %reduce_sum3A_2406 = vector.broadcast %reduce_sum3A_2405 : i1 to vector<16xi1>
    %reduce_sum3A_2407 = tpu.scan <sum>, %convert_element_type3A_2404 masked %reduce_sum3A_2406 : vector<16xi32>, vector<16xi1> -> vector<16xi32>
    %reduce_sum3A_2408 = vector.extract %reduce_sum3A_2407[15] : i32 from vector<16xi32>
    %add3A_2409 = vector.broadcast %reduce_sum3A_2408 : i32 to vector<16xi32>
    %add3A_2410 = arith.addi %add3A_2250, %add3A_2409 : vector<16xi32>
    %eq3A_2411 = arith.constant 3 : i32
    %eq3A_2412 = vector.broadcast %eq3A_2411 : i32 to vector<16xi32>
    %eq3A_2413 = arith.cmpi eq, %get3A_2353, %eq3A_2412 : vector<16xi32>
    %convert_element_type3A_2414 = arith.extui %eq3A_2413 : vector<16xi1> to vector<16xi32>
    %cumsum3A_2415 = arith.constant true
    %cumsum3A_2416 = vector.broadcast %cumsum3A_2415 : i1 to vector<16xi1>
    %cumsum3A_2417 = tpu.scan <sum>, %convert_element_type3A_2414 masked %cumsum3A_2416 : vector<16xi32>, vector<16xi1> -> vector<16xi32>
    %add3A_2418 = arith.addi %add3A_2269, %cumsum3A_2417 : vector<16xi32>
    %sub3A_2419 = arith.constant 1 : i32
    %sub3A_2420 = vector.broadcast %sub3A_2419 : i32 to vector<16xi32>
    %sub3A_2421 = arith.subi %add3A_2418, %sub3A_2420 : vector<16xi32>
    %select_n3A_2422 = arith.select %eq3A_2413, %sub3A_2421, %select_n3A_2403 : vector<16xi1>, vector<16xi32>
    %convert_element_type3A_2423 = arith.extui %eq3A_2413 : vector<16xi1> to vector<16xi32>
    %reduce_sum3A_2424 = arith.constant true
    %reduce_sum3A_2425 = vector.broadcast %reduce_sum3A_2424 : i1 to vector<16xi1>
    %reduce_sum3A_2426 = tpu.scan <sum>, %convert_element_type3A_2423 masked %reduce_sum3A_2425 : vector<16xi32>, vector<16xi1> -> vector<16xi32>
    %reduce_sum3A_2427 = vector.extract %reduce_sum3A_2426[15] : i32 from vector<16xi32>
    %add3A_2428 = vector.broadcast %reduce_sum3A_2427 : i32 to vector<16xi32>
    %add3A_2429 = arith.addi %add3A_2269, %add3A_2428 : vector<16xi32>
    %eq3A_2430 = arith.constant 4 : i32
    %eq3A_2431 = vector.broadcast %eq3A_2430 : i32 to vector<16xi32>
    %eq3A_2432 = arith.cmpi eq, %get3A_2353, %eq3A_2431 : vector<16xi32>
    %convert_element_type3A_2433 = arith.extui %eq3A_2432 : vector<16xi1> to vector<16xi32>
    %cumsum3A_2434 = arith.constant true
    %cumsum3A_2435 = vector.broadcast %cumsum3A_2434 : i1 to vector<16xi1>
    %cumsum3A_2436 = tpu.scan <sum>, %convert_element_type3A_2433 masked %cumsum3A_2435 : vector<16xi32>, vector<16xi1> -> vector<16xi32>
    %add3A_2437 = arith.addi %add3A_2288, %cumsum3A_2436 : vector<16xi32>
    %sub3A_2438 = arith.constant 1 : i32
    %sub3A_2439 = vector.broadcast %sub3A_2438 : i32 to vector<16xi32>
    %sub3A_2440 = arith.subi %add3A_2437, %sub3A_2439 : vector<16xi32>
    %select_n3A_2441 = arith.select %eq3A_2432, %sub3A_2440, %select_n3A_2422 : vector<16xi1>, vector<16xi32>
    %convert_element_type3A_2442 = arith.extui %eq3A_2432 : vector<16xi1> to vector<16xi32>
    %reduce_sum3A_2443 = arith.constant true
    %reduce_sum3A_2444 = vector.broadcast %reduce_sum3A_2443 : i1 to vector<16xi1>
    %reduce_sum3A_2445 = tpu.scan <sum>, %convert_element_type3A_2442 masked %reduce_sum3A_2444 : vector<16xi32>, vector<16xi1> -> vector<16xi32>
    %reduce_sum3A_2446 = vector.extract %reduce_sum3A_2445[15] : i32 from vector<16xi32>
    %add3A_2447 = vector.broadcast %reduce_sum3A_2446 : i32 to vector<16xi32>
    %add3A_2448 = arith.addi %add3A_2288, %add3A_2447 : vector<16xi32>
    %eq3A_2449 = arith.constant 5 : i32
    %eq3A_2450 = vector.broadcast %eq3A_2449 : i32 to vector<16xi32>
    %eq3A_2451 = arith.cmpi eq, %get3A_2353, %eq3A_2450 : vector<16xi32>
    %convert_element_type3A_2452 = arith.extui %eq3A_2451 : vector<16xi1> to vector<16xi32>
    %cumsum3A_2453 = arith.constant true
    %cumsum3A_2454 = vector.broadcast %cumsum3A_2453 : i1 to vector<16xi1>
    %cumsum3A_2455 = tpu.scan <sum>, %convert_element_type3A_2452 masked %cumsum3A_2454 : vector<16xi32>, vector<16xi1> -> vector<16xi32>
    %add3A_2456 = arith.addi %add3A_2307, %cumsum3A_2455 : vector<16xi32>
    %sub3A_2457 = arith.constant 1 : i32
    %sub3A_2458 = vector.broadcast %sub3A_2457 : i32 to vector<16xi32>
    %sub3A_2459 = arith.subi %add3A_2456, %sub3A_2458 : vector<16xi32>
    %select_n3A_2460 = arith.select %eq3A_2451, %sub3A_2459, %select_n3A_2441 : vector<16xi1>, vector<16xi32>
    %convert_element_type3A_2461 = arith.extui %eq3A_2451 : vector<16xi1> to vector<16xi32>
    %reduce_sum3A_2462 = arith.constant true
    %reduce_sum3A_2463 = vector.broadcast %reduce_sum3A_2462 : i1 to vector<16xi1>
    %reduce_sum3A_2464 = tpu.scan <sum>, %convert_element_type3A_2461 masked %reduce_sum3A_2463 : vector<16xi32>, vector<16xi1> -> vector<16xi32>
    %reduce_sum3A_2465 = vector.extract %reduce_sum3A_2464[15] : i32 from vector<16xi32>
    %add3A_2466 = vector.broadcast %reduce_sum3A_2465 : i32 to vector<16xi32>
    %add3A_2467 = arith.addi %add3A_2307, %add3A_2466 : vector<16xi32>
    %eq3A_2468 = arith.constant 6 : i32
    %eq3A_2469 = vector.broadcast %eq3A_2468 : i32 to vector<16xi32>
    %eq3A_2470 = arith.cmpi eq, %get3A_2353, %eq3A_2469 : vector<16xi32>
    %convert_element_type3A_2471 = arith.extui %eq3A_2470 : vector<16xi1> to vector<16xi32>
    %cumsum3A_2472 = arith.constant true
    %cumsum3A_2473 = vector.broadcast %cumsum3A_2472 : i1 to vector<16xi1>
    %cumsum3A_2474 = tpu.scan <sum>, %convert_element_type3A_2471 masked %cumsum3A_2473 : vector<16xi32>, vector<16xi1> -> vector<16xi32>
    %add3A_2475 = arith.addi %add3A_2326, %cumsum3A_2474 : vector<16xi32>
    %sub3A_2476 = arith.constant 1 : i32
    %sub3A_2477 = vector.broadcast %sub3A_2476 : i32 to vector<16xi32>
    %sub3A_2478 = arith.subi %add3A_2475, %sub3A_2477 : vector<16xi32>
    %select_n3A_2479 = arith.select %eq3A_2470, %sub3A_2478, %select_n3A_2460 : vector<16xi1>, vector<16xi32>
    %convert_element_type3A_2480 = arith.extui %eq3A_2470 : vector<16xi1> to vector<16xi32>
    %reduce_sum3A_2481 = arith.constant true
    %reduce_sum3A_2482 = vector.broadcast %reduce_sum3A_2481 : i1 to vector<16xi1>
    %reduce_sum3A_2483 = tpu.scan <sum>, %convert_element_type3A_2480 masked %reduce_sum3A_2482 : vector<16xi32>, vector<16xi1> -> vector<16xi32>
    %reduce_sum3A_2484 = vector.extract %reduce_sum3A_2483[15] : i32 from vector<16xi32>
    %add3A_2485 = vector.broadcast %reduce_sum3A_2484 : i32 to vector<16xi32>
    %add3A_2486 = arith.addi %add3A_2326, %add3A_2485 : vector<16xi32>
    %eq3A_2487 = arith.constant 7 : i32
    %eq3A_2488 = vector.broadcast %eq3A_2487 : i32 to vector<16xi32>
    %eq3A_2489 = arith.cmpi eq, %get3A_2353, %eq3A_2488 : vector<16xi32>
    %convert_element_type3A_2490 = arith.extui %eq3A_2489 : vector<16xi1> to vector<16xi32>
    %cumsum3A_2491 = arith.constant true
    %cumsum3A_2492 = vector.broadcast %cumsum3A_2491 : i1 to vector<16xi1>
    %cumsum3A_2493 = tpu.scan <sum>, %convert_element_type3A_2490 masked %cumsum3A_2492 : vector<16xi32>, vector<16xi1> -> vector<16xi32>
    %add3A_2494 = arith.addi %add3A_2345, %cumsum3A_2493 : vector<16xi32>
    %sub3A_2495 = arith.constant 1 : i32
    %sub3A_2496 = vector.broadcast %sub3A_2495 : i32 to vector<16xi32>
    %sub3A_2497 = arith.subi %add3A_2494, %sub3A_2496 : vector<16xi32>
    %select_n3A_2498 = arith.select %eq3A_2489, %sub3A_2497, %select_n3A_2479 : vector<16xi1>, vector<16xi32>
    %convert_element_type3A_2499 = arith.extui %eq3A_2489 : vector<16xi1> to vector<16xi32>
    %reduce_sum3A_2500 = arith.constant true
    %reduce_sum3A_2501 = vector.broadcast %reduce_sum3A_2500 : i1 to vector<16xi1>
    %reduce_sum3A_2502 = tpu.scan <sum>, %convert_element_type3A_2499 masked %reduce_sum3A_2501 : vector<16xi32>, vector<16xi1> -> vector<16xi32>
    %reduce_sum3A_2503 = vector.extract %reduce_sum3A_2502[15] : i32 from vector<16xi32>
    %add3A_2504 = vector.broadcast %reduce_sum3A_2503 : i32 to vector<16xi32>
    %add3A_2505 = arith.addi %add3A_2345, %add3A_2504 : vector<16xi32>
    %swap3A_2506 = arith.constant 208 : index
    %swap3A_2507 = tpu.vector_load %arg10[%swap3A_2506] {strides = array<i32>} : memref<256xi32, #tpu.memory_space<vmem>>, vector<16xi32>,
    tpu.vector_store %arg10[%swap3A_2506], %select_n3A_2498 {strides = array<i32>} : memref<256xi32, #tpu.memory_space<vmem>>, vector<16xi32>,
    %swap3A_2508 = arith.constant 6 : i32
    %swap3A_2509 = arith.index_cast %swap3A_2508 : i32 to index
    %swap3A_2510 = arith.constant 16 : index
    %swap3A_2511 = tpu.vector_load %arg9[%swap3A_2509, %swap3A_2510] {strides = array<i32>} : memref<8x32xi32, #tpu.memory_space<vmem>>, vector<16xi32>,
    tpu.vector_store %arg9[%swap3A_2509, %swap3A_2510], %select_n3A_2498 {strides = array<i32>} : memref<8x32xi32, #tpu.memory_space<vmem>>, vector<16xi32>,
    %get3A_2512 = arith.constant 224 : index
    %get3A_2513 = tpu.vector_load %arg8[%get3A_2512] {strides = array<i32>} : memref<256xi32, #tpu.memory_space<vmem>>, vector<16xi32>,
    %eq3A_2514 = arith.constant 0 : i32
    %eq3A_2515 = vector.broadcast %eq3A_2514 : i32 to vector<16xi32>
    %eq3A_2516 = arith.cmpi eq, %get3A_2513, %eq3A_2515 : vector<16xi32>
    %convert_element_type3A_2517 = arith.extui %eq3A_2516 : vector<16xi1> to vector<16xi32>
    %cumsum3A_2518 = arith.constant true
    %cumsum3A_2519 = vector.broadcast %cumsum3A_2518 : i1 to vector<16xi1>
    %cumsum3A_2520 = tpu.scan <sum>, %convert_element_type3A_2517 masked %cumsum3A_2519 : vector<16xi32>, vector<16xi1> -> vector<16xi32>
    %add3A_2521 = arith.addi %add3A_2372, %cumsum3A_2520 : vector<16xi32>
    %sub3A_2522 = arith.constant 1 : i32
    %sub3A_2523 = vector.broadcast %sub3A_2522 : i32 to vector<16xi32>
    %sub3A_2524 = arith.subi %add3A_2521, %sub3A_2523 : vector<16xi32>
    %select_n3A_2525 = arith.select %eq3A_2516, %sub3A_2524, %broadcast_in_dim3A_21 : vector<16xi1>, vector<16xi32>
    %convert_element_type3A_2526 = arith.extui %eq3A_2516 : vector<16xi1> to vector<16xi32>
    %reduce_sum3A_2527 = arith.constant true
    %reduce_sum3A_2528 = vector.broadcast %reduce_sum3A_2527 : i1 to vector<16xi1>
    %reduce_sum3A_2529 = tpu.scan <sum>, %convert_element_type3A_2526 masked %reduce_sum3A_2528 : vector<16xi32>, vector<16xi1> -> vector<16xi32>
    %reduce_sum3A_2530 = vector.extract %reduce_sum3A_2529[15] : i32 from vector<16xi32>
    %add3A_2531 = vector.broadcast %reduce_sum3A_2530 : i32 to vector<16xi32>
    %add3A_2532 = arith.addi %add3A_2372, %add3A_2531 : vector<16xi32>
    %eq3A_2533 = arith.constant 1 : i32
    %eq3A_2534 = vector.broadcast %eq3A_2533 : i32 to vector<16xi32>
    %eq3A_2535 = arith.cmpi eq, %get3A_2513, %eq3A_2534 : vector<16xi32>
    %convert_element_type3A_2536 = arith.extui %eq3A_2535 : vector<16xi1> to vector<16xi32>
    %cumsum3A_2537 = arith.constant true
    %cumsum3A_2538 = vector.broadcast %cumsum3A_2537 : i1 to vector<16xi1>
    %cumsum3A_2539 = tpu.scan <sum>, %convert_element_type3A_2536 masked %cumsum3A_2538 : vector<16xi32>, vector<16xi1> -> vector<16xi32>
    %add3A_2540 = arith.addi %add3A_2391, %cumsum3A_2539 : vector<16xi32>
    %sub3A_2541 = arith.constant 1 : i32
    %sub3A_2542 = vector.broadcast %sub3A_2541 : i32 to vector<16xi32>
    %sub3A_2543 = arith.subi %add3A_2540, %sub3A_2542 : vector<16xi32>
    %select_n3A_2544 = arith.select %eq3A_2535, %sub3A_2543, %select_n3A_2525 : vector<16xi1>, vector<16xi32>
    %convert_element_type3A_2545 = arith.extui %eq3A_2535 : vector<16xi1> to vector<16xi32>
    %reduce_sum3A_2546 = arith.constant true
    %reduce_sum3A_2547 = vector.broadcast %reduce_sum3A_2546 : i1 to vector<16xi1>
    %reduce_sum3A_2548 = tpu.scan <sum>, %convert_element_type3A_2545 masked %reduce_sum3A_2547 : vector<16xi32>, vector<16xi1> -> vector<16xi32>
    %reduce_sum3A_2549 = vector.extract %reduce_sum3A_2548[15] : i32 from vector<16xi32>
    %add3A_2550 = vector.broadcast %reduce_sum3A_2549 : i32 to vector<16xi32>
    %add3A_2551 = arith.addi %add3A_2391, %add3A_2550 : vector<16xi32>
    %eq3A_2552 = arith.constant 2 : i32
    %eq3A_2553 = vector.broadcast %eq3A_2552 : i32 to vector<16xi32>
    %eq3A_2554 = arith.cmpi eq, %get3A_2513, %eq3A_2553 : vector<16xi32>
    %convert_element_type3A_2555 = arith.extui %eq3A_2554 : vector<16xi1> to vector<16xi32>
    %cumsum3A_2556 = arith.constant true
    %cumsum3A_2557 = vector.broadcast %cumsum3A_2556 : i1 to vector<16xi1>
    %cumsum3A_2558 = tpu.scan <sum>, %convert_element_type3A_2555 masked %cumsum3A_2557 : vector<16xi32>, vector<16xi1> -> vector<16xi32>
    %add3A_2559 = arith.addi %add3A_2410, %cumsum3A_2558 : vector<16xi32>
    %sub3A_2560 = arith.constant 1 : i32
    %sub3A_2561 = vector.broadcast %sub3A_2560 : i32 to vector<16xi32>
    %sub3A_2562 = arith.subi %add3A_2559, %sub3A_2561 : vector<16xi32>
    %select_n3A_2563 = arith.select %eq3A_2554, %sub3A_2562, %select_n3A_2544 : vector<16xi1>, vector<16xi32>
    %convert_element_type3A_2564 = arith.extui %eq3A_2554 : vector<16xi1> to vector<16xi32>
    %reduce_sum3A_2565 = arith.constant true
    %reduce_sum3A_2566 = vector.broadcast %reduce_sum3A_2565 : i1 to vector<16xi1>
    %reduce_sum3A_2567 = tpu.scan <sum>, %convert_element_type3A_2564 masked %reduce_sum3A_2566 : vector<16xi32>, vector<16xi1> -> vector<16xi32>
    %reduce_sum3A_2568 = vector.extract %reduce_sum3A_2567[15] : i32 from vector<16xi32>
    %add3A_2569 = vector.broadcast %reduce_sum3A_2568 : i32 to vector<16xi32>
    %add3A_2570 = arith.addi %add3A_2410, %add3A_2569 : vector<16xi32>
    %eq3A_2571 = arith.constant 3 : i32
    %eq3A_2572 = vector.broadcast %eq3A_2571 : i32 to vector<16xi32>
    %eq3A_2573 = arith.cmpi eq, %get3A_2513, %eq3A_2572 : vector<16xi32>
    %convert_element_type3A_2574 = arith.extui %eq3A_2573 : vector<16xi1> to vector<16xi32>
    %cumsum3A_2575 = arith.constant true
    %cumsum3A_2576 = vector.broadcast %cumsum3A_2575 : i1 to vector<16xi1>
    %cumsum3A_2577 = tpu.scan <sum>, %convert_element_type3A_2574 masked %cumsum3A_2576 : vector<16xi32>, vector<16xi1> -> vector<16xi32>
    %add3A_2578 = arith.addi %add3A_2429, %cumsum3A_2577 : vector<16xi32>
    %sub3A_2579 = arith.constant 1 : i32
    %sub3A_2580 = vector.broadcast %sub3A_2579 : i32 to vector<16xi32>
    %sub3A_2581 = arith.subi %add3A_2578, %sub3A_2580 : vector<16xi32>
    %select_n3A_2582 = arith.select %eq3A_2573, %sub3A_2581, %select_n3A_2563 : vector<16xi1>, vector<16xi32>
    %convert_element_type3A_2583 = arith.extui %eq3A_2573 : vector<16xi1> to vector<16xi32>
    %reduce_sum3A_2584 = arith.constant true
    %reduce_sum3A_2585 = vector.broadcast %reduce_sum3A_2584 : i1 to vector<16xi1>
    %reduce_sum3A_2586 = tpu.scan <sum>, %convert_element_type3A_2583 masked %reduce_sum3A_2585 : vector<16xi32>, vector<16xi1> -> vector<16xi32>
    %reduce_sum3A_2587 = vector.extract %reduce_sum3A_2586[15] : i32 from vector<16xi32>
    %add3A_2588 = vector.broadcast %reduce_sum3A_2587 : i32 to vector<16xi32>
    %add3A_2589 = arith.addi %add3A_2429, %add3A_2588 : vector<16xi32>
    %eq3A_2590 = arith.constant 4 : i32
    %eq3A_2591 = vector.broadcast %eq3A_2590 : i32 to vector<16xi32>
    %eq3A_2592 = arith.cmpi eq, %get3A_2513, %eq3A_2591 : vector<16xi32>
    %convert_element_type3A_2593 = arith.extui %eq3A_2592 : vector<16xi1> to vector<16xi32>
    %cumsum3A_2594 = arith.constant true
    %cumsum3A_2595 = vector.broadcast %cumsum3A_2594 : i1 to vector<16xi1>
    %cumsum3A_2596 = tpu.scan <sum>, %convert_element_type3A_2593 masked %cumsum3A_2595 : vector<16xi32>, vector<16xi1> -> vector<16xi32>
    %add3A_2597 = arith.addi %add3A_2448, %cumsum3A_2596 : vector<16xi32>
    %sub3A_2598 = arith.constant 1 : i32
    %sub3A_2599 = vector.broadcast %sub3A_2598 : i32 to vector<16xi32>
    %sub3A_2600 = arith.subi %add3A_2597, %sub3A_2599 : vector<16xi32>
    %select_n3A_2601 = arith.select %eq3A_2592, %sub3A_2600, %select_n3A_2582 : vector<16xi1>, vector<16xi32>
    %convert_element_type3A_2602 = arith.extui %eq3A_2592 : vector<16xi1> to vector<16xi32>
    %reduce_sum3A_2603 = arith.constant true
    %reduce_sum3A_2604 = vector.broadcast %reduce_sum3A_2603 : i1 to vector<16xi1>
    %reduce_sum3A_2605 = tpu.scan <sum>, %convert_element_type3A_2602 masked %reduce_sum3A_2604 : vector<16xi32>, vector<16xi1> -> vector<16xi32>
    %reduce_sum3A_2606 = vector.extract %reduce_sum3A_2605[15] : i32 from vector<16xi32>
    %add3A_2607 = vector.broadcast %reduce_sum3A_2606 : i32 to vector<16xi32>
    %add3A_2608 = arith.addi %add3A_2448, %add3A_2607 : vector<16xi32>
    %eq3A_2609 = arith.constant 5 : i32
    %eq3A_2610 = vector.broadcast %eq3A_2609 : i32 to vector<16xi32>
    %eq3A_2611 = arith.cmpi eq, %get3A_2513, %eq3A_2610 : vector<16xi32>
    %convert_element_type3A_2612 = arith.extui %eq3A_2611 : vector<16xi1> to vector<16xi32>
    %cumsum3A_2613 = arith.constant true
    %cumsum3A_2614 = vector.broadcast %cumsum3A_2613 : i1 to vector<16xi1>
    %cumsum3A_2615 = tpu.scan <sum>, %convert_element_type3A_2612 masked %cumsum3A_2614 : vector<16xi32>, vector<16xi1> -> vector<16xi32>
    %add3A_2616 = arith.addi %add3A_2467, %cumsum3A_2615 : vector<16xi32>
    %sub3A_2617 = arith.constant 1 : i32
    %sub3A_2618 = vector.broadcast %sub3A_2617 : i32 to vector<16xi32>
    %sub3A_2619 = arith.subi %add3A_2616, %sub3A_2618 : vector<16xi32>
    %select_n3A_2620 = arith.select %eq3A_2611, %sub3A_2619, %select_n3A_2601 : vector<16xi1>, vector<16xi32>
    %convert_element_type3A_2621 = arith.extui %eq3A_2611 : vector<16xi1> to vector<16xi32>
    %reduce_sum3A_2622 = arith.constant true
    %reduce_sum3A_2623 = vector.broadcast %reduce_sum3A_2622 : i1 to vector<16xi1>
    %reduce_sum3A_2624 = tpu.scan <sum>, %convert_element_type3A_2621 masked %reduce_sum3A_2623 : vector<16xi32>, vector<16xi1> -> vector<16xi32>
    %reduce_sum3A_2625 = vector.extract %reduce_sum3A_2624[15] : i32 from vector<16xi32>
    %add3A_2626 = vector.broadcast %reduce_sum3A_2625 : i32 to vector<16xi32>
    %add3A_2627 = arith.addi %add3A_2467, %add3A_2626 : vector<16xi32>
    %eq3A_2628 = arith.constant 6 : i32
    %eq3A_2629 = vector.broadcast %eq3A_2628 : i32 to vector<16xi32>
    %eq3A_2630 = arith.cmpi eq, %get3A_2513, %eq3A_2629 : vector<16xi32>
    %convert_element_type3A_2631 = arith.extui %eq3A_2630 : vector<16xi1> to vector<16xi32>
    %cumsum3A_2632 = arith.constant true
    %cumsum3A_2633 = vector.broadcast %cumsum3A_2632 : i1 to vector<16xi1>
    %cumsum3A_2634 = tpu.scan <sum>, %convert_element_type3A_2631 masked %cumsum3A_2633 : vector<16xi32>, vector<16xi1> -> vector<16xi32>
    %add3A_2635 = arith.addi %add3A_2486, %cumsum3A_2634 : vector<16xi32>
    %sub3A_2636 = arith.constant 1 : i32
    %sub3A_2637 = vector.broadcast %sub3A_2636 : i32 to vector<16xi32>
    %sub3A_2638 = arith.subi %add3A_2635, %sub3A_2637 : vector<16xi32>
    %select_n3A_2639 = arith.select %eq3A_2630, %sub3A_2638, %select_n3A_2620 : vector<16xi1>, vector<16xi32>
    %convert_element_type3A_2640 = arith.extui %eq3A_2630 : vector<16xi1> to vector<16xi32>
    %reduce_sum3A_2641 = arith.constant true
    %reduce_sum3A_2642 = vector.broadcast %reduce_sum3A_2641 : i1 to vector<16xi1>
    %reduce_sum3A_2643 = tpu.scan <sum>, %convert_element_type3A_2640 masked %reduce_sum3A_2642 : vector<16xi32>, vector<16xi1> -> vector<16xi32>
    %reduce_sum3A_2644 = vector.extract %reduce_sum3A_2643[15] : i32 from vector<16xi32>
    %add3A_2645 = vector.broadcast %reduce_sum3A_2644 : i32 to vector<16xi32>
    %add3A_2646 = arith.addi %add3A_2486, %add3A_2645 : vector<16xi32>
    %eq3A_2647 = arith.constant 7 : i32
    %eq3A_2648 = vector.broadcast %eq3A_2647 : i32 to vector<16xi32>
    %eq3A_2649 = arith.cmpi eq, %get3A_2513, %eq3A_2648 : vector<16xi32>
    %convert_element_type3A_2650 = arith.extui %eq3A_2649 : vector<16xi1> to vector<16xi32>
    %cumsum3A_2651 = arith.constant true
    %cumsum3A_2652 = vector.broadcast %cumsum3A_2651 : i1 to vector<16xi1>
    %cumsum3A_2653 = tpu.scan <sum>, %convert_element_type3A_2650 masked %cumsum3A_2652 : vector<16xi32>, vector<16xi1> -> vector<16xi32>
    %add3A_2654 = arith.addi %add3A_2505, %cumsum3A_2653 : vector<16xi32>
    %sub3A_2655 = arith.constant 1 : i32
    %sub3A_2656 = vector.broadcast %sub3A_2655 : i32 to vector<16xi32>
    %sub3A_2657 = arith.subi %add3A_2654, %sub3A_2656 : vector<16xi32>
    %select_n3A_2658 = arith.select %eq3A_2649, %sub3A_2657, %select_n3A_2639 : vector<16xi1>, vector<16xi32>
    %convert_element_type3A_2659 = arith.extui %eq3A_2649 : vector<16xi1> to vector<16xi32>
    %reduce_sum3A_2660 = arith.constant true
    %reduce_sum3A_2661 = vector.broadcast %reduce_sum3A_2660 : i1 to vector<16xi1>
    %reduce_sum3A_2662 = tpu.scan <sum>, %convert_element_type3A_2659 masked %reduce_sum3A_2661 : vector<16xi32>, vector<16xi1> -> vector<16xi32>
    %reduce_sum3A_2663 = vector.extract %reduce_sum3A_2662[15] : i32 from vector<16xi32>
    %add3A_2664 = vector.broadcast %reduce_sum3A_2663 : i32 to vector<16xi32>
    %add3A_2665 = arith.addi %add3A_2505, %add3A_2664 : vector<16xi32>
    %swap3A_2666 = arith.constant 224 : index
    %swap3A_2667 = tpu.vector_load %arg10[%swap3A_2666] {strides = array<i32>} : memref<256xi32, #tpu.memory_space<vmem>>, vector<16xi32>,
    tpu.vector_store %arg10[%swap3A_2666], %select_n3A_2658 {strides = array<i32>} : memref<256xi32, #tpu.memory_space<vmem>>, vector<16xi32>,
    %swap3A_2668 = arith.constant 7 : i32
    %swap3A_2669 = arith.index_cast %swap3A_2668 : i32 to index
    %swap3A_2670 = arith.constant 0 : index
    %swap3A_2671 = tpu.vector_load %arg9[%swap3A_2669, %swap3A_2670] {strides = array<i32>} : memref<8x32xi32, #tpu.memory_space<vmem>>, vector<16xi32>,
    tpu.vector_store %arg9[%swap3A_2669, %swap3A_2670], %select_n3A_2658 {strides = array<i32>} : memref<8x32xi32, #tpu.memory_space<vmem>>, vector<16xi32>,
    %get3A_2672 = arith.constant 240 : index
    %get3A_2673 = tpu.vector_load %arg8[%get3A_2672] {strides = array<i32>} : memref<256xi32, #tpu.memory_space<vmem>>, vector<16xi32>,
    %eq3A_2674 = arith.constant 0 : i32
    %eq3A_2675 = vector.broadcast %eq3A_2674 : i32 to vector<16xi32>
    %eq3A_2676 = arith.cmpi eq, %get3A_2673, %eq3A_2675 : vector<16xi32>
    %convert_element_type3A_2677 = arith.extui %eq3A_2676 : vector<16xi1> to vector<16xi32>
    %cumsum3A_2678 = arith.constant true
    %cumsum3A_2679 = vector.broadcast %cumsum3A_2678 : i1 to vector<16xi1>
    %cumsum3A_2680 = tpu.scan <sum>, %convert_element_type3A_2677 masked %cumsum3A_2679 : vector<16xi32>, vector<16xi1> -> vector<16xi32>
    %add3A_2681 = arith.addi %add3A_2532, %cumsum3A_2680 : vector<16xi32>
    %sub3A_2682 = arith.constant 1 : i32
    %sub3A_2683 = vector.broadcast %sub3A_2682 : i32 to vector<16xi32>
    %sub3A_2684 = arith.subi %add3A_2681, %sub3A_2683 : vector<16xi32>
    %select_n3A_2685 = arith.select %eq3A_2676, %sub3A_2684, %broadcast_in_dim3A_21 : vector<16xi1>, vector<16xi32>
    %convert_element_type3A_2686 = arith.extui %eq3A_2676 : vector<16xi1> to vector<16xi32>
    %reduce_sum3A_2687 = arith.constant true
    %reduce_sum3A_2688 = vector.broadcast %reduce_sum3A_2687 : i1 to vector<16xi1>
    %reduce_sum3A_2689 = tpu.scan <sum>, %convert_element_type3A_2686 masked %reduce_sum3A_2688 : vector<16xi32>, vector<16xi1> -> vector<16xi32>
    %reduce_sum3A_2690 = vector.extract %reduce_sum3A_2689[15] : i32 from vector<16xi32>
    %add3A_2691 = vector.broadcast %reduce_sum3A_2690 : i32 to vector<16xi32>
    %add3A_2692 = arith.addi %add3A_2532, %add3A_2691 : vector<16xi32>
    %eq3A_2693 = arith.constant 1 : i32
    %eq3A_2694 = vector.broadcast %eq3A_2693 : i32 to vector<16xi32>
    %eq3A_2695 = arith.cmpi eq, %get3A_2673, %eq3A_2694 : vector<16xi32>
    %convert_element_type3A_2696 = arith.extui %eq3A_2695 : vector<16xi1> to vector<16xi32>
    %cumsum3A_2697 = arith.constant true
    %cumsum3A_2698 = vector.broadcast %cumsum3A_2697 : i1 to vector<16xi1>
    %cumsum3A_2699 = tpu.scan <sum>, %convert_element_type3A_2696 masked %cumsum3A_2698 : vector<16xi32>, vector<16xi1> -> vector<16xi32>
    %add3A_2700 = arith.addi %add3A_2551, %cumsum3A_2699 : vector<16xi32>
    %sub3A_2701 = arith.constant 1 : i32
    %sub3A_2702 = vector.broadcast %sub3A_2701 : i32 to vector<16xi32>
    %sub3A_2703 = arith.subi %add3A_2700, %sub3A_2702 : vector<16xi32>
    %select_n3A_2704 = arith.select %eq3A_2695, %sub3A_2703, %select_n3A_2685 : vector<16xi1>, vector<16xi32>
    %convert_element_type3A_2705 = arith.extui %eq3A_2695 : vector<16xi1> to vector<16xi32>
    %reduce_sum3A_2706 = arith.constant true
    %reduce_sum3A_2707 = vector.broadcast %reduce_sum3A_2706 : i1 to vector<16xi1>
    %reduce_sum3A_2708 = tpu.scan <sum>, %convert_element_type3A_2705 masked %reduce_sum3A_2707 : vector<16xi32>, vector<16xi1> -> vector<16xi32>
    %reduce_sum3A_2709 = vector.extract %reduce_sum3A_2708[15] : i32 from vector<16xi32>
    %add3A_2710 = vector.broadcast %reduce_sum3A_2709 : i32 to vector<16xi32>
    %add3A_2711 = arith.addi %add3A_2551, %add3A_2710 : vector<16xi32>
    %eq3A_2712 = arith.constant 2 : i32
    %eq3A_2713 = vector.broadcast %eq3A_2712 : i32 to vector<16xi32>
    %eq3A_2714 = arith.cmpi eq, %get3A_2673, %eq3A_2713 : vector<16xi32>
    %convert_element_type3A_2715 = arith.extui %eq3A_2714 : vector<16xi1> to vector<16xi32>
    %cumsum3A_2716 = arith.constant true
    %cumsum3A_2717 = vector.broadcast %cumsum3A_2716 : i1 to vector<16xi1>
    %cumsum3A_2718 = tpu.scan <sum>, %convert_element_type3A_2715 masked %cumsum3A_2717 : vector<16xi32>, vector<16xi1> -> vector<16xi32>
    %add3A_2719 = arith.addi %add3A_2570, %cumsum3A_2718 : vector<16xi32>
    %sub3A_2720 = arith.constant 1 : i32
    %sub3A_2721 = vector.broadcast %sub3A_2720 : i32 to vector<16xi32>
    %sub3A_2722 = arith.subi %add3A_2719, %sub3A_2721 : vector<16xi32>
    %select_n3A_2723 = arith.select %eq3A_2714, %sub3A_2722, %select_n3A_2704 : vector<16xi1>, vector<16xi32>
    %convert_element_type3A_2724 = arith.extui %eq3A_2714 : vector<16xi1> to vector<16xi32>
    %reduce_sum3A_2725 = arith.constant true
    %reduce_sum3A_2726 = vector.broadcast %reduce_sum3A_2725 : i1 to vector<16xi1>
    %reduce_sum3A_2727 = tpu.scan <sum>, %convert_element_type3A_2724 masked %reduce_sum3A_2726 : vector<16xi32>, vector<16xi1> -> vector<16xi32>
    %reduce_sum3A_2728 = vector.extract %reduce_sum3A_2727[15] : i32 from vector<16xi32>
    %add3A_2729 = vector.broadcast %reduce_sum3A_2728 : i32 to vector<16xi32>
    %add3A_2730 = arith.addi %add3A_2570, %add3A_2729 : vector<16xi32>
    %eq3A_2731 = arith.constant 3 : i32
    %eq3A_2732 = vector.broadcast %eq3A_2731 : i32 to vector<16xi32>
    %eq3A_2733 = arith.cmpi eq, %get3A_2673, %eq3A_2732 : vector<16xi32>
    %convert_element_type3A_2734 = arith.extui %eq3A_2733 : vector<16xi1> to vector<16xi32>
    %cumsum3A_2735 = arith.constant true
    %cumsum3A_2736 = vector.broadcast %cumsum3A_2735 : i1 to vector<16xi1>
    %cumsum3A_2737 = tpu.scan <sum>, %convert_element_type3A_2734 masked %cumsum3A_2736 : vector<16xi32>, vector<16xi1> -> vector<16xi32>
    %add3A_2738 = arith.addi %add3A_2589, %cumsum3A_2737 : vector<16xi32>
    %sub3A_2739 = arith.constant 1 : i32
    %sub3A_2740 = vector.broadcast %sub3A_2739 : i32 to vector<16xi32>
    %sub3A_2741 = arith.subi %add3A_2738, %sub3A_2740 : vector<16xi32>
    %select_n3A_2742 = arith.select %eq3A_2733, %sub3A_2741, %select_n3A_2723 : vector<16xi1>, vector<16xi32>
    %convert_element_type3A_2743 = arith.extui %eq3A_2733 : vector<16xi1> to vector<16xi32>
    %reduce_sum3A_2744 = arith.constant true
    %reduce_sum3A_2745 = vector.broadcast %reduce_sum3A_2744 : i1 to vector<16xi1>
    %reduce_sum3A_2746 = tpu.scan <sum>, %convert_element_type3A_2743 masked %reduce_sum3A_2745 : vector<16xi32>, vector<16xi1> -> vector<16xi32>
    %reduce_sum3A_2747 = vector.extract %reduce_sum3A_2746[15] : i32 from vector<16xi32>
    %add3A_2748 = vector.broadcast %reduce_sum3A_2747 : i32 to vector<16xi32>
    %add3A_2749 = arith.addi %add3A_2589, %add3A_2748 : vector<16xi32>
    %eq3A_2750 = arith.constant 4 : i32
    %eq3A_2751 = vector.broadcast %eq3A_2750 : i32 to vector<16xi32>
    %eq3A_2752 = arith.cmpi eq, %get3A_2673, %eq3A_2751 : vector<16xi32>
    %convert_element_type3A_2753 = arith.extui %eq3A_2752 : vector<16xi1> to vector<16xi32>
    %cumsum3A_2754 = arith.constant true
    %cumsum3A_2755 = vector.broadcast %cumsum3A_2754 : i1 to vector<16xi1>
    %cumsum3A_2756 = tpu.scan <sum>, %convert_element_type3A_2753 masked %cumsum3A_2755 : vector<16xi32>, vector<16xi1> -> vector<16xi32>
    %add3A_2757 = arith.addi %add3A_2608, %cumsum3A_2756 : vector<16xi32>
    %sub3A_2758 = arith.constant 1 : i32
    %sub3A_2759 = vector.broadcast %sub3A_2758 : i32 to vector<16xi32>
    %sub3A_2760 = arith.subi %add3A_2757, %sub3A_2759 : vector<16xi32>
    %select_n3A_2761 = arith.select %eq3A_2752, %sub3A_2760, %select_n3A_2742 : vector<16xi1>, vector<16xi32>
    %convert_element_type3A_2762 = arith.extui %eq3A_2752 : vector<16xi1> to vector<16xi32>
    %reduce_sum3A_2763 = arith.constant true
    %reduce_sum3A_2764 = vector.broadcast %reduce_sum3A_2763 : i1 to vector<16xi1>
    %reduce_sum3A_2765 = tpu.scan <sum>, %convert_element_type3A_2762 masked %reduce_sum3A_2764 : vector<16xi32>, vector<16xi1> -> vector<16xi32>
    %reduce_sum3A_2766 = vector.extract %reduce_sum3A_2765[15] : i32 from vector<16xi32>
    %add3A_2767 = vector.broadcast %reduce_sum3A_2766 : i32 to vector<16xi32>
    %add3A_2768 = arith.addi %add3A_2608, %add3A_2767 : vector<16xi32>
    %eq3A_2769 = arith.constant 5 : i32
    %eq3A_2770 = vector.broadcast %eq3A_2769 : i32 to vector<16xi32>
    %eq3A_2771 = arith.cmpi eq, %get3A_2673, %eq3A_2770 : vector<16xi32>
    %convert_element_type3A_2772 = arith.extui %eq3A_2771 : vector<16xi1> to vector<16xi32>
    %cumsum3A_2773 = arith.constant true
    %cumsum3A_2774 = vector.broadcast %cumsum3A_2773 : i1 to vector<16xi1>
    %cumsum3A_2775 = tpu.scan <sum>, %convert_element_type3A_2772 masked %cumsum3A_2774 : vector<16xi32>, vector<16xi1> -> vector<16xi32>
    %add3A_2776 = arith.addi %add3A_2627, %cumsum3A_2775 : vector<16xi32>
    %sub3A_2777 = arith.constant 1 : i32
    %sub3A_2778 = vector.broadcast %sub3A_2777 : i32 to vector<16xi32>
    %sub3A_2779 = arith.subi %add3A_2776, %sub3A_2778 : vector<16xi32>
    %select_n3A_2780 = arith.select %eq3A_2771, %sub3A_2779, %select_n3A_2761 : vector<16xi1>, vector<16xi32>
    %convert_element_type3A_2781 = arith.extui %eq3A_2771 : vector<16xi1> to vector<16xi32>
    %reduce_sum3A_2782 = arith.constant true
    %reduce_sum3A_2783 = vector.broadcast %reduce_sum3A_2782 : i1 to vector<16xi1>
    %reduce_sum3A_2784 = tpu.scan <sum>, %convert_element_type3A_2781 masked %reduce_sum3A_2783 : vector<16xi32>, vector<16xi1> -> vector<16xi32>
    %reduce_sum3A_2785 = vector.extract %reduce_sum3A_2784[15] : i32 from vector<16xi32>
    %add3A_2786 = vector.broadcast %reduce_sum3A_2785 : i32 to vector<16xi32>
    %add3A_2787 = arith.addi %add3A_2627, %add3A_2786 : vector<16xi32>
    %eq3A_2788 = arith.constant 6 : i32
    %eq3A_2789 = vector.broadcast %eq3A_2788 : i32 to vector<16xi32>
    %eq3A_2790 = arith.cmpi eq, %get3A_2673, %eq3A_2789 : vector<16xi32>
    %convert_element_type3A_2791 = arith.extui %eq3A_2790 : vector<16xi1> to vector<16xi32>
    %cumsum3A_2792 = arith.constant true
    %cumsum3A_2793 = vector.broadcast %cumsum3A_2792 : i1 to vector<16xi1>
    %cumsum3A_2794 = tpu.scan <sum>, %convert_element_type3A_2791 masked %cumsum3A_2793 : vector<16xi32>, vector<16xi1> -> vector<16xi32>
    %add3A_2795 = arith.addi %add3A_2646, %cumsum3A_2794 : vector<16xi32>
    %sub3A_2796 = arith.constant 1 : i32
    %sub3A_2797 = vector.broadcast %sub3A_2796 : i32 to vector<16xi32>
    %sub3A_2798 = arith.subi %add3A_2795, %sub3A_2797 : vector<16xi32>
    %select_n3A_2799 = arith.select %eq3A_2790, %sub3A_2798, %select_n3A_2780 : vector<16xi1>, vector<16xi32>
    %convert_element_type3A_2800 = arith.extui %eq3A_2790 : vector<16xi1> to vector<16xi32>
    %reduce_sum3A_2801 = arith.constant true
    %reduce_sum3A_2802 = vector.broadcast %reduce_sum3A_2801 : i1 to vector<16xi1>
    %reduce_sum3A_2803 = tpu.scan <sum>, %convert_element_type3A_2800 masked %reduce_sum3A_2802 : vector<16xi32>, vector<16xi1> -> vector<16xi32>
    %reduce_sum3A_2804 = vector.extract %reduce_sum3A_2803[15] : i32 from vector<16xi32>
    %add3A_2805 = vector.broadcast %reduce_sum3A_2804 : i32 to vector<16xi32>
    %add3A_2806 = arith.addi %add3A_2646, %add3A_2805 : vector<16xi32>
    %eq3A_2807 = arith.constant 7 : i32
    %eq3A_2808 = vector.broadcast %eq3A_2807 : i32 to vector<16xi32>
    %eq3A_2809 = arith.cmpi eq, %get3A_2673, %eq3A_2808 : vector<16xi32>
    %convert_element_type3A_2810 = arith.extui %eq3A_2809 : vector<16xi1> to vector<16xi32>
    %cumsum3A_2811 = arith.constant true
    %cumsum3A_2812 = vector.broadcast %cumsum3A_2811 : i1 to vector<16xi1>
    %cumsum3A_2813 = tpu.scan <sum>, %convert_element_type3A_2810 masked %cumsum3A_2812 : vector<16xi32>, vector<16xi1> -> vector<16xi32>
    %add3A_2814 = arith.addi %add3A_2665, %cumsum3A_2813 : vector<16xi32>
    %sub3A_2815 = arith.constant 1 : i32
    %sub3A_2816 = vector.broadcast %sub3A_2815 : i32 to vector<16xi32>
    %sub3A_2817 = arith.subi %add3A_2814, %sub3A_2816 : vector<16xi32>
    %select_n3A_2818 = arith.select %eq3A_2809, %sub3A_2817, %select_n3A_2799 : vector<16xi1>, vector<16xi32>
    %convert_element_type3A_2819 = arith.extui %eq3A_2809 : vector<16xi1> to vector<16xi32>
    %reduce_sum3A_2820 = arith.constant true
    %reduce_sum3A_2821 = vector.broadcast %reduce_sum3A_2820 : i1 to vector<16xi1>
    %reduce_sum3A_2822 = tpu.scan <sum>, %convert_element_type3A_2819 masked %reduce_sum3A_2821 : vector<16xi32>, vector<16xi1> -> vector<16xi32>
    %reduce_sum3A_2823 = vector.extract %reduce_sum3A_2822[15] : i32 from vector<16xi32>
    %add3A_2824 = vector.broadcast %reduce_sum3A_2823 : i32 to vector<16xi32>
    %add3A_2825 = arith.addi %add3A_2665, %add3A_2824 : vector<16xi32>
    %swap3A_2826 = arith.constant 240 : index
    %swap3A_2827 = tpu.vector_load %arg10[%swap3A_2826] {strides = array<i32>} : memref<256xi32, #tpu.memory_space<vmem>>, vector<16xi32>,
    tpu.vector_store %arg10[%swap3A_2826], %select_n3A_2818 {strides = array<i32>} : memref<256xi32, #tpu.memory_space<vmem>>, vector<16xi32>,
    %swap3A_2828 = arith.constant 7 : i32
    %swap3A_2829 = arith.index_cast %swap3A_2828 : i32 to index
    %swap3A_2830 = arith.constant 16 : index
    %swap3A_2831 = tpu.vector_load %arg9[%swap3A_2829, %swap3A_2830] {strides = array<i32>} : memref<8x32xi32, #tpu.memory_space<vmem>>, vector<16xi32>,
    tpu.vector_store %arg9[%swap3A_2829, %swap3A_2830], %select_n3A_2818 {strides = array<i32>} : memref<8x32xi32, #tpu.memory_space<vmem>>, vector<16xi32>,
    %eq3A_2832 = arith.constant 0 : i32
    %eq3A_2833 = arith.cmpi eq, %arg0, %eq3A_2832 : i32
    %convert_element_type3A_2834 = arith.extui %eq3A_2833 : i1 to i32
    %cond3A_2835 = arith.constant 0 : i32
    %cond3A_2836 = arith.cmpi ne, %convert_element_type3A_2834, %cond3A_2835 : i32
    scf.if %cond3A_2836 {
      "tpu.region"() ({
        %run_scoped3A = tpu.sem_alloc : memref<!tpu.dma_semaphore, #tpu.memory_space<semaphore_mem>>
        %dma_start3A_2938 = tpu.memref_slice %arg6[%mul3A_0] : memref<4096xi32, #tpu.memory_space<hbm>> -> memref<256xi32, #tpu.memory_space<hbm>>
        %dma_start3A_2939 = tpu.memref_slice %arg6[%mul3A_0] : memref<4096xi32, #tpu.memory_space<hbm>> -> memref<256xi32, #tpu.memory_space<hbm>>
        tpu.enqueue_dma source(%arg10 : memref<256xi32, #tpu.memory_space<vmem>>) target(%dma_start3A_2939 : memref<256xi32, #tpu.memory_space<hbm>>) target_semaphore(%run_scoped3A : memref<!tpu.dma_semaphore, #tpu.memory_space<semaphore_mem>>)
        %dma_wait3A_2940 = tpu.memref_slice %arg6[%mul3A_0] : memref<4096xi32, #tpu.memory_space<hbm>> -> memref<256xi32, #tpu.memory_space<hbm>>
        %dma_wait3A_2941 = tpu.memref_slice %arg6[%mul3A_0] : memref<4096xi32, #tpu.memory_space<hbm>> -> memref<256xi32, #tpu.memory_space<hbm>>
        tpu.wait_dma2 semaphore(%run_scoped3A : memref<!tpu.dma_semaphore, #tpu.memory_space<semaphore_mem>>) src(%arg10 : memref<256xi32, #tpu.memory_space<vmem>>) dst(%dma_wait3A_2941 : memref<256xi32, #tpu.memory_space<hbm>>)
        tpu.yield
      }) : () -> ()
    } else {
    }
    %dma_wait3A = arith.constant 0 : i32
    %dma_wait3A_2837 = tpu.memref_slice %arg2[%add3A_6, %dma_wait3A] : memref<4096x1024xf32, #tpu.memory_space<hbm>> -> memref<32x1024xf32, #tpu.memory_space<hbm>>
    %dma_wait3A_2838 = arith.constant 0 : i32
    %dma_wait3A_2839 = tpu.memref_slice %arg2[%add3A_6, %dma_wait3A_2838] : memref<4096x1024xf32, #tpu.memory_space<hbm>> -> memref<32x1024xf32, #tpu.memory_space<hbm>>
    tpu.wait_dma2 semaphore(%arg15 : memref<!tpu.dma_semaphore, #tpu.memory_space<semaphore_mem>>) src(%dma_wait3A_2839 : memref<32x1024xf32, #tpu.memory_space<hbm>>) dst(%arg11 : memref<32x1024xf32, #tpu.memory_space<vmem>>)
    %mul3A_2840 = arith.constant 4 : i32
    %mul3A_2841 = arith.muli %mul3A_2840, %arg0 : i32
    %add3A_2842 = arith.constant 0 : i32
    %add3A_2843 = arith.addi %mul3A_2841, %add3A_2842 : i32
    %dma_start3A_2844 = arith.constant 0 : i32
    %dma_start3A_2845 = tpu.memref_slice %arg9[%add3A_2843, %dma_start3A_2844] : memref<8x32xi32, #tpu.memory_space<vmem>> -> memref<1x32xi32, #tpu.memory_space<vmem>>
    %dma_start3A_2846 = tpu.memref_squeeze %dma_start3A_2845 : memref<1x32xi32, #tpu.memory_space<vmem>> -> memref<32xi32, #tpu.memory_space<vmem>>
    %dma_start3A_2847 = arith.constant 0 : i32
    %dma_start3A_2848 = arith.constant 0 : i32
    %dma_start3A_2849 = tpu.memref_slice %arg5[%dma_start3A_2847, %dma_start3A_2848] : memref<4096x1024xf32, #tpu.memory_space<hbm>> -> memref<4096x1024xf32, #tpu.memory_space<hbm>>
    tpu.enqueue_indirect_dma source(%arg11 : memref<32x1024xf32, #tpu.memory_space<vmem>>) target(%dma_start3A_2849 : memref<4096x1024xf32, #tpu.memory_space<hbm>>) offsets(%dma_start3A_2846 : memref<32xi32, #tpu.memory_space<vmem>>) semaphore(%arg17 : memref<!tpu.dma_semaphore, #tpu.memory_space<semaphore_mem>>)
    %dma_wait3A_2850 = arith.constant 0 : i32
    %dma_wait3A_2851 = tpu.memref_slice %arg9[%add3A_2843, %dma_wait3A_2850] : memref<8x32xi32, #tpu.memory_space<vmem>> -> memref<1x32xi32, #tpu.memory_space<vmem>>
    %dma_wait3A_2852 = tpu.memref_squeeze %dma_wait3A_2851 : memref<1x32xi32, #tpu.memory_space<vmem>> -> memref<32xi32, #tpu.memory_space<vmem>>
    %dma_wait3A_2853 = arith.constant 0 : i32
    %dma_wait3A_2854 = arith.constant 0 : i32
    %dma_wait3A_2855 = tpu.memref_slice %arg5[%dma_wait3A_2853, %dma_wait3A_2854] : memref<4096x1024xf32, #tpu.memory_space<hbm>> -> memref<4096x1024xf32, #tpu.memory_space<hbm>>
    tpu.wait_indirect_dma semaphore(%arg17 : memref<!tpu.dma_semaphore, #tpu.memory_space<semaphore_mem>>) src(%arg11 : memref<32x1024xf32, #tpu.memory_space<vmem>>) dst(%dma_wait3A_2855 : memref<4096x1024xf32, #tpu.memory_space<hbm>>)
    %mul3A_2856 = arith.constant 4 : i32
    %mul3A_2857 = arith.muli %mul3A_2856, %arg0 : i32
    %add3A_2858 = arith.constant 2 : i32
    %add3A_2859 = arith.addi %mul3A_2857, %add3A_2858 : i32
    %mul3A_2860 = arith.constant 32 : i32
    %mul3A_2861 = arith.muli %add3A_2859, %mul3A_2860 : i32
    %add3A_2862 = arith.addi %mul3A_0, %mul3A_2861 : i32
    %dma_start3A_2863 = arith.constant 0 : i32
    %dma_start3A_2864 = tpu.memref_slice %arg2[%add3A_2862, %dma_start3A_2863] : memref<4096x1024xf32, #tpu.memory_space<hbm>> -> memref<32x1024xf32, #tpu.memory_space<hbm>>
    %dma_start3A_2865 = arith.constant 0 : i32
    %dma_start3A_2866 = tpu.memref_slice %arg2[%add3A_2862, %dma_start3A_2865] : memref<4096x1024xf32, #tpu.memory_space<hbm>> -> memref<32x1024xf32, #tpu.memory_space<hbm>>
    tpu.enqueue_dma source(%dma_start3A_2866 : memref<32x1024xf32, #tpu.memory_space<hbm>>) target(%arg11 : memref<32x1024xf32, #tpu.memory_space<vmem>>) target_semaphore(%arg15 : memref<!tpu.dma_semaphore, #tpu.memory_space<semaphore_mem>>)
    %dma_wait3A_2867 = arith.constant 0 : i32
    %dma_wait3A_2868 = tpu.memref_slice %arg2[%add3A_16, %dma_wait3A_2867] : memref<4096x1024xf32, #tpu.memory_space<hbm>> -> memref<32x1024xf32, #tpu.memory_space<hbm>>
    %dma_wait3A_2869 = arith.constant 0 : i32
    %dma_wait3A_2870 = tpu.memref_slice %arg2[%add3A_16, %dma_wait3A_2869] : memref<4096x1024xf32, #tpu.memory_space<hbm>> -> memref<32x1024xf32, #tpu.memory_space<hbm>>
    tpu.wait_dma2 semaphore(%arg16 : memref<!tpu.dma_semaphore, #tpu.memory_space<semaphore_mem>>) src(%dma_wait3A_2870 : memref<32x1024xf32, #tpu.memory_space<hbm>>) dst(%arg12 : memref<32x1024xf32, #tpu.memory_space<vmem>>)
    %mul3A_2871 = arith.constant 4 : i32
    %mul3A_2872 = arith.muli %mul3A_2871, %arg0 : i32
    %add3A_2873 = arith.constant 1 : i32
    %add3A_2874 = arith.addi %mul3A_2872, %add3A_2873 : i32
    %dma_start3A_2875 = arith.constant 0 : i32
    %dma_start3A_2876 = tpu.memref_slice %arg9[%add3A_2874, %dma_start3A_2875] : memref<8x32xi32, #tpu.memory_space<vmem>> -> memref<1x32xi32, #tpu.memory_space<vmem>>
    %dma_start3A_2877 = tpu.memref_squeeze %dma_start3A_2876 : memref<1x32xi32, #tpu.memory_space<vmem>> -> memref<32xi32, #tpu.memory_space<vmem>>
    %dma_start3A_2878 = arith.constant 0 : i32
    %dma_start3A_2879 = arith.constant 0 : i32
    %dma_start3A_2880 = tpu.memref_slice %arg5[%dma_start3A_2878, %dma_start3A_2879] : memref<4096x1024xf32, #tpu.memory_space<hbm>> -> memref<4096x1024xf32, #tpu.memory_space<hbm>>
    tpu.enqueue_indirect_dma source(%arg12 : memref<32x1024xf32, #tpu.memory_space<vmem>>) target(%dma_start3A_2880 : memref<4096x1024xf32, #tpu.memory_space<hbm>>) offsets(%dma_start3A_2877 : memref<32xi32, #tpu.memory_space<vmem>>) semaphore(%arg18 : memref<!tpu.dma_semaphore, #tpu.memory_space<semaphore_mem>>)
    %dma_wait3A_2881 = arith.constant 0 : i32
    %dma_wait3A_2882 = tpu.memref_slice %arg9[%add3A_2874, %dma_wait3A_2881] : memref<8x32xi32, #tpu.memory_space<vmem>> -> memref<1x32xi32, #tpu.memory_space<vmem>>
    %dma_wait3A_2883 = tpu.memref_squeeze %dma_wait3A_2882 : memref<1x32xi32, #tpu.memory_space<vmem>> -> memref<32xi32, #tpu.memory_space<vmem>>
    %dma_wait3A_2884 = arith.constant 0 : i32
    %dma_wait3A_2885 = arith.constant 0 : i32
    %dma_wait3A_2886 = tpu.memref_slice %arg5[%dma_wait3A_2884, %dma_wait3A_2885] : memref<4096x1024xf32, #tpu.memory_space<hbm>> -> memref<4096x1024xf32, #tpu.memory_space<hbm>>
    tpu.wait_indirect_dma semaphore(%arg18 : memref<!tpu.dma_semaphore, #tpu.memory_space<semaphore_mem>>) src(%arg12 : memref<32x1024xf32, #tpu.memory_space<vmem>>) dst(%dma_wait3A_2886 : memref<4096x1024xf32, #tpu.memory_space<hbm>>)
    %mul3A_2887 = arith.constant 4 : i32
    %mul3A_2888 = arith.muli %mul3A_2887, %arg0 : i32
    %add3A_2889 = arith.constant 3 : i32
    %add3A_2890 = arith.addi %mul3A_2888, %add3A_2889 : i32
    %mul3A_2891 = arith.constant 32 : i32
    %mul3A_2892 = arith.muli %add3A_2890, %mul3A_2891 : i32
    %add3A_2893 = arith.addi %mul3A_0, %mul3A_2892 : i32
    %dma_start3A_2894 = arith.constant 0 : i32
    %dma_start3A_2895 = tpu.memref_slice %arg2[%add3A_2893, %dma_start3A_2894] : memref<4096x1024xf32, #tpu.memory_space<hbm>> -> memref<32x1024xf32, #tpu.memory_space<hbm>>
    %dma_start3A_2896 = arith.constant 0 : i32
    %dma_start3A_2897 = tpu.memref_slice %arg2[%add3A_2893, %dma_start3A_2896] : memref<4096x1024xf32, #tpu.memory_space<hbm>> -> memref<32x1024xf32, #tpu.memory_space<hbm>>
    tpu.enqueue_dma source(%dma_start3A_2897 : memref<32x1024xf32, #tpu.memory_space<hbm>>) target(%arg12 : memref<32x1024xf32, #tpu.memory_space<vmem>>) target_semaphore(%arg16 : memref<!tpu.dma_semaphore, #tpu.memory_space<semaphore_mem>>)
    %dma_wait3A_2898 = arith.constant 0 : i32
    %dma_wait3A_2899 = tpu.memref_slice %arg2[%add3A_2862, %dma_wait3A_2898] : memref<4096x1024xf32, #tpu.memory_space<hbm>> -> memref<32x1024xf32, #tpu.memory_space<hbm>>
    %dma_wait3A_2900 = arith.constant 0 : i32
    %dma_wait3A_2901 = tpu.memref_slice %arg2[%add3A_2862, %dma_wait3A_2900] : memref<4096x1024xf32, #tpu.memory_space<hbm>> -> memref<32x1024xf32, #tpu.memory_space<hbm>>
    tpu.wait_dma2 semaphore(%arg15 : memref<!tpu.dma_semaphore, #tpu.memory_space<semaphore_mem>>) src(%dma_wait3A_2901 : memref<32x1024xf32, #tpu.memory_space<hbm>>) dst(%arg11 : memref<32x1024xf32, #tpu.memory_space<vmem>>)
    %mul3A_2902 = arith.constant 4 : i32
    %mul3A_2903 = arith.muli %mul3A_2902, %arg0 : i32
    %add3A_2904 = arith.constant 2 : i32
    %add3A_2905 = arith.addi %mul3A_2903, %add3A_2904 : i32
    %dma_start3A_2906 = arith.constant 0 : i32
    %dma_start3A_2907 = tpu.memref_slice %arg9[%add3A_2905, %dma_start3A_2906] : memref<8x32xi32, #tpu.memory_space<vmem>> -> memref<1x32xi32, #tpu.memory_space<vmem>>
    %dma_start3A_2908 = tpu.memref_squeeze %dma_start3A_2907 : memref<1x32xi32, #tpu.memory_space<vmem>> -> memref<32xi32, #tpu.memory_space<vmem>>
    %dma_start3A_2909 = arith.constant 0 : i32
    %dma_start3A_2910 = arith.constant 0 : i32
    %dma_start3A_2911 = tpu.memref_slice %arg5[%dma_start3A_2909, %dma_start3A_2910] : memref<4096x1024xf32, #tpu.memory_space<hbm>> -> memref<4096x1024xf32, #tpu.memory_space<hbm>>
    tpu.enqueue_indirect_dma source(%arg11 : memref<32x1024xf32, #tpu.memory_space<vmem>>) target(%dma_start3A_2911 : memref<4096x1024xf32, #tpu.memory_space<hbm>>) offsets(%dma_start3A_2908 : memref<32xi32, #tpu.memory_space<vmem>>) semaphore(%arg17 : memref<!tpu.dma_semaphore, #tpu.memory_space<semaphore_mem>>)
    %dma_wait3A_2912 = arith.constant 0 : i32
    %dma_wait3A_2913 = tpu.memref_slice %arg2[%add3A_2893, %dma_wait3A_2912] : memref<4096x1024xf32, #tpu.memory_space<hbm>> -> memref<32x1024xf32, #tpu.memory_space<hbm>>
    %dma_wait3A_2914 = arith.constant 0 : i32
    %dma_wait3A_2915 = tpu.memref_slice %arg2[%add3A_2893, %dma_wait3A_2914] : memref<4096x1024xf32, #tpu.memory_space<hbm>> -> memref<32x1024xf32, #tpu.memory_space<hbm>>
    tpu.wait_dma2 semaphore(%arg16 : memref<!tpu.dma_semaphore, #tpu.memory_space<semaphore_mem>>) src(%dma_wait3A_2915 : memref<32x1024xf32, #tpu.memory_space<hbm>>) dst(%arg12 : memref<32x1024xf32, #tpu.memory_space<vmem>>)
    %mul3A_2916 = arith.constant 4 : i32
    %mul3A_2917 = arith.muli %mul3A_2916, %arg0 : i32
    %add3A_2918 = arith.constant 3 : i32
    %add3A_2919 = arith.addi %mul3A_2917, %add3A_2918 : i32
    %dma_start3A_2920 = arith.constant 0 : i32
    %dma_start3A_2921 = tpu.memref_slice %arg9[%add3A_2919, %dma_start3A_2920] : memref<8x32xi32, #tpu.memory_space<vmem>> -> memref<1x32xi32, #tpu.memory_space<vmem>>
    %dma_start3A_2922 = tpu.memref_squeeze %dma_start3A_2921 : memref<1x32xi32, #tpu.memory_space<vmem>> -> memref<32xi32, #tpu.memory_space<vmem>>
    %dma_start3A_2923 = arith.constant 0 : i32
    %dma_start3A_2924 = arith.constant 0 : i32
    %dma_start3A_2925 = tpu.memref_slice %arg5[%dma_start3A_2923, %dma_start3A_2924] : memref<4096x1024xf32, #tpu.memory_space<hbm>> -> memref<4096x1024xf32, #tpu.memory_space<hbm>>
    tpu.enqueue_indirect_dma source(%arg12 : memref<32x1024xf32, #tpu.memory_space<vmem>>) target(%dma_start3A_2925 : memref<4096x1024xf32, #tpu.memory_space<hbm>>) offsets(%dma_start3A_2922 : memref<32xi32, #tpu.memory_space<vmem>>) semaphore(%arg18 : memref<!tpu.dma_semaphore, #tpu.memory_space<semaphore_mem>>)
    %dma_wait3A_2926 = arith.constant 0 : i32
    %dma_wait3A_2927 = tpu.memref_slice %arg9[%add3A_2905, %dma_wait3A_2926] : memref<8x32xi32, #tpu.memory_space<vmem>> -> memref<1x32xi32, #tpu.memory_space<vmem>>
    %dma_wait3A_2928 = tpu.memref_squeeze %dma_wait3A_2927 : memref<1x32xi32, #tpu.memory_space<vmem>> -> memref<32xi32, #tpu.memory_space<vmem>>
    %dma_wait3A_2929 = arith.constant 0 : i32
    %dma_wait3A_2930 = arith.constant 0 : i32
    %dma_wait3A_2931 = tpu.memref_slice %arg5[%dma_wait3A_2929, %dma_wait3A_2930] : memref<4096x1024xf32, #tpu.memory_space<hbm>> -> memref<4096x1024xf32, #tpu.memory_space<hbm>>
    tpu.wait_indirect_dma semaphore(%arg17 : memref<!tpu.dma_semaphore, #tpu.memory_space<semaphore_mem>>) src(%arg11 : memref<32x1024xf32, #tpu.memory_space<vmem>>) dst(%dma_wait3A_2931 : memref<4096x1024xf32, #tpu.memory_space<hbm>>)
    %dma_wait3A_2932 = arith.constant 0 : i32
    %dma_wait3A_2933 = tpu.memref_slice %arg9[%add3A_2919, %dma_wait3A_2932] : memref<8x32xi32, #tpu.memory_space<vmem>> -> memref<1x32xi32, #tpu.memory_space<vmem>>
    %dma_wait3A_2934 = tpu.memref_squeeze %dma_wait3A_2933 : memref<1x32xi32, #tpu.memory_space<vmem>> -> memref<32xi32, #tpu.memory_space<vmem>>
    %dma_wait3A_2935 = arith.constant 0 : i32
    %dma_wait3A_2936 = arith.constant 0 : i32
    %dma_wait3A_2937 = tpu.memref_slice %arg5[%dma_wait3A_2935, %dma_wait3A_2936] : memref<4096x1024xf32, #tpu.memory_space<hbm>> -> memref<4096x1024xf32, #tpu.memory_space<hbm>>
    tpu.wait_indirect_dma semaphore(%arg18 : memref<!tpu.dma_semaphore, #tpu.memory_space<semaphore_mem>>) src(%arg12 : memref<32x1024xf32, #tpu.memory_space<vmem>>) dst(%dma_wait3A_2937 : memref<4096x1024xf32, #tpu.memory_space<hbm>>)
    return
  }
}

module attributes {stable_mosaic.version = 14 : i64} {
  func.func @_gemm_body(%arg0: i32, %arg1: memref<23xi32, #tpu.memory_space<smem>>, %arg2: memref<23xi32, #tpu.memory_space<smem>>, %arg3: memref<23xi32, #tpu.memory_space<smem>>, %arg4: memref<23xi32, #tpu.memory_space<smem>>, %arg5: memref<256x1024xf32, #tpu.memory_space<vmem>>, %arg6: memref<1x1024x1024xf32, #tpu.memory_space<vmem>>, %arg7: memref<1x1x1024xf32, #tpu.memory_space<vmem>>, %arg8: memref<256x1024xf32, #tpu.memory_space<vmem>>) attributes {dimension_semantics = [#tpu.dimension_semantics<arbitrary>], iteration_bounds = array<i64: 23>, scalar_prefetch = 4 : i64, scratch_operands = 0 : i64, tpu.core_type = #tpu.core_type<tc>, window_params = [{transform_indices = @transform_0, window_bounds = array<i64: 256, 1024>}, {transform_indices = @transform_1, window_bounds = array<i64: 1, 1024, 1024>}, {transform_indices = @transform_2, window_bounds = array<i64: 1, 1, 1024>}, {transform_indices = @transform_3, window_bounds = array<i64: 256, 1024>}]} {
    %get3A = arith.index_cast %arg0 : i32 to index
    %get3A_0 = memref.load %arg1[%get3A] : memref<23xi32, #tpu.memory_space<smem>>
    %get3A_1 = arith.index_cast %arg0 : i32 to index
    %get3A_2 = memref.load %arg2[%get3A_1] : memref<23xi32, #tpu.memory_space<smem>>
    %get3A_3 = arith.index_cast %arg0 : i32 to index
    %get3A_4 = memref.load %arg3[%get3A_3] : memref<23xi32, #tpu.memory_space<smem>>
    %lt3A = arith.cmpi slt, %get3A_0, %get3A_2 : i32
    %convert_element_type3A = arith.extui %lt3A : i1 to i32
    %cond3A = arith.constant 0 : i32
    %cond3A_5 = arith.cmpi ne, %convert_element_type3A, %cond3A : i32
    scf.if %cond3A_5 {
      %get3A_6 = arith.constant 0 : index
      %get3A_7 = arith.constant 0 : index
      %get3A_8 = vector.load %arg5[%get3A_6, %get3A_7] : memref<256x1024xf32, #tpu.memory_space<vmem>>, vector<256x1024xf32>
      %get3A_9 = arith.constant 0 : index
      %get3A_10 = arith.constant 0 : index
      %get3A_11 = arith.constant 0 : index
      %get3A_12 = vector.load %arg6[%get3A_9, %get3A_10, %get3A_11] : memref<1x1024x1024xf32, #tpu.memory_space<vmem>>, vector<1x1024x1024xf32>
      %get3A_13 = vector.shape_cast %get3A_12 : vector<1x1024x1024xf32> to vector<1024x1024xf32>
      %dot_general3A = arith.constant dense<0.000000e+00> : vector<256x1024xf32>
      %dot_general3A_14 = tpu.matmul %get3A_8, %get3A_13, %dot_general3A {dimension_numbers = #tpu.dot_dimension_numbers<[1], [0], [0], [1], [0, 0, 1, 1], [], []>, transpose_lhs_hint = false} : vector<256x1024xf32>, vector<1024x1024xf32>, vector<256x1024xf32> -> vector<256x1024xf32>
      %get3A_15 = arith.constant 0 : index
      %get3A_16 = arith.constant 0 : index
      %get3A_17 = arith.constant 0 : index
      %get3A_18 = vector.load %arg7[%get3A_15, %get3A_16, %get3A_17] : memref<1x1x1024xf32, #tpu.memory_space<vmem>>, vector<1x1x1024xf32>
      %get3A_19 = vector.shape_cast %get3A_18 : vector<1x1x1024xf32> to vector<1x1024xf32>
      %add3A = vector.broadcast %get3A_19 : vector<1x1024xf32> to vector<256x1024xf32>
      %add3A_20 = arith.addf %dot_general3A_14, %add3A : vector<256x1024xf32>
      %iota3A = tpu.iota {dimensions = array<i32: 0>} : vector<256x1xi32>
      %mul3A = arith.constant 256 : i32
      %mul3A_21 = arith.muli %get3A_4, %mul3A : i32
      %sub3A = arith.subi %get3A_0, %mul3A_21 : i32
      %ge3A = vector.broadcast %sub3A : i32 to vector<256x1xi32>
      %ge3A_22 = arith.cmpi sge, %iota3A, %ge3A : vector<256x1xi32>
      %sub3A_23 = arith.subi %get3A_2, %mul3A_21 : i32
      %lt3A_24 = vector.broadcast %sub3A_23 : i32 to vector<256x1xi32>
      %lt3A_25 = arith.cmpi slt, %iota3A, %lt3A_24 : vector<256x1xi32>
      %and3A = arith.andi %ge3A_22, %lt3A_25 : vector<256x1xi1>
      %get3A_26 = arith.constant 0 : index
      %get3A_27 = arith.constant 0 : index
      %get3A_28 = vector.load %arg8[%get3A_26, %get3A_27] : memref<256x1024xf32, #tpu.memory_space<vmem>>, vector<256x1024xf32>
      %broadcast_in_dim3A = vector.shape_cast %and3A : vector<256x1xi1> to vector<256x1xi1>
      %broadcast_in_dim3A_29 = vector.broadcast %broadcast_in_dim3A : vector<256x1xi1> to vector<256x1024xi1>
      %select_n3A = arith.select %broadcast_in_dim3A_29, %add3A_20, %get3A_28 : vector<256x1024xi1>, vector<256x1024xf32>
      %swap3A = arith.constant 0 : index
      %swap3A_30 = arith.constant 0 : index
      %swap3A_31 = vector.load %arg8[%swap3A, %swap3A_30] : memref<256x1024xf32, #tpu.memory_space<vmem>>, vector<256x1024xf32>
      tpu.vector_store %arg8[%swap3A, %swap3A_30], %select_n3A {strides = array<i32>} : memref<256x1024xf32, #tpu.memory_space<vmem>>, vector<256x1024xf32>,
    } else {
    }
    return
  }
  func.func @transform_0(%arg0: i32, %arg1: memref<23xi32, #tpu.memory_space<smem>>, %arg2: memref<23xi32, #tpu.memory_space<smem>>, %arg3: memref<23xi32, #tpu.memory_space<smem>>, %arg4: memref<23xi32, #tpu.memory_space<smem>>) -> (i32, i32) {
    %get3A = arith.index_cast %arg0 : i32 to index
    %get3A_0 = memref.load %arg3[%get3A] : memref<23xi32, #tpu.memory_space<smem>>
    %c0_i32 = arith.constant 0 : i32
    %c0_i32_1 = arith.constant 0 : i32
    return %get3A_0, %c0_i32 : i32, i32
  }
  func.func @transform_1(%arg0: i32, %arg1: memref<23xi32, #tpu.memory_space<smem>>, %arg2: memref<23xi32, #tpu.memory_space<smem>>, %arg3: memref<23xi32, #tpu.memory_space<smem>>, %arg4: memref<23xi32, #tpu.memory_space<smem>>) -> (i32, i32, i32) {
    %get3A = arith.index_cast %arg0 : i32 to index
    %get3A_0 = memref.load %arg4[%get3A] : memref<23xi32, #tpu.memory_space<smem>>
    %c0_i32 = arith.constant 0 : i32
    %c0_i32_1 = arith.constant 0 : i32
    %c0_i32_2 = arith.constant 0 : i32
    return %get3A_0, %c0_i32, %c0_i32_1 : i32, i32, i32
  }
  func.func @transform_2(%arg0: i32, %arg1: memref<23xi32, #tpu.memory_space<smem>>, %arg2: memref<23xi32, #tpu.memory_space<smem>>, %arg3: memref<23xi32, #tpu.memory_space<smem>>, %arg4: memref<23xi32, #tpu.memory_space<smem>>) -> (i32, i32, i32) {
    %get3A = arith.index_cast %arg0 : i32 to index
    %get3A_0 = memref.load %arg4[%get3A] : memref<23xi32, #tpu.memory_space<smem>>
    %c0_i32 = arith.constant 0 : i32
    %c0_i32_1 = arith.constant 0 : i32
    %c0_i32_2 = arith.constant 0 : i32
    return %get3A_0, %c0_i32, %c0_i32_1 : i32, i32, i32
  }
  func.func @transform_3(%arg0: i32, %arg1: memref<23xi32, #tpu.memory_space<smem>>, %arg2: memref<23xi32, #tpu.memory_space<smem>>, %arg3: memref<23xi32, #tpu.memory_space<smem>>, %arg4: memref<23xi32, #tpu.memory_space<smem>>) -> (i32, i32) {
    %get3A = arith.index_cast %arg0 : i32 to index
    %get3A_0 = memref.load %arg3[%get3A] : memref<23xi32, #tpu.memory_space<smem>>
    %c0_i32 = arith.constant 0 : i32
    %c0_i32_1 = arith.constant 0 : i32
    return %get3A_0, %c0_i32 : i32, i32
  }
}

</mosaic_0001>

<sc_bundles>
// kernel: kernel.5.cloned.1.call-start
scs
__scs_entry_jumppad:
0x0: {  	(pc) =	sbr.rel $0x88, $3  }
0x1: {  	(tag) =	ssettag $0x0;
	lr =	simm.s32 $0x1  }
0x2: {  	[smem:$0x3F9D] =	sst lr;
	_ =	strace $0xD0000000  }
0x3: {  	_ = 	snop  }
0x4: {  	_ = 	snop  }
0x5: {  	_ = 	snop  }
0x6: {  	_ = 	snop  }
0x7: {  	_ = 	snop  }
__scs_overlays_trampoline_lowered:
0x8: {  	[smem:$0x3FAC] =	sst s0  }
0x9: {  	[smem:$0x3FAD] =	sst s1  }
0xa: {  	[smem:$0x3FAE] =	sst s2  }
0xb: {  	[smem:$0x3FAF] =	sst s3  }
0xc: {  	[smem:$0x3FB0] =	sst s4  }
0xd: {  	[smem:$0x3FB1] =	sst s5  }
0xe: {  	[smem:$0x3FB2] =	sst s6  }
0xf: {  	[smem:$0x3FB3] =	sst s7  }
0x10: {  	[smem:$0x3FB4] =	sst s8  }
0x11: {  	[smem:$0x3FB5] =	sst s9;
	s0 =	simm.s32 @!p0 $0x0  }
0x12: {  	s1 =	sld [smem:$0x3F9B];
	s0 =	simm.s32 @p0 $0x1  }
0x13: {  	[smem:$0x3FB6] =	sst s0;
	s0 =	simm.s32 @!p1 $0x0  }
0x14: {  	s2 =	sld [smem:$0x3F9A];
	s0 =	simm.s32 @p1 $0x1  }
0x15: {  	[smem:$0x3FB7] =	sst s0;
	s0 =	simm.s32 @!p2 $0x0  }
0x16: {  	s3 =	sld [smem:$0x3FDB];
	s0 =	simm.s32 @p2 $0x1  }
0x17: {  	s4 =	simm.s32 $0x1BF5;
	[smem:$0x3FB9] =	sst s0  }
0x18: {  	s0 =	sld [smem:$0x3F9C];
	_ =	swait.ge [sflag:s4], $0x0  }
0x19: {  	s7 =	sld [smem:$0x3F9D]  }
0x1a: {  	s8 =	sadd.s32 $0xFFFFE003, lr  }
0x1b: {  	s9 =	sadd.s32 $0xFFFFFEF7, lr;
	s5 =	simm.s32 $0xFFFFFFFF;
	p2 =	slt.u32 s8, $0xFFFFF086  }
0x1c: {  	p1 =	slt.u32 s9, $0xF7A;
	s5 =	simm.s32 @!p2 $0x0  }
0x1d: {  	s5 =	simm.s32 @p1 $0x1;
	p0 =	seq.s32 s7, s2  }
0x1e: {  	s7 =	smul.u32 @!p0 $0xF7A, s2;
	p2 =	seq.s32 @!p0 s5, $0x0  }
0x1f: {  	s9 =	smul.u32 $0xF7A, s1;
	s8 =	simm.s32 @!p0 $0x1BF5;
	p2 =	por !p2, p0  }
0x20: {  	[sflag:s8] =	ssyncset.s32 @!p0 $0xFFFFF086;
	s6 =	sadd.s32 @!p0 s3, s7;
	s7 =	simm.s32 @!p0 $0x108  }
0x21: {  	s3 =	sadd.s32 s3, s9;
	s6 =	sadd.s32 @!p0 $0x88, s6;
	s7 =	simm.s32 @p2 $0x1082  }
0x22: {  	[simem:s7], [sflag:s8] =	dma.local @!p0 [hbm:s6], $0xF7A  }
0x23: {  	s9 =	sor.u32 $0xD0000000, s2;
	s6 =	simm.s32 $0x108;
	_ =	swait.ge @!p0 [sflag:s8], $0x0  }
0x24: {  	s3 =	sadd.s32 $0x88, s3;
	s6 =	simm.s32 @!p1 $0x1082;
	[sflag:s4] =	ssyncset.s32 $0xFFFFF086  }
0x25: {  	[simem:s6], [sflag:s4] =	dma.local [hbm:s3], $0xF7A  }
0x26: {  	[smem:$0x3F9D] =	sst s1;
	(tag) =	ssettag s2;
	_ =	strace s9  }
0x27: {  	s1 =	sld [smem:$0x3FAD]  }
0x28: {  	s2 =	sld [smem:$0x3FAE]  }
0x29: {  	s4 =	sld [smem:$0x3FB0]  }
0x2a: {  	p0 =	seq.s32 s5, $0x0;
	s5 =	sld [smem:$0x3FB1]  }
0x2b: {  	s6 =	sld [smem:$0x3FB2]  }
0x2c: {  	s7 =	sld [smem:$0x3FB3]  }
0x2d: {  	s3 =	simm.s32 $0x108;
	s8 =	sld [smem:$0x3FB4]  }
0x2e: {  	s3 =	simm.s32 @!p0 $0x1082;
	s9 =	sld [smem:$0x3FB5]  }
0x2f: {  	lr =	sadd.s32 s0, s3;
	s0 =	sld [smem:$0x3FAC]  }
0x30: {  	s3 =	sld [smem:$0x3FAF]  }
0x31: {  	[smem:$0x3FB8] =	sst s10  }
0x32: {  	s10 =	sld [smem:$0x3FB6];
	_ =	sdelay $0x3  }
0x33: {  	p0 =	seq.s32 s10, $0x1;
	s10 =	sld [smem:$0x3FB8];
	_ =	sdelay $0x3  }
0x34: {  	[smem:$0x3FB8] =	sst s10  }
0x35: {  	s10 =	sld [smem:$0x3FB7];
	_ =	sdelay $0x3  }
0x36: {  	p1 =	seq.s32 s10, $0x1;
	s10 =	sld [smem:$0x3FB8];
	_ =	sdelay $0x3  }
0x37: {  	[smem:$0x3FB8] =	sst s10  }
0x38: {  	s10 =	sld [smem:$0x3FB9]  }
0x39: {  	_ = 	snop;
	(pc) =	sbr.ind lr, $3  }
0x3a: {  	_ = 	snop  }
0x3b: {  	_ = 	snop  }
0x3c: {  	p2 =	seq.s32 s10, $0x1;
	s10 =	sld [smem:$0x3FB8]  }
0x3d: {  	_ =	shalt  }
0x3e: {  	_ =	shalt  }
0x3f: {  	_ =	shalt  }
0x40: {  	_ =	shalt  }
0x41: {  	_ =	shalt  }
0x42: {  	_ =	shalt  }
0x43: {  	_ =	shalt  }
0x44: {  	_ =	shalt  }
0x45: {  	_ =	shalt  }
0x46: {  	_ =	shalt  }
0x47: {  	_ =	shalt  }
0x48: {  	_ =	shalt  }
0x49: {  	_ =	shalt  }
0x4a: {  	_ =	shalt  }
0x4b: {  	_ =	shalt  }
0x4c: {  	_ =	shalt  }
0x4d: {  	_ =	shalt  }
0x4e: {  	_ =	shalt  }
0x4f: {  	_ =	shalt  }
0x50: {  	_ =	shalt  }
0x51: {  	_ =	shalt  }
0x52: {  	_ =	shalt  }
0x53: {  	_ =	shalt  }
0x54: {  	_ =	shalt  }
0x55: {  	_ =	shalt  }
0x56: {  	_ =	shalt  }
0x57: {  	_ =	shalt  }
0x58: {  	_ =	shalt  }
0x59: {  	_ =	shalt  }
0x5a: {  	_ =	shalt  }
0x5b: {  	_ =	shalt  }
0x5c: {  	_ =	shalt  }
0x5d: {  	_ =	shalt  }
0x5e: {  	_ =	shalt  }
0x5f: {  	_ =	shalt  }
0x60: {  	_ =	shalt  }
0x61: {  	_ =	shalt  }
0x62: {  	_ =	shalt  }
0x63: {  	_ =	shalt  }
0x64: {  	_ =	shalt  }
0x65: {  	_ =	shalt  }
0x66: {  	_ =	shalt  }
0x67: {  	_ =	shalt  }
0x68: {  	_ =	shalt  }
0x69: {  	_ =	shalt  }
0x6a: {  	_ =	shalt  }
0x6b: {  	_ =	shalt  }
0x6c: {  	_ =	shalt  }
0x6d: {  	_ =	shalt  }
0x6e: {  	_ =	shalt  }
0x6f: {  	_ =	shalt  }
0x70: {  	_ =	shalt  }
0x71: {  	_ =	shalt  }
0x72: {  	_ =	shalt  }
0x73: {  	_ =	shalt  }
0x74: {  	_ =	shalt  }
0x75: {  	_ =	shalt  }
0x76: {  	_ =	shalt  }
0x77: {  	_ =	shalt  }
0x78: {  	_ =	shalt  }
0x79: {  	_ =	shalt  }
0x7a: {  	_ =	shalt  }
0x7b: {  	_ =	shalt  }
0x7c: {  	_ =	shalt  }
0x7d: {  	_ =	shalt  }
0x7e: {  	_ =	shalt  }
0x7f: {  	_ =	shalt  }
0x80: {  	_ =	shalt  }
0x81: {  	_ =	shalt  }
0x82: {  	_ =	shalt  }
0x83: {  	_ =	shalt  }
0x84: {  	_ =	shalt  }
0x85: {  	_ =	shalt  }
0x86: {  	_ =	shalt  }
0x87: {  	_ =	shalt  }
.Lfunc_end0:
.L_simem_size_0:
called_computation_lowered:
.L_overlay_start_0:
0x88: {  	s2 =	sld [smem:$0x3FD9]  }
0x89: {  	s3 =	sld [smem:$0x3FFE];
	_ =	sdelay $0x1  }
0x8a: {  	s1 =	srdreg.scid  }
0x8b: {  	s0 =	sand.u32 $0x1, s1  }
0x8c: {  	s17 =	sshll.u32 s0, $0xA;
	s2 =	sadd.s32 s3, s2  }
0x8d: {  	s2 =	sadd.s32 s2, s17  }
0x8e: {  	[smem:$0x3FC4] =	sst s2  }
0x8f: {  	_ = 	snop  }
0x90: {  	s2 =	sld [smem:$0x3FC9]  }
0x91: {  	s18 =	sld [smem:$0x3FC8]  }
0x92: {  	s4 =	sld [smem:$0x3FD0];
	(tm) =	ssettm $0x1  }
0x93: {  	s5 =	sld [smem:$0x3FFB];
	_ =	sdelay $0x3  }
0x94: {  	_ =	strace s5  }
0x95: {  	s5 =	sld [smem:$0x3FFC];
	_ =	sdelay $0x3  }
0x96: {  	_ =	strace s5  }
0x97: {  	s5 =	sld [smem:$0x3FFD];
	_ =	sdelay $0x3  }
0x98: {  	_ =	strace s5  }
0x99: {  	_ =	strace $0x8FFFFFFF  }
0x9a: {  	s19 =	sld [smem:$0x3FDB];
	_ =	sdelay $0x1  }
0x9b: {  	s6 =	simm.s32 $_scs_section_size  }
0x9c: {  	s7 =	simm.s32 $_size__tile_overlayer_lowered;
	s8 =	simm.s32 $_tile_overlayer_lowered  }
0x9d: {  	s22 =	simm.s32 $0x1BFF;
	s21 =	sshll.u32 s8, $0x1;
	s5 =	sadd.s32 s6, s19  }
0x9e: {  	s9 =	simm.s32 $0x0;
	s20 =	sshll.u32 s7, $0x1;
	s7 =	sadd.s32 s21, s5  }
0x9f: {  	[timem:s9], [sflag:s22] =	dma.local [hbm:s7], s20  }
0xa0: {  	_ =	swait.ge [sflag:s22], s20  }
0xa1: {  	s6 =	ssub.s32 $0x0, s20;
	[sflag:s22] =	ssyncset.done $0x0  }
0xa2: {  	[sflag:s22] =	ssyncadd.s32 s6;
	_ =	sdelay $0x1  }
0xa3: {  	s23 =	simm.s32 $0x1B8B  }
0xa4: {  	_ =	swait.ge [sflag:s23], $0x1  }
0xa5: {  	[sflag:s23] =	ssyncset.done $0x0  }
0xa6: {  	s25 =	simm.s32 $0x1B8E;
	s24 =	sld [smem:$0x3FFE];
	[sflag:s23] =	ssyncadd.s32 $0xFFFFFFFF  }
0xa7: {  	s26 =	simm.s32 $execute0_lowered;
	[smem:$0x3FD2] =	sst s25  }
0xa8: {  	s7 =	sshll.u32 s26, $0x1;
	_ =	strace $0x80000046;
	[dreg:$0x1] =	wrdreg $0xFFFFFFFF  }
0xa9: {  	s28 =	simm.s32 $_size_execute0_lowered;
	s5 =	sadd.s32 s5, s7;
	[dreg:$0x0] =	wrdreg $0x0  }
0xaa: {  	s7 =	sshll.u32 s28, $0x1;
	[dreg:$0x2] =	wrdreg s5  }
0xab: {  	[dreg:$0x3] =	wrdreg s7  }
0xac: {  	[dreg:$0x4] =	wrdreg $0xC0  }
0xad: {  	_ =	task [dreg:s9], $0x5FFFF  }
0xae: {  	[dreg:$0x1] =	wrdreg $0xFFFFFFFF  }
0xaf: {  	[dreg:$0x0] =	wrdreg $0x60  }
0xb0: {  	[dreg:$0x2] =	wrdreg s2  }
0xb1: {  	[dreg:$0x3] =	wrdreg s18  }
0xb2: {  	[dreg:$0x4] =	wrdreg s24  }
0xb3: {  	[dreg:$0x5] =	wrdreg s4  }
0xb4: {  	[dreg:$0x6] =	wrdreg $0x9  }
0xb5: {  	_ =	task.clear_ibuf [dreg:s9], $0x7FFFF;
	_ =	strace $0x90000046  }
0xb6: {  	s29 =	simm.s32 $0x9;
	_ =	strace $0x80000048  }
0xb7: {  	_ =	swait.ge [sflag:s29], $0x1  }
0xb8: {  	[sflag:s29] =	ssyncadd.s32 $0xFFFFFFFF  }
0xb9: {  	_ =	strace $0x90000048  }
0xba: {  	_ =	sfence  }
0xbb: {  	s30 =	sld [smem:$0x0];
	_ =	sdelay $0x2  }
0xbc: {  	s31 =	sshll.u32 s1, $0xD;
	s1 =	sshrl.u32 s1, $0x2  }
0xbd: {  	s3 =	sand.u32 $0x4000, s31;
	s1 =	sadd.s32 s1, s30  }
0xbe: {  	s0 =	sor.u32 s3, s0;
	s1 =	sshll.u32 s1, $0x11  }
0xbf: {  	s0 =	sor.u32 s1, s0  }
0xc0: {  	s0 =	sadd.s32 $0x8F2B, s0  }
0xc1: {  	[sflag:s0] =	ssyncadd.remote.s32 $0x1  }
0xc2: {  	_ =	sfence.sel $0xFFFF  }
0xc3: {  	[dreg:$0x0] =	wrdreg $0xFFFFFFFF;
	(pc) =	sbr.abs _section_cstart, $3  }
0xc4: {  	[dreg:$0x1] =	wrdreg $0xFFFFFFFF  }
0xc5: {  	_ =	task.clear_ibuf [dreg:s9], $0x2FFFF;
	_ =	strace $0x9FFFFFFF  }
0xc6: {  	(tm) =	ssettm $0x7FFFFFFF  }
0xc7: {  	_ =	shalt  }
tec
execute0_lowered:
.L_overlay_start_1:
0x0: {  	(tag) =	ssettag $0x1  }
0x1: {  	s0 =	rddreg [dreg:$0x0]  }
0x2: {  	s1 =	rddreg [dreg:$0x1]  }
0x3: {  	s12 =	rddreg [dreg:$0x2]  }
0x4: {  	s4 =	rddreg [dreg:$0x3];
	s25 =	simm.s32 $0x0  }
0x5: {  	s3 =	srdreg.scid;
	s17 =	stileid.u32;
	s28 =	simm.s32 $0x4E00  }
0x6: {  	s29 =	simm.s32 $0x5600;
	s30 =	simm.s32 $0x5E00;
	s31 =	simm.s32 $0x6600  }
0x7: {  	[smem:$0x7FF] =	sst s25;
	s3 =	sand.u32 $0x1, s3;
	s5 =	sshll.u32 s17, $0x5  }
0x8: {  	s8 =	sshll.u32 s17, $0x12;
	s19 =	sadd.s32 $0x100, s4;
	s21 =	sadd.s32 $0x200, s4;
	v0 =	vmov s17  }
0x9: {  	v1 =	vimm.s32 $0x0;
	s4 =	sadd.s32 $0x300, s4;
	_ =	strace $0x80000047;
	s6 =	sshll.u32 s3, $0x2;
	vm0 =	veq.s32 v0, $0xF  }
0xa: {  	s7 =	sshll.u32 s3, $0x11;
	s10 =	sadd.s32 s5, s12;
	s12 =	sadd.s32 $0x200, s12;
	v1 =	vsel vm0, $0xFFFFFFFF, v1  }
0xb: {  	s24 =	ssub.s32 $0x2, s3;
	s1 =	sadd.s32 s1, s5;
	[dreg:$0x11] =	wrdreg s19;
	vm0 =	vgt.u32 v0, $0xD;
	[tilespmem:$0x1FF50] =	vst v1;
	v1 =	vimm.s32 $0x0  }
0xc: {  	s13 =	sor.u32 s17, s3;
	s15 =	sshll.u32 s3, $0x9;
	[dreg:$0x12] =	wrdreg s21;
	v1 =	vsel vm0, $0xFFFFFFFF, v1  }
0xd: {  	s18 =	sshllo.u32 s3, $0x2;
	[dreg:$0x13] =	wrdreg s4;
	p1 =	sne.s32 s3, $0x0;
	vm0 =	vgt.u32 v0, $0xC;
	[tilespmem:$0x1FF60] =	vst v1;
	v1 =	vimm.s32 $0x0  }
0xe: {  	s3 =	simm.s32 $0x1;
	s17 =	simm.s32 $0x2;
	s5 =	simm.s32 $0xC600;
	v1 =	vsel vm0, $0xFFFFFFFF, v1  }
0xf: {  	s21 =	simm.s32 $0xE600;
	s9 =	sor.u32 $0x1, s6;
	[dreg:$0x5] =	wrdreg s12;
	vm0 =	vgt.u32 v0, $0xB;
	[tilespmem:$0x1FF70] =	vst v1;
	v1 =	vimm.s32 $0x0  }
0x10: {  	s7 =	sor.u32 s8, s7;
	s2 =	sshrl.u32 s24, $0x1;
	[dreg:$0x8] =	wrdreg s1;
	v1 =	vsel vm0, $0xFFFFFFFF, v1  }
0x11: {  	s10 =	sadd.s32 $0x400, s10;
	[dreg:$0xd] =	wrdreg s15;
	s14 =	sshll.u32 s18, $0xF;
	vm0 =	vgt.u32 v0, $0xA;
	[tilespmem:$0x1FF80] =	vst v1;
	v1 =	vimm.s32 $0x0  }
0x12: {  	p0 =	sne.s32 s13, $0x0;
	s15 =	simm.s32 $0x9E00;
	s13 =	simm.s32 $0xCE00;
	v1 =	vsel vm0, $0xFFFFFFFF, v1  }
0x13: {  	s11 =	sshll.u32 s9, $0xF;
	s7 =	sshrl.u32 s7, $0x3;
	s12 =	ssub.s32 s24, s2;
	vm0 =	vgt.u32 v0, $0x9;
	[tilespmem:$0x1FF90] =	vst v1;
	v1 =	vimm.s32 $0x0  }
0x14: {  	[dreg:$0x9] =	wrdreg s10;
	s14 =	sor.u32 s8, s14;
	s22 =	sshll.u32 s9, $0x7;
	v1 =	vsel vm0, $0xFFFFFFFF, v1  }
0x15: {  	s24 =	sshll.u32 s18, $0x7;
	s9 =	simm.s32 $0xA600;
	s11 =	sor.u32 s8, s11;
	vm0 =	vgt.u32 v0, $0x8;
	[tilespmem:$0x1FFA0] =	vst v1;
	v1 =	vimm.s32 $0x0  }
0x16: {  	s7 =	sadd.s32 s0, s7;
	s14 =	sshrl.u32 s14, $0x3;
	[dreg:$0xe] =	wrdreg s22;
	v1 =	vsel vm0, $0xFFFFFFFF, v1  }
0x17: {  	[dreg:$0x10] =	wrdreg s24;
	s1 =	smax.u32 s12, $0x1;
	s12 =	simm.s32 $0xBE00;
	vm0 =	vgt.u32 v0, $0x7;
	[tilespmem:$0x1FFB0] =	vst v1;
	v1 =	vimm.s32 $0x0  }
0x18: {  	s22 =	simm.s32 $0xEE00;
	s24 =	simm.s32 $0xFE00;
	s11 =	sshrl.u32 s11, $0x3;
	v1 =	vsel vm0, $0xFFFFFFFF, v1  }
0x19: {  	v3 =	vlaneseq.u32;
	[dreg:$0x6] =	wrdreg s7;
	s26 =	sadd.s32 s0, s11;
	s11 =	sor.u32 $0x2, s6;
	vm0 =	vgt.u32 v0, $0x6;
	[tilespmem:$0x1FFC0] =	vst v1;
	v1 =	vimm.s32 $0x0  }
0x1a: {  	vm15 =	vmmov $0x1;
	v2 =	vshrl.u32 v3, $0x3;
	[dreg:$0x7] =	wrdreg s26;
	s16 =	sshll.u32 s11, $0xF;
	s23 =	sshll.u32 s11, $0x7;
	v1 =	vsel vm0, $0xFFFFFFFF, v1  }
0x1b: {  	vm11 =	vgt.u32 v0, $0x3;
	s26 =	simm.s32 $0x10600;
	s20 =	sor.u32 s8, s16;
	[dreg:$0xf] =	wrdreg s23;
	vm0 =	vgt.u32 v0, $0x5;
	[tilespmem:$0x1FFD0] =	vst v1;
	v1 =	vimm.s32 $0x0  }
0x1c: {  	vm12 =	vgt.u32 v0, $0x2;
	vm13 =	vgt.u32 v0, $0x1;
	s11 =	simm.s32 $0x9600;
	[dreg:$0xc] =	wrdreg s26;
	s10 =	sshrl.u32 s20, $0x3;
	v1 =	vsel vm0, $0xFFFFFFFF, v1  }
0x1d: {  	vm14 =	veq.s32 v0, $0x0;
	s16 =	simm.s32 $0xB600;
	s23 =	simm.s32 $0xF600;
	s10 =	sadd.s32 s0, s10;
	vm0 =	vgt.u32 v0, $0x4;
	[tilespmem:$0x1FFE0] =	vst v1;
	v1 =	vimm.s32 $0x0  }
0x1e: {  	v2 =	vmul.u32 $0x8, v2;
	s26 =	simm.s32 $0x8600;
	s0 =	sadd.s32 s0, s14;
	[dreg:$0xa] =	wrdreg s10;
	v0 =	vimm.s32 $0x0;
	v1 =	vsel vm0, $0xFFFFFFFF, v1  }
0x1f: {  	s14 =	simm.s32 $0xAE00;
	[dreg:$0xb] =	wrdreg s0;
	s10 =	simm.s32 $0x8E00;
	vm0 =	vmmov $0xffff;
	[tilespmem:$0x1FFF0] =	vst v1;
	v1 =	vand.u32 $0x7, v3;
	v3 =	vor.u32 $0x8, v3  }
.LBB2_1:
0x20: {  	[dreg:$0x14] =	wrdreg s1  }
0x21: {  	s18 =	rddreg [dreg:$0x6];
	s0 =	simm.s32 $0x600  }
0x22: {  	[tilespmem:s0], [sflag:$0x1] =	stream.linear.gather [hbm4b:s18+s25], $0x8000, $0x38;
	[tilespmem:$0x10E80] =	vst v63  }
0x23: {  	s19 =	rddreg [dreg:$0x7];
	s2 =	simm.s32 $0x8600  }
0x24: {  	[tilespmem:s2], [sflag:$0x2] =	stream.linear.gather [hbm4b:s19+s25], $0x8000, $0x38;
	[tilespmem:$0x10E80] =	vst v63  }
0x25: {  	s1 =	rddreg [dreg:$0x8];
	s4 =	simm.s32 $0x5  }
0x26: {  	[tilespmem:s25], [sflag:$0x5] =	stream.linear.gather [hbm4b:s1+s25], $0x100, $0x38;
	[tilespmem:$0x10E80] =	vst v63  }
0x27: {  	_ =	swait.ge [sflag:s4], $0x100  }
0x28: {  	[sflag:s4] =	ssyncset.done $0x0  }
0x29: {  	s6 =	rddreg [dreg:$0xc];
	[sflag:s4] =	ssyncadd.s32 $0xFFFFFF00  }
0x2a: {  	s7 =	rddreg [dreg:$0x2]  }
0x2b: {  	[tilespmem:s6], [sflag:$0x5] =	stream.linear.gather [hbm4b:s7+s25], $0x800, $0x38;
	[tilespmem:$0x10E80] =	vst v63  }
0x2c: {  	_ =	swait.ge [sflag:s4], $0x800  }
0x2d: {  	[sflag:s4] =	ssyncset.done $0x0  }
0x2e: {  	[sflag:s4] =	ssyncadd.s32 $0xFFFFF800  }
0x2f: {  	v4 =	vld [tilespmem:$0x10600]  }
0x30: {  	v5 =	vld [tilespmem:$0x10680]  }
0x31: {  	v6 =	vld [tilespmem:$0x10700]  }
0x32: {  	v7 =	vld [tilespmem:$0x10780];
	_ =	sdelay $0x2  }
0x33: {  	v10 =	vadd.s32 v4, v5;
	v4 =	vsel vm14, $0x0, v4;
	v5 =	vnsel vm13, $0x0, v5  }
0x34: {  	v4 =	vadd.s32 v4, v5;
	v5 =	vnsel vm12, $0x0, v6  }
0x35: {  	v4 =	vadd.s32 v5, v4;
	v5 =	vnsel vm11, $0x0, v7  }
0x36: {  	v4 =	vadd.s32 v5, v4;
	v5 =	vld [tilespmem:$0x1FFF0]  }
0x37: {  	v8 =	vld [tilespmem:$0x10800];
	_ =	sdelay $0x3  }
0x38: {  	vm1 =	vnez.u8 v5  }
0x39: {  	v5 =	vnsel vm1, $0x0, v8  }
0x3a: {  	v4 =	vadd.s32 v5, v4;
	v5 =	vld [tilespmem:$0x1FFE0]  }
0x3b: {  	v9 =	vld [tilespmem:$0x10880];
	_ =	sdelay $0x3  }
0x3c: {  	vm1 =	vnez.u8 v5  }
0x3d: {  	v5 =	vnsel vm1, $0x0, v9  }
0x3e: {  	v4 =	vadd.s32 v5, v4;
	v5 =	vld [tilespmem:$0x1FFD0]  }
0x3f: {  	v11 =	vld [tilespmem:$0x10900];
	_ =	sdelay $0x3  }
0x40: {  	vm1 =	vnez.u8 v5  }
0x41: {  	v5 =	vnsel vm1, $0x0, v11  }
0x42: {  	v4 =	vadd.s32 v5, v4;
	v5 =	vld [tilespmem:$0x1FFC0]  }
0x43: {  	v12 =	vld [tilespmem:$0x10980];
	_ =	sdelay $0x3  }
0x44: {  	vm1 =	vnez.u8 v5  }
0x45: {  	v5 =	vnsel vm1, $0x0, v12  }
0x46: {  	v4 =	vadd.s32 v5, v4;
	v5 =	vld [tilespmem:$0x1FFB0]  }
0x47: {  	v13 =	vld [tilespmem:$0x10A00];
	_ =	sdelay $0x3  }
0x48: {  	vm1 =	vnez.u8 v5  }
0x49: {  	v5 =	vnsel vm1, $0x0, v13  }
0x4a: {  	v4 =	vadd.s32 v5, v4;
	v5 =	vld [tilespmem:$0x1FFA0]  }
0x4b: {  	v14 =	vld [tilespmem:$0x10A80];
	_ =	sdelay $0x3  }
0x4c: {  	vm1 =	vnez.u8 v5  }
0x4d: {  	v5 =	vnsel vm1, $0x0, v14  }
0x4e: {  	v4 =	vadd.s32 v5, v4;
	v5 =	vld [tilespmem:$0x1FF90]  }
0x4f: {  	v15 =	vld [tilespmem:$0x10B00];
	_ =	sdelay $0x3  }
0x50: {  	vm1 =	vnez.u8 v5  }
0x51: {  	v5 =	vnsel vm1, $0x0, v15  }
0x52: {  	v4 =	vadd.s32 v5, v4;
	v5 =	vld [tilespmem:$0x1FF80]  }
0x53: {  	v16 =	vld [tilespmem:$0x10B80];
	_ =	sdelay $0x3  }
0x54: {  	v10 =	vadd.s32 v6, v10;
	vm1 =	vnez.u8 v5  }
0x55: {  	v10 =	vadd.s32 v7, v10;
	v5 =	vnsel vm1, $0x0, v16  }
0x56: {  	v10 =	vadd.s32 v8, v10;
	v4 =	vadd.s32 v5, v4;
	v5 =	vld [tilespmem:$0x1FF70]  }
0x57: {  	v17 =	vld [tilespmem:$0x10C00];
	v10 =	vadd.s32 v9, v10  }
0x58: {  	v10 =	vadd.s32 v11, v10  }
0x59: {  	v10 =	vadd.s32 v12, v10  }
0x5a: {  	v18 =	vld [tilespmem:$0x10C80];
	v10 =	vadd.s32 v13, v10  }
0x5b: {  	v19 =	vld [tilespmem:$0x10D00];
	v10 =	vadd.s32 v14, v10;
	vm1 =	vnez.u8 v5  }
0x5c: {  	v20 =	vld [tilespmem:$0x10D80];
	v10 =	vadd.s32 v15, v10;
	v5 =	vnsel vm1, $0x0, v17  }
0x5d: {  	v10 =	vadd.s32 v16, v10;
	v4 =	vadd.s32 v5, v4;
	v5 =	vld [tilespmem:$0x1FF60]  }
0x5e: {  	v10 =	vadd.s32 v17, v10  }
0x5f: {  	v24 =	vadd.s32 v18, v10  }
0x60: {  	v6 =	vadd.s32 v19, v24  }
0x61: {  	v6 =	vadd.s32 v20, v6  }
0x62: {  	(xrf0) =	vadd.scan.msk.s32 $0xffff, v6;
	vm1 =	vnez.u8 v5  }
0x63: {  	v5 =	vnsel vm1, $0x0, v18  }
0x64: {  	v4 =	vadd.s32 v5, v4;
	v5 =	vld [tilespmem:$0x1FF50];
	_ =	sdelay $0x3  }
0x65: {  	v25, _, _ =	vpop (xrf0)  }
0x66: {  	v6 =	vsub.s32 v25, v6;
	vm1 =	vnez.u8 v5  }
0x67: {  	s20 =	simm.s32 @!p0 $0x10E00;
	s19 =	simm.s32 @!p0 $0x0;
	s18 =	rddreg [dreg:$0x5];
	[tilespmem:$0x10E00] =	vst @!p0 v6;
	v5 =	vnsel vm1, $0x0, v19  }
0x68: {  	[hbm4b:s18+s19] =	stream.linear.scatter @!p0 [tilespmem:s20], [sflag:$0x5], $0x80, $0x38;
	v4 =	vadd.s32 v5, v4;
	[tilespmem:$0x10E80] =	vst v63  }
0x69: {  	s18 =	simm.s32 @!p0 $0x5;
	v4 =	vadd.s32 v6, v4  }
0x6a: {  	_ =	swait.ge @!p0 [sflag:s18], $0x80;
	vm1 =	vcmask $0x308;
	v5 =	vnsel vm15, $0x0, v4  }
0x6b: {  	[sflag:s18] =	ssyncset.done @!p0 $0x0;
	(xrf0) =	vadd.scan.msk.s32 $0xffff, v5;
	v5 =	vsel vm1, $0x0, v4;
	vm1 =	vcmask $0x70C  }
0x6c: {  	[sflag:s18] =	ssyncadd.s32 @!p0 $0xFFFFFF80;
	(xrf0) =	vadd.scan.msk.s32 $0xffff, v5;
	v5 =	vsel vm1, $0x0, v4;
	vm1 =	vcmask $0xB10  }
0x6d: {  	v26 =	vld [tilespmem:$0x0];
	(xrf0) =	vadd.scan.msk.s32 $0xffff, v5;
	v5 =	vsel vm1, $0x0, v4;
	vm1 =	vcmask $0xF14  }
0x6e: {  	(xrf0) =	vadd.scan.msk.s32 $0xffff, v5;
	v5 =	vsel vm1, $0x0, v4;
	vm1 =	vcmask $0x1318  }
0x6f: {  	(xrf0) =	vadd.scan.msk.s32 $0xffff, v5;
	v5 =	vsel vm1, $0x0, v4;
	vm1 =	vcmask $0x171C  }
0x70: {  	(xrf0) =	vadd.scan.msk.s32 $0xffff, v5;
	v5 =	vsel vm1, $0x0, v4  }
0x71: {  	vm1 =	vcmask $0x1B20  }
0x72: {  	v44 =	vld [tilespmem:$0x10];
	v27, _, _ =	vpop (xrf0);
	(xrf0) =	vadd.scan.msk.s32 $0xffff, v5;
	v4 =	vsel vm1, $0x0, v4;
	vm1 =	veq.s32 v26, $0x0  }
0x73: {  	v5, _, _ =	vpop (xrf0);
	(xrf0) =	vadd.scan.msk.s32 $0xffff, v4;
	v4 =	vsel vm1, $0x1, v0;
	_ =	sdelay $0x1  }
0x74: {  	vm2 =	veq.s32 v26, $0x1;
	v28, _, _ =	vpop (xrf0)  }
0x75: {  	vm4 =	veq.s32 v26, $0x2;
	vm3 =	veq.s32 v26, $0x3;
	vm5 =	veq.s32 v26, $0x4;
	(xrf0) =	vadd.scan.msk.s32 $0xffff, v4;
	v4, _, _ =	vpop (xrf0)  }
0x76: {  	vm6 =	veq.s32 v26, $0x5;
	vm8 =	veq.s32 v44, $0x1;
	vm7 =	veq.s32 v44, $0x4;
	v29, _, _ =	vpop (xrf0)  }
0x77: {  	v31 =	vsel vm2, $0x1, v0;
	v33 =	vsel vm4, $0x1, v0;
	v37 =	vsel vm3, $0x1, v0;
	v30, _, _ =	vpop (xrf0)  }
0x78: {  	v41 =	vsel vm5, $0x1, v0;
	v43 =	vsel vm6, $0x1, v0;
	v7 =	vadd.s32 $0xFFFFFFFF, v27;
	v32, _, _ =	vpop (xrf0);
	(xrf0) =	vadd.scan.msk.s32 $0xffff, v31  }
0x79: {  	v55 =	vsel vm8, $0x1, v0;
	v35 =	vbroadcast v7, $0xF;
	v5 =	vadd.s32 $0xFFFFFFFF, v5;
	(xrf0) =	vadd.scan.msk.s32 $0xffff, v33  }
0x7a: {  	v38 =	vbroadcast v5, $0xF;
	v8 =	vadd.s32 $0xFFFFFFFF, v28;
	v4 =	vadd.s32 $0xFFFFFFFF, v4  }
0x7b: {  	v40 =	vbroadcast v8, $0xF;
	v46 =	vbroadcast v4, $0xF;
	v9 =	vadd.s32 $0xFFFFFFFF, v29  }
0x7c: {  	v48 =	vbroadcast v9, $0xF;
	v49 =	vadd.s32 $0xFFFFFFFF, v30;
	v34, _, _ =	vpop (xrf0);
	v12 =	vadd.s32 $0xFFFFFFFF, v32  }
0x7d: {  	v22 =	vbroadcast v49, $0xF;
	v32 =	vsel vm7, $0x1, v0;
	v36, _, _ =	vpop (xrf0);
	(xrf0) =	vadd.scan.msk.s32 $0xffff, v37;
	v58 =	vbroadcast v12, $0xF  }
0x7e: {  	v13 =	vadd.s32 $0xFFFFFFFF, v34;
	v37 =	vld [tilespmem:$0x20];
	v14 =	vadd.s32 v36, v35;
	(xrf0) =	vadd.scan.msk.s32 $0xffff, v41;
	v7 =	vadd.s32 v36, v7;
	v39, _, _ =	vpop (xrf0)  }
0x7f: {  	v25 =	vbroadcast v13, $0xF;
	v14 =	vnsel vm1, $0x0, v14;
	v15 =	vadd.s32 v39, v38;
	v42, _, _ =	vpop (xrf0);
	(xrf0) =	vadd.scan.msk.s32 $0xffff, v43  }
0x80: {  	vm1 =	veq.s32 v26, $0x7;
	v14 =	vsel vm2, v15, v14;
	vm2 =	veq.s32 v26, $0x6  }
0x81: {  	v60 =	vbroadcast v7, $0xF;
	v45 =	vadd.s32 v42, v40;
	v21 =	vsel vm2, $0x1, v0  }
0x82: {  	v50 =	vsel vm1, $0x1, v0;
	v14 =	vsel vm4, v45, v14;
	vm4 =	veq.s32 v44, $0x0;
	(xrf0) =	vadd.scan.msk.s32 $0xffff, v21  }
0x83: {  	v5 =	vadd.s32 v39, v5;
	vm9 =	veq.s32 v37, $0x2;
	v47, _, _ =	vpop (xrf0);
	v52 =	vsel vm4, $0x1, v0;
	(xrf0) =	vadd.scan.msk.s32 $0xffff, v50  }
0x84: {  	v24 =	vbroadcast v5, $0xF;
	v8 =	vadd.s32 v42, v8;
	v17 =	vadd.s32 v47, v46;
	v51, _, _ =	vpop (xrf0);
	(xrf0) =	vadd.scan.msk.s32 $0xffff, v52  }
0x85: {  	v35 =	vbroadcast v8, $0xF;
	v4 =	vadd.s32 v47, v4;
	v14 =	vsel vm3, v17, v14;
	v54, _, _ =	vpop (xrf0);
	(xrf0) =	vadd.scan.msk.s32 $0xffff, v55  }
0x86: {  	v53 =	vadd.s32 v51, v48;
	v27 =	vbroadcast v4, $0xF;
	v9 =	vadd.s32 v51, v9  }
0x87: {  	vm3 =	veq.s32 v44, $0x7;
	v51 =	vsel vm9, $0x1, v0;
	v14 =	vsel vm5, v53, v14  }
0x88: {  	vm5 =	veq.s32 v44, $0x2;
	v28 =	vbroadcast v9, $0xF;
	v20 =	vsel vm3, $0x1, v0;
	v59, _, _ =	vpop (xrf0)  }
0x89: {  	v61 =	vsel vm5, $0x1, v0;
	v56 =	vadd.s32 v54, v22;
	v6 =	vadd.s32 v54, v49;
	v23, _, _ =	vpop (xrf0)  }
0x8a: {  	v57 =	vsel vm6, v56, v14;
	vm6 =	veq.s32 v44, $0x3;
	v45 =	vbroadcast v6, $0xF;
	v63, _, _ =	vpop (xrf0)  }
0x8b: {  	v62 =	vsel vm6, $0x1, v0;
	(xrf0) =	vadd.scan.msk.s32 $0xffff, v61;
	v14 =	vadd.s32 v59, v58;
	v17 =	vadd.s32 v63, v60;
	v26, _, _ =	vpop (xrf0)  }
0x8c: {  	v11 =	vadd.s32 v59, v12;
	(xrf0) =	vadd.scan.msk.s32 $0xffff, v62;
	v33 =	vnsel vm4, $0x0, v17;
	v34 =	vadd.s32 v26, v24  }
0x8d: {  	v48 =	vbroadcast v11, $0xF;
	(xrf0) =	vadd.scan.msk.s32 $0xffff, v32;
	v16 =	vsel vm8, v34, v33;
	vm8 =	veq.s32 v44, $0x5  }
0x8e: {  	v13 =	vadd.s32 v23, v13;
	v10 =	vsel vm2, v14, v57;
	v36 =	vsel vm8, $0x1, v0  }
0x8f: {  	v54 =	vadd.s32 v23, v25;
	vm2 =	veq.s32 v37, $0x7;
	v53 =	vbroadcast v13, $0xF;
	(xrf0) =	vadd.scan.msk.s32 $0xffff, v36  }
0x90: {  	v7 =	vadd.s32 v63, v7;
	vm4 =	veq.s32 v44, $0x6;
	v57 =	vadd.s32 v26, v5  }
0x91: {  	v5 =	vbroadcast v7, $0xF;
	v39 =	vsel vm4, $0x1, v0;
	v58 =	vbroadcast v57, $0xF;
	v38, _, _ =	vpop (xrf0)  }
0x92: {  	v36 =	vsel vm2, $0x1, v0;
	v17 =	vadd.s32 v38, v35;
	v40, _, _ =	vpop (xrf0);
	(xrf0) =	vadd.scan.msk.s32 $0xffff, v39;
	v8 =	vadd.s32 v38, v8  }
0x93: {  	v41 =	vsel vm5, v17, v16;
	v42 =	vadd.s32 v40, v27;
	v43, _, _ =	vpop (xrf0);
	vm5 =	veq.s32 v37, $0x0  }
0x94: {  	(xrf0) =	vadd.scan.msk.s32 $0xffff, v20;
	v15 =	vsel vm6, v42, v41;
	v44 =	vadd.s32 v43, v28;
	v46 =	vsel vm5, $0x1, v0  }
0x95: {  	v62 =	vbroadcast v8, $0xF;
	v15 =	vsel vm7, v44, v15;
	vm7 =	veq.s32 v37, $0x1;
	(xrf0) =	vadd.scan.msk.s32 $0xffff, v46;
	v47, _, _ =	vpop (xrf0)  }
0x96: {  	v21 =	vadd.s32 v40, v4;
	v49 =	vsel vm7, $0x1, v0;
	v16 =	vadd.s32 v47, v45  }
0x97: {  	vm6 =	veq.s32 v37, $0x4;
	v9 =	vadd.s32 v43, v9;
	(xrf0) =	vadd.scan.msk.s32 $0xffff, v49;
	v15 =	vsel vm8, v16, v15  }
0x98: {  	v4 =	vbroadcast v21, $0xF;
	v63 =	vsel vm6, $0x1, v0;
	v38 =	vbroadcast v9, $0xF;
	v50, _, _ =	vpop (xrf0);
	(xrf0) =	vadd.scan.msk.s32 $0xffff, v51  }
0x99: {  	v6 =	vadd.s32 v47, v6;
	v52 =	vadd.s32 v50, v48;
	vm8 =	veq.s32 v37, $0x3  }
0x9a: {  	v11 =	vadd.s32 v50, v11;
	v55 =	vsel vm4, v52, v15;
	v60 =	vsel vm8, $0x1, v0;
	v15, _, _ =	vpop (xrf0)  }
0x9b: {  	v32 =	vld [tilespmem:$0x30];
	v43 =	vbroadcast v6, $0xF;
	vm4 =	veq.s32 v37, $0x6;
	v52 =	vbroadcast v11, $0xF;
	(xrf0) =	vadd.scan.msk.s32 $0xffff, v60;
	v59, _, _ =	vpop (xrf0)  }
0x9c: {  	v35 =	vsel vm4, $0x1, v0;
	v56 =	vadd.s32 v15, v53;
	v5 =	vadd.s32 v59, v5  }
0x9d: {  	v13 =	vadd.s32 v15, v13;
	v61, _, _ =	vpop (xrf0);
	v7 =	vadd.s32 v59, v7;
	v5 =	vnsel vm5, $0x0, v5  }
0x9e: {  	v22 =	vadd.s32 v61, v58;
	v29, _, _ =	vpop (xrf0);
	vm5 =	veq.s32 v37, $0x5;
	v50 =	vbroadcast v7, $0xF  }
0x9f: {  	v20 =	vadd.s32 v61, v57;
	v5 =	vsel vm7, v22, v5;
	v33 =	vadd.s32 v29, v62  }
0xa0: {  	(xrf0) =	vadd.scan.msk.s32 $0xffff, v63;
	v34 =	vsel vm5, $0x1, v0;
	vm7 =	veq.s32 v32, $0x0;
	v8 =	vadd.s32 v29, v8  }
0xa1: {  	v5 =	vsel vm9, v33, v5;
	v37, _, _ =	vpop (xrf0);
	v39 =	vsel vm7, $0x1, v0;
	vm9 =	veq.s32 v32, $0x1  }
0xa2: {  	(xrf0) =	vadd.scan.msk.s32 $0xffff, v34;
	v58 =	vbroadcast v8, $0xF;
	v4 =	vadd.s32 v37, v4;
	v41 =	vsel vm9, $0x1, v0  }
0xa3: {  	(xrf0) =	vadd.scan.msk.s32 $0xffff, v35;
	v19 =	vadd.s32 v37, v21;
	v42 =	vsel vm8, v4, v5;
	v5 =	vsel vm1, v54, v10  }
0xa4: {  	v4 =	vsel vm3, v56, v55;
	vm8 =	veq.s32 v32, $0x2;
	vm1 =	veq.s32 v32, $0x3  }
0xa5: {  	(xrf0) =	vadd.scan.msk.s32 $0xffff, v36;
	v54 =	vbroadcast v20, $0xF;
	vm3 =	veq.s32 v32, $0x4;
	v60 =	vbroadcast v19, $0xF  }
0xa6: {  	(xrf0) =	vadd.scan.msk.s32 $0xffff, v39;
	v48 =	vsel vm8, $0x1, v0;
	v51 =	vsel vm1, $0x1, v0;
	v57 =	vsel vm3, $0x1, v0;
	v40, _, _ =	vpop (xrf0)  }
0xa7: {  	v62 =	vld [tilespmem:$0x40];
	v22 =	vadd.s32 v40, v38;
	v9 =	vadd.s32 v40, v9;
	v38 =	vbroadcast v13, $0xF  }
0xa8: {  	(xrf0) =	vadd.scan.msk.s32 $0xffff, v41;
	v44 =	vsel vm6, v22, v42;
	v45, _, _ =	vpop (xrf0);
	vm6 =	veq.s32 v32, $0x6;
	v37 =	vbroadcast v9, $0xF  }
0xa9: {  	(xrf0) =	vadd.scan.msk.s32 $0xffff, v48;
	v46 =	vadd.s32 v45, v43;
	v47, _, _ =	vpop (xrf0);
	v35 =	vsel vm6, $0x1, v0;
	v12 =	vadd.s32 v45, v6  }
0xaa: {  	(xrf0) =	vadd.scan.msk.s32 $0xffff, v51;
	v10 =	vsel vm5, v46, v44;
	v23 =	vadd.s32 v47, v52;
	vm5 =	veq.s32 v32, $0x5  }
0xab: {  	v49, _, _ =	vpop (xrf0);
	v6 =	vbroadcast v12, $0xF;
	v11 =	vadd.s32 v47, v11;
	v61 =	vsel vm5, $0x1, v0  }
0xac: {  	v53, _, _ =	vpop (xrf0);
	v10 =	vsel vm4, v23, v10;
	vm4 =	veq.s32 v62, $0x0;
	v43 =	vbroadcast v11, $0xF  }
0xad: {  	v23 =	vadd.s32 v49, v38;
	v13 =	vadd.s32 v49, v13;
	v55 =	vadd.s32 v53, v50  }
0xae: {  	v56, _, _ =	vpop (xrf0);
	(xrf0) =	vadd.scan.msk.s32 $0xffff, v57;
	v41 =	vsel vm4, $0x1, v0;
	v7 =	vadd.s32 v53, v7;
	v14 =	vnsel vm7, $0x0, v55  }
0xaf: {  	v26 =	vadd.s32 v56, v54;
	(xrf0) =	vadd.scan.msk.s32 $0xffff, v61;
	vm7 =	veq.s32 v62, $0x1;
	v47 =	vbroadcast v7, $0xF;
	v59, _, _ =	vpop (xrf0)  }
0xb0: {  	v17 =	vadd.s32 v56, v20;
	v14 =	vsel vm9, v26, v14;
	v15 =	vadd.s32 v59, v58;
	v63, _, _ =	vpop (xrf0)  }
0xb1: {  	v44 =	vsel vm7, $0x1, v0;
	v14 =	vsel vm8, v15, v14;
	v36 =	vadd.s32 v63, v60  }
0xb2: {  	(xrf0) =	vadd.scan.msk.s32 $0xffff, v35;
	v8 =	vadd.s32 v59, v8;
	v14 =	vsel vm1, v36, v14;
	vm1 =	veq.s32 v32, $0x7  }
0xb3: {  	vm8 =	veq.s32 v62, $0x2;
	v35 =	vbroadcast v8, $0xF;
	v40 =	vsel vm1, $0x1, v0  }
0xb4: {  	v19 =	vadd.s32 v63, v19;
	v46 =	vsel vm8, $0x1, v0;
	v32 =	vbroadcast v17, $0xF;
	v39, _, _ =	vpop (xrf0);
	(xrf0) =	vadd.scan.msk.s32 $0xffff, v40  }
0xb5: {  	v54 =	vbroadcast v19, $0xF;
	v22 =	vadd.s32 v39, v37;
	v42, _, _ =	vpop (xrf0);
	v9 =	vadd.s32 v39, v9;
	(xrf0) =	vadd.scan.msk.s32 $0xffff, v41  }
0xb6: {  	v36 =	vld [tilespmem:$0x50];
	v14 =	vsel vm3, v22, v14;
	v6 =	vadd.s32 v42, v6;
	vm3 =	veq.s32 v62, $0x5  }
0xb7: {  	v57 =	vbroadcast v9, $0xF;
	v12 =	vadd.s32 v42, v12;
	(xrf0) =	vadd.scan.msk.s32 $0xffff, v44;
	v14 =	vsel vm5, v6, v14  }
0xb8: {  	v45, _, _ =	vpop (xrf0);
	v6 =	vsel vm2, v23, v10;
	vm5 =	veq.s32 v62, $0x4;
	v52 =	vsel vm3, $0x1, v0  }
0xb9: {  	vm2 =	veq.s32 v62, $0x7;
	v24 =	vbroadcast v12, $0xF;
	v26 =	vadd.s32 v45, v43;
	(xrf0) =	vadd.scan.msk.s32 $0xffff, v46  }
0xba: {  	v33 =	vsel vm5, $0x1, v0;
	v58 =	vsel vm2, $0x1, v0;
	v11 =	vadd.s32 v45, v11;
	v48, _, _ =	vpop (xrf0)  }
0xbb: {  	vm10 =	veq.s32 v36, $0x4;
	v10 =	vsel vm6, v26, v14;
	vm6 =	veq.s32 v62, $0x3;
	v50, _, _ =	vpop (xrf0)  }
0xbc: {  	v38 =	vbroadcast v11, $0xF;
	v49 =	vsel vm6, $0x1, v0;
	v14 =	vadd.s32 v50, v47  }
0xbd: {  	(xrf0) =	vadd.scan.msk.s32 $0xffff, v49;
	v34, _, _ =	vpop (xrf0);
	v20 =	vadd.s32 v50, v7;
	v50 =	vsel vm10, $0x1, v0;
	v14 =	vnsel vm4, $0x0, v14  }
0xbe: {  	(xrf0) =	vadd.scan.msk.s32 $0xffff, v33;
	v23 =	vadd.s32 v34, v32;
	vm4 =	veq.s32 v62, $0x6;
	v62 =	vbroadcast v13, $0xF  }
0xbf: {  	v51, _, _ =	vpop (xrf0);
	v13 =	vadd.s32 v48, v13;
	v31 =	vbroadcast v20, $0xF;
	v17 =	vadd.s32 v34, v17  }
0xc0: {  	(xrf0) =	vadd.scan.msk.s32 $0xffff, v52;
	v14 =	vsel vm7, v23, v14;
	v53 =	vadd.s32 v51, v35;
	v55 =	vsel vm4, $0x1, v0  }
0xc1: {  	vm7 =	veq.s32 v36, $0x0;
	v30 =	vbroadcast v13, $0xF;
	v21 =	vbroadcast v17, $0xF  }
0xc2: {  	v49 =	vadd.s32 v51, v8;
	v14 =	vsel vm8, v53, v14;
	v60 =	vsel vm7, $0x1, v0  }
0xc3: {  	vm8 =	veq.s32 v36, $0x3;
	v15 =	vadd.s32 v48, v62;
	v52 =	vbroadcast v49, $0xF;
	v53 =	vld [tilespmem:$0x60];
	v56, _, _ =	vpop (xrf0);
	(xrf0) =	vadd.scan.msk.s32 $0xffff, v55  }
0xc4: {  	v43 =	vsel vm8, $0x1, v0;
	v23 =	vadd.s32 v56, v54;
	v59, _, _ =	vpop (xrf0);
	v19 =	vadd.s32 v56, v19  }
0xc5: {  	(xrf0) =	vadd.scan.msk.s32 $0xffff, v58;
	v14 =	vsel vm6, v23, v14;
	v61 =	vadd.s32 v59, v57;
	vm6 =	veq.s32 v36, $0x1  }
0xc6: {  	(xrf0) =	vadd.scan.msk.s32 $0xffff, v60;
	v63, _, _ =	vpop (xrf0);
	v56 =	vbroadcast v19, $0xF;
	v9 =	vadd.s32 v59, v9;
	v14 =	vsel vm5, v61, v14  }
0xc7: {  	v37 =	vadd.s32 v63, v24;
	v39 =	vsel vm6, $0x1, v0;
	vm5 =	veq.s32 v36, $0x2  }
0xc8: {  	v35 =	vbroadcast v9, $0xF;
	vm9 =	veq.s32 v53, $0x0;
	v12 =	vadd.s32 v63, v12  }
0xc9: {  	v41 =	vsel vm5, $0x1, v0;
	v14 =	vsel vm3, v37, v14;
	vm3 =	veq.s32 v36, $0x7;
	v40, _, _ =	vpop (xrf0);
	(xrf0) =	vadd.scan.msk.s32 $0xffff, v39  }
0xca: {  	v37 =	vsel vm9, $0x1, v0;
	v23 =	vbroadcast v12, $0xF;
	(xrf0) =	vadd.scan.msk.s32 $0xffff, v41;
	v44 =	vadd.s32 v40, v38  }
0xcb: {  	v18 =	vsel vm3, $0x1, v0;
	v42, _, _ =	vpop (xrf0);
	v11 =	vadd.s32 v40, v11;
	v46 =	vsel vm4, v44, v14  }
0xcc: {  	v45, _, _ =	vpop (xrf0);
	(xrf0) =	vadd.scan.msk.s32 $0xffff, v43;
	v47 =	vadd.s32 v42, v30;
	vm4 =	veq.s32 v36, $0x6;
	v60 =	vbroadcast v11, $0xF  }
0xcd: {  	v13 =	vadd.s32 v42, v13;
	v48 =	vadd.s32 v45, v31;
	(xrf0) =	vadd.scan.msk.s32 $0xffff, v50;
	v34 =	vsel vm4, $0x1, v0  }
0xce: {  	v7 =	vsel vm2, v47, v46;
	v46 =	vbroadcast v13, $0xF;
	vm2 =	veq.s32 v53, $0x6  }
0xcf: {  	v16 =	vnsel vm7, $0x0, v48;
	vm7 =	veq.s32 v36, $0x5;
	v50 =	vsel vm2, $0x1, v0;
	v51, _, _ =	vpop (xrf0)  }
0xd0: {  	v32 =	vsel vm7, $0x1, v0;
	v54 =	vadd.s32 v51, v21;
	v55, _, _ =	vpop (xrf0);
	v17 =	vadd.s32 v51, v17  }
0xd1: {  	(xrf0) =	vadd.scan.msk.s32 $0xffff, v32;
	v8 =	vsel vm6, v54, v16;
	v57 =	vadd.s32 v55, v52;
	vm6 =	veq.s32 v53, $0x1  }
0xd2: {  	v58, _, _ =	vpop (xrf0);
	v41 =	vbroadcast v17, $0xF;
	v21 =	vadd.s32 v55, v49;
	v8 =	vsel vm5, v57, v8  }
0xd3: {  	(xrf0) =	vadd.scan.msk.s32 $0xffff, v34;
	v33 =	vadd.s32 v58, v56;
	v36, _, _ =	vpop (xrf0);
	v38 =	vsel vm6, $0x1, v0;
	vm5 =	veq.s32 v53, $0x2  }
0xd4: {  	v19 =	vadd.s32 v58, v19;
	v8 =	vsel vm8, v33, v8;
	v16 =	vadd.s32 v36, v35  }
0xd5: {  	(xrf0) =	vadd.scan.msk.s32 $0xffff, v18;
	v61 =	vsel vm5, $0x1, v0;
	v33 =	vadd.s32 v45, v20;
	vm8 =	veq.s32 v53, $0x4  }
0xd6: {  	(xrf0) =	vadd.scan.msk.s32 $0xffff, v37;
	v45 =	vbroadcast v21, $0xF;
	v48 =	vbroadcast v19, $0xF;
	v28 =	vadd.s32 v36, v9  }
0xd7: {  	v16 =	vsel vm10, v16, v8;
	v8 =	vsel vm1, v15, v10;
	v20 =	vbroadcast v33, $0xF;
	v39, _, _ =	vpop (xrf0)  }
0xd8: {  	(xrf0) =	vadd.scan.msk.s32 $0xffff, v38;
	v44 =	vsel vm8, $0x1, v0;
	vm1 =	veq.s32 v53, $0x7;
	v59 =	vadd.s32 v39, v23  }
0xd9: {  	v24 =	vld [tilespmem:$0x70];
	v52 =	vbroadcast v28, $0xF;
	v63, _, _ =	vpop (xrf0);
	v12 =	vadd.s32 v39, v12;
	v62 =	vsel vm7, v59, v16  }
0xda: {  	v32 =	vadd.s32 v63, v60;
	vm7 =	veq.s32 v53, $0x3;
	v59 =	vbroadcast v12, $0xF  }
0xdb: {  	v34, _, _ =	vpop (xrf0);
	v11 =	vadd.s32 v63, v11;
	v42 =	vsel vm7, $0x1, v0;
	v10 =	vsel vm4, v32, v62  }
0xdc: {  	(xrf0) =	vadd.scan.msk.s32 $0xffff, v61;
	v40, _, _ =	vpop (xrf0);
	vm4 =	veq.s32 v53, $0x5;
	v53 =	vsel vm1, $0x1, v0;
	v15 =	vadd.s32 v34, v46  }
0xdd: {  	v61 =	vbroadcast v11, $0xF;
	v13 =	vadd.s32 v34, v13;
	v20 =	vadd.s32 v40, v20  }
0xde: {  	v43, _, _ =	vpop (xrf0);
	(xrf0) =	vadd.scan.msk.s32 $0xffff, v42;
	v49 =	vsel vm4, $0x1, v0;
	v9 =	vsel vm3, v15, v10;
	vm3 =	veq.s32 v24, $0x1  }
0xdf: {  	v16 =	vadd.s32 v40, v33;
	v20 =	vnsel vm9, $0x0, v20;
	v23 =	vadd.s32 v43, v41;
	(xrf0) =	vadd.scan.msk.s32 $0xffff, v44  }
0xe0: {  	vm9 =	veq.s32 v24, $0x0;
	v62 =	vsel vm3, $0x1, v0;
	v37 =	vbroadcast v16, $0xF  }
0xe1: {  	v41 =	vbroadcast v13, $0xF;
	v17 =	vadd.s32 v43, v17;
	v20 =	vsel vm6, v23, v20;
	(xrf0) =	vadd.scan.msk.s32 $0xffff, v49  }
0xe2: {  	v56 =	vsel vm9, $0x1, v0;
	vm6 =	veq.s32 v24, $0x2;
	v27 =	vbroadcast v17, $0xF;
	v47, _, _ =	vpop (xrf0)  }
0xe3: {  	(xrf0) =	vadd.scan.msk.s32 $0xffff, v50;
	v35 =	vsel vm6, $0x1, v0;
	v26 =	vadd.s32 v47, v45;
	v21 =	vadd.s32 v47, v21  }
0xe4: {  	(xrf0) =	vadd.scan.msk.s32 $0xffff, v53;
	v20 =	vsel vm5, v26, v20;
	vm5 =	veq.s32 v24, $0x5;
	v45 =	vbroadcast v21, $0xF;
	v51, _, _ =	vpop (xrf0)  }
0xe5: {  	v46 =	vsel vm5, $0x1, v0;
	v54 =	vadd.s32 v51, v48;
	v55, _, _ =	vpop (xrf0);
	v19 =	vadd.s32 v51, v19  }
0xe6: {  	v20 =	vsel vm7, v54, v20;
	v57 =	vadd.s32 v55, v52;
	vm7 =	veq.s32 v24, $0x3  }
0xe7: {  	(xrf0) =	vadd.scan.msk.s32 $0xffff, v56;
	v60, _, _ =	vpop (xrf0);
	v34 =	vbroadcast v19, $0xF;
	v28 =	vadd.s32 v55, v28;
	v58 =	vsel vm8, v57, v20  }
0xe8: {  	v47 =	vld [tilespmem:$0x80];
	v15 =	vadd.s32 v60, v59;
	v38 =	vsel vm7, $0x1, v0;
	vm8 =	veq.s32 v24, $0x4  }
0xe9: {  	v26 =	vld [tilespmem:$0x90];
	v63, _, _ =	vpop (xrf0);
	(xrf0) =	vadd.scan.msk.s32 $0xffff, v62;
	v52 =	vbroadcast v28, $0xF;
	v12 =	vadd.s32 v60, v12;
	v10 =	vsel vm4, v15, v58  }
0xea: {  	v36, _, _ =	vpop (xrf0);
	(xrf0) =	vadd.scan.msk.s32 $0xffff, v35;
	v39 =	vadd.s32 v63, v61;
	v43 =	vsel vm8, $0x1, v0;
	vm4 =	veq.s32 v24, $0x6  }
0xeb: {  	v55 =	vbroadcast v12, $0xF;
	v30 =	vadd.s32 v63, v11;
	v50 =	vsel vm4, $0x1, v0  }
0xec: {  	(xrf0) =	vadd.scan.msk.s32 $0xffff, v38;
	v61 =	vbroadcast v30, $0xF;
	v10 =	vsel vm2, v39, v10;
	v62 =	vadd.s32 v36, v41  }
0xed: {  	v13 =	vadd.s32 v36, v13;
	vm2 =	veq.s32 v47, $0x7;
	v11 =	vsel vm1, v62, v10;
	v40, _, _ =	vpop (xrf0)  }
0xee: {  	vm1 =	veq.s32 v26, $0x2;
	v42 =	vadd.s32 v40, v37;
	v16 =	vadd.s32 v40, v16  }
0xef: {  	(xrf0) =	vadd.scan.msk.s32 $0xffff, v43;
	v22 =	vnsel vm9, $0x0, v42;
	v44, _, _ =	vpop (xrf0);
	vm9 =	veq.s32 v47, $0x1;
	v35 =	vbroadcast v16, $0xF  }
0xf0: {  	v27 =	vadd.s32 v44, v27;
	v33, _, _ =	vpop (xrf0);
	v58 =	vsel vm9, $0x1, v0;
	v17 =	vadd.s32 v44, v17  }
0xf1: {  	(xrf0) =	vadd.scan.msk.s32 $0xffff, v46;
	v22 =	vsel vm3, v27, v22;
	v48 =	vadd.s32 v33, v45;
	vm3 =	veq.s32 v24, $0x7  }
0xf2: {  	v49, _, _ =	vpop (xrf0);
	v38 =	vbroadcast v17, $0xF;
	v21 =	vadd.s32 v33, v21;
	v22 =	vsel vm6, v48, v22  }
0xf3: {  	(xrf0) =	vadd.scan.msk.s32 $0xffff, v50;
	v51 =	vadd.s32 v49, v34;
	v53 =	vsel vm3, $0x1, v0;
	v34 =	vbroadcast v13, $0xF  }
0xf4: {  	vm6 =	veq.s32 v47, $0x3;
	v22 =	vsel vm7, v51, v22;
	vm7 =	veq.s32 v47, $0x0  }
0xf5: {  	v42 =	vbroadcast v21, $0xF;
	v19 =	vadd.s32 v49, v19;
	v54, _, _ =	vpop (xrf0);
	(xrf0) =	vadd.scan.msk.s32 $0xffff, v53;
	v56 =	vsel vm7, $0x1, v0  }
0xf6: {  	v39 =	vsel vm6, $0x1, v0;
	v46 =	vbroadcast v19, $0xF;
	v23 =	vadd.s32 v54, v52;
	(xrf0) =	vadd.scan.msk.s32 $0xffff, v56  }
0xf7: {  	v24 =	vadd.s32 v54, v28;
	v59 =	vsel vm8, v23, v22;
	vm8 =	veq.s32 v47, $0x2;
	v57, _, _ =	vpop (xrf0);
	(xrf0) =	vadd.scan.msk.s32 $0xffff, v58  }
0xf8: {  	v51 =	vbroadcast v24, $0xF;
	v36 =	vsel vm8, $0x1, v0;
	v60 =	vadd.s32 v57, v55  }
0xf9: {  	v58 =	vsel vm1, $0x1, v0;
	v63, _, _ =	vpop (xrf0);
	(xrf0) =	vadd.scan.msk.s32 $0xffff, v36;
	v12 =	vadd.s32 v57, v12;
	v14 =	vsel vm5, v60, v59  }
0xfa: {  	v29 =	vadd.s32 v63, v61;
	vm5 =	veq.s32 v47, $0x4;
	v56 =	vbroadcast v12, $0xF  }
0xfb: {  	v15 =	vadd.s32 v63, v30;
	v23, _, _ =	vpop (xrf0);
	v14 =	vsel vm4, v29, v14;
	v41 =	vsel vm5, $0x1, v0  }
0xfc: {  	vm4 =	veq.s32 v47, $0x6;
	v59 =	vbroadcast v15, $0xF;
	v18 =	vadd.s32 v23, v34;
	v37, _, _ =	vpop (xrf0)  }
0xfd: {  	v44 =	vsel vm4, $0x1, v0;
	v13 =	vadd.s32 v23, v13;
	v22 =	vadd.s32 v37, v35;
	v40, _, _ =	vpop (xrf0);
	(xrf0) =	vadd.scan.msk.s32 $0xffff, v39  }
0xfe: {  	v10 =	vsel vm3, v18, v14;
	v22 =	vnsel vm7, $0x0, v22;
	v29 =	vadd.s32 v40, v38  }
0xff: {  	vm3 =	veq.s32 v26, $0x1;
	(xrf0) =	vadd.scan.msk.s32 $0xffff, v41;
	vm7 =	veq.s32 v47, $0x5;
	v45, _, _ =	vpop (xrf0);
	v22 =	vsel vm9, v29, v22  }
0x100: {  	v43 =	vsel vm7, $0x1, v0;
	v29 =	vadd.s32 v45, v42;
	v21 =	vadd.s32 v45, v21;
	v45 =	vld [tilespmem:$0xA0]  }
0x101: {  	v57 =	vsel vm3, $0x1, v0;
	v16 =	vadd.s32 v37, v16;
	v47 =	vsel vm2, $0x1, v0;
	(xrf0) =	vadd.scan.msk.s32 $0xffff, v43  }
0x102: {  	v61 =	vbroadcast v16, $0xF;
	v17 =	vadd.s32 v40, v17;
	vm9 =	veq.s32 v26, $0x0;
	(xrf0) =	vadd.scan.msk.s32 $0xffff, v44  }
0x103: {  	v39 =	vbroadcast v17, $0xF;
	v49 =	vsel vm9, $0x1, v0;
	v22 =	vsel vm8, v29, v22;
	v48, _, _ =	vpop (xrf0)  }
0x104: {  	v41 =	vbroadcast v21, $0xF;
	v50 =	vadd.s32 v48, v46;
	v19 =	vadd.s32 v48, v19  }
0x105: {  	(xrf0) =	vadd.scan.msk.s32 $0xffff, v47;
	v53, _, _ =	vpop (xrf0);
	v48 =	vbroadcast v13, $0xF;
	vm8 =	veq.s32 v45, $0x0;
	vm10 =	veq.s32 v45, $0x3  }
0x106: {  	(xrf0) =	vadd.scan.msk.s32 $0xffff, v49;
	v52 =	vsel vm6, v50, v22;
	v54 =	vadd.s32 v53, v51;
	vm6 =	veq.s32 v26, $0x3  }
0x107: {  	v47 =	vbroadcast v19, $0xF;
	v18 =	vadd.s32 v53, v24;
	v53 =	vsel vm8, $0x1, v0;
	v55, _, _ =	vpop (xrf0)  }
0x108: {  	v14 =	vsel vm5, v54, v52;
	v35 =	vsel vm6, $0x1, v0;
	vm5 =	veq.s32 v26, $0x4;
	v32, _, _ =	vpop (xrf0);
	(xrf0) =	vadd.scan.msk.s32 $0xffff, v57  }
0x109: {  	v24 =	vbroadcast v18, $0xF;
	v62 =	vadd.s32 v55, v56;
	v42 =	vsel vm5, $0x1, v0;
	(xrf0) =	vadd.scan.msk.s32 $0xffff, v58  }
0x10a: {  	v14 =	vsel vm7, v62, v14;
	v36 =	vadd.s32 v32, v59;
	vm7 =	veq.s32 v26, $0x5  }
0x10b: {  	v60, _, _ =	vpop (xrf0);
	v15 =	vadd.s32 v32, v15;
	v44 =	vsel vm7, $0x1, v0;
	v14 =	vsel vm4, v36, v14  }
0x10c: {  	v63, _, _ =	vpop (xrf0);
	vm4 =	veq.s32 v26, $0x6;
	v36 =	vadd.s32 v55, v12;
	v20 =	vadd.s32 v60, v48  }
0x10d: {  	(xrf0) =	vadd.scan.msk.s32 $0xffff, v35;
	v58 =	vbroadcast v15, $0xF;
	v13 =	vadd.s32 v60, v13;
	v37 =	vadd.s32 v63, v61  }
0x10e: {  	v35 =	vsel vm4, $0x1, v0;
	v52 =	vbroadcast v36, $0xF;
	v12 =	vsel vm2, v20, v14;
	v40, _, _ =	vpop (xrf0)  }
0x10f: {  	v16 =	vadd.s32 v63, v16;
	v60 =	vbroadcast v13, $0xF;
	vm2 =	veq.s32 v45, $0x7;
	v43, _, _ =	vpop (xrf0);
	(xrf0) =	vadd.scan.msk.s32 $0xffff, v42  }
0x110: {  	v38 =	vnsel vm9, $0x0, v37;
	v61 =	vbroadcast v16, $0xF;
	v28 =	vadd.s32 v40, v39;
	(xrf0) =	vadd.scan.msk.s32 $0xffff, v44  }
0x111: {  	vm9 =	veq.s32 v45, $0x2;
	v23 =	vsel vm3, v28, v38;
	v46 =	vadd.s32 v43, v41  }
0x112: {  	v62 =	vsel vm9, $0x1, v0;
	v23 =	vsel vm1, v46, v23;
	vm1 =	veq.s32 v26, $0x7  }
0x113: {  	v17 =	vadd.s32 v40, v17;
	v49, _, _ =	vpop (xrf0);
	vm3 =	veq.s32 v45, $0x1;
	(xrf0) =	vadd.scan.msk.s32 $0xffff, v35;
	v50 =	vsel vm1, $0x1, v0  }
0x114: {  	v25 =	vld [tilespmem:$0xB0];
	v37 =	vbroadcast v17, $0xF;
	v38 =	vsel vm10, $0x1, v0;
	v21 =	vadd.s32 v43, v21;
	(xrf0) =	vadd.scan.msk.s32 $0xffff, v50  }
0x115: {  	v29 =	vadd.s32 v49, v47;
	v55 =	vsel vm3, $0x1, v0;
	v35 =	vbroadcast v21, $0xF;
	v51, _, _ =	vpop (xrf0);
	(xrf0) =	vadd.scan.msk.s32 $0xffff, v53  }
0x116: {  	v19 =	vadd.s32 v49, v19;
	v23 =	vsel vm6, v29, v23;
	vm6 =	veq.s32 v45, $0x5;
	v54, _, _ =	vpop (xrf0);
	(xrf0) =	vadd.scan.msk.s32 $0xffff, v55  }
0x117: {  	v46 =	vsel vm2, $0x1, v0;
	v42 =	vsel vm6, $0x1, v0;
	v24 =	vadd.s32 v51, v24  }
0x118: {  	v18 =	vadd.s32 v51, v18;
	v23 =	vsel vm5, v24, v23;
	v56 =	vadd.s32 v54, v52  }
0x119: {  	v59, _, _ =	vpop (xrf0);
	vm5 =	veq.s32 v25, $0x0;
	v27 =	vbroadcast v18, $0xF;
	v26 =	vadd.s32 v54, v36  }
0x11a: {  	v57 =	vsel vm7, v56, v23;
	v20 =	vadd.s32 v59, v58;
	vm7 =	veq.s32 v45, $0x4;
	v30, _, _ =	vpop (xrf0)  }
0x11b: {  	(xrf0) =	vadd.scan.msk.s32 $0xffff, v62;
	v49 =	vsel vm5, $0x1, v0;
	v54 =	vbroadcast v26, $0xF;
	v15 =	vadd.s32 v59, v15;
	v63, _, _ =	vpop (xrf0)  }
0x11c: {  	v14 =	vsel vm4, v20, v57;
	v41 =	vsel vm7, $0x1, v0;
	vm4 =	veq.s32 v45, $0x6;
	v40, _, _ =	vpop (xrf0);
	(xrf0) =	vadd.scan.msk.s32 $0xffff, v38  }
0x11d: {  	v45 =	vbroadcast v19, $0xF;
	v36 =	vbroadcast v15, $0xF;
	v13 =	vadd.s32 v30, v13;
	(xrf0) =	vadd.scan.msk.s32 $0xffff, v41  }
0x11e: {  	v20 =	vadd.s32 v30, v60;
	v43 =	vsel vm4, $0x1, v0;
	v30 =	vbroadcast v13, $0xF;
	(xrf0) =	vadd.scan.msk.s32 $0xffff, v42  }
0x11f: {  	v14 =	vsel vm1, v20, v14;
	v39 =	vadd.s32 v63, v61;
	v31 =	vadd.s32 v63, v16  }
0x120: {  	v23 =	vnsel vm8, $0x0, v39;
	v32 =	vadd.s32 v40, v37;
	vm8 =	veq.s32 v25, $0x2;
	v39 =	vld [tilespmem:$0xC0]  }
0x121: {  	v44, _, _ =	vpop (xrf0);
	v60 =	vbroadcast v31, $0xF;
	v24 =	vadd.s32 v40, v17;
	v23 =	vsel vm3, v32, v23;
	(xrf0) =	vadd.scan.msk.s32 $0xffff, v43  }
0x122: {  	v47 =	vadd.s32 v44, v35;
	vm3 =	veq.s32 v25, $0x1;
	v55 =	vsel vm8, $0x1, v0;
	(xrf0) =	vadd.scan.msk.s32 $0xffff, v46;
	v48, _, _ =	vpop (xrf0)  }
0x123: {  	v40 =	vbroadcast v24, $0xF;
	v21 =	vadd.s32 v44, v21;
	v52 =	vsel vm3, $0x1, v0;
	(xrf0) =	vadd.scan.msk.s32 $0xffff, v49;
	v51, _, _ =	vpop (xrf0)  }
0x124: {  	v23 =	vsel vm9, v47, v23;
	v37 =	vbroadcast v21, $0xF;
	vm9 =	veq.s32 v25, $0x5;
	v53, _, _ =	vpop (xrf0);
	(xrf0) =	vadd.scan.msk.s32 $0xffff, v52  }
0x125: {  	v44 =	vsel vm9, $0x1, v0;
	vm1 =	veq.s32 v39, $0x7;
	v50 =	vadd.s32 v48, v45  }
0x126: {  	v19 =	vadd.s32 v48, v19;
	v23 =	vsel vm10, v50, v23;
	v27 =	vadd.s32 v51, v27  }
0x127: {  	v46 =	vbroadcast v19, $0xF;
	v18 =	vadd.s32 v51, v18;
	v56, _, _ =	vpop (xrf0);
	v57 =	vsel vm7, v27, v23  }
0x128: {  	v58 =	vadd.s32 v53, v54;
	vm7 =	veq.s32 v25, $0x3;
	v28 =	vbroadcast v18, $0xF;
	v59, _, _ =	vpop (xrf0)  }
0x129: {  	(xrf0) =	vadd.scan.msk.s32 $0xffff, v55;
	v26 =	vadd.s32 v53, v26;
	v16 =	vsel vm6, v58, v57;
	v41 =	vsel vm7, $0x1, v0;
	v62, _, _ =	vpop (xrf0)  }
0x12a: {  	v61 =	vadd.s32 v56, v36;
	vm6 =	veq.s32 v25, $0x4;
	v49 =	vbroadcast v26, $0xF;
	v42, _, _ =	vpop (xrf0);
	(xrf0) =	vadd.scan.msk.s32 $0xffff, v41  }
0x12b: {  	v15 =	vadd.s32 v56, v15;
	v43 =	vsel vm6, $0x1, v0;
	v22 =	vsel vm4, v61, v16  }
0x12c: {  	v53 =	vadd.s32 v59, v30;
	v56 =	vbroadcast v15, $0xF;
	v63 =	vadd.s32 v62, v60  }
0x12d: {  	vm4 =	veq.s32 v39, $0x4;
	v23 =	vadd.s32 v62, v31;
	v17 =	vnsel vm5, $0x0, v63;
	(xrf0) =	vadd.scan.msk.s32 $0xffff, v43  }
0x12e: {  	vm5 =	veq.s32 v25, $0x6;
	v34 =	vbroadcast v23, $0xF;
	v27 =	vadd.s32 v42, v40;
	(xrf0) =	vadd.scan.msk.s32 $0xffff, v44  }
0x12f: {  	v38, _, _ =	vpop (xrf0);
	v47 =	vsel vm5, $0x1, v0;
	v24 =	vadd.s32 v42, v24;
	v17 =	vsel vm3, v27, v17  }
0x130: {  	v45 =	vadd.s32 v38, v37;
	vm3 =	veq.s32 v25, $0x7;
	v41 =	vbroadcast v24, $0xF;
	v25, _, _ =	vpop (xrf0)  }
0x131: {  	v21 =	vadd.s32 v38, v21;
	v17 =	vsel vm8, v45, v17;
	v27 =	vadd.s32 v25, v46  }
0x132: {  	v48 =	vsel vm3, $0x1, v0;
	vm8 =	veq.s32 v39, $0x0;
	v44 =	vbroadcast v21, $0xF;
	(xrf0) =	vadd.scan.msk.s32 $0xffff, v47  }
0x133: {  	v45 =	vsel vm4, $0x1, v0;
	v50 =	vsel vm8, $0x1, v0;
	v33, _, _ =	vpop (xrf0);
	(xrf0) =	vadd.scan.msk.s32 $0xffff, v48;
	v19 =	vadd.s32 v25, v19  }
0x134: {  	v51 =	vsel vm7, v27, v17;
	v52 =	vadd.s32 v33, v28;
	vm7 =	veq.s32 v39, $0x2;
	v27, _, _ =	vpop (xrf0)  }
0x135: {  	v25 =	vbroadcast v19, $0xF;
	v16 =	vsel vm6, v52, v51;
	(xrf0) =	vadd.scan.msk.s32 $0xffff, v50;
	v54 =	vadd.s32 v27, v49  }
0x136: {  	vm6 =	veq.s32 v39, $0x3;
	v55 =	vsel vm9, v54, v16;
	vm9 =	veq.s32 v39, $0x1  }
0x137: {  	v51 =	vadd.s32 v33, v18;
	v42 =	vsel vm6, $0x1, v0;
	v57 =	vsel vm9, $0x1, v0  }
0x138: {  	v50 =	vsel vm1, $0x1, v0;
	v58, _, _ =	vpop (xrf0);
	v16 =	vadd.s32 v59, v13;
	v59 =	vsel vm7, $0x1, v0;
	(xrf0) =	vadd.scan.msk.s32 $0xffff, v57  }
0x139: {  	v33 =	vbroadcast v51, $0xF;
	v26 =	vadd.s32 v27, v26;
	v13 =	vsel vm2, v53, v22;
	v17, _, _ =	vpop (xrf0);
	(xrf0) =	vadd.scan.msk.s32 $0xffff, v59  }
0x13a: {  	[tilespmem:$0x500] =	vst v5;
	vm2 =	veq.s32 v39, $0x6;
	v60 =	vadd.s32 v58, v56;
	v61 =	vbroadcast v16, $0xF  }
0x13b: {  	[tilespmem:$0x100] =	vst v5;
	v49 =	vsel vm2, $0x1, v0;
	v56 =	vbroadcast v26, $0xF;
	v32 =	vadd.s32 v58, v15;
	v22, _, _ =	vpop (xrf0)  }
0x13c: {  	v62 =	vsel vm5, v60, v55;
	v63 =	vadd.s32 v17, v61;
	(xrf0) =	vadd.scan.msk.s32 $0xffff, v42;
	v40 =	vadd.s32 v22, v34;
	v34 =	vld [tilespmem:$0xD0]  }
0x13d: {  	v60 =	vbroadcast v32, $0xF;
	v16 =	vadd.s32 v17, v16;
	v15 =	vsel vm3, v63, v62;
	(xrf0) =	vadd.scan.msk.s32 $0xffff, v45  }
0x13e: {  	[tilespmem:$0x510] =	vst v4;
	v22 =	vadd.s32 v22, v23;
	v29 =	vnsel vm8, $0x0, v40;
	vm8 =	veq.s32 v39, $0x5;
	v43, _, _ =	vpop (xrf0)  }
0x13f: {  	[tilespmem:$0x110] =	vst v4;
	v23 =	vbroadcast v22, $0xF;
	v47 =	vsel vm8, $0x1, v0;
	v30 =	vadd.s32 v43, v41;
	v46, _, _ =	vpop (xrf0)  }
0x140: {  	(xrf0) =	vadd.scan.msk.s32 $0xffff, v47;
	v24 =	vadd.s32 v43, v24;
	v29 =	vsel vm9, v30, v29;
	v48 =	vadd.s32 v46, v44  }
0x141: {  	(xrf0) =	vadd.scan.msk.s32 $0xffff, v49;
	vm5 =	veq.s32 v34, $0x1;
	v29 =	vsel vm7, v48, v29;
	vm7 =	veq.s32 v34, $0x0  }
0x142: {  	(xrf0) =	vadd.scan.msk.s32 $0xffff, v50;
	v53, _, _ =	vpop (xrf0);
	v35 =	vbroadcast v24, $0xF;
	vm9 =	veq.s32 v34, $0x3;
	v52 =	vsel vm7, $0x1, v0  }
0x143: {  	vm10 =	veq.s32 v34, $0x4;
	v54 =	vsel vm5, $0x1, v0;
	v25 =	vadd.s32 v53, v25;
	v55, _, _ =	vpop (xrf0);
	(xrf0) =	vadd.scan.msk.s32 $0xffff, v52  }
0x144: {  	v21 =	vadd.s32 v46, v21;
	v57 =	vsel vm6, v25, v29;
	v58 =	vadd.s32 v55, v33;
	(xrf0) =	vadd.scan.msk.s32 $0xffff, v54  }
0x145: {  	[tilespmem:$0x520] =	vst v6;
	v39 =	vld [tilespmem:$0xE0];
	vm3 =	veq.s32 v34, $0x6;
	v42 =	vsel vm9, $0x1, v0;
	v18 =	vsel vm4, v58, v57  }
0x146: {  	[tilespmem:$0x180] =	vst v6;
	v43 =	vsel vm10, $0x1, v0;
	v45 =	vbroadcast v21, $0xF;
	v46 =	vsel vm3, $0x1, v0;
	v59, _, _ =	vpop (xrf0)  }
0x147: {  	[tilespmem:$0x540] =	vst v7;
	v30 =	vadd.s32 v53, v19;
	vm6 =	veq.s32 v34, $0x5;
	v61 =	vadd.s32 v59, v56;
	v25, _, _ =	vpop (xrf0)  }
0x148: {  	[tilespmem:$0x200] =	vst v7;
	v49 =	vbroadcast v30, $0xF;
	v20 =	vsel vm8, v61, v18;
	v18, _, _ =	vpop (xrf0);
	vm8 =	veq.s32 v34, $0x2  }
0x149: {  	[tilespmem:$0x530] =	vst v8;
	v27 =	vadd.s32 v55, v51;
	v44 =	vsel vm6, $0x1, v0;
	v41 =	vsel vm8, $0x1, v0;
	v63, _, _ =	vpop (xrf0)  }
0x14a: {  	v53 =	vbroadcast v27, $0xF;
	vm4 =	veq.s32 v39, $0x1;
	v26 =	vadd.s32 v59, v26;
	v38, _, _ =	vpop (xrf0);
	(xrf0) =	vadd.scan.msk.s32 $0xffff, v41  }
0x14b: {  	v57 =	vsel vm4, $0x1, v0;
	v62 =	vadd.s32 v25, v60;
	v60 =	vbroadcast v26, $0xF;
	(xrf0) =	vadd.scan.msk.s32 $0xffff, v42  }
0x14c: {  	[tilespmem:$0x190] =	vst v8;
	v25 =	vadd.s32 v25, v32;
	v20 =	vsel vm2, v62, v20;
	vm2 =	veq.s32 v34, $0x7  }
0x14d: {  	v4 =	vbroadcast v25, $0xF;
	v47 =	vsel vm2, $0x1, v0;
	v23 =	vadd.s32 v63, v23;
	(xrf0) =	vadd.scan.msk.s32 $0xffff, v43  }
0x14e: {  	v22 =	vadd.s32 v63, v22;
	v23 =	vnsel vm7, $0x0, v23;
	v35 =	vadd.s32 v38, v35;
	(xrf0) =	vadd.scan.msk.s32 $0xffff, v44  }
0x14f: {  	vm7 =	veq.s32 v39, $0x0;
	v63 =	vbroadcast v22, $0xF;
	v24 =	vadd.s32 v38, v24;
	(xrf0) =	vadd.scan.msk.s32 $0xffff, v46  }
0x150: {  	v23 =	vsel vm5, v35, v23;
	v50 =	vsel vm7, $0x1, v0;
	vm5 =	veq.s32 v39, $0x2;
	v48, _, _ =	vpop (xrf0);
	(xrf0) =	vadd.scan.msk.s32 $0xffff, v47  }
0x151: {  	[tilespmem:$0x550] =	vst v9;
	v42 =	vbroadcast v24, $0xF;
	v61 =	vsel vm5, $0x1, v0;
	v51 =	vadd.s32 v48, v45;
	v52, _, _ =	vpop (xrf0)  }
0x152: {  	(xrf0) =	vadd.scan.msk.s32 $0xffff, v50;
	v21 =	vadd.s32 v48, v21;
	v54 =	vsel vm8, v51, v23;
	v55 =	vadd.s32 v52, v49  }
0x153: {  	[tilespmem:$0x210] =	vst v9;
	v56, _, _ =	vpop (xrf0);
	vm8 =	veq.s32 v39, $0x3;
	v45 =	vbroadcast v21, $0xF;
	v19 =	vsel vm9, v55, v54  }
0x154: {  	[tilespmem:$0x560] =	vst v11;
	v30 =	vadd.s32 v52, v30;
	v58 =	vadd.s32 v56, v53;
	v59, _, _ =	vpop (xrf0);
	v40 =	vsel vm8, $0x1, v0  }
0x155: {  	(xrf0) =	vadd.scan.msk.s32 $0xffff, v57;
	vm9 =	veq.s32 v39, $0x4;
	v48 =	vbroadcast v30, $0xF;
	v54 =	vadd.s32 v56, v27;
	v34, _, _ =	vpop (xrf0)  }
0x156: {  	v23 =	vsel vm10, v58, v19;
	v62 =	vadd.s32 v59, v60;
	v44 =	vsel vm9, $0x1, v0;
	v19, _, _ =	vpop (xrf0);
	(xrf0) =	vadd.scan.msk.s32 $0xffff, v61  }
0x157: {  	[tilespmem:$0x280] =	vst v11;
	v55 =	vbroadcast v54, $0xF;
	v26 =	vadd.s32 v59, v26;
	v23 =	vsel vm6, v62, v23  }
0x158: {  	vm6 =	veq.s32 v39, $0x5;
	v4 =	vadd.s32 v34, v4;
	v29 =	vbroadcast v26, $0xF;
	v5, _, _ =	vpop (xrf0);
	(xrf0) =	vadd.scan.msk.s32 $0xffff, v40  }
0x159: {  	[tilespmem:$0x570] =	vst v10;
	v31 =	vadd.s32 v34, v25;
	v49 =	vsel vm6, $0x1, v0;
	v4 =	vsel vm3, v4, v23  }
0x15a: {  	[tilespmem:$0x290] =	vst v10;
	vm3 =	veq.s32 v39, $0x7;
	v61 =	vbroadcast v16, $0xF;
	v16 =	vadd.s32 v18, v16  }
0x15b: {  	v35 =	vld [tilespmem:$0xF0];
	v37 =	vbroadcast v31, $0xF;
	v58 =	vsel vm3, $0x1, v0;
	v41 =	vadd.s32 v5, v63;
	v43, _, _ =	vpop (xrf0);
	(xrf0) =	vadd.scan.msk.s32 $0xffff, v44  }
0x15c: {  	v34 =	vbroadcast v16, $0xF;
	v32 =	vnsel vm7, $0x0, v41;
	vm7 =	veq.s32 v39, $0x6;
	v47, _, _ =	vpop (xrf0);
	(xrf0) =	vadd.scan.msk.s32 $0xffff, v49  }
0x15d: {  	[tilespmem:$0x580] =	vst v12;
	v8 =	vadd.s32 v18, v61;
	v5 =	vadd.s32 v5, v22;
	v56 =	vsel vm7, $0x1, v0  }
0x15e: {  	v33 =	vadd.s32 v43, v42;
	v27 =	vadd.s32 v19, v34;
	v5 =	vbroadcast v5, $0xF;
	v51, _, _ =	vpop (xrf0);
	(xrf0) =	vadd.scan.msk.s32 $0xffff, v56  }
0x15f: {  	[tilespmem:$0x300] =	vst v12;
	v8 =	vsel vm1, v8, v20;
	v46 =	vsel vm4, v33, v32;
	v50 =	vadd.s32 v47, v45  }
0x160: {  	v17 =	vsel vm5, v50, v46;
	v52 =	vadd.s32 v51, v48;
	vm5 =	veq.s32 v35, $0x0;
	(xrf0) =	vadd.scan.msk.s32 $0xffff, v58  }
0x161: {  	[tilespmem:$0x590] =	vst v14;
	v57, _, _ =	vpop (xrf0);
	v53 =	vsel vm8, v52, v17;
	v59 =	vsel vm5, $0x1, v0;
	vm8 =	veq.s32 v35, $0x1  }
0x162: {  	vm4 =	veq.s32 v35, $0x2;
	v23 =	vadd.s32 v57, v55;
	(xrf0) =	vadd.scan.msk.s32 $0xffff, v59;
	v32 =	vsel vm8, $0x1, v0;
	v62, _, _ =	vpop (xrf0)  }
0x163: {  	v39 =	vsel vm4, $0x1, v0;
	v60 =	vsel vm9, v23, v53;
	(xrf0) =	vadd.scan.msk.s32 $0xffff, v32;
	v63 =	vadd.s32 v62, v29  }
0x164: {  	v42 =	vadd.s32 v43, v24;
	v38, _, _ =	vpop (xrf0);
	(xrf0) =	vadd.scan.msk.s32 $0xffff, v39;
	v7 =	vsel vm6, v63, v60;
	vm6 =	veq.s32 v35, $0x3  }
0x165: {  	[tilespmem:$0x310] =	vst v14;
	vm1 =	veq.s32 v35, $0x5;
	v4 =	vsel vm2, v27, v4;
	v44 =	vsel vm6, $0x1, v0  }
0x166: {  	v43 =	vbroadcast v42, $0xF;
	vm2 =	veq.s32 v35, $0x6;
	v25 =	vadd.s32 v38, v37;
	v40, _, _ =	vpop (xrf0);
	(xrf0) =	vadd.scan.msk.s32 $0xffff, v44  }
0x167: {  	[tilespmem:$0x5A0] =	vst v13;
	v6 =	vadd.s32 v47, v21;
	v7 =	vsel vm7, v25, v7;
	vm7 =	veq.s32 v35, $0x4  }
0x168: {  	[tilespmem:$0x380] =	vst v13;
	v6 =	vbroadcast v6, $0xF;
	v48 =	vsel vm1, $0x1, v0;
	v41, _, _ =	vpop (xrf0);
	v46 =	vsel vm7, $0x1, v0  }
0x169: {  	v49 =	vadd.s32 v51, v30;
	v50 =	vsel vm2, $0x1, v0;
	v5 =	vadd.s32 v41, v5;
	v45, _, _ =	vpop (xrf0);
	(xrf0) =	vadd.scan.msk.s32 $0xffff, v46  }
0x16a: {  	v11 =	vbroadcast v49, $0xF;
	v5 =	vnsel vm5, $0x0, v5;
	vm5 =	veq.s32 v35, $0x7;
	v47, _, _ =	vpop (xrf0);
	(xrf0) =	vadd.scan.msk.s32 $0xffff, v48  }
0x16b: {  	v52 =	vadd.s32 v57, v54;
	v54 =	vadd.s32 v19, v16;
	v51 =	vsel vm5, $0x1, v0;
	(xrf0) =	vadd.scan.msk.s32 $0xffff, v50  }
0x16c: {  	v56 =	vbroadcast v54, $0xF;
	v57 =	vadd.s32 v62, v26;
	v10 =	vadd.s32 v45, v43;
	v53, _, _ =	vpop (xrf0);
	(xrf0) =	vadd.scan.msk.s32 $0xffff, v51  }
0x16d: {  	[tilespmem:$0x5B0] =	vst v15;
	v58 =	vbroadcast v57, $0xF;
	v5 =	vsel vm8, v10, v5;
	v6 =	vadd.s32 v47, v6  }
0x16e: {  	[tilespmem:$0x390] =	vst v15;
	v9 =	vadd.s32 v38, v31;
	v5 =	vsel vm4, v6, v5;
	v6 =	vbroadcast v52, $0xF  }
0x16f: {  	[tilespmem:$0x5C0] =	vst v8;
	v60 =	vbroadcast v9, $0xF;
	v61 =	vadd.s32 v40, v54;
	v11 =	vadd.s32 v53, v11;
	v55, _, _ =	vpop (xrf0)  }
0x170: {  	[tilespmem:$0x400] =	vst v8;
	v12 =	vadd.s32 v40, v56;
	v5 =	vsel vm6, v11, v5;
	v6 =	vadd.s32 v55, v6;
	v59, _, _ =	vpop (xrf0)  }
0x171: {  	[tilespmem:$0x5D0] =	vst v4;
	v9 =	vbroadcast v61, $0xF;
	v5 =	vsel vm7, v6, v5;
	v62, _, _ =	vpop (xrf0);
	v6 =	vadd.s32 v59, v58  }
0x172: {  	[tilespmem:$0x410] =	vst v4;
	v7 =	vsel vm3, v12, v7;
	v5 =	vsel vm1, v6, v5;
	v4 =	vadd.s32 v62, v60;
	v63, _, _ =	vpop (xrf0)  }
0x173: {  	[tilespmem:$0x5E0] =	vst v7;
	v4 =	vsel vm2, v4, v5;
	v5 =	vadd.s32 v63, v9  }
0x174: {  	[tilespmem:$0x480] =	vst v7;
	v4 =	vsel vm5, v5, v4  }
0x175: {  	[tilespmem:$0x5F0] =	vst v4  }
0x176: {  	s19 =	simm.s32 @!p1 $0x0;
	s20 =	simm.s32 @!p1 $0x500;
	s18 =	rddreg [dreg:$0x9];
	[tilespmem:$0x490] =	vst v4  }
0x177: {  	[hbm4b:s18+s19] =	stream.linear.scatter @!p1 [tilespmem:s20], [sflag:$0x5], $0x100, $0x38;
	[tilespmem:$0x10E80] =	vst v63  }
0x178: {  	s18 =	simm.s32 @!p1 $0x5  }
0x179: {  	_ =	swait.ge @!p1 [sflag:s18], $0x100  }
0x17a: {  	[sflag:s18] =	ssyncset.done @!p1 $0x0  }
0x17b: {  	[sflag:s18] =	ssyncadd.s32 @!p1 $0xFFFFFF00  }
0x17c: {  	_ =	swait.ge [sflag:s3], $0x8000  }
0x17d: {  	[sflag:s3] =	ssyncset.done $0x0  }
0x17e: {  	s0 =	rddreg [dreg:$0xd];
	[sflag:s3] =	ssyncadd.s32 $0xFFFF8000  }
0x17f: {  	v4 =	vld [tilespmem:s0+$0x100];
	_ =	sdelay $0x4  }
0x180: {  	v5 =	vshll.u32 v4, $0x3  }
0x181: {  	v4 =	vand.u32 $0x7, v4;
	v5 =	vand.u32 $0xFFFFFFC0, v5  }
0x182: {  	v4 =	vor.u32 v4, v5  }
0x183: {  	v5 =	vperm.xlane v4, v1;
	_ =	sdelay $0x1  }
0x184: {  	v5 =	vadd.s32 v2, v5;
	_ =	sdelay $0x3  }
0x185: {  	s2 =	simm.s32 $0x600;
	s6 =	rddreg [dreg:$0x3]  }
0x186: {  	[hbm4b:s6+s25] =	stream.indirect_vreg.scatter [tilespmem:s2], [sflag:$0x3], $0x80, v5, vm0, $0xb8;
	[tilespmem:$0x10E80] =	vst v63  }
0x187: {  	s8 =	simm.s32 $0xE00;
	s7 =	rddreg [dreg:$0x11];
	v4 =	vperm.xlane v4, v3  }
0x188: {  	[hbm4b:s7+s25] =	stream.indirect_vreg.scatter [tilespmem:s8], [sflag:$0x3], $0x80, v5, vm0, $0xb8;
	[tilespmem:$0x10E80] =	vst v63  }
0x189: {  	s18 =	simm.s32 $0x1600;
	v4 =	vadd.s32 v2, v4;
	s8 =	rddreg [dreg:$0x12]  }
0x18a: {  	[hbm4b:s8+s25] =	stream.indirect_vreg.scatter [tilespmem:s18], [sflag:$0x3], $0x80, v5, vm0, $0xb8;
	[tilespmem:$0x10E80] =	vst v63  }
0x18b: {  	s19 =	simm.s32 $0x1E00;
	s4 =	rddreg [dreg:$0x13]  }
0x18c: {  	[hbm4b:s4+s25] =	stream.indirect_vreg.scatter [tilespmem:s19], [sflag:$0x3], $0x80, v5, vm0, $0xb8;
	[tilespmem:$0x10E80] =	vst v63  }
0x18d: {  	s20 =	simm.s32 $0x2600  }
0x18e: {  	[hbm4b:s6+s25] =	stream.indirect_vreg.scatter [tilespmem:s20], [sflag:$0x3], $0x80, v4, vm0, $0xb8;
	[tilespmem:$0x10E80] =	vst v63  }
0x18f: {  	s18 =	simm.s32 $0x2E00  }
0x190: {  	[hbm4b:s7+s25] =	stream.indirect_vreg.scatter [tilespmem:s18], [sflag:$0x3], $0x80, v4, vm0, $0xb8;
	[tilespmem:$0x10E80] =	vst v63  }
0x191: {  	s19 =	simm.s32 $0x3600  }
0x192: {  	[hbm4b:s8+s25] =	stream.indirect_vreg.scatter [tilespmem:s19], [sflag:$0x3], $0x80, v4, vm0, $0xb8;
	[tilespmem:$0x10E80] =	vst v63  }
0x193: {  	s20 =	simm.s32 $0x3E00  }
0x194: {  	[hbm4b:s4+s25] =	stream.indirect_vreg.scatter [tilespmem:s20], [sflag:$0x3], $0x80, v4, vm0, $0xb8;
	[tilespmem:$0x10E80] =	vst v63  }
0x195: {  	v4 =	vld [tilespmem:s0+$0x110];
	_ =	sdelay $0x4  }
0x196: {  	v5 =	vshll.u32 v4, $0x3  }
0x197: {  	v4 =	vand.u32 $0x7, v4;
	v5 =	vand.u32 $0xFFFFFFC0, v5  }
0x198: {  	v4 =	vor.u32 v4, v5  }
0x199: {  	v5 =	vperm.xlane v4, v1;
	_ =	sdelay $0x1  }
0x19a: {  	v5 =	vadd.s32 v2, v5;
	_ =	sdelay $0x3  }
0x19b: {  	s1 =	simm.s32 $0x4600  }
0x19c: {  	[hbm4b:s6+s25] =	stream.indirect_vreg.scatter [tilespmem:s1], [sflag:$0x3], $0x80, v5, vm0, $0xb8;
	[tilespmem:$0x10E80] =	vst v63  }
0x19d: {  	v4 =	vperm.xlane v4, v3  }
0x19e: {  	[hbm4b:s7+s25] =	stream.indirect_vreg.scatter [tilespmem:s28], [sflag:$0x3], $0x80, v5, vm0, $0xb8;
	[tilespmem:$0x10E80] =	vst v63  }
0x19f: {  	v4 =	vadd.s32 v2, v4  }
0x1a0: {  	[hbm4b:s8+s25] =	stream.indirect_vreg.scatter [tilespmem:s29], [sflag:$0x3], $0x80, v5, vm0, $0xb8;
	[tilespmem:$0x10E80] =	vst v63  }
0x1a1: {  	_ = 	snop  }
0x1a2: {  	[hbm4b:s4+s25] =	stream.indirect_vreg.scatter [tilespmem:s30], [sflag:$0x3], $0x80, v5, vm0, $0xb8;
	[tilespmem:$0x10E80] =	vst v63  }
0x1a3: {  	_ = 	snop  }
0x1a4: {  	[hbm4b:s6+s25] =	stream.indirect_vreg.scatter [tilespmem:s31], [sflag:$0x3], $0x80, v4, vm0, $0xb8;
	[tilespmem:$0x10E80] =	vst v63  }
0x1a5: {  	s18 =	simm.s32 $0x6E00  }
0x1a6: {  	[hbm4b:s7+s25] =	stream.indirect_vreg.scatter [tilespmem:s18], [sflag:$0x3], $0x80, v4, vm0, $0xb8;
	[tilespmem:$0x10E80] =	vst v63  }
0x1a7: {  	s19 =	simm.s32 $0x7600  }
0x1a8: {  	[hbm4b:s8+s25] =	stream.indirect_vreg.scatter [tilespmem:s19], [sflag:$0x3], $0x80, v4, vm0, $0xb8;
	[tilespmem:$0x10E80] =	vst v63  }
0x1a9: {  	s20 =	simm.s32 $0x7E00;
	s1 =	simm.s32 $0x3  }
0x1aa: {  	[hbm4b:s4+s25] =	stream.indirect_vreg.scatter [tilespmem:s20], [sflag:$0x3], $0x80, v4, vm0, $0xb8;
	[tilespmem:$0x10E80] =	vst v63  }
0x1ab: {  	_ =	swait.ge [sflag:s1], $0x8000  }
0x1ac: {  	[sflag:s1] =	ssyncset.done $0x0  }
0x1ad: {  	s0 =	rddreg [dreg:$0xa];
	[sflag:s1] =	ssyncadd.s32 $0xFFFF8000  }
0x1ae: {  	[tilespmem:s2], [sflag:$0x1] =	stream.linear.gather [hbm4b:s0+s25], $0x8000, $0x38;
	[tilespmem:$0x10E80] =	vst v63  }
0x1af: {  	_ =	swait.ge [sflag:s17], $0x8000  }
0x1b0: {  	[sflag:s17] =	ssyncset.done $0x0  }
0x1b1: {  	s2 =	rddreg [dreg:$0xe];
	[sflag:s17] =	ssyncadd.s32 $0xFFFF8000  }
0x1b2: {  	v4 =	vld [tilespmem:s2+$0x100];
	_ =	sdelay $0x4  }
0x1b3: {  	v5 =	vshll.u32 v4, $0x3  }
0x1b4: {  	v4 =	vand.u32 $0x7, v4;
	v5 =	vand.u32 $0xFFFFFFC0, v5  }
0x1b5: {  	v4 =	vor.u32 v4, v5  }
0x1b6: {  	v5 =	vperm.xlane v4, v1;
	_ =	sdelay $0x1  }
0x1b7: {  	v5 =	vadd.s32 v2, v5;
	_ =	sdelay $0x3  }
0x1b8: {  	s0 =	simm.s32 $0x8600  }
0x1b9: {  	[hbm4b:s6+s25] =	stream.indirect_vreg.scatter [tilespmem:s0], [sflag:$0x4], $0x80, v5, vm0, $0xb8;
	[tilespmem:$0x10E80] =	vst v63  }
0x1ba: {  	v4 =	vperm.xlane v4, v3  }
0x1bb: {  	[hbm4b:s7+s25] =	stream.indirect_vreg.scatter [tilespmem:s10], [sflag:$0x4], $0x80, v5, vm0, $0xb8;
	[tilespmem:$0x10E80] =	vst v63  }
0x1bc: {  	v4 =	vadd.s32 v2, v4  }
0x1bd: {  	[hbm4b:s8+s25] =	stream.indirect_vreg.scatter [tilespmem:s11], [sflag:$0x4], $0x80, v5, vm0, $0xb8;
	[tilespmem:$0x10E80] =	vst v63  }
0x1be: {  	_ = 	snop  }
0x1bf: {  	[hbm4b:s4+s25] =	stream.indirect_vreg.scatter [tilespmem:s15], [sflag:$0x4], $0x80, v5, vm0, $0xb8;
	[tilespmem:$0x10E80] =	vst v63  }
0x1c0: {  	_ = 	snop  }
0x1c1: {  	[hbm4b:s6+s25] =	stream.indirect_vreg.scatter [tilespmem:s9], [sflag:$0x4], $0x80, v4, vm0, $0xb8;
	[tilespmem:$0x10E80] =	vst v63  }
0x1c2: {  	_ = 	snop  }
0x1c3: {  	[hbm4b:s7+s25] =	stream.indirect_vreg.scatter [tilespmem:s14], [sflag:$0x4], $0x80, v4, vm0, $0xb8;
	[tilespmem:$0x10E80] =	vst v63  }
0x1c4: {  	_ = 	snop  }
0x1c5: {  	[hbm4b:s8+s25] =	stream.indirect_vreg.scatter [tilespmem:s16], [sflag:$0x4], $0x80, v4, vm0, $0xb8;
	[tilespmem:$0x10E80] =	vst v63  }
0x1c6: {  	_ = 	snop  }
0x1c7: {  	[hbm4b:s4+s25] =	stream.indirect_vreg.scatter [tilespmem:s12], [sflag:$0x4], $0x80, v4, vm0, $0xb8;
	[tilespmem:$0x10E80] =	vst v63  }
0x1c8: {  	v4 =	vld [tilespmem:s2+$0x110];
	_ =	sdelay $0x4  }
0x1c9: {  	v5 =	vshll.u32 v4, $0x3  }
0x1ca: {  	v4 =	vand.u32 $0x7, v4;
	v5 =	vand.u32 $0xFFFFFFC0, v5  }
0x1cb: {  	v4 =	vor.u32 v4, v5  }
0x1cc: {  	v5 =	vperm.xlane v4, v1;
	_ =	sdelay $0x1  }
0x1cd: {  	v5 =	vadd.s32 v2, v5;
	_ =	sdelay $0x4  }
0x1ce: {  	[hbm4b:s6+s25] =	stream.indirect_vreg.scatter [tilespmem:s5], [sflag:$0x4], $0x80, v5, vm0, $0xb8;
	[tilespmem:$0x10E80] =	vst v63  }
0x1cf: {  	v4 =	vperm.xlane v4, v3  }
0x1d0: {  	[hbm4b:s7+s25] =	stream.indirect_vreg.scatter [tilespmem:s13], [sflag:$0x4], $0x80, v5, vm0, $0xb8;
	[tilespmem:$0x10E80] =	vst v63  }
0x1d1: {  	s19 =	simm.s32 $0xD600;
	v4 =	vadd.s32 v2, v4  }
0x1d2: {  	[hbm4b:s8+s25] =	stream.indirect_vreg.scatter [tilespmem:s19], [sflag:$0x4], $0x80, v5, vm0, $0xb8;
	[tilespmem:$0x10E80] =	vst v63  }
0x1d3: {  	s20 =	simm.s32 $0xDE00  }
0x1d4: {  	[hbm4b:s4+s25] =	stream.indirect_vreg.scatter [tilespmem:s20], [sflag:$0x4], $0x80, v5, vm0, $0xb8;
	[tilespmem:$0x10E80] =	vst v63  }
0x1d5: {  	_ = 	snop  }
0x1d6: {  	[hbm4b:s6+s25] =	stream.indirect_vreg.scatter [tilespmem:s21], [sflag:$0x4], $0x80, v4, vm0, $0xb8;
	[tilespmem:$0x10E80] =	vst v63  }
0x1d7: {  	_ = 	snop  }
0x1d8: {  	[hbm4b:s7+s25] =	stream.indirect_vreg.scatter [tilespmem:s22], [sflag:$0x4], $0x80, v4, vm0, $0xb8;
	[tilespmem:$0x10E80] =	vst v63  }
0x1d9: {  	_ = 	snop  }
0x1da: {  	[hbm4b:s8+s25] =	stream.indirect_vreg.scatter [tilespmem:s23], [sflag:$0x4], $0x80, v4, vm0, $0xb8;
	[tilespmem:$0x10E80] =	vst v63  }
0x1db: {  	s2 =	simm.s32 $0x4  }
0x1dc: {  	[hbm4b:s4+s25] =	stream.indirect_vreg.scatter [tilespmem:s24], [sflag:$0x4], $0x80, v4, vm0, $0xb8;
	[tilespmem:$0x10E80] =	vst v63  }
0x1dd: {  	_ =	swait.ge [sflag:s2], $0x8000  }
0x1de: {  	[sflag:s2] =	ssyncset.done $0x0  }
0x1df: {  	s18 =	rddreg [dreg:$0xb];
	[sflag:s2] =	ssyncadd.s32 $0xFFFF8000  }
0x1e0: {  	[tilespmem:s0], [sflag:$0x2] =	stream.linear.gather [hbm4b:s18+s25], $0x8000, $0x38;
	[tilespmem:$0x10E80] =	vst v63  }
0x1e1: {  	_ =	swait.ge [sflag:s3], $0x8000  }
0x1e2: {  	[sflag:s3] =	ssyncset.done $0x0  }
0x1e3: {  	s18 =	rddreg [dreg:$0xf];
	[sflag:s3] =	ssyncadd.s32 $0xFFFF8000  }
0x1e4: {  	v4 =	vld [tilespmem:s18+$0x100];
	_ =	sdelay $0x4  }
0x1e5: {  	v5 =	vshll.u32 v4, $0x3  }
0x1e6: {  	v4 =	vand.u32 $0x7, v4;
	v5 =	vand.u32 $0xFFFFFFC0, v5  }
0x1e7: {  	v4 =	vor.u32 v4, v5  }
0x1e8: {  	v5 =	vperm.xlane v4, v1;
	_ =	sdelay $0x1  }
0x1e9: {  	v5 =	vadd.s32 v2, v5;
	_ =	sdelay $0x3  }
0x1ea: {  	s0 =	simm.s32 $0x600  }
0x1eb: {  	[hbm4b:s6+s25] =	stream.indirect_vreg.scatter [tilespmem:s0], [sflag:$0x3], $0x80, v5, vm0, $0xb8;
	[tilespmem:$0x10E80] =	vst v63  }
0x1ec: {  	v4 =	vperm.xlane v4, v3;
	s0 =	simm.s32 $0xE00  }
0x1ed: {  	[hbm4b:s7+s25] =	stream.indirect_vreg.scatter [tilespmem:s0], [sflag:$0x3], $0x80, v5, vm0, $0xb8;
	[tilespmem:$0x10E80] =	vst v63  }
0x1ee: {  	v4 =	vadd.s32 v2, v4;
	s0 =	simm.s32 $0x1600  }
0x1ef: {  	[hbm4b:s8+s25] =	stream.indirect_vreg.scatter [tilespmem:s0], [sflag:$0x3], $0x80, v5, vm0, $0xb8;
	[tilespmem:$0x10E80] =	vst v63  }
0x1f0: {  	s0 =	simm.s32 $0x1E00  }
0x1f1: {  	[hbm4b:s4+s25] =	stream.indirect_vreg.scatter [tilespmem:s0], [sflag:$0x3], $0x80, v5, vm0, $0xb8;
	[tilespmem:$0x10E80] =	vst v63  }
0x1f2: {  	s0 =	simm.s32 $0x2600  }
0x1f3: {  	[hbm4b:s6+s25] =	stream.indirect_vreg.scatter [tilespmem:s0], [sflag:$0x3], $0x80, v4, vm0, $0xb8;
	[tilespmem:$0x10E80] =	vst v63  }
0x1f4: {  	s0 =	simm.s32 $0x2E00  }
0x1f5: {  	[hbm4b:s7+s25] =	stream.indirect_vreg.scatter [tilespmem:s0], [sflag:$0x3], $0x80, v4, vm0, $0xb8;
	[tilespmem:$0x10E80] =	vst v63  }
0x1f6: {  	s0 =	simm.s32 $0x3600  }
0x1f7: {  	[hbm4b:s8+s25] =	stream.indirect_vreg.scatter [tilespmem:s0], [sflag:$0x3], $0x80, v4, vm0, $0xb8;
	[tilespmem:$0x10E80] =	vst v63  }
0x1f8: {  	s0 =	simm.s32 $0x3E00  }
0x1f9: {  	[hbm4b:s4+s25] =	stream.indirect_vreg.scatter [tilespmem:s0], [sflag:$0x3], $0x80, v4, vm0, $0xb8;
	[tilespmem:$0x10E80] =	vst v63  }
0x1fa: {  	v4 =	vld [tilespmem:s18+$0x110];
	_ =	sdelay $0x4  }
0x1fb: {  	v5 =	vshll.u32 v4, $0x3  }
0x1fc: {  	v4 =	vand.u32 $0x7, v4;
	v5 =	vand.u32 $0xFFFFFFC0, v5  }
0x1fd: {  	v4 =	vor.u32 v4, v5  }
0x1fe: {  	v5 =	vperm.xlane v4, v1;
	_ =	sdelay $0x1  }
0x1ff: {  	v5 =	vadd.s32 v2, v5;
	_ =	sdelay $0x3  }
0x200: {  	s18 =	simm.s32 $0x4600  }
0x201: {  	[hbm4b:s6+s25] =	stream.indirect_vreg.scatter [tilespmem:s18], [sflag:$0x3], $0x80, v5, vm0, $0xb8;
	[tilespmem:$0x10E80] =	vst v63  }
0x202: {  	v4 =	vperm.xlane v4, v3  }
0x203: {  	[hbm4b:s7+s25] =	stream.indirect_vreg.scatter [tilespmem:s28], [sflag:$0x3], $0x80, v5, vm0, $0xb8;
	[tilespmem:$0x10E80] =	vst v63  }
0x204: {  	v4 =	vadd.s32 v2, v4  }
0x205: {  	[hbm4b:s8+s25] =	stream.indirect_vreg.scatter [tilespmem:s29], [sflag:$0x3], $0x80, v5, vm0, $0xb8;
	[tilespmem:$0x10E80] =	vst v63  }
0x206: {  	_ = 	snop  }
0x207: {  	[hbm4b:s4+s25] =	stream.indirect_vreg.scatter [tilespmem:s30], [sflag:$0x3], $0x80, v5, vm0, $0xb8;
	[tilespmem:$0x10E80] =	vst v63  }
0x208: {  	_ = 	snop  }
0x209: {  	[hbm4b:s6+s25] =	stream.indirect_vreg.scatter [tilespmem:s31], [sflag:$0x3], $0x80, v4, vm0, $0xb8;
	[tilespmem:$0x10E80] =	vst v63  }
0x20a: {  	s18 =	simm.s32 $0x6E00  }
0x20b: {  	[hbm4b:s7+s25] =	stream.indirect_vreg.scatter [tilespmem:s18], [sflag:$0x3], $0x80, v4, vm0, $0xb8;
	[tilespmem:$0x10E80] =	vst v63  }
0x20c: {  	s18 =	simm.s32 $0x7600  }
0x20d: {  	[hbm4b:s8+s25] =	stream.indirect_vreg.scatter [tilespmem:s18], [sflag:$0x3], $0x80, v4, vm0, $0xb8;
	[tilespmem:$0x10E80] =	vst v63  }
0x20e: {  	s18 =	simm.s32 $0x7E00  }
0x20f: {  	[hbm4b:s4+s25] =	stream.indirect_vreg.scatter [tilespmem:s18], [sflag:$0x3], $0x80, v4, vm0, $0xb8;
	[tilespmem:$0x10E80] =	vst v63  }
0x210: {  	_ =	swait.ge [sflag:s17], $0x8000  }
0x211: {  	[sflag:s17] =	ssyncset.done $0x0  }
0x212: {  	s18 =	rddreg [dreg:$0x10];
	[sflag:s17] =	ssyncadd.s32 $0xFFFF8000  }
0x213: {  	v4 =	vld [tilespmem:s18+$0x100];
	_ =	sdelay $0x4  }
0x214: {  	v5 =	vshll.u32 v4, $0x3  }
0x215: {  	v4 =	vand.u32 $0x7, v4;
	v5 =	vand.u32 $0xFFFFFFC0, v5  }
0x216: {  	v4 =	vor.u32 v4, v5  }
0x217: {  	v5 =	vperm.xlane v4, v1;
	_ =	sdelay $0x1  }
0x218: {  	v5 =	vadd.s32 v2, v5;
	_ =	sdelay $0x4  }
0x219: {  	[hbm4b:s6+s25] =	stream.indirect_vreg.scatter [tilespmem:s26], [sflag:$0x4], $0x80, v5, vm0, $0xb8;
	[tilespmem:$0x10E80] =	vst v63  }
0x21a: {  	v4 =	vperm.xlane v4, v3  }
0x21b: {  	[hbm4b:s7+s25] =	stream.indirect_vreg.scatter [tilespmem:s10], [sflag:$0x4], $0x80, v5, vm0, $0xb8;
	[tilespmem:$0x10E80] =	vst v63  }
0x21c: {  	v4 =	vadd.s32 v2, v4  }
0x21d: {  	[hbm4b:s8+s25] =	stream.indirect_vreg.scatter [tilespmem:s11], [sflag:$0x4], $0x80, v5, vm0, $0xb8;
	[tilespmem:$0x10E80] =	vst v63  }
0x21e: {  	_ = 	snop  }
0x21f: {  	[hbm4b:s4+s25] =	stream.indirect_vreg.scatter [tilespmem:s15], [sflag:$0x4], $0x80, v5, vm0, $0xb8;
	[tilespmem:$0x10E80] =	vst v63  }
0x220: {  	_ = 	snop  }
0x221: {  	[hbm4b:s6+s25] =	stream.indirect_vreg.scatter [tilespmem:s9], [sflag:$0x4], $0x80, v4, vm0, $0xb8;
	[tilespmem:$0x10E80] =	vst v63  }
0x222: {  	_ = 	snop  }
0x223: {  	[hbm4b:s7+s25] =	stream.indirect_vreg.scatter [tilespmem:s14], [sflag:$0x4], $0x80, v4, vm0, $0xb8;
	[tilespmem:$0x10E80] =	vst v63  }
0x224: {  	_ = 	snop  }
0x225: {  	[hbm4b:s8+s25] =	stream.indirect_vreg.scatter [tilespmem:s16], [sflag:$0x4], $0x80, v4, vm0, $0xb8;
	[tilespmem:$0x10E80] =	vst v63  }
0x226: {  	_ = 	snop  }
0x227: {  	[hbm4b:s4+s25] =	stream.indirect_vreg.scatter [tilespmem:s12], [sflag:$0x4], $0x80, v4, vm0, $0xb8;
	[tilespmem:$0x10E80] =	vst v63  }
0x228: {  	v4 =	vld [tilespmem:s18+$0x110];
	_ =	sdelay $0x4  }
0x229: {  	v5 =	vshll.u32 v4, $0x3  }
0x22a: {  	v4 =	vand.u32 $0x7, v4;
	v5 =	vand.u32 $0xFFFFFFC0, v5  }
0x22b: {  	v4 =	vor.u32 v4, v5  }
0x22c: {  	v5 =	vperm.xlane v4, v1;
	_ =	sdelay $0x1  }
0x22d: {  	v5 =	vadd.s32 v2, v5;
	_ =	sdelay $0x4  }
0x22e: {  	[hbm4b:s6+s25] =	stream.indirect_vreg.scatter [tilespmem:s5], [sflag:$0x4], $0x80, v5, vm0, $0xb8;
	[tilespmem:$0x10E80] =	vst v63  }
0x22f: {  	v4 =	vperm.xlane v4, v3  }
0x230: {  	[hbm4b:s7+s25] =	stream.indirect_vreg.scatter [tilespmem:s13], [sflag:$0x4], $0x80, v5, vm0, $0xb8;
	[tilespmem:$0x10E80] =	vst v63  }
0x231: {  	v4 =	vadd.s32 v2, v4  }
0x232: {  	[hbm4b:s8+s25] =	stream.indirect_vreg.scatter [tilespmem:s19], [sflag:$0x4], $0x80, v5, vm0, $0xb8;
	[tilespmem:$0x10E80] =	vst v63  }
0x233: {  	_ = 	snop  }
0x234: {  	[hbm4b:s4+s25] =	stream.indirect_vreg.scatter [tilespmem:s20], [sflag:$0x4], $0x80, v5, vm0, $0xb8;
	[tilespmem:$0x10E80] =	vst v63  }
0x235: {  	_ = 	snop  }
0x236: {  	[hbm4b:s6+s25] =	stream.indirect_vreg.scatter [tilespmem:s21], [sflag:$0x4], $0x80, v4, vm0, $0xb8;
	[tilespmem:$0x10E80] =	vst v63  }
0x237: {  	_ = 	snop  }
0x238: {  	[hbm4b:s7+s25] =	stream.indirect_vreg.scatter [tilespmem:s22], [sflag:$0x4], $0x80, v4, vm0, $0xb8;
	[tilespmem:$0x10E80] =	vst v63  }
0x239: {  	_ = 	snop  }
0x23a: {  	[hbm4b:s8+s25] =	stream.indirect_vreg.scatter [tilespmem:s23], [sflag:$0x4], $0x80, v4, vm0, $0xb8;
	[tilespmem:$0x10E80] =	vst v63  }
0x23b: {  	_ = 	snop  }
0x23c: {  	[hbm4b:s4+s25] =	stream.indirect_vreg.scatter [tilespmem:s24], [sflag:$0x4], $0x80, v4, vm0, $0xb8;
	[tilespmem:$0x10E80] =	vst v63  }
0x23d: {  	_ =	swait.ge [sflag:s1], $0x8000  }
0x23e: {  	[sflag:s1] =	ssyncset.done $0x0;
	s20 =	rddreg [dreg:$0x14]  }
0x23f: {  	[sflag:s1] =	ssyncadd.s32 $0xFFFF8000;
	s1 =	sadd.s32 $0xFFFFFFFF, s20  }
0x240: {  	p2 =	sne.s32 s1, $0x0  }
.Ltmp0:
0x241: {  	_ = 	snop;
	(pc) =	sbr.rel @p2 .LBB2_1-.Ltmp0, $4  }
0x242: {  	_ = 	snop  }
0x243: {  	_ =	swait.ge [sflag:s2], $0x8000  }
0x244: {  	[sflag:s2] =	ssyncset.done $0x0  }
0x245: {  	[sflag:s2] =	ssyncadd.s32 $0xFFFF8000  }
0x246: {  	_ =	sfence.sel $0x180000  }
0x247: {  	[bflag:$0x0] =	sbarrier.arrive $0xFFFF  }
0x248: {  	_ =	strace $0x90000047  }
0x249: {  	s0 =	stileid.u32;
	[bflag:$0x2] =	sbarrier.arrive $0xFFFF  }
0x24a: {  	p0 =	sne.s32 s0, $0x0;
	s0 =	rddreg [dreg:$0x4]  }
0x24b: {  	s0 =	sadd.s32 @!p0 $0x100000, s0  }
0x24c: {  	[sflag:s0] =	ssyncadd.tile.s32 @!p0 $0x1;
	_ =	shalt  }
.Lfunc_end2:
_tile_overlayer_lowered:
.L_overlay_start_2:
0x24d: {  	(tag) =	ssettag $0x2  }
0x24e: {  	s0 =	rddreg [dreg:$0x0];
	s2 =	stileid.u32  }
0x24f: {  	s1 =	rddreg [dreg:$0x1];
	p0 =	sne.s32 s2, $0x0  }
0x250: {  	s3 =	rddreg [dreg:$0x2];
	[bflag:$0x3] =	sbarrier.arrive $0xFFFF;
	s2 =	simm.s32 @!p0 $0x1C05  }
0x251: {  	[timem:s3], [sflag:s2] =	dma.local @!p0 [hbm:s0], s1  }
0x252: {  	s0 =	simm.s32 @!p0 $0x5  }
0x253: {  	_ =	swait.ge @!p0 [sflag:s0], s1  }
0x254: {  	s1 =	ssub.s32 @!p0 $0x0, s1;
	[sflag:s0] =	ssyncset.done @!p0 $0x0  }
0x255: {  	[sflag:s0] =	ssyncadd.s32 @!p0 s1  }
0x256: {  	[bflag:$0x3] =	sbarrier.arrive $0xFFFF  }
0x257: {  	_ =	shalt  }

// kernel: kernel.8.cloned.1.call-start
scs
__scs_entry_jumppad:
0x0: {  	(pc) =	sbr.rel $0x88, $3  }
0x1: {  	(tag) =	ssettag $0x0;
	lr =	simm.s32 $0x1  }
0x2: {  	[smem:$0x3F9D] =	sst lr;
	_ =	strace $0xD0000000  }
0x3: {  	_ = 	snop  }
0x4: {  	_ = 	snop  }
0x5: {  	_ = 	snop  }
0x6: {  	_ = 	snop  }
0x7: {  	_ = 	snop  }
__scs_overlays_trampoline_lowered:
0x8: {  	[smem:$0x3FAC] =	sst s0  }
0x9: {  	[smem:$0x3FAD] =	sst s1  }
0xa: {  	[smem:$0x3FAE] =	sst s2  }
0xb: {  	[smem:$0x3FAF] =	sst s3  }
0xc: {  	[smem:$0x3FB0] =	sst s4  }
0xd: {  	[smem:$0x3FB1] =	sst s5  }
0xe: {  	[smem:$0x3FB2] =	sst s6  }
0xf: {  	[smem:$0x3FB3] =	sst s7  }
0x10: {  	[smem:$0x3FB4] =	sst s8  }
0x11: {  	[smem:$0x3FB5] =	sst s9;
	s0 =	simm.s32 @!p0 $0x0  }
0x12: {  	s1 =	sld [smem:$0x3F9B];
	s0 =	simm.s32 @p0 $0x1  }
0x13: {  	[smem:$0x3FB6] =	sst s0;
	s0 =	simm.s32 @!p1 $0x0  }
0x14: {  	s2 =	sld [smem:$0x3F9A];
	s0 =	simm.s32 @p1 $0x1  }
0x15: {  	[smem:$0x3FB7] =	sst s0;
	s0 =	simm.s32 @!p2 $0x0  }
0x16: {  	s3 =	sld [smem:$0x3FDB];
	s0 =	simm.s32 @p2 $0x1  }
0x17: {  	s4 =	simm.s32 $0x1BF5;
	[smem:$0x3FB9] =	sst s0  }
0x18: {  	s0 =	sld [smem:$0x3F9C];
	_ =	swait.ge [sflag:s4], $0x0  }
0x19: {  	s7 =	sld [smem:$0x3F9D]  }
0x1a: {  	s8 =	sadd.s32 $0xFFFFE003, lr  }
0x1b: {  	s9 =	sadd.s32 $0xFFFFFEF7, lr;
	s5 =	simm.s32 $0xFFFFFFFF;
	p2 =	slt.u32 s8, $0xFFFFF086  }
0x1c: {  	p1 =	slt.u32 s9, $0xF7A;
	s5 =	simm.s32 @!p2 $0x0  }
0x1d: {  	s5 =	simm.s32 @p1 $0x1;
	p0 =	seq.s32 s7, s2  }
0x1e: {  	s7 =	smul.u32 @!p0 $0xF7A, s2;
	p2 =	seq.s32 @!p0 s5, $0x0  }
0x1f: {  	s9 =	smul.u32 $0xF7A, s1;
	s8 =	simm.s32 @!p0 $0x1BF5;
	p2 =	por !p2, p0  }
0x20: {  	[sflag:s8] =	ssyncset.s32 @!p0 $0xFFFFF086;
	s6 =	sadd.s32 @!p0 s3, s7;
	s7 =	simm.s32 @!p0 $0x108  }
0x21: {  	s3 =	sadd.s32 s3, s9;
	s6 =	sadd.s32 @!p0 $0x88, s6;
	s7 =	simm.s32 @p2 $0x1082  }
0x22: {  	[simem:s7], [sflag:s8] =	dma.local @!p0 [hbm:s6], $0xF7A  }
0x23: {  	s9 =	sor.u32 $0xD0000000, s2;
	s6 =	simm.s32 $0x108;
	_ =	swait.ge @!p0 [sflag:s8], $0x0  }
0x24: {  	s3 =	sadd.s32 $0x88, s3;
	s6 =	simm.s32 @!p1 $0x1082;
	[sflag:s4] =	ssyncset.s32 $0xFFFFF086  }
0x25: {  	[simem:s6], [sflag:s4] =	dma.local [hbm:s3], $0xF7A  }
0x26: {  	[smem:$0x3F9D] =	sst s1;
	(tag) =	ssettag s2;
	_ =	strace s9  }
0x27: {  	s1 =	sld [smem:$0x3FAD]  }
0x28: {  	s2 =	sld [smem:$0x3FAE]  }
0x29: {  	s4 =	sld [smem:$0x3FB0]  }
0x2a: {  	p0 =	seq.s32 s5, $0x0;
	s5 =	sld [smem:$0x3FB1]  }
0x2b: {  	s6 =	sld [smem:$0x3FB2]  }
0x2c: {  	s7 =	sld [smem:$0x3FB3]  }
0x2d: {  	s3 =	simm.s32 $0x108;
	s8 =	sld [smem:$0x3FB4]  }
0x2e: {  	s3 =	simm.s32 @!p0 $0x1082;
	s9 =	sld [smem:$0x3FB5]  }
0x2f: {  	lr =	sadd.s32 s0, s3;
	s0 =	sld [smem:$0x3FAC]  }
0x30: {  	s3 =	sld [smem:$0x3FAF]  }
0x31: {  	[smem:$0x3FB8] =	sst s10  }
0x32: {  	s10 =	sld [smem:$0x3FB6];
	_ =	sdelay $0x3  }
0x33: {  	p0 =	seq.s32 s10, $0x1;
	s10 =	sld [smem:$0x3FB8];
	_ =	sdelay $0x3  }
0x34: {  	[smem:$0x3FB8] =	sst s10  }
0x35: {  	s10 =	sld [smem:$0x3FB7];
	_ =	sdelay $0x3  }
0x36: {  	p1 =	seq.s32 s10, $0x1;
	s10 =	sld [smem:$0x3FB8];
	_ =	sdelay $0x3  }
0x37: {  	[smem:$0x3FB8] =	sst s10  }
0x38: {  	s10 =	sld [smem:$0x3FB9]  }
0x39: {  	_ = 	snop;
	(pc) =	sbr.ind lr, $3  }
0x3a: {  	_ = 	snop  }
0x3b: {  	_ = 	snop  }
0x3c: {  	p2 =	seq.s32 s10, $0x1;
	s10 =	sld [smem:$0x3FB8]  }
0x3d: {  	_ =	shalt  }
0x3e: {  	_ =	shalt  }
0x3f: {  	_ =	shalt  }
0x40: {  	_ =	shalt  }
0x41: {  	_ =	shalt  }
0x42: {  	_ =	shalt  }
0x43: {  	_ =	shalt  }
0x44: {  	_ =	shalt  }
0x45: {  	_ =	shalt  }
0x46: {  	_ =	shalt  }
0x47: {  	_ =	shalt  }
0x48: {  	_ =	shalt  }
0x49: {  	_ =	shalt  }
0x4a: {  	_ =	shalt  }
0x4b: {  	_ =	shalt  }
0x4c: {  	_ =	shalt  }
0x4d: {  	_ =	shalt  }
0x4e: {  	_ =	shalt  }
0x4f: {  	_ =	shalt  }
0x50: {  	_ =	shalt  }
0x51: {  	_ =	shalt  }
0x52: {  	_ =	shalt  }
0x53: {  	_ =	shalt  }
0x54: {  	_ =	shalt  }
0x55: {  	_ =	shalt  }
0x56: {  	_ =	shalt  }
0x57: {  	_ =	shalt  }
0x58: {  	_ =	shalt  }
0x59: {  	_ =	shalt  }
0x5a: {  	_ =	shalt  }
0x5b: {  	_ =	shalt  }
0x5c: {  	_ =	shalt  }
0x5d: {  	_ =	shalt  }
0x5e: {  	_ =	shalt  }
0x5f: {  	_ =	shalt  }
0x60: {  	_ =	shalt  }
0x61: {  	_ =	shalt  }
0x62: {  	_ =	shalt  }
0x63: {  	_ =	shalt  }
0x64: {  	_ =	shalt  }
0x65: {  	_ =	shalt  }
0x66: {  	_ =	shalt  }
0x67: {  	_ =	shalt  }
0x68: {  	_ =	shalt  }
0x69: {  	_ =	shalt  }
0x6a: {  	_ =	shalt  }
0x6b: {  	_ =	shalt  }
0x6c: {  	_ =	shalt  }
0x6d: {  	_ =	shalt  }
0x6e: {  	_ =	shalt  }
0x6f: {  	_ =	shalt  }
0x70: {  	_ =	shalt  }
0x71: {  	_ =	shalt  }
0x72: {  	_ =	shalt  }
0x73: {  	_ =	shalt  }
0x74: {  	_ =	shalt  }
0x75: {  	_ =	shalt  }
0x76: {  	_ =	shalt  }
0x77: {  	_ =	shalt  }
0x78: {  	_ =	shalt  }
0x79: {  	_ =	shalt  }
0x7a: {  	_ =	shalt  }
0x7b: {  	_ =	shalt  }
0x7c: {  	_ =	shalt  }
0x7d: {  	_ =	shalt  }
0x7e: {  	_ =	shalt  }
0x7f: {  	_ =	shalt  }
0x80: {  	_ =	shalt  }
0x81: {  	_ =	shalt  }
0x82: {  	_ =	shalt  }
0x83: {  	_ =	shalt  }
0x84: {  	_ =	shalt  }
0x85: {  	_ =	shalt  }
0x86: {  	_ =	shalt  }
0x87: {  	_ =	shalt  }
.Lfunc_end0:
.L_simem_size_0:
called_computation.1_lowered:
.L_overlay_start_0:
0x88: {  	s2 =	sld [smem:$0x3FD9]  }
0x89: {  	s3 =	sld [smem:$0x3FFE];
	_ =	sdelay $0x1  }
0x8a: {  	s1 =	srdreg.scid  }
0x8b: {  	s0 =	sand.u32 $0x1, s1  }
0x8c: {  	s17 =	sshll.u32 s0, $0xA;
	s2 =	sadd.s32 s3, s2  }
0x8d: {  	s2 =	sadd.s32 s2, s17  }
0x8e: {  	[smem:$0x3FC4] =	sst s2  }
0x8f: {  	_ = 	snop  }
0x90: {  	s2 =	sld [smem:$0x3FD0];
	(tm) =	ssettm $0x1  }
0x91: {  	s18 =	sld [smem:$0x3FFB];
	_ =	sdelay $0x3  }
0x92: {  	_ =	strace s18  }
0x93: {  	s3 =	sld [smem:$0x3FFC];
	_ =	sdelay $0x3  }
0x94: {  	_ =	strace s3  }
0x95: {  	s3 =	sld [smem:$0x3FFD];
	_ =	sdelay $0x3  }
0x96: {  	_ =	strace s3  }
0x97: {  	_ =	strace $0x8FFFFFFF  }
0x98: {  	s19 =	sld [smem:$0x3FDB];
	_ =	sdelay $0x1  }
0x99: {  	s4 =	simm.s32 $_scs_section_size  }
0x9a: {  	s5 =	simm.s32 $_size__tile_overlayer_lowered;
	s6 =	simm.s32 $_tile_overlayer_lowered  }
0x9b: {  	s22 =	simm.s32 $0x1BFF;
	s21 =	sshll.u32 s6, $0x1;
	s3 =	sadd.s32 s4, s19  }
0x9c: {  	s7 =	simm.s32 $0x0;
	s20 =	sshll.u32 s5, $0x1;
	s5 =	sadd.s32 s21, s3  }
0x9d: {  	[timem:s7], [sflag:s22] =	dma.local [hbm:s5], s20  }
0x9e: {  	_ =	swait.ge [sflag:s22], s20  }
0x9f: {  	s4 =	ssub.s32 $0x0, s20;
	[sflag:s22] =	ssyncset.done $0x0  }
0xa0: {  	[sflag:s22] =	ssyncadd.s32 s4;
	_ =	sdelay $0x1  }
0xa1: {  	s23 =	simm.s32 $0x1B8B  }
0xa2: {  	_ =	swait.ge [sflag:s23], $0x1  }
0xa3: {  	[sflag:s23] =	ssyncset.done $0x0  }
0xa4: {  	s25 =	simm.s32 $0x1B8E;
	s24 =	sld [smem:$0x3FFE];
	[sflag:s23] =	ssyncadd.s32 $0xFFFFFFFF  }
0xa5: {  	s26 =	simm.s32 $execute0_lowered;
	[smem:$0x3FD2] =	sst s25  }
0xa6: {  	s5 =	sshll.u32 s26, $0x1;
	_ =	strace $0x80000049;
	[dreg:$0x1] =	wrdreg $0xFFFFFFFF  }
0xa7: {  	s28 =	simm.s32 $_size_execute0_lowered;
	s3 =	sadd.s32 s3, s5;
	[dreg:$0x0] =	wrdreg $0x0  }
0xa8: {  	s5 =	sshll.u32 s28, $0x1;
	[dreg:$0x2] =	wrdreg s3  }
0xa9: {  	[dreg:$0x3] =	wrdreg s5  }
0xaa: {  	[dreg:$0x4] =	wrdreg $0xC0  }
0xab: {  	_ =	task [dreg:s7], $0x5FFFF  }
0xac: {  	[dreg:$0x1] =	wrdreg $0xFFFFFFFF  }
0xad: {  	[dreg:$0x0] =	wrdreg $0x60  }
0xae: {  	[dreg:$0x2] =	wrdreg s24  }
0xaf: {  	[dreg:$0x3] =	wrdreg s2  }
0xb0: {  	[dreg:$0x4] =	wrdreg $0x9  }
0xb1: {  	_ =	task.clear_ibuf [dreg:s7], $0x5FFFF;
	_ =	strace $0x90000049  }
0xb2: {  	s29 =	simm.s32 $0x9;
	_ =	strace $0x8000004B  }
0xb3: {  	_ =	swait.ge [sflag:s29], $0x1  }
0xb4: {  	[sflag:s29] =	ssyncadd.s32 $0xFFFFFFFF  }
0xb5: {  	_ =	strace $0x9000004B  }
0xb6: {  	_ =	sfence  }
0xb7: {  	s30 =	sld [smem:$0x0];
	_ =	sdelay $0x2  }
0xb8: {  	s31 =	sshll.u32 s1, $0xD;
	s1 =	sshrl.u32 s1, $0x2  }
0xb9: {  	s3 =	sand.u32 $0x4000, s31;
	s1 =	sadd.s32 s1, s30  }
0xba: {  	s0 =	sor.u32 s3, s0;
	s1 =	sshll.u32 s1, $0x11  }
0xbb: {  	s0 =	sor.u32 s1, s0  }
0xbc: {  	s0 =	sadd.s32 $0x8F2B, s0  }
0xbd: {  	[sflag:s0] =	ssyncadd.remote.s32 $0x1  }
0xbe: {  	_ =	sfence.sel $0xFFFF  }
0xbf: {  	[dreg:$0x0] =	wrdreg $0xFFFFFFFF;
	(pc) =	sbr.abs _section_cstart, $3  }
0xc0: {  	[dreg:$0x1] =	wrdreg $0xFFFFFFFF  }
0xc1: {  	_ =	task.clear_ibuf [dreg:s7], $0x2FFFF;
	_ =	strace $0x9FFFFFFF  }
0xc2: {  	(tm) =	ssettm $0x7FFFFFFF  }
0xc3: {  	_ =	shalt  }
tec
execute0_lowered:
.L_overlay_start_1:
0x0: {  	(tag) =	ssettag $0x1  }
0x1: {  	s0 =	rddreg [dreg:$0x0]  }
0x2: {  	s1 =	rddreg [dreg:$0x1];
	s3 =	srdreg.scid  }
0x3: {  	s2 =	simm.s32 $0x0;
	s5 =	stileid.u32;
	s9 =	simm.s32 $0x1  }
0x4: {  	s21 =	simm.s32 $0x3;
	s22 =	simm.s32 $0x4;
	s28 =	simm.s32 $0x1880  }
0x5: {  	s29 =	simm.s32 $0x2080;
	s30 =	simm.s32 $0x2880;
	s31 =	simm.s32 $0x3080  }
0x6: {  	s11 =	simm.s32 $0x4880;
	s12 =	simm.s32 $0x5080;
	s13 =	simm.s32 $0x5880  }
0x7: {  	s14 =	simm.s32 $0x6080;
	s15 =	simm.s32 $0x6880;
	s16 =	simm.s32 $0x7080  }
0x8: {  	s17 =	simm.s32 $0x7880;
	s20 =	simm.s32 $0x8080;
	s18 =	simm.s32 $0x8880  }
0x9: {  	s19 =	simm.s32 $0x9080;
	s4 =	sand.u32 $0x1, s3;
	[smem:$0x7FF] =	sst s2  }
0xa: {  	s23 =	sshll.u32 s5, $0x8;
	s3 =	sadd.s32 $0x600, s0;
	s24 =	sshll.u32 s4, $0x7  }
0xb: {  	_ =	strace $0x8000004A;
	s4 =	ssub.s32 $0x2, s4;
	s5 =	sor.u32 s24, s23  }
0xc: {  	s7 =	sshrl.u32 s4, $0x1;
	s6 =	sshrl.u32 s5, $0x3;
	s5 =	sshll.u32 s5, $0x7  }
0xd: {  	s24 =	simm.s32 $0x880;
	s6 =	sadd.s32 s6, s0;
	s8 =	sadd.s32 s1, s5  }
0xe: {  	s4 =	ssub.s32 s4, s7;
	s6 =	sadd.s32 $0x400, s6;
	[dreg:$0x7] =	wrdreg s8  }
0xf: {  	s7 =	sadd.s32 $0x900, s0;
	s1 =	sadd.s32 $0x1000, s8;
	[dreg:$0x3] =	wrdreg s6  }
0x10: {  	s5 =	sadd.s32 $0x700, s0;
	s25 =	sadd.s32 $0x2000, s8;
	[dreg:$0x4] =	wrdreg s1  }
0x11: {  	v2 =	vlaneseq.u32;
	s26 =	sadd.s32 $0x3000, s8;
	s8 =	smax.u32 s4, $0x1;
	[dreg:$0x5] =	wrdreg s25  }
0x12: {  	vm0 =	vmmov $0xffff;
	v1 =	vshrl.u32 v2, $0x3;
	s4 =	simm.s32 $0x2;
	s6 =	sadd.s32 $0x800, s0;
	[dreg:$0x6] =	wrdreg s26  }
0x13: {  	v0 =	vand.u32 $0x7, v2;
	v2 =	vor.u32 $0x8, v2;
	v1 =	vmul.u32 $0x8, v1;
	s26 =	simm.s32 $0x80;
	s25 =	simm.s32 $0x1080;
	s1 =	simm.s32 $0x4080  }
.LBB2_1:
0x14: {  	s23 =	rddreg [dreg:$0x3];
	s0 =	simm.s32 $0x5  }
0x15: {  	[tilespmem:s2], [sflag:$0x5] =	stream.linear.gather [hbm4b:s23+s2], $0x80, $0x38;
	[tilespmem:$0x10080] =	vst v63  }
0x16: {  	_ =	swait.ge [sflag:s0], $0x80  }
0x17: {  	[sflag:s0] =	ssyncset.done $0x0  }
0x18: {  	[sflag:s0] =	ssyncadd.s32 $0xFFFFFF80  }
0x19: {  	v3 =	vld [tilespmem:$0x0];
	_ =	sdelay $0x4  }
0x1a: {  	v4 =	vshll.u32 v3, $0x3  }
0x1b: {  	v3 =	vand.u32 $0x7, v3;
	v4 =	vand.u32 $0xFFFFFFC0, v4  }
0x1c: {  	v3 =	vor.u32 v3, v4  }
0x1d: {  	v4 =	vperm.xlane v3, v0;
	_ =	sdelay $0x1  }
0x1e: {  	v4 =	vadd.s32 v1, v4;
	_ =	sdelay $0x4  }
0x1f: {  	[tilespmem:s26], [sflag:$0x1] =	stream.indirect_vreg.gather [hbm4b:s3+s2], $0x80, v4, vm0, $0xb8;
	[tilespmem:$0x10080] =	vst v63  }
0x20: {  	v3 =	vperm.xlane v3, v2  }
0x21: {  	[tilespmem:s24], [sflag:$0x1] =	stream.indirect_vreg.gather [hbm4b:s5+s2], $0x80, v4, vm0, $0xb8;
	[tilespmem:$0x10080] =	vst v63  }
0x22: {  	v3 =	vadd.s32 v1, v3  }
0x23: {  	[tilespmem:s25], [sflag:$0x1] =	stream.indirect_vreg.gather [hbm4b:s6+s2], $0x80, v4, vm0, $0xb8;
	[tilespmem:$0x10080] =	vst v63  }
0x24: {  	_ = 	snop  }
0x25: {  	[tilespmem:s28], [sflag:$0x1] =	stream.indirect_vreg.gather [hbm4b:s7+s2], $0x80, v4, vm0, $0xb8;
	[tilespmem:$0x10080] =	vst v63  }
0x26: {  	_ = 	snop  }
0x27: {  	[tilespmem:s29], [sflag:$0x1] =	stream.indirect_vreg.gather [hbm4b:s3+s2], $0x80, v3, vm0, $0xb8;
	[tilespmem:$0x10080] =	vst v63  }
0x28: {  	_ = 	snop  }
0x29: {  	[tilespmem:s30], [sflag:$0x1] =	stream.indirect_vreg.gather [hbm4b:s5+s2], $0x80, v3, vm0, $0xb8;
	[tilespmem:$0x10080] =	vst v63  }
0x2a: {  	_ = 	snop  }
0x2b: {  	[tilespmem:s31], [sflag:$0x1] =	stream.indirect_vreg.gather [hbm4b:s6+s2], $0x80, v3, vm0, $0xb8;
	[tilespmem:$0x10080] =	vst v63  }
0x2c: {  	s0 =	simm.s32 $0x3880  }
0x2d: {  	[tilespmem:s0], [sflag:$0x1] =	stream.indirect_vreg.gather [hbm4b:s7+s2], $0x80, v3, vm0, $0xb8;
	[tilespmem:$0x10080] =	vst v63  }
0x2e: {  	v3 =	vld [tilespmem:$0x10];
	_ =	sdelay $0x4  }
0x2f: {  	v57 =	vshll.u32 v3, $0x3  }
0x30: {  	v3 =	vand.u32 $0x7, v3;
	v4 =	vand.u32 $0xFFFFFFC0, v57  }
0x31: {  	v3 =	vor.u32 v3, v4  }
0x32: {  	v4 =	vperm.xlane v3, v0;
	_ =	sdelay $0x1  }
0x33: {  	v4 =	vadd.s32 v1, v4;
	_ =	sdelay $0x4  }
0x34: {  	[tilespmem:s1], [sflag:$0x1] =	stream.indirect_vreg.gather [hbm4b:s3+s2], $0x80, v4, vm0, $0xb8;
	[tilespmem:$0x10080] =	vst v63  }
0x35: {  	v3 =	vperm.xlane v3, v2  }
0x36: {  	[tilespmem:s11], [sflag:$0x1] =	stream.indirect_vreg.gather [hbm4b:s5+s2], $0x80, v4, vm0, $0xb8;
	[tilespmem:$0x10080] =	vst v63  }
0x37: {  	v3 =	vadd.s32 v1, v3  }
0x38: {  	[tilespmem:s12], [sflag:$0x1] =	stream.indirect_vreg.gather [hbm4b:s6+s2], $0x80, v4, vm0, $0xb8;
	[tilespmem:$0x10080] =	vst v63  }
0x39: {  	_ = 	snop  }
0x3a: {  	[tilespmem:s13], [sflag:$0x1] =	stream.indirect_vreg.gather [hbm4b:s7+s2], $0x80, v4, vm0, $0xb8;
	[tilespmem:$0x10080] =	vst v63  }
0x3b: {  	_ = 	snop  }
0x3c: {  	[tilespmem:s14], [sflag:$0x1] =	stream.indirect_vreg.gather [hbm4b:s3+s2], $0x80, v3, vm0, $0xb8;
	[tilespmem:$0x10080] =	vst v63  }
0x3d: {  	_ = 	snop  }
0x3e: {  	[tilespmem:s15], [sflag:$0x1] =	stream.indirect_vreg.gather [hbm4b:s5+s2], $0x80, v3, vm0, $0xb8;
	[tilespmem:$0x10080] =	vst v63  }
0x3f: {  	_ = 	snop  }
0x40: {  	[tilespmem:s16], [sflag:$0x1] =	stream.indirect_vreg.gather [hbm4b:s6+s2], $0x80, v3, vm0, $0xb8;
	[tilespmem:$0x10080] =	vst v63  }
0x41: {  	_ = 	snop  }
0x42: {  	[tilespmem:s17], [sflag:$0x1] =	stream.indirect_vreg.gather [hbm4b:s7+s2], $0x80, v3, vm0, $0xb8;
	[tilespmem:$0x10080] =	vst v63  }
0x43: {  	v3 =	vld [tilespmem:$0x20];
	_ =	sdelay $0x4  }
0x44: {  	v58 =	vshll.u32 v3, $0x3  }
0x45: {  	v3 =	vand.u32 $0x7, v3;
	v4 =	vand.u32 $0xFFFFFFC0, v58  }
0x46: {  	v3 =	vor.u32 v3, v4  }
0x47: {  	v4 =	vperm.xlane v3, v0;
	_ =	sdelay $0x1  }
0x48: {  	v4 =	vadd.s32 v1, v4;
	_ =	sdelay $0x4  }
0x49: {  	[tilespmem:s20], [sflag:$0x2] =	stream.indirect_vreg.gather [hbm4b:s3+s2], $0x80, v4, vm0, $0xb8;
	[tilespmem:$0x10080] =	vst v63  }
0x4a: {  	v3 =	vperm.xlane v3, v2  }
0x4b: {  	[tilespmem:s18], [sflag:$0x2] =	stream.indirect_vreg.gather [hbm4b:s5+s2], $0x80, v4, vm0, $0xb8;
	[tilespmem:$0x10080] =	vst v63  }
0x4c: {  	v3 =	vadd.s32 v1, v3  }
0x4d: {  	[tilespmem:s19], [sflag:$0x2] =	stream.indirect_vreg.gather [hbm4b:s6+s2], $0x80, v4, vm0, $0xb8;
	[tilespmem:$0x10080] =	vst v63  }
0x4e: {  	s10 =	simm.s32 $0x9880  }
0x4f: {  	[tilespmem:s10], [sflag:$0x2] =	stream.indirect_vreg.gather [hbm4b:s7+s2], $0x80, v4, vm0, $0xb8;
	[tilespmem:$0x10080] =	vst v63  }
0x50: {  	s10 =	simm.s32 $0xA080  }
0x51: {  	[tilespmem:s10], [sflag:$0x2] =	stream.indirect_vreg.gather [hbm4b:s3+s2], $0x80, v3, vm0, $0xb8;
	[tilespmem:$0x10080] =	vst v63  }
0x52: {  	s23 =	simm.s32 $0xA880  }
0x53: {  	[tilespmem:s23], [sflag:$0x2] =	stream.indirect_vreg.gather [hbm4b:s5+s2], $0x80, v3, vm0, $0xb8;
	[tilespmem:$0x10080] =	vst v63  }
0x54: {  	s23 =	simm.s32 $0xB080  }
0x55: {  	[tilespmem:s23], [sflag:$0x2] =	stream.indirect_vreg.gather [hbm4b:s6+s2], $0x80, v3, vm0, $0xb8;
	[tilespmem:$0x10080] =	vst v63  }
0x56: {  	s23 =	simm.s32 $0xB880  }
0x57: {  	[tilespmem:s23], [sflag:$0x2] =	stream.indirect_vreg.gather [hbm4b:s7+s2], $0x80, v3, vm0, $0xb8;
	[tilespmem:$0x10080] =	vst v63  }
0x58: {  	v3 =	vld [tilespmem:$0x30];
	_ =	sdelay $0x4  }
0x59: {  	v59 =	vshll.u32 v3, $0x3  }
0x5a: {  	v3 =	vand.u32 $0x7, v3;
	v4 =	vand.u32 $0xFFFFFFC0, v59  }
0x5b: {  	v3 =	vor.u32 v3, v4  }
0x5c: {  	v4 =	vperm.xlane v3, v0;
	_ =	sdelay $0x1  }
0x5d: {  	v4 =	vadd.s32 v1, v4;
	_ =	sdelay $0x3  }
0x5e: {  	s23 =	simm.s32 $0xC080  }
0x5f: {  	[tilespmem:s23], [sflag:$0x2] =	stream.indirect_vreg.gather [hbm4b:s3+s2], $0x80, v4, vm0, $0xb8;
	[tilespmem:$0x10080] =	vst v63  }
0x60: {  	v3 =	vperm.xlane v3, v2;
	s23 =	simm.s32 $0xC880  }
0x61: {  	[tilespmem:s23], [sflag:$0x2] =	stream.indirect_vreg.gather [hbm4b:s5+s2], $0x80, v4, vm0, $0xb8;
	[tilespmem:$0x10080] =	vst v63  }
0x62: {  	v3 =	vadd.s32 v1, v3;
	s23 =	simm.s32 $0xD080  }
0x63: {  	[tilespmem:s23], [sflag:$0x2] =	stream.indirect_vreg.gather [hbm4b:s6+s2], $0x80, v4, vm0, $0xb8;
	[tilespmem:$0x10080] =	vst v63  }
0x64: {  	s23 =	simm.s32 $0xD880  }
0x65: {  	[tilespmem:s23], [sflag:$0x2] =	stream.indirect_vreg.gather [hbm4b:s7+s2], $0x80, v4, vm0, $0xb8;
	[tilespmem:$0x10080] =	vst v63  }
0x66: {  	s23 =	simm.s32 $0xE080  }
0x67: {  	[tilespmem:s23], [sflag:$0x2] =	stream.indirect_vreg.gather [hbm4b:s3+s2], $0x80, v3, vm0, $0xb8;
	[tilespmem:$0x10080] =	vst v63  }
0x68: {  	s23 =	simm.s32 $0xE880  }
0x69: {  	[tilespmem:s23], [sflag:$0x2] =	stream.indirect_vreg.gather [hbm4b:s5+s2], $0x80, v3, vm0, $0xb8;
	[tilespmem:$0x10080] =	vst v63  }
0x6a: {  	s23 =	simm.s32 $0xF080  }
0x6b: {  	[tilespmem:s23], [sflag:$0x2] =	stream.indirect_vreg.gather [hbm4b:s6+s2], $0x80, v3, vm0, $0xb8;
	[tilespmem:$0x10080] =	vst v63  }
0x6c: {  	s23 =	simm.s32 $0xF880  }
0x6d: {  	[tilespmem:s23], [sflag:$0x2] =	stream.indirect_vreg.gather [hbm4b:s7+s2], $0x80, v3, vm0, $0xb8;
	[tilespmem:$0x10080] =	vst v63  }
0x6e: {  	_ =	swait.ge [sflag:s9], $0x8000  }
0x6f: {  	[sflag:s9] =	ssyncset.done $0x0  }
0x70: {  	s23 =	rddreg [dreg:$0x7];
	[sflag:s9] =	ssyncadd.s32 $0xFFFF8000  }
0x71: {  	[hbm4b:s23+s2] =	stream.linear.scatter [tilespmem:s26], [sflag:$0x3], $0x8000, $0x38;
	[tilespmem:$0x10080] =	vst v63  }
0x72: {  	_ =	swait.ge [sflag:s21], $0x8000  }
0x73: {  	[sflag:s21] =	ssyncset.done $0x0  }
0x74: {  	[sflag:s21] =	ssyncadd.s32 $0xFFFF8000  }
0x75: {  	v3 =	vld [tilespmem:$0x40];
	_ =	sdelay $0x4  }
0x76: {  	v60 =	vshll.u32 v3, $0x3  }
0x77: {  	v3 =	vand.u32 $0x7, v3;
	v4 =	vand.u32 $0xFFFFFFC0, v60  }
0x78: {  	v3 =	vor.u32 v3, v4  }
0x79: {  	v4 =	vperm.xlane v3, v0;
	_ =	sdelay $0x1  }
0x7a: {  	v4 =	vadd.s32 v1, v4;
	_ =	sdelay $0x4  }
0x7b: {  	[tilespmem:s26], [sflag:$0x1] =	stream.indirect_vreg.gather [hbm4b:s3+s2], $0x80, v4, vm0, $0xb8;
	[tilespmem:$0x10080] =	vst v63  }
0x7c: {  	v3 =	vperm.xlane v3, v2  }
0x7d: {  	[tilespmem:s24], [sflag:$0x1] =	stream.indirect_vreg.gather [hbm4b:s5+s2], $0x80, v4, vm0, $0xb8;
	[tilespmem:$0x10080] =	vst v63  }
0x7e: {  	v3 =	vadd.s32 v1, v3  }
0x7f: {  	[tilespmem:s25], [sflag:$0x1] =	stream.indirect_vreg.gather [hbm4b:s6+s2], $0x80, v4, vm0, $0xb8;
	[tilespmem:$0x10080] =	vst v63  }
0x80: {  	_ = 	snop  }
0x81: {  	[tilespmem:s28], [sflag:$0x1] =	stream.indirect_vreg.gather [hbm4b:s7+s2], $0x80, v4, vm0, $0xb8;
	[tilespmem:$0x10080] =	vst v63  }
0x82: {  	_ = 	snop  }
0x83: {  	[tilespmem:s29], [sflag:$0x1] =	stream.indirect_vreg.gather [hbm4b:s3+s2], $0x80, v3, vm0, $0xb8;
	[tilespmem:$0x10080] =	vst v63  }
0x84: {  	_ = 	snop  }
0x85: {  	[tilespmem:s30], [sflag:$0x1] =	stream.indirect_vreg.gather [hbm4b:s5+s2], $0x80, v3, vm0, $0xb8;
	[tilespmem:$0x10080] =	vst v63  }
0x86: {  	_ = 	snop  }
0x87: {  	[tilespmem:s31], [sflag:$0x1] =	stream.indirect_vreg.gather [hbm4b:s6+s2], $0x80, v3, vm0, $0xb8;
	[tilespmem:$0x10080] =	vst v63  }
0x88: {  	_ = 	snop  }
0x89: {  	[tilespmem:s0], [sflag:$0x1] =	stream.indirect_vreg.gather [hbm4b:s7+s2], $0x80, v3, vm0, $0xb8;
	[tilespmem:$0x10080] =	vst v63  }
0x8a: {  	v3 =	vld [tilespmem:$0x50];
	_ =	sdelay $0x4  }
0x8b: {  	v61 =	vshll.u32 v3, $0x3  }
0x8c: {  	v3 =	vand.u32 $0x7, v3;
	v4 =	vand.u32 $0xFFFFFFC0, v61  }
0x8d: {  	v3 =	vor.u32 v3, v4  }
0x8e: {  	v4 =	vperm.xlane v3, v0;
	_ =	sdelay $0x1  }
0x8f: {  	v4 =	vadd.s32 v1, v4;
	_ =	sdelay $0x4  }
0x90: {  	[tilespmem:s1], [sflag:$0x1] =	stream.indirect_vreg.gather [hbm4b:s3+s2], $0x80, v4, vm0, $0xb8;
	[tilespmem:$0x10080] =	vst v63  }
0x91: {  	v3 =	vperm.xlane v3, v2  }
0x92: {  	[tilespmem:s11], [sflag:$0x1] =	stream.indirect_vreg.gather [hbm4b:s5+s2], $0x80, v4, vm0, $0xb8;
	[tilespmem:$0x10080] =	vst v63  }
0x93: {  	v3 =	vadd.s32 v1, v3  }
0x94: {  	[tilespmem:s12], [sflag:$0x1] =	stream.indirect_vreg.gather [hbm4b:s6+s2], $0x80, v4, vm0, $0xb8;
	[tilespmem:$0x10080] =	vst v63  }
0x95: {  	_ = 	snop  }
0x96: {  	[tilespmem:s13], [sflag:$0x1] =	stream.indirect_vreg.gather [hbm4b:s7+s2], $0x80, v4, vm0, $0xb8;
	[tilespmem:$0x10080] =	vst v63  }
0x97: {  	_ = 	snop  }
0x98: {  	[tilespmem:s14], [sflag:$0x1] =	stream.indirect_vreg.gather [hbm4b:s3+s2], $0x80, v3, vm0, $0xb8;
	[tilespmem:$0x10080] =	vst v63  }
0x99: {  	_ = 	snop  }
0x9a: {  	[tilespmem:s15], [sflag:$0x1] =	stream.indirect_vreg.gather [hbm4b:s5+s2], $0x80, v3, vm0, $0xb8;
	[tilespmem:$0x10080] =	vst v63  }
0x9b: {  	_ = 	snop  }
0x9c: {  	[tilespmem:s16], [sflag:$0x1] =	stream.indirect_vreg.gather [hbm4b:s6+s2], $0x80, v3, vm0, $0xb8;
	[tilespmem:$0x10080] =	vst v63  }
0x9d: {  	_ = 	snop  }
0x9e: {  	[tilespmem:s17], [sflag:$0x1] =	stream.indirect_vreg.gather [hbm4b:s7+s2], $0x80, v3, vm0, $0xb8;
	[tilespmem:$0x10080] =	vst v63  }
0x9f: {  	_ =	swait.ge [sflag:s4], $0x8000  }
0xa0: {  	[sflag:s4] =	ssyncset.done $0x0  }
0xa1: {  	s0 =	rddreg [dreg:$0x4];
	[sflag:s4] =	ssyncadd.s32 $0xFFFF8000  }
0xa2: {  	[hbm4b:s0+s2] =	stream.linear.scatter [tilespmem:s20], [sflag:$0x4], $0x8000, $0x38;
	[tilespmem:$0x10080] =	vst v63  }
0xa3: {  	_ =	swait.ge [sflag:s22], $0x8000  }
0xa4: {  	[sflag:s22] =	ssyncset.done $0x0  }
0xa5: {  	[sflag:s22] =	ssyncadd.s32 $0xFFFF8000  }
0xa6: {  	v3 =	vld [tilespmem:$0x60];
	_ =	sdelay $0x4  }
0xa7: {  	v62 =	vshll.u32 v3, $0x3  }
0xa8: {  	v3 =	vand.u32 $0x7, v3;
	v4 =	vand.u32 $0xFFFFFFC0, v62  }
0xa9: {  	v3 =	vor.u32 v3, v4  }
0xaa: {  	v4 =	vperm.xlane v3, v0;
	_ =	sdelay $0x1  }
0xab: {  	v4 =	vadd.s32 v1, v4;
	_ =	sdelay $0x4  }
0xac: {  	[tilespmem:s20], [sflag:$0x2] =	stream.indirect_vreg.gather [hbm4b:s3+s2], $0x80, v4, vm0, $0xb8;
	[tilespmem:$0x10080] =	vst v63  }
0xad: {  	v3 =	vperm.xlane v3, v2  }
0xae: {  	[tilespmem:s18], [sflag:$0x2] =	stream.indirect_vreg.gather [hbm4b:s5+s2], $0x80, v4, vm0, $0xb8;
	[tilespmem:$0x10080] =	vst v63  }
0xaf: {  	v3 =	vadd.s32 v1, v3  }
0xb0: {  	[tilespmem:s19], [sflag:$0x2] =	stream.indirect_vreg.gather [hbm4b:s6+s2], $0x80, v4, vm0, $0xb8;
	[tilespmem:$0x10080] =	vst v63  }
0xb1: {  	s23 =	simm.s32 $0x9880  }
0xb2: {  	[tilespmem:s23], [sflag:$0x2] =	stream.indirect_vreg.gather [hbm4b:s7+s2], $0x80, v4, vm0, $0xb8;
	[tilespmem:$0x10080] =	vst v63  }
0xb3: {  	_ = 	snop  }
0xb4: {  	[tilespmem:s10], [sflag:$0x2] =	stream.indirect_vreg.gather [hbm4b:s3+s2], $0x80, v3, vm0, $0xb8;
	[tilespmem:$0x10080] =	vst v63  }
0xb5: {  	s23 =	simm.s32 $0xA880  }
0xb6: {  	[tilespmem:s23], [sflag:$0x2] =	stream.indirect_vreg.gather [hbm4b:s5+s2], $0x80, v3, vm0, $0xb8;
	[tilespmem:$0x10080] =	vst v63  }
0xb7: {  	s10 =	simm.s32 $0xB080  }
0xb8: {  	[tilespmem:s10], [sflag:$0x2] =	stream.indirect_vreg.gather [hbm4b:s6+s2], $0x80, v3, vm0, $0xb8;
	[tilespmem:$0x10080] =	vst v63  }
0xb9: {  	s23 =	simm.s32 $0xB880  }
0xba: {  	[tilespmem:s23], [sflag:$0x2] =	stream.indirect_vreg.gather [hbm4b:s7+s2], $0x80, v3, vm0, $0xb8;
	[tilespmem:$0x10080] =	vst v63  }
0xbb: {  	v3 =	vld [tilespmem:$0x70];
	_ =	sdelay $0x4  }
0xbc: {  	v63 =	vshll.u32 v3, $0x3  }
0xbd: {  	v3 =	vand.u32 $0x7, v3;
	v4 =	vand.u32 $0xFFFFFFC0, v63  }
0xbe: {  	v3 =	vor.u32 v3, v4  }
0xbf: {  	v4 =	vperm.xlane v3, v0;
	_ =	sdelay $0x1  }
0xc0: {  	v4 =	vadd.s32 v1, v4;
	_ =	sdelay $0x3  }
0xc1: {  	s10 =	simm.s32 $0xC080  }
0xc2: {  	[tilespmem:s10], [sflag:$0x2] =	stream.indirect_vreg.gather [hbm4b:s3+s2], $0x80, v4, vm0, $0xb8;
	[tilespmem:$0x10080] =	vst v63  }
0xc3: {  	s23 =	simm.s32 $0xC880;
	v3 =	vperm.xlane v3, v2  }
0xc4: {  	[tilespmem:s23], [sflag:$0x2] =	stream.indirect_vreg.gather [hbm4b:s5+s2], $0x80, v4, vm0, $0xb8;
	[tilespmem:$0x10080] =	vst v63  }
0xc5: {  	v3 =	vadd.s32 v1, v3;
	s10 =	simm.s32 $0xD080  }
0xc6: {  	[tilespmem:s10], [sflag:$0x2] =	stream.indirect_vreg.gather [hbm4b:s6+s2], $0x80, v4, vm0, $0xb8;
	[tilespmem:$0x10080] =	vst v63  }
0xc7: {  	s23 =	simm.s32 $0xD880  }
0xc8: {  	[tilespmem:s23], [sflag:$0x2] =	stream.indirect_vreg.gather [hbm4b:s7+s2], $0x80, v4, vm0, $0xb8;
	[tilespmem:$0x10080] =	vst v63  }
0xc9: {  	s10 =	simm.s32 $0xE080  }
0xca: {  	[tilespmem:s10], [sflag:$0x2] =	stream.indirect_vreg.gather [hbm4b:s3+s2], $0x80, v3, vm0, $0xb8;
	[tilespmem:$0x10080] =	vst v63  }
0xcb: {  	s23 =	simm.s32 $0xE880  }
0xcc: {  	[tilespmem:s23], [sflag:$0x2] =	stream.indirect_vreg.gather [hbm4b:s5+s2], $0x80, v3, vm0, $0xb8;
	[tilespmem:$0x10080] =	vst v63  }
0xcd: {  	s10 =	simm.s32 $0xF080  }
0xce: {  	[tilespmem:s10], [sflag:$0x2] =	stream.indirect_vreg.gather [hbm4b:s6+s2], $0x80, v3, vm0, $0xb8;
	[tilespmem:$0x10080] =	vst v63  }
0xcf: {  	s23 =	simm.s32 $0xF880  }
0xd0: {  	[tilespmem:s23], [sflag:$0x2] =	stream.indirect_vreg.gather [hbm4b:s7+s2], $0x80, v3, vm0, $0xb8;
	[tilespmem:$0x10080] =	vst v63  }
0xd1: {  	_ =	swait.ge [sflag:s9], $0x8000  }
0xd2: {  	[sflag:s9] =	ssyncset.done $0x0  }
0xd3: {  	s0 =	rddreg [dreg:$0x5];
	[sflag:s9] =	ssyncadd.s32 $0xFFFF8000  }
0xd4: {  	[hbm4b:s0+s2] =	stream.linear.scatter [tilespmem:s26], [sflag:$0x3], $0x8000, $0x38;
	[tilespmem:$0x10080] =	vst v63  }
0xd5: {  	_ =	swait.ge [sflag:s4], $0x8000  }
0xd6: {  	[sflag:s4] =	ssyncset.done $0x0  }
0xd7: {  	s10 =	rddreg [dreg:$0x6];
	[sflag:s4] =	ssyncadd.s32 $0xFFFF8000  }
0xd8: {  	[hbm4b:s10+s2] =	stream.linear.scatter [tilespmem:s20], [sflag:$0x4], $0x8000, $0x38;
	[tilespmem:$0x10080] =	vst v63  }
0xd9: {  	p0 =	sne.s32 s8, $0x1;
	_ =	swait.ge [sflag:s21], $0x8000  }
.Ltmp0:
0xda: {  	[sflag:s21] =	ssyncset.done $0x0;
	(pc) =	sbr.rel @p0 .LBB2_1-.Ltmp0, $4  }
0xdb: {  	[sflag:s21] =	ssyncadd.s32 $0xFFFF8000  }
0xdc: {  	_ =	swait.ge [sflag:s22], $0x8000  }
0xdd: {  	[sflag:s22] =	ssyncset.done $0x0  }
0xde: {  	s8 =	sadd.s32 $0xFFFFFFFF, s8;
	[sflag:s22] =	ssyncadd.s32 $0xFFFF8000  }
0xdf: {  	_ =	sfence.sel $0x180000  }
0xe0: {  	[bflag:$0x0] =	sbarrier.arrive $0xFFFF  }
0xe1: {  	_ =	strace $0x9000004A  }
0xe2: {  	s0 =	stileid.u32;
	[bflag:$0x2] =	sbarrier.arrive $0xFFFF  }
0xe3: {  	p0 =	sne.s32 s0, $0x0;
	s0 =	rddreg [dreg:$0x2]  }
0xe4: {  	s0 =	sadd.s32 @!p0 $0x100000, s0  }
0xe5: {  	[sflag:s0] =	ssyncadd.tile.s32 @!p0 $0x1;
	_ =	shalt  }
.Lfunc_end2:
_tile_overlayer_lowered:
.L_overlay_start_2:
0xe6: {  	(tag) =	ssettag $0x2  }
0xe7: {  	s0 =	rddreg [dreg:$0x0];
	s2 =	stileid.u32  }
0xe8: {  	s1 =	rddreg [dreg:$0x1];
	p0 =	sne.s32 s2, $0x0  }
0xe9: {  	s3 =	rddreg [dreg:$0x2];
	[bflag:$0x3] =	sbarrier.arrive $0xFFFF;
	s2 =	simm.s32 @!p0 $0x1C05  }
0xea: {  	[timem:s3], [sflag:s2] =	dma.local @!p0 [hbm:s0], s1  }
0xeb: {  	s0 =	simm.s32 @!p0 $0x5  }
0xec: {  	_ =	swait.ge @!p0 [sflag:s0], s1  }
0xed: {  	s1 =	ssub.s32 @!p0 $0x0, s1;
	[sflag:s0] =	ssyncset.done @!p0 $0x0  }
0xee: {  	[sflag:s0] =	ssyncadd.s32 @!p0 s1  }
0xef: {  	[bflag:$0x3] =	sbarrier.arrive $0xFFFF  }
0xf0: {  	_ =	shalt  }

</sc_bundles>
